<compile_context>
chip_gen: v7x
topology: tpu7x:2x2x1
jax: 0.10.2.dev20260603
libtpu: 0.0.44.dev20260713+nightly
codegen_flags: <defaults>
</compile_context>

<pallas_src>
import jax
import jax.numpy as jnp
from jax import lax
from jax.experimental import pallas as pl
from jax.experimental.pallas import tpu as pltpu
from jax.experimental.pallas import tpu_sc as plsc

N = 10000
D = 128
NC = 2
NS = 16
NW = NC * NS
K = 128
G = 4
NPAD = 10112
RPT = NPAD // NS


def _chunks(total, step):
    out = []
    r = 0
    while r < total:
        n = min(step, total - r)
        out.append((r, n))
        r += n
    return out


def _make_agg(Q0, Q1, CH=0, CB=0):
    with_cnt = CH > 0
    mesh = plsc.VectorSubcoreMesh(core_axis_name="c", subcore_axis_name="s",
                                  num_cores=NC, num_subcores=NS)
    out_type = jax.ShapeDtypeStruct((NC, NPAD, D), jnp.float32)
    scratch = [
        pltpu.VMEM((2, G, K), jnp.int32),
        pltpu.VMEM((2, G, K), jnp.int32),
        pltpu.VMEM((K, D), jnp.float32),
        pltpu.VMEM((K, D), jnp.float32),
        pltpu.VMEM_SHARED((NPAD, D), jnp.float32),
        pltpu.SemaphoreType.DMA,
        pltpu.SemaphoreType.DMA,
        pltpu.SemaphoreType.DMA,
        pltpu.SemaphoreType.DMA,
    ]
    if with_cnt:
        scratch.append(pltpu.VMEM((CB, K), jnp.int32))

    def body(h_hbm, src_hbm, dst_hbm, *refs):
        if with_cnt:
            (dstc_hbm, out_hbm, sring, dring, rows0, rows1, acc,
             sem0, sem1, semr0, semr1, dstv) = refs
        else:
            (out_hbm, sring, dring, rows0, rows1, acc,
             sem0, sem1, semr0, semr1) = refs
        c = lax.axis_index("c")
        s = lax.axis_index("s")
        wid = c * NS + s
        rows = (rows0, rows1)
        sems = (sem0, sem1)
        semr = (semr0, semr1)

        def zrow(i, _):
            rows0[i // (D // 16), pl.ds((i % (D // 16)) * 16, 16)] = (
                jnp.zeros((16,), jnp.float32))
            return 0
        lax.fori_loop(0, K * (D // 16), zrow, 0)
        r0 = s * RPT
        for r, n in _chunks(RPT, K):
            pltpu.sync_copy(rows0.at[pl.ds(0, n)], acc.at[pl.ds(r0 + r, n)])
        plsc.subcore_barrier()

        def start_ring(p, q):
            pltpu.async_copy(src_hbm.at[wid, q], sring.at[p], semr[p])
            pltpu.async_copy(dst_hbm.at[wid, q], dring.at[p], semr[p])

        def drain_ring(p):
            pltpu.make_async_copy(src_hbm.at[wid, 0], sring.at[p],
                                  semr[p]).wait()
            pltpu.make_async_copy(dst_hbm.at[wid, 0], dring.at[p],
                                  semr[p]).wait()

        def start_gather(p, j, rbuf, sem):
            pltpu.async_copy(h_hbm.at[sring.at[p, j]], rbuf, sem)

        def drain_gather(rbuf, sem):
            pltpu.make_async_copy(h_hbm.at[sring.at[0, 0]], rbuf, sem).wait()

        def half(i, p):
            if p == 0:
                start_ring(1, 2 * i + 1)
            else:
                start_ring(0, 2 * i + 2)
            for j in range(G):
                nxt = rows[(j + 1) % 2]
                if j < G - 1:
                    start_gather(p, j + 1, nxt, sems[(j + 1) % 2])
                else:
                    drain_ring(1 - p)
                    start_gather(1 - p, 0, nxt, sems[(j + 1) % 2])
                drain_gather(rows[j % 2], sems[j % 2])
                pltpu.sync_copy(rows[j % 2], acc.at[dring.at[p, j]],
                                add=True)

        def step(i, _):
            half(i, 0)
            half(i, 1)
            return 0

        def pipeline(qc2):
            pltpu.async_copy(src_hbm.at[wid, 0], sring.at[0], semr0)
            pltpu.async_copy(dst_hbm.at[wid, 0], dring.at[0], semr0)
            drain_ring(0)
            start_gather(0, 0, rows0, sem0)
            lax.fori_loop(0, qc2, step, 0)
            drain_gather(rows0, sem0)

        if Q1 == 0:
            @pl.when(c == 0)
            def _():
                pipeline(Q0 // 2)
        else:
            pipeline(jnp.where(c == 0, Q0 // 2, Q1 // 2))

        if with_cnt:
            @pl.when(c == 1)
            def _():
                def onerow(i, _):
                    rows0[i // (D // 16), pl.ds((i % (D // 16)) * 16, 16)] = (
                        jnp.ones((16,), jnp.float32))
                    return 0
                lax.fori_loop(0, K * (D // 16), onerow, 0)
                for ch in range(CH):
                    pltpu.sync_copy(dstc_hbm.at[s, ch], dstv)

                    def cstep(b, _):
                        pltpu.sync_copy(rows0, acc.at[dstv.at[b]], add=True)
                        return 0
                    lax.fori_loop(0, CB, cstep, 0)
        plsc.subcore_barrier()

        for r, n in _chunks(RPT, K):
            pltpu.sync_copy(acc.at[pl.ds(r0 + r, n)], rows0.at[pl.ds(0, n)])
            pltpu.sync_copy(rows0.at[pl.ds(0, n)],
                            out_hbm.at[c, pl.ds(r0 + r, n)])

    return pl.kernel(body, out_type=out_type, mesh=mesh,
                     scratch_types=scratch)


_ROW_SPEC = pl.BlockSpec((1000, D), lambda i: (i, 0))
_FULL_SPEC = pl.BlockSpec((D, D), lambda i: (0, 0))
_BIAS_SPEC = pl.BlockSpec((1, D), lambda i: (0, 0))


def _tc_right(h, wr, b):
    def body(h_ref, wr_ref, b_ref, o_ref):
        o_ref[...] = jnp.dot(h_ref[...], wr_ref[...],
                             preferred_element_type=jnp.float32) + b_ref[...]
    return pl.pallas_call(
        body,
        grid=(N // 1000,),
        in_specs=[_ROW_SPEC, _FULL_SPEC, _BIAS_SPEC],
        out_specs=_ROW_SPEC,
        out_shape=jax.ShapeDtypeStruct((N, D), jnp.float32),
    )(h, wr, b)


def _tc_left(a0, cnt, wl, ha, relu):
    def body(a0_ref, c_ref, wl_ref, ha_ref, o_ref):
        inv = 1.0 / jnp.maximum(c_ref[:, 0:1], 1.0)
        agg = a0_ref[...] * inv
        y = jnp.dot(agg, wl_ref[...], preferred_element_type=jnp.float32)
        y = y + ha_ref[...]
        if relu:
            y = jnp.maximum(y, 0.0)
        o_ref[...] = y

    return pl.pallas_call(
        body,
        grid=(N // 1000,),
        in_specs=[_ROW_SPEC, _ROW_SPEC, _FULL_SPEC, _ROW_SPEC],
        out_specs=_ROW_SPEC,
        out_shape=jax.ShapeDtypeStruct((N, D), jnp.float32),
    )(a0, cnt, wl, ha)


def _pad_half(arr, fill, Qc, Qmax):
    cap = NS * Qc * G * K
    pad = cap - arr.shape[0]
    a = jnp.concatenate([arr, jnp.full((pad,), fill, jnp.int32)])
    a = a.reshape(NS, Qc, G, K)
    tail = jnp.full((NS, Qmax + 1 - Qc, G, K), fill, jnp.int32)
    return jnp.concatenate([a, tail], axis=1)


def kernel(x, edge_index, W1l, b1l, W1r, b1r, W2l, b2l, W2r, b2r,
           W3l, b3l, W3r, b3r):
    E = edge_index.shape[1]
    SB = NS * G * K
    src = edge_index[0]
    dst = edge_index[1]

    Q0 = -(-E // SB)
    Q0 += Q0 % 2
    E0 = E
    Q1 = 0
    Qmax = Q0
    src_p = jnp.concatenate([_pad_half(src[:E0], 0, Q0, Qmax),
                             _pad_half(src[E0:], 0, Q1, Qmax)], axis=0)
    dst_p = jnp.concatenate([_pad_half(dst[:E0], N, Q0, Qmax),
                             _pad_half(dst[E0:], N, Q1, Qmax)], axis=0)

    Bc = -(-E // (NS * K))
    CH = -(-Bc // 96)
    CB = -(-Bc // CH)
    EPc = NS * CH * CB * K
    dst_c = jnp.concatenate([dst, jnp.full((EPc - E,), N, jnp.int32)])
    dst_c = dst_c.reshape(NS, CH, CB, K)

    agg_cnt_fn = _make_agg(Q0, Q1, CH, CB)
    agg_fn = _make_agg(Q0, Q1)

    h = x
    cnt = None
    for wl, bl, wr, br, relu in ((W1l, b1l, W1r, b1r, True),
                                 (W2l, b2l, W2r, b2r, True),
                                 (W3l, b3l, W3r, b3r, False)):
        ha = _tc_right(h, wr, (bl + br).reshape(1, D))
        if cnt is None:
            parts = agg_cnt_fn(h, src_p, dst_p, dst_c)
            cnt = parts[1, :N]
        else:
            parts = agg_fn(h, src_p, dst_p)
        h = _tc_left(parts[0, :N], cnt, wl, ha, relu)
    return h

# --- scband reference (transcript-rebuilt; emitter-appended) ---
"""Pipeline reference for scband-graph-sage-19524921327629 (READ-ONLY COPY).

The authoritative reference and input builder live on the scoring server;
editing this copy changes nothing except your own understanding.
"""

import jax, jax.numpy as jnp
import numpy as np

N = 10000
E = 320000
D = 128


def _sage_conv(h, edge_index, Wl, bl, Wr, br):
    # PyG-style SAGEConv with mean aggregation:
    # out = lin_l(mean_{j in N(i)} h_j) + lin_r(h_i)
    src = edge_index[0]
    dst = edge_index[1]
    msgs = jnp.take(h, src, axis=0)                      # gather [E, d]
    num = h.shape[0]
    agg_sum = jax.ops.segment_sum(msgs, dst, num_segments=num)
    cnt = jax.ops.segment_sum(jnp.ones((dst.shape[0],), jnp.float32), dst, num_segments=num)
    agg = agg_sum / jnp.clip(cnt, 1.0)[:, None]
    return agg @ Wl + bl + h @ Wr + br


def setup_inputs(seed: int = 0) -> dict:
    key = jax.random.key(seed)
    ks = jax.random.split(key, 16)
    inp = {}
    inp["x"] = jax.random.normal(ks[0], (N, D), dtype=jnp.float32)
    inp["edge_index"] = jax.random.randint(ks[1], (2, E), 0, N, dtype=jnp.int32)
    scale = 1.0 / np.sqrt(D)
    ki = 2
    for layer in (1, 2, 3):
        inp[f"W{layer}l"] = jax.random.normal(ks[ki], (D, D), dtype=jnp.float32) * scale; ki += 1
        inp[f"b{layer}l"] = jnp.zeros((D,), dtype=jnp.float32)
        inp[f"W{layer}r"] = jax.random.normal(ks[ki], (D, D), dtype=jnp.float32) * scale; ki += 1
        inp[f"b{layer}r"] = jnp.zeros((D,), dtype=jnp.float32)
    return inp


def reference(x, edge_index, W1l, b1l, W1r, b1r, W2l, b2l, W2r, b2r, W3l, b3l, W3r, b3r):
    h = _sage_conv(x, edge_index, W1l, b1l, W1r, b1r)
    h = jax.nn.relu(h)
    h = _sage_conv(h, edge_index, W2l, b2l, W2r, b2r)
    h = jax.nn.relu(h)
    h = _sage_conv(h, edge_index, W3l, b3l, W3r, b3r)
    return h

if __name__ == "__main__":
    import jax
    _d = setup_inputs()
    print(jax.jit(kernel)(*tuple(_d.values())))

</pallas_src>

<mosaic_0001>
#map = affine_map<(d0, d1) -> (0, 0)>
#map1 = affine_map<(d0, d1) -> (0, 0, 0, 0)>
#map2 = affine_map<(d0, d1) -> (0, 0, 0)>
module attributes {stable_mosaic.version = 14 : i64} {
  func.func @body(%arg0: i32, %arg1: i32, %arg2: memref<10000x128xf32, #tpu.memory_space<hbm>>, %arg3: memref<32x41x4x128xi32, #tpu.memory_space<hbm>>, %arg4: memref<32x41x4x128xi32, #tpu.memory_space<hbm>>, %arg5: memref<2x10112x128xf32, #tpu.memory_space<hbm>>, %arg6: memref<2x4x128xi32, #tpu.memory_space<vmem>>, %arg7: memref<2x4x128xi32, #tpu.memory_space<vmem>>, %arg8: memref<128x128xf32, #tpu.memory_space<vmem>>, %arg9: memref<128x128xf32, #tpu.memory_space<vmem>>, %arg10: memref<10112x128xf32, #tpu.memory_space<vmem_shared>>, %arg11: memref<!tpu.dma_semaphore, #tpu.memory_space<semaphore_mem>>, %arg12: memref<!tpu.dma_semaphore, #tpu.memory_space<semaphore_mem>>, %arg13: memref<!tpu.dma_semaphore, #tpu.memory_space<semaphore_mem>>, %arg14: memref<!tpu.dma_semaphore, #tpu.memory_space<semaphore_mem>>) attributes {dimension_semantics = [#tpu.dimension_semantics<core_parallel>, #tpu.dimension_semantics<subcore_parallel>], iteration_bounds = array<i64: 2, 16>, scalar_prefetch = 0 : i64, scratch_operands = 9 : i64, tpu.core_type = #tpu.core_type<sc_vector_subcore>, window_params = [{transform_indices = #map}, {transform_indices = #map1}, {transform_indices = #map1}, {transform_indices = #map2}]} {
    %mul3A = arith.constant 16 : i32
    %mul3A_0 = arith.muli %arg0, %mul3A : i32
    %add3A = arith.addi %mul3A_0, %arg1 : i32
    %scan3A = arith.constant 0 : i32
    %scan3A_1 = arith.constant 0 : i32
    %scan3A_2 = arith.constant 1024 : i32
    %scan3A_3 = arith.addi %scan3A_1, %scan3A_2 : i32
    %scan3A_4 = arith.constant 1 : i32
    %scan3A_5 = scf.for %scan3A_42 = %scan3A_1 to %scan3A_3 step %scan3A_4 iter_args(%scan3A_43 = %scan3A) -> (i32)  : i32 {
      %broadcast_in_dim3A = arith.constant 0.000000e+00 : f32
      %broadcast_in_dim3A_44 = vector.broadcast %broadcast_in_dim3A : f32 to vector<16xf32>
      %jit3A = arith.constant 8 : i32
      %div3A = arith.divsi %scan3A_42, %jit3A : i32
      %sign3A = arith.constant 0 : i32
      %sign3A_45 = arith.cmpi sgt, %scan3A_42, %sign3A : i32
      %sign3A_46 = arith.extui %sign3A_45 : i1 to i32
      %sign3A_47 = arith.constant 0 : i32
      %sign3A_48 = arith.cmpi slt, %scan3A_42, %sign3A_47 : i32
      %sign3A_49 = arith.extui %sign3A_48 : i1 to i32
      %sign3A_50 = arith.subi %sign3A_46, %sign3A_49 : i32
      %sign3A_51 = arith.constant 0 : i32
      %sign3A_52 = arith.cmpi sgt, %jit3A, %sign3A_51 : i32
      %sign3A_53 = arith.extui %sign3A_52 : i1 to i32
      %sign3A_54 = arith.constant 0 : i32
      %sign3A_55 = arith.cmpi slt, %jit3A, %sign3A_54 : i32
      %sign3A_56 = arith.extui %sign3A_55 : i1 to i32
      %sign3A_57 = arith.subi %sign3A_53, %sign3A_56 : i32
      %ne3A = arith.cmpi ne, %sign3A_50, %sign3A_57 : i32
      %rem3A = arith.remsi %scan3A_42, %jit3A : i32
      %ne3A_58 = arith.constant 0 : i32
      %ne3A_59 = arith.cmpi ne, %rem3A, %ne3A_58 : i32
      %and3A = arith.andi %ne3A, %ne3A_59 : i1
      %sub3A = arith.constant 1 : i32
      %sub3A_60 = arith.subi %div3A, %sub3A : i32
      %select_n3A = arith.select %and3A, %sub3A_60, %div3A : i32
      %jit3A_61 = arith.constant 8 : i32
      %eq3A_62 = arith.constant 0 : i32
      %eq3A_63 = arith.cmpi eq, %jit3A_61, %eq3A_62 : i32
      %jit3A_64 = arith.constant 1 : i32
      %select_n3A_65 = arith.select %eq3A_63, %jit3A_64, %jit3A_61 : i32
      %rem3A_66 = arith.remsi %scan3A_42, %select_n3A_65 : i32
      %ne3A_67 = arith.constant 0 : i32
      %ne3A_68 = arith.cmpi ne, %rem3A_66, %ne3A_67 : i32
      %lt3A = arith.constant 0 : i32
      %lt3A_69 = arith.cmpi slt, %rem3A_66, %lt3A : i32
      %lt3A_70 = arith.constant 0 : i32
      %lt3A_71 = arith.cmpi slt, %select_n3A_65, %lt3A_70 : i32
      %ne3A_72 = arith.xori %lt3A_69, %lt3A_71 : i1
      %and3A_73 = arith.andi %ne3A_72, %ne3A_68 : i1
      %add3A_74 = arith.addi %rem3A_66, %select_n3A_65 : i32
      %select_n3A_75 = arith.select %and3A_73, %add3A_74, %rem3A_66 : i32
      %mul3A_76 = arith.constant 16 : i32
      %mul3A_77 = arith.muli %select_n3A_75, %mul3A_76 : i32
      %swap3A = arith.index_cast %select_n3A : i32 to index
      %swap3A_78 = arith.index_cast %mul3A_77 : i32 to index
      %swap3A_79 = tpu.vector_load %arg8[%swap3A, %swap3A_78] {strides = array<i32>} : memref<128x128xf32, #tpu.memory_space<vmem>>, vector<1x16xf32>,
      %swap3A_80 = vector.shape_cast %swap3A_79 : vector<1x16xf32> to vector<16xf32>
      %swap3A_81 = vector.shape_cast %broadcast_in_dim3A_44 : vector<16xf32> to vector<1x16xf32>
      tpu.vector_store %arg8[%swap3A, %swap3A_78], %swap3A_81 {strides = array<i32>} : memref<128x128xf32, #tpu.memory_space<vmem>>, vector<1x16xf32>,
      %scan3A_82 = arith.constant 0 : i32
      scf.yield %scan3A_82 : i32
    }
    %scan3A_6 = arith.constant 1024 : i32
    %mul3A_7 = arith.constant 632 : i32
    %mul3A_8 = arith.muli %arg1, %mul3A_7 : i32
    %add3A_9 = arith.constant 0 : i32
    %add3A_10 = arith.addi %mul3A_8, %add3A_9 : i32
    "tpu.region"() ({
      %run_scoped3A = tpu.sem_alloc : memref<!tpu.dma_semaphore, #tpu.memory_space<semaphore_mem>>
      %dma_start3A = arith.constant 0 : i32
      %dma_start3A_42 = arith.constant 0 : i32
      %dma_start3A_43 = tpu.memref_slice %arg8[%dma_start3A, %dma_start3A_42] : memref<128x128xf32, #tpu.memory_space<vmem>> -> memref<128x128xf32, #tpu.memory_space<vmem>>
      %dma_start3A_44 = arith.constant 0 : i32
      %dma_start3A_45 = tpu.memref_slice %arg10[%add3A_10, %dma_start3A_44] : memref<10112x128xf32, #tpu.memory_space<vmem_shared>> -> memref<128x128xf32, #tpu.memory_space<vmem_shared>>
      %dma_start3A_46 = arith.constant 0 : i32
      %dma_start3A_47 = tpu.memref_slice %arg10[%add3A_10, %dma_start3A_46] : memref<10112x128xf32, #tpu.memory_space<vmem_shared>> -> memref<128x128xf32, #tpu.memory_space<vmem_shared>>
      %dma_start3A_48 = arith.constant 0 : i32
      %dma_start3A_49 = arith.constant 0 : i32
      %dma_start3A_50 = tpu.memref_slice %arg8[%dma_start3A_48, %dma_start3A_49] : memref<128x128xf32, #tpu.memory_space<vmem>> -> memref<128x128xf32, #tpu.memory_space<vmem>>
      tpu.enqueue_dma source(%dma_start3A_50 : memref<128x128xf32, #tpu.memory_space<vmem>>) target(%dma_start3A_47 : memref<128x128xf32, #tpu.memory_space<vmem_shared>>) target_semaphore(%run_scoped3A : memref<!tpu.dma_semaphore, #tpu.memory_space<semaphore_mem>>)
      %dma_wait3A = arith.constant 0 : i32
      %dma_wait3A_51 = arith.constant 0 : i32
      %dma_wait3A_52 = tpu.memref_slice %arg8[%dma_wait3A, %dma_wait3A_51] : memref<128x128xf32, #tpu.memory_space<vmem>> -> memref<128x128xf32, #tpu.memory_space<vmem>>
      %dma_wait3A_53 = arith.constant 0 : i32
      %dma_wait3A_54 = tpu.memref_slice %arg10[%add3A_10, %dma_wait3A_53] : memref<10112x128xf32, #tpu.memory_space<vmem_shared>> -> memref<128x128xf32, #tpu.memory_space<vmem_shared>>
      %dma_wait3A_55 = arith.constant 0 : i32
      %dma_wait3A_56 = tpu.memref_slice %arg10[%add3A_10, %dma_wait3A_55] : memref<10112x128xf32, #tpu.memory_space<vmem_shared>> -> memref<128x128xf32, #tpu.memory_space<vmem_shared>>
      %dma_wait3A_57 = arith.constant 0 : i32
      %dma_wait3A_58 = arith.constant 0 : i32
      %dma_wait3A_59 = tpu.memref_slice %arg8[%dma_wait3A_57, %dma_wait3A_58] : memref<128x128xf32, #tpu.memory_space<vmem>> -> memref<128x128xf32, #tpu.memory_space<vmem>>
      tpu.wait_dma2 semaphore(%run_scoped3A : memref<!tpu.dma_semaphore, #tpu.memory_space<semaphore_mem>>) src(%dma_wait3A_59 : memref<128x128xf32, #tpu.memory_space<vmem>>) dst(%dma_wait3A_56 : memref<128x128xf32, #tpu.memory_space<vmem_shared>>)
      tpu.yield
    }) : () -> ()
    %add3A_11 = arith.constant 128 : i32
    %add3A_12 = arith.addi %mul3A_8, %add3A_11 : i32
    "tpu.region"() ({
      %run_scoped3A = tpu.sem_alloc : memref<!tpu.dma_semaphore, #tpu.memory_space<semaphore_mem>>
      %dma_start3A = arith.constant 0 : i32
      %dma_start3A_42 = arith.constant 0 : i32
      %dma_start3A_43 = tpu.memref_slice %arg8[%dma_start3A, %dma_start3A_42] : memref<128x128xf32, #tpu.memory_space<vmem>> -> memref<128x128xf32, #tpu.memory_space<vmem>>
      %dma_start3A_44 = arith.constant 0 : i32
      %dma_start3A_45 = tpu.memref_slice %arg10[%add3A_12, %dma_start3A_44] : memref<10112x128xf32, #tpu.memory_space<vmem_shared>> -> memref<128x128xf32, #tpu.memory_space<vmem_shared>>
      %dma_start3A_46 = arith.constant 0 : i32
      %dma_start3A_47 = tpu.memref_slice %arg10[%add3A_12, %dma_start3A_46] : memref<10112x128xf32, #tpu.memory_space<vmem_shared>> -> memref<128x128xf32, #tpu.memory_space<vmem_shared>>
      %dma_start3A_48 = arith.constant 0 : i32
      %dma_start3A_49 = arith.constant 0 : i32
      %dma_start3A_50 = tpu.memref_slice %arg8[%dma_start3A_48, %dma_start3A_49] : memref<128x128xf32, #tpu.memory_space<vmem>> -> memref<128x128xf32, #tpu.memory_space<vmem>>
      tpu.enqueue_dma source(%dma_start3A_50 : memref<128x128xf32, #tpu.memory_space<vmem>>) target(%dma_start3A_47 : memref<128x128xf32, #tpu.memory_space<vmem_shared>>) target_semaphore(%run_scoped3A : memref<!tpu.dma_semaphore, #tpu.memory_space<semaphore_mem>>)
      %dma_wait3A = arith.constant 0 : i32
      %dma_wait3A_51 = arith.constant 0 : i32
      %dma_wait3A_52 = tpu.memref_slice %arg8[%dma_wait3A, %dma_wait3A_51] : memref<128x128xf32, #tpu.memory_space<vmem>> -> memref<128x128xf32, #tpu.memory_space<vmem>>
      %dma_wait3A_53 = arith.constant 0 : i32
      %dma_wait3A_54 = tpu.memref_slice %arg10[%add3A_12, %dma_wait3A_53] : memref<10112x128xf32, #tpu.memory_space<vmem_shared>> -> memref<128x128xf32, #tpu.memory_space<vmem_shared>>
      %dma_wait3A_55 = arith.constant 0 : i32
      %dma_wait3A_56 = tpu.memref_slice %arg10[%add3A_12, %dma_wait3A_55] : memref<10112x128xf32, #tpu.memory_space<vmem_shared>> -> memref<128x128xf32, #tpu.memory_space<vmem_shared>>
      %dma_wait3A_57 = arith.constant 0 : i32
      %dma_wait3A_58 = arith.constant 0 : i32
      %dma_wait3A_59 = tpu.memref_slice %arg8[%dma_wait3A_57, %dma_wait3A_58] : memref<128x128xf32, #tpu.memory_space<vmem>> -> memref<128x128xf32, #tpu.memory_space<vmem>>
      tpu.wait_dma2 semaphore(%run_scoped3A : memref<!tpu.dma_semaphore, #tpu.memory_space<semaphore_mem>>) src(%dma_wait3A_59 : memref<128x128xf32, #tpu.memory_space<vmem>>) dst(%dma_wait3A_56 : memref<128x128xf32, #tpu.memory_space<vmem_shared>>)
      tpu.yield
    }) : () -> ()
    %add3A_13 = arith.constant 256 : i32
    %add3A_14 = arith.addi %mul3A_8, %add3A_13 : i32
    "tpu.region"() ({
      %run_scoped3A = tpu.sem_alloc : memref<!tpu.dma_semaphore, #tpu.memory_space<semaphore_mem>>
      %dma_start3A = arith.constant 0 : i32
      %dma_start3A_42 = arith.constant 0 : i32
      %dma_start3A_43 = tpu.memref_slice %arg8[%dma_start3A, %dma_start3A_42] : memref<128x128xf32, #tpu.memory_space<vmem>> -> memref<128x128xf32, #tpu.memory_space<vmem>>
      %dma_start3A_44 = arith.constant 0 : i32
      %dma_start3A_45 = tpu.memref_slice %arg10[%add3A_14, %dma_start3A_44] : memref<10112x128xf32, #tpu.memory_space<vmem_shared>> -> memref<128x128xf32, #tpu.memory_space<vmem_shared>>
      %dma_start3A_46 = arith.constant 0 : i32
      %dma_start3A_47 = tpu.memref_slice %arg10[%add3A_14, %dma_start3A_46] : memref<10112x128xf32, #tpu.memory_space<vmem_shared>> -> memref<128x128xf32, #tpu.memory_space<vmem_shared>>
      %dma_start3A_48 = arith.constant 0 : i32
      %dma_start3A_49 = arith.constant 0 : i32
      %dma_start3A_50 = tpu.memref_slice %arg8[%dma_start3A_48, %dma_start3A_49] : memref<128x128xf32, #tpu.memory_space<vmem>> -> memref<128x128xf32, #tpu.memory_space<vmem>>
      tpu.enqueue_dma source(%dma_start3A_50 : memref<128x128xf32, #tpu.memory_space<vmem>>) target(%dma_start3A_47 : memref<128x128xf32, #tpu.memory_space<vmem_shared>>) target_semaphore(%run_scoped3A : memref<!tpu.dma_semaphore, #tpu.memory_space<semaphore_mem>>)
      %dma_wait3A = arith.constant 0 : i32
      %dma_wait3A_51 = arith.constant 0 : i32
      %dma_wait3A_52 = tpu.memref_slice %arg8[%dma_wait3A, %dma_wait3A_51] : memref<128x128xf32, #tpu.memory_space<vmem>> -> memref<128x128xf32, #tpu.memory_space<vmem>>
      %dma_wait3A_53 = arith.constant 0 : i32
      %dma_wait3A_54 = tpu.memref_slice %arg10[%add3A_14, %dma_wait3A_53] : memref<10112x128xf32, #tpu.memory_space<vmem_shared>> -> memref<128x128xf32, #tpu.memory_space<vmem_shared>>
      %dma_wait3A_55 = arith.constant 0 : i32
      %dma_wait3A_56 = tpu.memref_slice %arg10[%add3A_14, %dma_wait3A_55] : memref<10112x128xf32, #tpu.memory_space<vmem_shared>> -> memref<128x128xf32, #tpu.memory_space<vmem_shared>>
      %dma_wait3A_57 = arith.constant 0 : i32
      %dma_wait3A_58 = arith.constant 0 : i32
      %dma_wait3A_59 = tpu.memref_slice %arg8[%dma_wait3A_57, %dma_wait3A_58] : memref<128x128xf32, #tpu.memory_space<vmem>> -> memref<128x128xf32, #tpu.memory_space<vmem>>
      tpu.wait_dma2 semaphore(%run_scoped3A : memref<!tpu.dma_semaphore, #tpu.memory_space<semaphore_mem>>) src(%dma_wait3A_59 : memref<128x128xf32, #tpu.memory_space<vmem>>) dst(%dma_wait3A_56 : memref<128x128xf32, #tpu.memory_space<vmem_shared>>)
      tpu.yield
    }) : () -> ()
    %add3A_15 = arith.constant 384 : i32
    %add3A_16 = arith.addi %mul3A_8, %add3A_15 : i32
    "tpu.region"() ({
      %run_scoped3A = tpu.sem_alloc : memref<!tpu.dma_semaphore, #tpu.memory_space<semaphore_mem>>
      %dma_start3A = arith.constant 0 : i32
      %dma_start3A_42 = arith.constant 0 : i32
      %dma_start3A_43 = tpu.memref_slice %arg8[%dma_start3A, %dma_start3A_42] : memref<128x128xf32, #tpu.memory_space<vmem>> -> memref<128x128xf32, #tpu.memory_space<vmem>>
      %dma_start3A_44 = arith.constant 0 : i32
      %dma_start3A_45 = tpu.memref_slice %arg10[%add3A_16, %dma_start3A_44] : memref<10112x128xf32, #tpu.memory_space<vmem_shared>> -> memref<128x128xf32, #tpu.memory_space<vmem_shared>>
      %dma_start3A_46 = arith.constant 0 : i32
      %dma_start3A_47 = tpu.memref_slice %arg10[%add3A_16, %dma_start3A_46] : memref<10112x128xf32, #tpu.memory_space<vmem_shared>> -> memref<128x128xf32, #tpu.memory_space<vmem_shared>>
      %dma_start3A_48 = arith.constant 0 : i32
      %dma_start3A_49 = arith.constant 0 : i32
      %dma_start3A_50 = tpu.memref_slice %arg8[%dma_start3A_48, %dma_start3A_49] : memref<128x128xf32, #tpu.memory_space<vmem>> -> memref<128x128xf32, #tpu.memory_space<vmem>>
      tpu.enqueue_dma source(%dma_start3A_50 : memref<128x128xf32, #tpu.memory_space<vmem>>) target(%dma_start3A_47 : memref<128x128xf32, #tpu.memory_space<vmem_shared>>) target_semaphore(%run_scoped3A : memref<!tpu.dma_semaphore, #tpu.memory_space<semaphore_mem>>)
      %dma_wait3A = arith.constant 0 : i32
      %dma_wait3A_51 = arith.constant 0 : i32
      %dma_wait3A_52 = tpu.memref_slice %arg8[%dma_wait3A, %dma_wait3A_51] : memref<128x128xf32, #tpu.memory_space<vmem>> -> memref<128x128xf32, #tpu.memory_space<vmem>>
      %dma_wait3A_53 = arith.constant 0 : i32
      %dma_wait3A_54 = tpu.memref_slice %arg10[%add3A_16, %dma_wait3A_53] : memref<10112x128xf32, #tpu.memory_space<vmem_shared>> -> memref<128x128xf32, #tpu.memory_space<vmem_shared>>
      %dma_wait3A_55 = arith.constant 0 : i32
      %dma_wait3A_56 = tpu.memref_slice %arg10[%add3A_16, %dma_wait3A_55] : memref<10112x128xf32, #tpu.memory_space<vmem_shared>> -> memref<128x128xf32, #tpu.memory_space<vmem_shared>>
      %dma_wait3A_57 = arith.constant 0 : i32
      %dma_wait3A_58 = arith.constant 0 : i32
      %dma_wait3A_59 = tpu.memref_slice %arg8[%dma_wait3A_57, %dma_wait3A_58] : memref<128x128xf32, #tpu.memory_space<vmem>> -> memref<128x128xf32, #tpu.memory_space<vmem>>
      tpu.wait_dma2 semaphore(%run_scoped3A : memref<!tpu.dma_semaphore, #tpu.memory_space<semaphore_mem>>) src(%dma_wait3A_59 : memref<128x128xf32, #tpu.memory_space<vmem>>) dst(%dma_wait3A_56 : memref<128x128xf32, #tpu.memory_space<vmem_shared>>)
      tpu.yield
    }) : () -> ()
    %add3A_17 = arith.constant 512 : i32
    %add3A_18 = arith.addi %mul3A_8, %add3A_17 : i32
    "tpu.region"() ({
      %run_scoped3A = tpu.sem_alloc : memref<!tpu.dma_semaphore, #tpu.memory_space<semaphore_mem>>
      %dma_start3A = arith.constant 0 : i32
      %dma_start3A_42 = arith.constant 0 : i32
      %dma_start3A_43 = tpu.memref_slice %arg8[%dma_start3A, %dma_start3A_42] : memref<128x128xf32, #tpu.memory_space<vmem>> -> memref<120x128xf32, #tpu.memory_space<vmem>>
      %dma_start3A_44 = arith.constant 0 : i32
      %dma_start3A_45 = tpu.memref_slice %arg10[%add3A_18, %dma_start3A_44] : memref<10112x128xf32, #tpu.memory_space<vmem_shared>> -> memref<120x128xf32, #tpu.memory_space<vmem_shared>>
      %dma_start3A_46 = arith.constant 0 : i32
      %dma_start3A_47 = tpu.memref_slice %arg10[%add3A_18, %dma_start3A_46] : memref<10112x128xf32, #tpu.memory_space<vmem_shared>> -> memref<120x128xf32, #tpu.memory_space<vmem_shared>>
      %dma_start3A_48 = arith.constant 0 : i32
      %dma_start3A_49 = arith.constant 0 : i32
      %dma_start3A_50 = tpu.memref_slice %arg8[%dma_start3A_48, %dma_start3A_49] : memref<128x128xf32, #tpu.memory_space<vmem>> -> memref<120x128xf32, #tpu.memory_space<vmem>>
      tpu.enqueue_dma source(%dma_start3A_50 : memref<120x128xf32, #tpu.memory_space<vmem>>) target(%dma_start3A_47 : memref<120x128xf32, #tpu.memory_space<vmem_shared>>) target_semaphore(%run_scoped3A : memref<!tpu.dma_semaphore, #tpu.memory_space<semaphore_mem>>)
      %dma_wait3A = arith.constant 0 : i32
      %dma_wait3A_51 = arith.constant 0 : i32
      %dma_wait3A_52 = tpu.memref_slice %arg8[%dma_wait3A, %dma_wait3A_51] : memref<128x128xf32, #tpu.memory_space<vmem>> -> memref<120x128xf32, #tpu.memory_space<vmem>>
      %dma_wait3A_53 = arith.constant 0 : i32
      %dma_wait3A_54 = tpu.memref_slice %arg10[%add3A_18, %dma_wait3A_53] : memref<10112x128xf32, #tpu.memory_space<vmem_shared>> -> memref<120x128xf32, #tpu.memory_space<vmem_shared>>
      %dma_wait3A_55 = arith.constant 0 : i32
      %dma_wait3A_56 = tpu.memref_slice %arg10[%add3A_18, %dma_wait3A_55] : memref<10112x128xf32, #tpu.memory_space<vmem_shared>> -> memref<120x128xf32, #tpu.memory_space<vmem_shared>>
      %dma_wait3A_57 = arith.constant 0 : i32
      %dma_wait3A_58 = arith.constant 0 : i32
      %dma_wait3A_59 = tpu.memref_slice %arg8[%dma_wait3A_57, %dma_wait3A_58] : memref<128x128xf32, #tpu.memory_space<vmem>> -> memref<120x128xf32, #tpu.memory_space<vmem>>
      tpu.wait_dma2 semaphore(%run_scoped3A : memref<!tpu.dma_semaphore, #tpu.memory_space<semaphore_mem>>) src(%dma_wait3A_59 : memref<120x128xf32, #tpu.memory_space<vmem>>) dst(%dma_wait3A_56 : memref<120x128xf32, #tpu.memory_space<vmem_shared>>)
      tpu.yield
    }) : () -> ()
    %barrier3A = arith.constant 0 : index
    tpu.barrier barrier_id(%barrier3A)
    %eq3A = arith.constant 0 : i32
    %eq3A_19 = arith.cmpi eq, %arg0, %eq3A : i32
    %convert_element_type3A = arith.extui %eq3A_19 : i1 to i32
    %cond3A = arith.constant 0 : i32
    %cond3A_20 = arith.cmpi ne, %convert_element_type3A, %cond3A : i32
    scf.if %cond3A_20 {
      %dma_start3A = arith.constant 0 : i32
      %dma_start3A_42 = arith.constant 0 : i32
      %dma_start3A_43 = arith.constant 0 : i32
      %dma_start3A_44 = arith.constant 0 : i32
      %dma_start3A_45 = tpu.memref_slice %arg6[%dma_start3A_42, %dma_start3A_43, %dma_start3A_44] : memref<2x4x128xi32, #tpu.memory_space<vmem>> -> memref<1x4x128xi32, #tpu.memory_space<vmem>>
      %dma_start3A_46 = tpu.memref_squeeze %dma_start3A_45 : memref<1x4x128xi32, #tpu.memory_space<vmem>> -> memref<4x128xi32, #tpu.memory_space<vmem>>
      %dma_start3A_47 = arith.constant 0 : i32
      %dma_start3A_48 = arith.constant 0 : i32
      %dma_start3A_49 = tpu.memref_slice %arg3[%add3A, %dma_start3A, %dma_start3A_47, %dma_start3A_48] : memref<32x41x4x128xi32, #tpu.memory_space<hbm>> -> memref<1x1x4x128xi32, #tpu.memory_space<hbm>>
      %dma_start3A_50 = tpu.memref_squeeze %dma_start3A_49 : memref<1x1x4x128xi32, #tpu.memory_space<hbm>> -> memref<4x128xi32, #tpu.memory_space<hbm>>
      %dma_start3A_51 = arith.constant 0 : i32
      %dma_start3A_52 = arith.constant 0 : i32
      %dma_start3A_53 = tpu.memref_slice %arg6[%dma_start3A_42, %dma_start3A_51, %dma_start3A_52] : memref<2x4x128xi32, #tpu.memory_space<vmem>> -> memref<1x4x128xi32, #tpu.memory_space<vmem>>
      %dma_start3A_54 = tpu.memref_squeeze %dma_start3A_53 : memref<1x4x128xi32, #tpu.memory_space<vmem>> -> memref<4x128xi32, #tpu.memory_space<vmem>>
      %dma_start3A_55 = arith.constant 0 : i32
      %dma_start3A_56 = arith.constant 0 : i32
      %dma_start3A_57 = tpu.memref_slice %arg3[%add3A, %dma_start3A, %dma_start3A_55, %dma_start3A_56] : memref<32x41x4x128xi32, #tpu.memory_space<hbm>> -> memref<1x1x4x128xi32, #tpu.memory_space<hbm>>
      %dma_start3A_58 = tpu.memref_squeeze %dma_start3A_57 : memref<1x1x4x128xi32, #tpu.memory_space<hbm>> -> memref<4x128xi32, #tpu.memory_space<hbm>>
      tpu.enqueue_dma source(%dma_start3A_58 : memref<4x128xi32, #tpu.memory_space<hbm>>) target(%dma_start3A_54 : memref<4x128xi32, #tpu.memory_space<vmem>>) target_semaphore(%arg13 : memref<!tpu.dma_semaphore, #tpu.memory_space<semaphore_mem>>)
      %dma_start3A_59 = arith.constant 0 : i32
      %dma_start3A_60 = arith.constant 0 : i32
      %dma_start3A_61 = arith.constant 0 : i32
      %dma_start3A_62 = arith.constant 0 : i32
      %dma_start3A_63 = tpu.memref_slice %arg7[%dma_start3A_60, %dma_start3A_61, %dma_start3A_62] : memref<2x4x128xi32, #tpu.memory_space<vmem>> -> memref<1x4x128xi32, #tpu.memory_space<vmem>>
      %dma_start3A_64 = tpu.memref_squeeze %dma_start3A_63 : memref<1x4x128xi32, #tpu.memory_space<vmem>> -> memref<4x128xi32, #tpu.memory_space<vmem>>
      %dma_start3A_65 = arith.constant 0 : i32
      %dma_start3A_66 = arith.constant 0 : i32
      %dma_start3A_67 = tpu.memref_slice %arg4[%add3A, %dma_start3A_59, %dma_start3A_65, %dma_start3A_66] : memref<32x41x4x128xi32, #tpu.memory_space<hbm>> -> memref<1x1x4x128xi32, #tpu.memory_space<hbm>>
      %dma_start3A_68 = tpu.memref_squeeze %dma_start3A_67 : memref<1x1x4x128xi32, #tpu.memory_space<hbm>> -> memref<4x128xi32, #tpu.memory_space<hbm>>
      %dma_start3A_69 = arith.constant 0 : i32
      %dma_start3A_70 = arith.constant 0 : i32
      %dma_start3A_71 = tpu.memref_slice %arg7[%dma_start3A_60, %dma_start3A_69, %dma_start3A_70] : memref<2x4x128xi32, #tpu.memory_space<vmem>> -> memref<1x4x128xi32, #tpu.memory_space<vmem>>
      %dma_start3A_72 = tpu.memref_squeeze %dma_start3A_71 : memref<1x4x128xi32, #tpu.memory_space<vmem>> -> memref<4x128xi32, #tpu.memory_space<vmem>>
      %dma_start3A_73 = arith.constant 0 : i32
      %dma_start3A_74 = arith.constant 0 : i32
      %dma_start3A_75 = tpu.memref_slice %arg4[%add3A, %dma_start3A_59, %dma_start3A_73, %dma_start3A_74] : memref<32x41x4x128xi32, #tpu.memory_space<hbm>> -> memref<1x1x4x128xi32, #tpu.memory_space<hbm>>
      %dma_start3A_76 = tpu.memref_squeeze %dma_start3A_75 : memref<1x1x4x128xi32, #tpu.memory_space<hbm>> -> memref<4x128xi32, #tpu.memory_space<hbm>>
      tpu.enqueue_dma source(%dma_start3A_76 : memref<4x128xi32, #tpu.memory_space<hbm>>) target(%dma_start3A_72 : memref<4x128xi32, #tpu.memory_space<vmem>>) target_semaphore(%arg13 : memref<!tpu.dma_semaphore, #tpu.memory_space<semaphore_mem>>)
      %dma_wait3A = arith.constant 0 : i32
      %dma_wait3A_77 = arith.constant 0 : i32
      %dma_wait3A_78 = arith.constant 0 : i32
      %dma_wait3A_79 = arith.constant 0 : i32
      %dma_wait3A_80 = tpu.memref_slice %arg6[%dma_wait3A_77, %dma_wait3A_78, %dma_wait3A_79] : memref<2x4x128xi32, #tpu.memory_space<vmem>> -> memref<1x4x128xi32, #tpu.memory_space<vmem>>
      %dma_wait3A_81 = tpu.memref_squeeze %dma_wait3A_80 : memref<1x4x128xi32, #tpu.memory_space<vmem>> -> memref<4x128xi32, #tpu.memory_space<vmem>>
      %dma_wait3A_82 = arith.constant 0 : i32
      %dma_wait3A_83 = arith.constant 0 : i32
      %dma_wait3A_84 = tpu.memref_slice %arg3[%add3A, %dma_wait3A, %dma_wait3A_82, %dma_wait3A_83] : memref<32x41x4x128xi32, #tpu.memory_space<hbm>> -> memref<1x1x4x128xi32, #tpu.memory_space<hbm>>
      %dma_wait3A_85 = tpu.memref_squeeze %dma_wait3A_84 : memref<1x1x4x128xi32, #tpu.memory_space<hbm>> -> memref<4x128xi32, #tpu.memory_space<hbm>>
      %dma_wait3A_86 = arith.constant 0 : i32
      %dma_wait3A_87 = arith.constant 0 : i32
      %dma_wait3A_88 = tpu.memref_slice %arg6[%dma_wait3A_77, %dma_wait3A_86, %dma_wait3A_87] : memref<2x4x128xi32, #tpu.memory_space<vmem>> -> memref<1x4x128xi32, #tpu.memory_space<vmem>>
      %dma_wait3A_89 = tpu.memref_squeeze %dma_wait3A_88 : memref<1x4x128xi32, #tpu.memory_space<vmem>> -> memref<4x128xi32, #tpu.memory_space<vmem>>
      %dma_wait3A_90 = arith.constant 0 : i32
      %dma_wait3A_91 = arith.constant 0 : i32
      %dma_wait3A_92 = tpu.memref_slice %arg3[%add3A, %dma_wait3A, %dma_wait3A_90, %dma_wait3A_91] : memref<32x41x4x128xi32, #tpu.memory_space<hbm>> -> memref<1x1x4x128xi32, #tpu.memory_space<hbm>>
      %dma_wait3A_93 = tpu.memref_squeeze %dma_wait3A_92 : memref<1x1x4x128xi32, #tpu.memory_space<hbm>> -> memref<4x128xi32, #tpu.memory_space<hbm>>
      tpu.wait_dma2 semaphore(%arg13 : memref<!tpu.dma_semaphore, #tpu.memory_space<semaphore_mem>>) src(%dma_wait3A_93 : memref<4x128xi32, #tpu.memory_space<hbm>>) dst(%dma_wait3A_89 : memref<4x128xi32, #tpu.memory_space<vmem>>)
      %dma_wait3A_94 = arith.constant 0 : i32
      %dma_wait3A_95 = arith.constant 0 : i32
      %dma_wait3A_96 = arith.constant 0 : i32
      %dma_wait3A_97 = arith.constant 0 : i32
      %dma_wait3A_98 = tpu.memref_slice %arg7[%dma_wait3A_95, %dma_wait3A_96, %dma_wait3A_97] : memref<2x4x128xi32, #tpu.memory_space<vmem>> -> memref<1x4x128xi32, #tpu.memory_space<vmem>>
      %dma_wait3A_99 = tpu.memref_squeeze %dma_wait3A_98 : memref<1x4x128xi32, #tpu.memory_space<vmem>> -> memref<4x128xi32, #tpu.memory_space<vmem>>
      %dma_wait3A_100 = arith.constant 0 : i32
      %dma_wait3A_101 = arith.constant 0 : i32
      %dma_wait3A_102 = tpu.memref_slice %arg4[%add3A, %dma_wait3A_94, %dma_wait3A_100, %dma_wait3A_101] : memref<32x41x4x128xi32, #tpu.memory_space<hbm>> -> memref<1x1x4x128xi32, #tpu.memory_space<hbm>>
      %dma_wait3A_103 = tpu.memref_squeeze %dma_wait3A_102 : memref<1x1x4x128xi32, #tpu.memory_space<hbm>> -> memref<4x128xi32, #tpu.memory_space<hbm>>
      %dma_wait3A_104 = arith.constant 0 : i32
      %dma_wait3A_105 = arith.constant 0 : i32
      %dma_wait3A_106 = tpu.memref_slice %arg7[%dma_wait3A_95, %dma_wait3A_104, %dma_wait3A_105] : memref<2x4x128xi32, #tpu.memory_space<vmem>> -> memref<1x4x128xi32, #tpu.memory_space<vmem>>
      %dma_wait3A_107 = tpu.memref_squeeze %dma_wait3A_106 : memref<1x4x128xi32, #tpu.memory_space<vmem>> -> memref<4x128xi32, #tpu.memory_space<vmem>>
      %dma_wait3A_108 = arith.constant 0 : i32
      %dma_wait3A_109 = arith.constant 0 : i32
      %dma_wait3A_110 = tpu.memref_slice %arg4[%add3A, %dma_wait3A_94, %dma_wait3A_108, %dma_wait3A_109] : memref<32x41x4x128xi32, #tpu.memory_space<hbm>> -> memref<1x1x4x128xi32, #tpu.memory_space<hbm>>
      %dma_wait3A_111 = tpu.memref_squeeze %dma_wait3A_110 : memref<1x1x4x128xi32, #tpu.memory_space<hbm>> -> memref<4x128xi32, #tpu.memory_space<hbm>>
      tpu.wait_dma2 semaphore(%arg13 : memref<!tpu.dma_semaphore, #tpu.memory_space<semaphore_mem>>) src(%dma_wait3A_111 : memref<4x128xi32, #tpu.memory_space<hbm>>) dst(%dma_wait3A_107 : memref<4x128xi32, #tpu.memory_space<vmem>>)
      %dma_start3A_112 = arith.constant 0 : i32
      %dma_start3A_113 = arith.constant 0 : i32
      %dma_start3A_114 = arith.constant 0 : i32
      %dma_start3A_115 = tpu.memref_slice %arg6[%dma_start3A_112, %dma_start3A_113, %dma_start3A_114] : memref<2x4x128xi32, #tpu.memory_space<vmem>> -> memref<1x1x128xi32, #tpu.memory_space<vmem>>
      %dma_start3A_116 = tpu.memref_squeeze %dma_start3A_115 : memref<1x1x128xi32, #tpu.memory_space<vmem>> -> memref<128xi32, #tpu.memory_space<vmem>>
      %dma_start3A_117 = arith.constant 0 : i32
      %dma_start3A_118 = arith.constant 0 : i32
      %dma_start3A_119 = tpu.memref_slice %arg2[%dma_start3A_117, %dma_start3A_118] : memref<10000x128xf32, #tpu.memory_space<hbm>> -> memref<10000x128xf32, #tpu.memory_space<hbm>>
      tpu.enqueue_indirect_dma source(%dma_start3A_119 : memref<10000x128xf32, #tpu.memory_space<hbm>>) target(%arg8 : memref<128x128xf32, #tpu.memory_space<vmem>>) offsets(%dma_start3A_116 : memref<128xi32, #tpu.memory_space<vmem>>) semaphore(%arg11 : memref<!tpu.dma_semaphore, #tpu.memory_space<semaphore_mem>>)
      %scan3A_120 = arith.constant 0 : i32
      %scan3A_121 = arith.constant 0 : i32
      %scan3A_122 = arith.constant 20 : i32
      %scan3A_123 = arith.addi %scan3A_121, %scan3A_122 : i32
      %scan3A_124 = arith.constant 1 : i32
      %scan3A_125 = scf.for %scan3A_135 = %scan3A_121 to %scan3A_123 step %scan3A_124 iter_args(%scan3A_136 = %scan3A_120) -> (i32)  : i32 {
        %mul3A_137 = arith.constant 2 : i32
        %mul3A_138 = arith.muli %mul3A_137, %scan3A_135 : i32
        %add3A_139 = arith.constant 1 : i32
        %add3A_140 = arith.addi %mul3A_138, %add3A_139 : i32
        %dma_start3A_141 = arith.constant 1 : i32
        %dma_start3A_142 = arith.constant 0 : i32
        %dma_start3A_143 = arith.constant 0 : i32
        %dma_start3A_144 = tpu.memref_slice %arg6[%dma_start3A_141, %dma_start3A_142, %dma_start3A_143] : memref<2x4x128xi32, #tpu.memory_space<vmem>> -> memref<1x4x128xi32, #tpu.memory_space<vmem>>
        %dma_start3A_145 = tpu.memref_squeeze %dma_start3A_144 : memref<1x4x128xi32, #tpu.memory_space<vmem>> -> memref<4x128xi32, #tpu.memory_space<vmem>>
        %dma_start3A_146 = arith.constant 0 : i32
        %dma_start3A_147 = arith.constant 0 : i32
        %dma_start3A_148 = tpu.memref_slice %arg3[%add3A, %add3A_140, %dma_start3A_146, %dma_start3A_147] : memref<32x41x4x128xi32, #tpu.memory_space<hbm>> -> memref<1x1x4x128xi32, #tpu.memory_space<hbm>>
        %dma_start3A_149 = tpu.memref_squeeze %dma_start3A_148 : memref<1x1x4x128xi32, #tpu.memory_space<hbm>> -> memref<4x128xi32, #tpu.memory_space<hbm>>
        %dma_start3A_150 = arith.constant 0 : i32
        %dma_start3A_151 = arith.constant 0 : i32
        %dma_start3A_152 = tpu.memref_slice %arg6[%dma_start3A_141, %dma_start3A_150, %dma_start3A_151] : memref<2x4x128xi32, #tpu.memory_space<vmem>> -> memref<1x4x128xi32, #tpu.memory_space<vmem>>
        %dma_start3A_153 = tpu.memref_squeeze %dma_start3A_152 : memref<1x4x128xi32, #tpu.memory_space<vmem>> -> memref<4x128xi32, #tpu.memory_space<vmem>>
        %dma_start3A_154 = arith.constant 0 : i32
        %dma_start3A_155 = arith.constant 0 : i32
        %dma_start3A_156 = tpu.memref_slice %arg3[%add3A, %add3A_140, %dma_start3A_154, %dma_start3A_155] : memref<32x41x4x128xi32, #tpu.memory_space<hbm>> -> memref<1x1x4x128xi32, #tpu.memory_space<hbm>>
        %dma_start3A_157 = tpu.memref_squeeze %dma_start3A_156 : memref<1x1x4x128xi32, #tpu.memory_space<hbm>> -> memref<4x128xi32, #tpu.memory_space<hbm>>
        tpu.enqueue_dma source(%dma_start3A_157 : memref<4x128xi32, #tpu.memory_space<hbm>>) target(%dma_start3A_153 : memref<4x128xi32, #tpu.memory_space<vmem>>) target_semaphore(%arg14 : memref<!tpu.dma_semaphore, #tpu.memory_space<semaphore_mem>>)
        %dma_start3A_158 = arith.constant 1 : i32
        %dma_start3A_159 = arith.constant 0 : i32
        %dma_start3A_160 = arith.constant 0 : i32
        %dma_start3A_161 = tpu.memref_slice %arg7[%dma_start3A_158, %dma_start3A_159, %dma_start3A_160] : memref<2x4x128xi32, #tpu.memory_space<vmem>> -> memref<1x4x128xi32, #tpu.memory_space<vmem>>
        %dma_start3A_162 = tpu.memref_squeeze %dma_start3A_161 : memref<1x4x128xi32, #tpu.memory_space<vmem>> -> memref<4x128xi32, #tpu.memory_space<vmem>>
        %dma_start3A_163 = arith.constant 0 : i32
        %dma_start3A_164 = arith.constant 0 : i32
        %dma_start3A_165 = tpu.memref_slice %arg4[%add3A, %add3A_140, %dma_start3A_163, %dma_start3A_164] : memref<32x41x4x128xi32, #tpu.memory_space<hbm>> -> memref<1x1x4x128xi32, #tpu.memory_space<hbm>>
        %dma_start3A_166 = tpu.memref_squeeze %dma_start3A_165 : memref<1x1x4x128xi32, #tpu.memory_space<hbm>> -> memref<4x128xi32, #tpu.memory_space<hbm>>
        %dma_start3A_167 = arith.constant 0 : i32
        %dma_start3A_168 = arith.constant 0 : i32
        %dma_start3A_169 = tpu.memref_slice %arg7[%dma_start3A_158, %dma_start3A_167, %dma_start3A_168] : memref<2x4x128xi32, #tpu.memory_space<vmem>> -> memref<1x4x128xi32, #tpu.memory_space<vmem>>
        %dma_start3A_170 = tpu.memref_squeeze %dma_start3A_169 : memref<1x4x128xi32, #tpu.memory_space<vmem>> -> memref<4x128xi32, #tpu.memory_space<vmem>>
        %dma_start3A_171 = arith.constant 0 : i32
        %dma_start3A_172 = arith.constant 0 : i32
        %dma_start3A_173 = tpu.memref_slice %arg4[%add3A, %add3A_140, %dma_start3A_171, %dma_start3A_172] : memref<32x41x4x128xi32, #tpu.memory_space<hbm>> -> memref<1x1x4x128xi32, #tpu.memory_space<hbm>>
        %dma_start3A_174 = tpu.memref_squeeze %dma_start3A_173 : memref<1x1x4x128xi32, #tpu.memory_space<hbm>> -> memref<4x128xi32, #tpu.memory_space<hbm>>
        tpu.enqueue_dma source(%dma_start3A_174 : memref<4x128xi32, #tpu.memory_space<hbm>>) target(%dma_start3A_170 : memref<4x128xi32, #tpu.memory_space<vmem>>) target_semaphore(%arg14 : memref<!tpu.dma_semaphore, #tpu.memory_space<semaphore_mem>>)
        %dma_start3A_175 = arith.constant 0 : i32
        %dma_start3A_176 = arith.constant 1 : i32
        %dma_start3A_177 = arith.constant 0 : i32
        %dma_start3A_178 = tpu.memref_slice %arg6[%dma_start3A_175, %dma_start3A_176, %dma_start3A_177] : memref<2x4x128xi32, #tpu.memory_space<vmem>> -> memref<1x1x128xi32, #tpu.memory_space<vmem>>
        %dma_start3A_179 = tpu.memref_squeeze %dma_start3A_178 : memref<1x1x128xi32, #tpu.memory_space<vmem>> -> memref<128xi32, #tpu.memory_space<vmem>>
        %dma_start3A_180 = arith.constant 0 : i32
        %dma_start3A_181 = arith.constant 0 : i32
        %dma_start3A_182 = tpu.memref_slice %arg2[%dma_start3A_180, %dma_start3A_181] : memref<10000x128xf32, #tpu.memory_space<hbm>> -> memref<10000x128xf32, #tpu.memory_space<hbm>>
        tpu.enqueue_indirect_dma source(%dma_start3A_182 : memref<10000x128xf32, #tpu.memory_space<hbm>>) target(%arg9 : memref<128x128xf32, #tpu.memory_space<vmem>>) offsets(%dma_start3A_179 : memref<128xi32, #tpu.memory_space<vmem>>) semaphore(%arg12 : memref<!tpu.dma_semaphore, #tpu.memory_space<semaphore_mem>>)
        %dma_wait3A_183 = arith.constant 0 : i32
        %dma_wait3A_184 = arith.constant 0 : i32
        %dma_wait3A_185 = arith.constant 0 : i32
        %dma_wait3A_186 = tpu.memref_slice %arg6[%dma_wait3A_183, %dma_wait3A_184, %dma_wait3A_185] : memref<2x4x128xi32, #tpu.memory_space<vmem>> -> memref<1x1x128xi32, #tpu.memory_space<vmem>>
        %dma_wait3A_187 = tpu.memref_squeeze %dma_wait3A_186 : memref<1x1x128xi32, #tpu.memory_space<vmem>> -> memref<128xi32, #tpu.memory_space<vmem>>
        %dma_wait3A_188 = arith.constant 0 : i32
        %dma_wait3A_189 = arith.constant 0 : i32
        %dma_wait3A_190 = tpu.memref_slice %arg2[%dma_wait3A_188, %dma_wait3A_189] : memref<10000x128xf32, #tpu.memory_space<hbm>> -> memref<10000x128xf32, #tpu.memory_space<hbm>>
        tpu.wait_indirect_dma semaphore(%arg11 : memref<!tpu.dma_semaphore, #tpu.memory_space<semaphore_mem>>) src(%dma_wait3A_190 : memref<10000x128xf32, #tpu.memory_space<hbm>>) dst(%arg8 : memref<128x128xf32, #tpu.memory_space<vmem>>)
        %run_scoped3A = arith.constant 0 : i32
        %run_scoped3A_191 = arith.constant 0 : i32
        "tpu.region"() ({
          %run_scoped3A_429 = tpu.sem_alloc : memref<!tpu.dma_semaphore, #tpu.memory_space<semaphore_mem>>
          %dma_start3A_430 = arith.constant 0 : i32
          %dma_start3A_431 = tpu.memref_slice %arg7[%run_scoped3A, %run_scoped3A_191, %dma_start3A_430] : memref<2x4x128xi32, #tpu.memory_space<vmem>> -> memref<1x1x128xi32, #tpu.memory_space<vmem>>
          %dma_start3A_432 = tpu.memref_squeeze %dma_start3A_431 : memref<1x1x128xi32, #tpu.memory_space<vmem>> -> memref<128xi32, #tpu.memory_space<vmem>>
          %dma_start3A_433 = arith.constant 0 : i32
          %dma_start3A_434 = arith.constant 0 : i32
          %dma_start3A_435 = tpu.memref_slice %arg10[%dma_start3A_433, %dma_start3A_434] : memref<10112x128xf32, #tpu.memory_space<vmem_shared>> -> memref<10112x128xf32, #tpu.memory_space<vmem_shared>>
          tpu.enqueue_indirect_dma source(%arg8 : memref<128x128xf32, #tpu.memory_space<vmem>>) target(%dma_start3A_435 : memref<10112x128xf32, #tpu.memory_space<vmem_shared>>) offsets(%dma_start3A_432 : memref<128xi32, #tpu.memory_space<vmem>>) semaphore(%run_scoped3A_429 : memref<!tpu.dma_semaphore, #tpu.memory_space<semaphore_mem>>) {add = true}
          %dma_wait3A_436 = arith.constant 0 : i32
          %dma_wait3A_437 = tpu.memref_slice %arg7[%run_scoped3A, %run_scoped3A_191, %dma_wait3A_436] : memref<2x4x128xi32, #tpu.memory_space<vmem>> -> memref<1x1x128xi32, #tpu.memory_space<vmem>>
          %dma_wait3A_438 = tpu.memref_squeeze %dma_wait3A_437 : memref<1x1x128xi32, #tpu.memory_space<vmem>> -> memref<128xi32, #tpu.memory_space<vmem>>
          %dma_wait3A_439 = arith.constant 0 : i32
          %dma_wait3A_440 = arith.constant 0 : i32
          %dma_wait3A_441 = tpu.memref_slice %arg10[%dma_wait3A_439, %dma_wait3A_440] : memref<10112x128xf32, #tpu.memory_space<vmem_shared>> -> memref<10112x128xf32, #tpu.memory_space<vmem_shared>>
          tpu.wait_indirect_dma semaphore(%run_scoped3A_429 : memref<!tpu.dma_semaphore, #tpu.memory_space<semaphore_mem>>) src(%arg8 : memref<128x128xf32, #tpu.memory_space<vmem>>) dst(%dma_wait3A_441 : memref<10112x128xf32, #tpu.memory_space<vmem_shared>>)
          tpu.yield
        }) : () -> ()
        %dma_start3A_192 = arith.constant 0 : i32
        %dma_start3A_193 = arith.constant 2 : i32
        %dma_start3A_194 = arith.constant 0 : i32
        %dma_start3A_195 = tpu.memref_slice %arg6[%dma_start3A_192, %dma_start3A_193, %dma_start3A_194] : memref<2x4x128xi32, #tpu.memory_space<vmem>> -> memref<1x1x128xi32, #tpu.memory_space<vmem>>
        %dma_start3A_196 = tpu.memref_squeeze %dma_start3A_195 : memref<1x1x128xi32, #tpu.memory_space<vmem>> -> memref<128xi32, #tpu.memory_space<vmem>>
        %dma_start3A_197 = arith.constant 0 : i32
        %dma_start3A_198 = arith.constant 0 : i32
        %dma_start3A_199 = tpu.memref_slice %arg2[%dma_start3A_197, %dma_start3A_198] : memref<10000x128xf32, #tpu.memory_space<hbm>> -> memref<10000x128xf32, #tpu.memory_space<hbm>>
        tpu.enqueue_indirect_dma source(%dma_start3A_199 : memref<10000x128xf32, #tpu.memory_space<hbm>>) target(%arg8 : memref<128x128xf32, #tpu.memory_space<vmem>>) offsets(%dma_start3A_196 : memref<128xi32, #tpu.memory_space<vmem>>) semaphore(%arg11 : memref<!tpu.dma_semaphore, #tpu.memory_space<semaphore_mem>>)
        %dma_wait3A_200 = arith.constant 0 : i32
        %dma_wait3A_201 = arith.constant 0 : i32
        %dma_wait3A_202 = arith.constant 0 : i32
        %dma_wait3A_203 = tpu.memref_slice %arg6[%dma_wait3A_200, %dma_wait3A_201, %dma_wait3A_202] : memref<2x4x128xi32, #tpu.memory_space<vmem>> -> memref<1x1x128xi32, #tpu.memory_space<vmem>>
        %dma_wait3A_204 = tpu.memref_squeeze %dma_wait3A_203 : memref<1x1x128xi32, #tpu.memory_space<vmem>> -> memref<128xi32, #tpu.memory_space<vmem>>
        %dma_wait3A_205 = arith.constant 0 : i32
        %dma_wait3A_206 = arith.constant 0 : i32
        %dma_wait3A_207 = tpu.memref_slice %arg2[%dma_wait3A_205, %dma_wait3A_206] : memref<10000x128xf32, #tpu.memory_space<hbm>> -> memref<10000x128xf32, #tpu.memory_space<hbm>>
        tpu.wait_indirect_dma semaphore(%arg12 : memref<!tpu.dma_semaphore, #tpu.memory_space<semaphore_mem>>) src(%dma_wait3A_207 : memref<10000x128xf32, #tpu.memory_space<hbm>>) dst(%arg9 : memref<128x128xf32, #tpu.memory_space<vmem>>)
        %run_scoped3A_208 = arith.constant 0 : i32
        %run_scoped3A_209 = arith.constant 1 : i32
        "tpu.region"() ({
          %run_scoped3A_429 = tpu.sem_alloc : memref<!tpu.dma_semaphore, #tpu.memory_space<semaphore_mem>>
          %dma_start3A_430 = arith.constant 0 : i32
          %dma_start3A_431 = tpu.memref_slice %arg7[%run_scoped3A_208, %run_scoped3A_209, %dma_start3A_430] : memref<2x4x128xi32, #tpu.memory_space<vmem>> -> memref<1x1x128xi32, #tpu.memory_space<vmem>>
          %dma_start3A_432 = tpu.memref_squeeze %dma_start3A_431 : memref<1x1x128xi32, #tpu.memory_space<vmem>> -> memref<128xi32, #tpu.memory_space<vmem>>
          %dma_start3A_433 = arith.constant 0 : i32
          %dma_start3A_434 = arith.constant 0 : i32
          %dma_start3A_435 = tpu.memref_slice %arg10[%dma_start3A_433, %dma_start3A_434] : memref<10112x128xf32, #tpu.memory_space<vmem_shared>> -> memref<10112x128xf32, #tpu.memory_space<vmem_shared>>
          tpu.enqueue_indirect_dma source(%arg9 : memref<128x128xf32, #tpu.memory_space<vmem>>) target(%dma_start3A_435 : memref<10112x128xf32, #tpu.memory_space<vmem_shared>>) offsets(%dma_start3A_432 : memref<128xi32, #tpu.memory_space<vmem>>) semaphore(%run_scoped3A_429 : memref<!tpu.dma_semaphore, #tpu.memory_space<semaphore_mem>>) {add = true}
          %dma_wait3A_436 = arith.constant 0 : i32
          %dma_wait3A_437 = tpu.memref_slice %arg7[%run_scoped3A_208, %run_scoped3A_209, %dma_wait3A_436] : memref<2x4x128xi32, #tpu.memory_space<vmem>> -> memref<1x1x128xi32, #tpu.memory_space<vmem>>
          %dma_wait3A_438 = tpu.memref_squeeze %dma_wait3A_437 : memref<1x1x128xi32, #tpu.memory_space<vmem>> -> memref<128xi32, #tpu.memory_space<vmem>>
          %dma_wait3A_439 = arith.constant 0 : i32
          %dma_wait3A_440 = arith.constant 0 : i32
          %dma_wait3A_441 = tpu.memref_slice %arg10[%dma_wait3A_439, %dma_wait3A_440] : memref<10112x128xf32, #tpu.memory_space<vmem_shared>> -> memref<10112x128xf32, #tpu.memory_space<vmem_shared>>
          tpu.wait_indirect_dma semaphore(%run_scoped3A_429 : memref<!tpu.dma_semaphore, #tpu.memory_space<semaphore_mem>>) src(%arg9 : memref<128x128xf32, #tpu.memory_space<vmem>>) dst(%dma_wait3A_441 : memref<10112x128xf32, #tpu.memory_space<vmem_shared>>)
          tpu.yield
        }) : () -> ()
        %dma_start3A_210 = arith.constant 0 : i32
        %dma_start3A_211 = arith.constant 3 : i32
        %dma_start3A_212 = arith.constant 0 : i32
        %dma_start3A_213 = tpu.memref_slice %arg6[%dma_start3A_210, %dma_start3A_211, %dma_start3A_212] : memref<2x4x128xi32, #tpu.memory_space<vmem>> -> memref<1x1x128xi32, #tpu.memory_space<vmem>>
        %dma_start3A_214 = tpu.memref_squeeze %dma_start3A_213 : memref<1x1x128xi32, #tpu.memory_space<vmem>> -> memref<128xi32, #tpu.memory_space<vmem>>
        %dma_start3A_215 = arith.constant 0 : i32
        %dma_start3A_216 = arith.constant 0 : i32
        %dma_start3A_217 = tpu.memref_slice %arg2[%dma_start3A_215, %dma_start3A_216] : memref<10000x128xf32, #tpu.memory_space<hbm>> -> memref<10000x128xf32, #tpu.memory_space<hbm>>
        tpu.enqueue_indirect_dma source(%dma_start3A_217 : memref<10000x128xf32, #tpu.memory_space<hbm>>) target(%arg9 : memref<128x128xf32, #tpu.memory_space<vmem>>) offsets(%dma_start3A_214 : memref<128xi32, #tpu.memory_space<vmem>>) semaphore(%arg12 : memref<!tpu.dma_semaphore, #tpu.memory_space<semaphore_mem>>)
        %dma_wait3A_218 = arith.constant 0 : i32
        %dma_wait3A_219 = arith.constant 0 : i32
        %dma_wait3A_220 = arith.constant 0 : i32
        %dma_wait3A_221 = tpu.memref_slice %arg6[%dma_wait3A_218, %dma_wait3A_219, %dma_wait3A_220] : memref<2x4x128xi32, #tpu.memory_space<vmem>> -> memref<1x1x128xi32, #tpu.memory_space<vmem>>
        %dma_wait3A_222 = tpu.memref_squeeze %dma_wait3A_221 : memref<1x1x128xi32, #tpu.memory_space<vmem>> -> memref<128xi32, #tpu.memory_space<vmem>>
        %dma_wait3A_223 = arith.constant 0 : i32
        %dma_wait3A_224 = arith.constant 0 : i32
        %dma_wait3A_225 = tpu.memref_slice %arg2[%dma_wait3A_223, %dma_wait3A_224] : memref<10000x128xf32, #tpu.memory_space<hbm>> -> memref<10000x128xf32, #tpu.memory_space<hbm>>
        tpu.wait_indirect_dma semaphore(%arg11 : memref<!tpu.dma_semaphore, #tpu.memory_space<semaphore_mem>>) src(%dma_wait3A_225 : memref<10000x128xf32, #tpu.memory_space<hbm>>) dst(%arg8 : memref<128x128xf32, #tpu.memory_space<vmem>>)
        %run_scoped3A_226 = arith.constant 0 : i32
        %run_scoped3A_227 = arith.constant 2 : i32
        "tpu.region"() ({
          %run_scoped3A_429 = tpu.sem_alloc : memref<!tpu.dma_semaphore, #tpu.memory_space<semaphore_mem>>
          %dma_start3A_430 = arith.constant 0 : i32
          %dma_start3A_431 = tpu.memref_slice %arg7[%run_scoped3A_226, %run_scoped3A_227, %dma_start3A_430] : memref<2x4x128xi32, #tpu.memory_space<vmem>> -> memref<1x1x128xi32, #tpu.memory_space<vmem>>
          %dma_start3A_432 = tpu.memref_squeeze %dma_start3A_431 : memref<1x1x128xi32, #tpu.memory_space<vmem>> -> memref<128xi32, #tpu.memory_space<vmem>>
          %dma_start3A_433 = arith.constant 0 : i32
          %dma_start3A_434 = arith.constant 0 : i32
          %dma_start3A_435 = tpu.memref_slice %arg10[%dma_start3A_433, %dma_start3A_434] : memref<10112x128xf32, #tpu.memory_space<vmem_shared>> -> memref<10112x128xf32, #tpu.memory_space<vmem_shared>>
          tpu.enqueue_indirect_dma source(%arg8 : memref<128x128xf32, #tpu.memory_space<vmem>>) target(%dma_start3A_435 : memref<10112x128xf32, #tpu.memory_space<vmem_shared>>) offsets(%dma_start3A_432 : memref<128xi32, #tpu.memory_space<vmem>>) semaphore(%run_scoped3A_429 : memref<!tpu.dma_semaphore, #tpu.memory_space<semaphore_mem>>) {add = true}
          %dma_wait3A_436 = arith.constant 0 : i32
          %dma_wait3A_437 = tpu.memref_slice %arg7[%run_scoped3A_226, %run_scoped3A_227, %dma_wait3A_436] : memref<2x4x128xi32, #tpu.memory_space<vmem>> -> memref<1x1x128xi32, #tpu.memory_space<vmem>>
          %dma_wait3A_438 = tpu.memref_squeeze %dma_wait3A_437 : memref<1x1x128xi32, #tpu.memory_space<vmem>> -> memref<128xi32, #tpu.memory_space<vmem>>
          %dma_wait3A_439 = arith.constant 0 : i32
          %dma_wait3A_440 = arith.constant 0 : i32
          %dma_wait3A_441 = tpu.memref_slice %arg10[%dma_wait3A_439, %dma_wait3A_440] : memref<10112x128xf32, #tpu.memory_space<vmem_shared>> -> memref<10112x128xf32, #tpu.memory_space<vmem_shared>>
          tpu.wait_indirect_dma semaphore(%run_scoped3A_429 : memref<!tpu.dma_semaphore, #tpu.memory_space<semaphore_mem>>) src(%arg8 : memref<128x128xf32, #tpu.memory_space<vmem>>) dst(%dma_wait3A_441 : memref<10112x128xf32, #tpu.memory_space<vmem_shared>>)
          tpu.yield
        }) : () -> ()
        %dma_wait3A_228 = arith.constant 0 : i32
        %dma_wait3A_229 = arith.constant 1 : i32
        %dma_wait3A_230 = arith.constant 0 : i32
        %dma_wait3A_231 = arith.constant 0 : i32
        %dma_wait3A_232 = tpu.memref_slice %arg6[%dma_wait3A_229, %dma_wait3A_230, %dma_wait3A_231] : memref<2x4x128xi32, #tpu.memory_space<vmem>> -> memref<1x4x128xi32, #tpu.memory_space<vmem>>
        %dma_wait3A_233 = tpu.memref_squeeze %dma_wait3A_232 : memref<1x4x128xi32, #tpu.memory_space<vmem>> -> memref<4x128xi32, #tpu.memory_space<vmem>>
        %dma_wait3A_234 = arith.constant 0 : i32
        %dma_wait3A_235 = arith.constant 0 : i32
        %dma_wait3A_236 = tpu.memref_slice %arg3[%add3A, %dma_wait3A_228, %dma_wait3A_234, %dma_wait3A_235] : memref<32x41x4x128xi32, #tpu.memory_space<hbm>> -> memref<1x1x4x128xi32, #tpu.memory_space<hbm>>
        %dma_wait3A_237 = tpu.memref_squeeze %dma_wait3A_236 : memref<1x1x4x128xi32, #tpu.memory_space<hbm>> -> memref<4x128xi32, #tpu.memory_space<hbm>>
        %dma_wait3A_238 = arith.constant 0 : i32
        %dma_wait3A_239 = arith.constant 0 : i32
        %dma_wait3A_240 = tpu.memref_slice %arg6[%dma_wait3A_229, %dma_wait3A_238, %dma_wait3A_239] : memref<2x4x128xi32, #tpu.memory_space<vmem>> -> memref<1x4x128xi32, #tpu.memory_space<vmem>>
        %dma_wait3A_241 = tpu.memref_squeeze %dma_wait3A_240 : memref<1x4x128xi32, #tpu.memory_space<vmem>> -> memref<4x128xi32, #tpu.memory_space<vmem>>
        %dma_wait3A_242 = arith.constant 0 : i32
        %dma_wait3A_243 = arith.constant 0 : i32
        %dma_wait3A_244 = tpu.memref_slice %arg3[%add3A, %dma_wait3A_228, %dma_wait3A_242, %dma_wait3A_243] : memref<32x41x4x128xi32, #tpu.memory_space<hbm>> -> memref<1x1x4x128xi32, #tpu.memory_space<hbm>>
        %dma_wait3A_245 = tpu.memref_squeeze %dma_wait3A_244 : memref<1x1x4x128xi32, #tpu.memory_space<hbm>> -> memref<4x128xi32, #tpu.memory_space<hbm>>
        tpu.wait_dma2 semaphore(%arg14 : memref<!tpu.dma_semaphore, #tpu.memory_space<semaphore_mem>>) src(%dma_wait3A_245 : memref<4x128xi32, #tpu.memory_space<hbm>>) dst(%dma_wait3A_241 : memref<4x128xi32, #tpu.memory_space<vmem>>)
        %dma_wait3A_246 = arith.constant 0 : i32
        %dma_wait3A_247 = arith.constant 1 : i32
        %dma_wait3A_248 = arith.constant 0 : i32
        %dma_wait3A_249 = arith.constant 0 : i32
        %dma_wait3A_250 = tpu.memref_slice %arg7[%dma_wait3A_247, %dma_wait3A_248, %dma_wait3A_249] : memref<2x4x128xi32, #tpu.memory_space<vmem>> -> memref<1x4x128xi32, #tpu.memory_space<vmem>>
        %dma_wait3A_251 = tpu.memref_squeeze %dma_wait3A_250 : memref<1x4x128xi32, #tpu.memory_space<vmem>> -> memref<4x128xi32, #tpu.memory_space<vmem>>
        %dma_wait3A_252 = arith.constant 0 : i32
        %dma_wait3A_253 = arith.constant 0 : i32
        %dma_wait3A_254 = tpu.memref_slice %arg4[%add3A, %dma_wait3A_246, %dma_wait3A_252, %dma_wait3A_253] : memref<32x41x4x128xi32, #tpu.memory_space<hbm>> -> memref<1x1x4x128xi32, #tpu.memory_space<hbm>>
        %dma_wait3A_255 = tpu.memref_squeeze %dma_wait3A_254 : memref<1x1x4x128xi32, #tpu.memory_space<hbm>> -> memref<4x128xi32, #tpu.memory_space<hbm>>
        %dma_wait3A_256 = arith.constant 0 : i32
        %dma_wait3A_257 = arith.constant 0 : i32
        %dma_wait3A_258 = tpu.memref_slice %arg7[%dma_wait3A_247, %dma_wait3A_256, %dma_wait3A_257] : memref<2x4x128xi32, #tpu.memory_space<vmem>> -> memref<1x4x128xi32, #tpu.memory_space<vmem>>
        %dma_wait3A_259 = tpu.memref_squeeze %dma_wait3A_258 : memref<1x4x128xi32, #tpu.memory_space<vmem>> -> memref<4x128xi32, #tpu.memory_space<vmem>>
        %dma_wait3A_260 = arith.constant 0 : i32
        %dma_wait3A_261 = arith.constant 0 : i32
        %dma_wait3A_262 = tpu.memref_slice %arg4[%add3A, %dma_wait3A_246, %dma_wait3A_260, %dma_wait3A_261] : memref<32x41x4x128xi32, #tpu.memory_space<hbm>> -> memref<1x1x4x128xi32, #tpu.memory_space<hbm>>
        %dma_wait3A_263 = tpu.memref_squeeze %dma_wait3A_262 : memref<1x1x4x128xi32, #tpu.memory_space<hbm>> -> memref<4x128xi32, #tpu.memory_space<hbm>>
        tpu.wait_dma2 semaphore(%arg14 : memref<!tpu.dma_semaphore, #tpu.memory_space<semaphore_mem>>) src(%dma_wait3A_263 : memref<4x128xi32, #tpu.memory_space<hbm>>) dst(%dma_wait3A_259 : memref<4x128xi32, #tpu.memory_space<vmem>>)
        %dma_start3A_264 = arith.constant 1 : i32
        %dma_start3A_265 = arith.constant 0 : i32
        %dma_start3A_266 = arith.constant 0 : i32
        %dma_start3A_267 = tpu.memref_slice %arg6[%dma_start3A_264, %dma_start3A_265, %dma_start3A_266] : memref<2x4x128xi32, #tpu.memory_space<vmem>> -> memref<1x1x128xi32, #tpu.memory_space<vmem>>
        %dma_start3A_268 = tpu.memref_squeeze %dma_start3A_267 : memref<1x1x128xi32, #tpu.memory_space<vmem>> -> memref<128xi32, #tpu.memory_space<vmem>>
        %dma_start3A_269 = arith.constant 0 : i32
        %dma_start3A_270 = arith.constant 0 : i32
        %dma_start3A_271 = tpu.memref_slice %arg2[%dma_start3A_269, %dma_start3A_270] : memref<10000x128xf32, #tpu.memory_space<hbm>> -> memref<10000x128xf32, #tpu.memory_space<hbm>>
        tpu.enqueue_indirect_dma source(%dma_start3A_271 : memref<10000x128xf32, #tpu.memory_space<hbm>>) target(%arg8 : memref<128x128xf32, #tpu.memory_space<vmem>>) offsets(%dma_start3A_268 : memref<128xi32, #tpu.memory_space<vmem>>) semaphore(%arg11 : memref<!tpu.dma_semaphore, #tpu.memory_space<semaphore_mem>>)
        %dma_wait3A_272 = arith.constant 0 : i32
        %dma_wait3A_273 = arith.constant 0 : i32
        %dma_wait3A_274 = arith.constant 0 : i32
        %dma_wait3A_275 = tpu.memref_slice %arg6[%dma_wait3A_272, %dma_wait3A_273, %dma_wait3A_274] : memref<2x4x128xi32, #tpu.memory_space<vmem>> -> memref<1x1x128xi32, #tpu.memory_space<vmem>>
        %dma_wait3A_276 = tpu.memref_squeeze %dma_wait3A_275 : memref<1x1x128xi32, #tpu.memory_space<vmem>> -> memref<128xi32, #tpu.memory_space<vmem>>
        %dma_wait3A_277 = arith.constant 0 : i32
        %dma_wait3A_278 = arith.constant 0 : i32
        %dma_wait3A_279 = tpu.memref_slice %arg2[%dma_wait3A_277, %dma_wait3A_278] : memref<10000x128xf32, #tpu.memory_space<hbm>> -> memref<10000x128xf32, #tpu.memory_space<hbm>>
        tpu.wait_indirect_dma semaphore(%arg12 : memref<!tpu.dma_semaphore, #tpu.memory_space<semaphore_mem>>) src(%dma_wait3A_279 : memref<10000x128xf32, #tpu.memory_space<hbm>>) dst(%arg9 : memref<128x128xf32, #tpu.memory_space<vmem>>)
        %run_scoped3A_280 = arith.constant 0 : i32
        %run_scoped3A_281 = arith.constant 3 : i32
        "tpu.region"() ({
          %run_scoped3A_429 = tpu.sem_alloc : memref<!tpu.dma_semaphore, #tpu.memory_space<semaphore_mem>>
          %dma_start3A_430 = arith.constant 0 : i32
          %dma_start3A_431 = tpu.memref_slice %arg7[%run_scoped3A_280, %run_scoped3A_281, %dma_start3A_430] : memref<2x4x128xi32, #tpu.memory_space<vmem>> -> memref<1x1x128xi32, #tpu.memory_space<vmem>>
          %dma_start3A_432 = tpu.memref_squeeze %dma_start3A_431 : memref<1x1x128xi32, #tpu.memory_space<vmem>> -> memref<128xi32, #tpu.memory_space<vmem>>
          %dma_start3A_433 = arith.constant 0 : i32
          %dma_start3A_434 = arith.constant 0 : i32
          %dma_start3A_435 = tpu.memref_slice %arg10[%dma_start3A_433, %dma_start3A_434] : memref<10112x128xf32, #tpu.memory_space<vmem_shared>> -> memref<10112x128xf32, #tpu.memory_space<vmem_shared>>
          tpu.enqueue_indirect_dma source(%arg9 : memref<128x128xf32, #tpu.memory_space<vmem>>) target(%dma_start3A_435 : memref<10112x128xf32, #tpu.memory_space<vmem_shared>>) offsets(%dma_start3A_432 : memref<128xi32, #tpu.memory_space<vmem>>) semaphore(%run_scoped3A_429 : memref<!tpu.dma_semaphore, #tpu.memory_space<semaphore_mem>>) {add = true}
          %dma_wait3A_436 = arith.constant 0 : i32
          %dma_wait3A_437 = tpu.memref_slice %arg7[%run_scoped3A_280, %run_scoped3A_281, %dma_wait3A_436] : memref<2x4x128xi32, #tpu.memory_space<vmem>> -> memref<1x1x128xi32, #tpu.memory_space<vmem>>
          %dma_wait3A_438 = tpu.memref_squeeze %dma_wait3A_437 : memref<1x1x128xi32, #tpu.memory_space<vmem>> -> memref<128xi32, #tpu.memory_space<vmem>>
          %dma_wait3A_439 = arith.constant 0 : i32
          %dma_wait3A_440 = arith.constant 0 : i32
          %dma_wait3A_441 = tpu.memref_slice %arg10[%dma_wait3A_439, %dma_wait3A_440] : memref<10112x128xf32, #tpu.memory_space<vmem_shared>> -> memref<10112x128xf32, #tpu.memory_space<vmem_shared>>
          tpu.wait_indirect_dma semaphore(%run_scoped3A_429 : memref<!tpu.dma_semaphore, #tpu.memory_space<semaphore_mem>>) src(%arg9 : memref<128x128xf32, #tpu.memory_space<vmem>>) dst(%dma_wait3A_441 : memref<10112x128xf32, #tpu.memory_space<vmem_shared>>)
          tpu.yield
        }) : () -> ()
        %mul3A_282 = arith.constant 2 : i32
        %mul3A_283 = arith.muli %mul3A_282, %scan3A_135 : i32
        %add3A_284 = arith.constant 2 : i32
        %add3A_285 = arith.addi %mul3A_283, %add3A_284 : i32
        %dma_start3A_286 = arith.constant 0 : i32
        %dma_start3A_287 = arith.constant 0 : i32
        %dma_start3A_288 = arith.constant 0 : i32
        %dma_start3A_289 = tpu.memref_slice %arg6[%dma_start3A_286, %dma_start3A_287, %dma_start3A_288] : memref<2x4x128xi32, #tpu.memory_space<vmem>> -> memref<1x4x128xi32, #tpu.memory_space<vmem>>
        %dma_start3A_290 = tpu.memref_squeeze %dma_start3A_289 : memref<1x4x128xi32, #tpu.memory_space<vmem>> -> memref<4x128xi32, #tpu.memory_space<vmem>>
        %dma_start3A_291 = arith.constant 0 : i32
        %dma_start3A_292 = arith.constant 0 : i32
        %dma_start3A_293 = tpu.memref_slice %arg3[%add3A, %add3A_285, %dma_start3A_291, %dma_start3A_292] : memref<32x41x4x128xi32, #tpu.memory_space<hbm>> -> memref<1x1x4x128xi32, #tpu.memory_space<hbm>>
        %dma_start3A_294 = tpu.memref_squeeze %dma_start3A_293 : memref<1x1x4x128xi32, #tpu.memory_space<hbm>> -> memref<4x128xi32, #tpu.memory_space<hbm>>
        %dma_start3A_295 = arith.constant 0 : i32
        %dma_start3A_296 = arith.constant 0 : i32
        %dma_start3A_297 = tpu.memref_slice %arg6[%dma_start3A_286, %dma_start3A_295, %dma_start3A_296] : memref<2x4x128xi32, #tpu.memory_space<vmem>> -> memref<1x4x128xi32, #tpu.memory_space<vmem>>
        %dma_start3A_298 = tpu.memref_squeeze %dma_start3A_297 : memref<1x4x128xi32, #tpu.memory_space<vmem>> -> memref<4x128xi32, #tpu.memory_space<vmem>>
        %dma_start3A_299 = arith.constant 0 : i32
        %dma_start3A_300 = arith.constant 0 : i32
        %dma_start3A_301 = tpu.memref_slice %arg3[%add3A, %add3A_285, %dma_start3A_299, %dma_start3A_300] : memref<32x41x4x128xi32, #tpu.memory_space<hbm>> -> memref<1x1x4x128xi32, #tpu.memory_space<hbm>>
        %dma_start3A_302 = tpu.memref_squeeze %dma_start3A_301 : memref<1x1x4x128xi32, #tpu.memory_space<hbm>> -> memref<4x128xi32, #tpu.memory_space<hbm>>
        tpu.enqueue_dma source(%dma_start3A_302 : memref<4x128xi32, #tpu.memory_space<hbm>>) target(%dma_start3A_298 : memref<4x128xi32, #tpu.memory_space<vmem>>) target_semaphore(%arg13 : memref<!tpu.dma_semaphore, #tpu.memory_space<semaphore_mem>>)
        %dma_start3A_303 = arith.constant 0 : i32
        %dma_start3A_304 = arith.constant 0 : i32
        %dma_start3A_305 = arith.constant 0 : i32
        %dma_start3A_306 = tpu.memref_slice %arg7[%dma_start3A_303, %dma_start3A_304, %dma_start3A_305] : memref<2x4x128xi32, #tpu.memory_space<vmem>> -> memref<1x4x128xi32, #tpu.memory_space<vmem>>
        %dma_start3A_307 = tpu.memref_squeeze %dma_start3A_306 : memref<1x4x128xi32, #tpu.memory_space<vmem>> -> memref<4x128xi32, #tpu.memory_space<vmem>>
        %dma_start3A_308 = arith.constant 0 : i32
        %dma_start3A_309 = arith.constant 0 : i32
        %dma_start3A_310 = tpu.memref_slice %arg4[%add3A, %add3A_285, %dma_start3A_308, %dma_start3A_309] : memref<32x41x4x128xi32, #tpu.memory_space<hbm>> -> memref<1x1x4x128xi32, #tpu.memory_space<hbm>>
        %dma_start3A_311 = tpu.memref_squeeze %dma_start3A_310 : memref<1x1x4x128xi32, #tpu.memory_space<hbm>> -> memref<4x128xi32, #tpu.memory_space<hbm>>
        %dma_start3A_312 = arith.constant 0 : i32
        %dma_start3A_313 = arith.constant 0 : i32
        %dma_start3A_314 = tpu.memref_slice %arg7[%dma_start3A_303, %dma_start3A_312, %dma_start3A_313] : memref<2x4x128xi32, #tpu.memory_space<vmem>> -> memref<1x4x128xi32, #tpu.memory_space<vmem>>
        %dma_start3A_315 = tpu.memref_squeeze %dma_start3A_314 : memref<1x4x128xi32, #tpu.memory_space<vmem>> -> memref<4x128xi32, #tpu.memory_space<vmem>>
        %dma_start3A_316 = arith.constant 0 : i32
        %dma_start3A_317 = arith.constant 0 : i32
        %dma_start3A_318 = tpu.memref_slice %arg4[%add3A, %add3A_285, %dma_start3A_316, %dma_start3A_317] : memref<32x41x4x128xi32, #tpu.memory_space<hbm>> -> memref<1x1x4x128xi32, #tpu.memory_space<hbm>>
        %dma_start3A_319 = tpu.memref_squeeze %dma_start3A_318 : memref<1x1x4x128xi32, #tpu.memory_space<hbm>> -> memref<4x128xi32, #tpu.memory_space<hbm>>
        tpu.enqueue_dma source(%dma_start3A_319 : memref<4x128xi32, #tpu.memory_space<hbm>>) target(%dma_start3A_315 : memref<4x128xi32, #tpu.memory_space<vmem>>) target_semaphore(%arg13 : memref<!tpu.dma_semaphore, #tpu.memory_space<semaphore_mem>>)
        %dma_start3A_320 = arith.constant 1 : i32
        %dma_start3A_321 = arith.constant 1 : i32
        %dma_start3A_322 = arith.constant 0 : i32
        %dma_start3A_323 = tpu.memref_slice %arg6[%dma_start3A_320, %dma_start3A_321, %dma_start3A_322] : memref<2x4x128xi32, #tpu.memory_space<vmem>> -> memref<1x1x128xi32, #tpu.memory_space<vmem>>
        %dma_start3A_324 = tpu.memref_squeeze %dma_start3A_323 : memref<1x1x128xi32, #tpu.memory_space<vmem>> -> memref<128xi32, #tpu.memory_space<vmem>>
        %dma_start3A_325 = arith.constant 0 : i32
        %dma_start3A_326 = arith.constant 0 : i32
        %dma_start3A_327 = tpu.memref_slice %arg2[%dma_start3A_325, %dma_start3A_326] : memref<10000x128xf32, #tpu.memory_space<hbm>> -> memref<10000x128xf32, #tpu.memory_space<hbm>>
        tpu.enqueue_indirect_dma source(%dma_start3A_327 : memref<10000x128xf32, #tpu.memory_space<hbm>>) target(%arg9 : memref<128x128xf32, #tpu.memory_space<vmem>>) offsets(%dma_start3A_324 : memref<128xi32, #tpu.memory_space<vmem>>) semaphore(%arg12 : memref<!tpu.dma_semaphore, #tpu.memory_space<semaphore_mem>>)
        %dma_wait3A_328 = arith.constant 0 : i32
        %dma_wait3A_329 = arith.constant 0 : i32
        %dma_wait3A_330 = arith.constant 0 : i32
        %dma_wait3A_331 = tpu.memref_slice %arg6[%dma_wait3A_328, %dma_wait3A_329, %dma_wait3A_330] : memref<2x4x128xi32, #tpu.memory_space<vmem>> -> memref<1x1x128xi32, #tpu.memory_space<vmem>>
        %dma_wait3A_332 = tpu.memref_squeeze %dma_wait3A_331 : memref<1x1x128xi32, #tpu.memory_space<vmem>> -> memref<128xi32, #tpu.memory_space<vmem>>
        %dma_wait3A_333 = arith.constant 0 : i32
        %dma_wait3A_334 = arith.constant 0 : i32
        %dma_wait3A_335 = tpu.memref_slice %arg2[%dma_wait3A_333, %dma_wait3A_334] : memref<10000x128xf32, #tpu.memory_space<hbm>> -> memref<10000x128xf32, #tpu.memory_space<hbm>>
        tpu.wait_indirect_dma semaphore(%arg11 : memref<!tpu.dma_semaphore, #tpu.memory_space<semaphore_mem>>) src(%dma_wait3A_335 : memref<10000x128xf32, #tpu.memory_space<hbm>>) dst(%arg8 : memref<128x128xf32, #tpu.memory_space<vmem>>)
        %run_scoped3A_336 = arith.constant 1 : i32
        %run_scoped3A_337 = arith.constant 0 : i32
        "tpu.region"() ({
          %run_scoped3A_429 = tpu.sem_alloc : memref<!tpu.dma_semaphore, #tpu.memory_space<semaphore_mem>>
          %dma_start3A_430 = arith.constant 0 : i32
          %dma_start3A_431 = tpu.memref_slice %arg7[%run_scoped3A_336, %run_scoped3A_337, %dma_start3A_430] : memref<2x4x128xi32, #tpu.memory_space<vmem>> -> memref<1x1x128xi32, #tpu.memory_space<vmem>>
          %dma_start3A_432 = tpu.memref_squeeze %dma_start3A_431 : memref<1x1x128xi32, #tpu.memory_space<vmem>> -> memref<128xi32, #tpu.memory_space<vmem>>
          %dma_start3A_433 = arith.constant 0 : i32
          %dma_start3A_434 = arith.constant 0 : i32
          %dma_start3A_435 = tpu.memref_slice %arg10[%dma_start3A_433, %dma_start3A_434] : memref<10112x128xf32, #tpu.memory_space<vmem_shared>> -> memref<10112x128xf32, #tpu.memory_space<vmem_shared>>
          tpu.enqueue_indirect_dma source(%arg8 : memref<128x128xf32, #tpu.memory_space<vmem>>) target(%dma_start3A_435 : memref<10112x128xf32, #tpu.memory_space<vmem_shared>>) offsets(%dma_start3A_432 : memref<128xi32, #tpu.memory_space<vmem>>) semaphore(%run_scoped3A_429 : memref<!tpu.dma_semaphore, #tpu.memory_space<semaphore_mem>>) {add = true}
          %dma_wait3A_436 = arith.constant 0 : i32
          %dma_wait3A_437 = tpu.memref_slice %arg7[%run_scoped3A_336, %run_scoped3A_337, %dma_wait3A_436] : memref<2x4x128xi32, #tpu.memory_space<vmem>> -> memref<1x1x128xi32, #tpu.memory_space<vmem>>
          %dma_wait3A_438 = tpu.memref_squeeze %dma_wait3A_437 : memref<1x1x128xi32, #tpu.memory_space<vmem>> -> memref<128xi32, #tpu.memory_space<vmem>>
          %dma_wait3A_439 = arith.constant 0 : i32
          %dma_wait3A_440 = arith.constant 0 : i32
          %dma_wait3A_441 = tpu.memref_slice %arg10[%dma_wait3A_439, %dma_wait3A_440] : memref<10112x128xf32, #tpu.memory_space<vmem_shared>> -> memref<10112x128xf32, #tpu.memory_space<vmem_shared>>
          tpu.wait_indirect_dma semaphore(%run_scoped3A_429 : memref<!tpu.dma_semaphore, #tpu.memory_space<semaphore_mem>>) src(%arg8 : memref<128x128xf32, #tpu.memory_space<vmem>>) dst(%dma_wait3A_441 : memref<10112x128xf32, #tpu.memory_space<vmem_shared>>)
          tpu.yield
        }) : () -> ()
        %dma_start3A_338 = arith.constant 1 : i32
        %dma_start3A_339 = arith.constant 2 : i32
        %dma_start3A_340 = arith.constant 0 : i32
        %dma_start3A_341 = tpu.memref_slice %arg6[%dma_start3A_338, %dma_start3A_339, %dma_start3A_340] : memref<2x4x128xi32, #tpu.memory_space<vmem>> -> memref<1x1x128xi32, #tpu.memory_space<vmem>>
        %dma_start3A_342 = tpu.memref_squeeze %dma_start3A_341 : memref<1x1x128xi32, #tpu.memory_space<vmem>> -> memref<128xi32, #tpu.memory_space<vmem>>
        %dma_start3A_343 = arith.constant 0 : i32
        %dma_start3A_344 = arith.constant 0 : i32
        %dma_start3A_345 = tpu.memref_slice %arg2[%dma_start3A_343, %dma_start3A_344] : memref<10000x128xf32, #tpu.memory_space<hbm>> -> memref<10000x128xf32, #tpu.memory_space<hbm>>
        tpu.enqueue_indirect_dma source(%dma_start3A_345 : memref<10000x128xf32, #tpu.memory_space<hbm>>) target(%arg8 : memref<128x128xf32, #tpu.memory_space<vmem>>) offsets(%dma_start3A_342 : memref<128xi32, #tpu.memory_space<vmem>>) semaphore(%arg11 : memref<!tpu.dma_semaphore, #tpu.memory_space<semaphore_mem>>)
        %dma_wait3A_346 = arith.constant 0 : i32
        %dma_wait3A_347 = arith.constant 0 : i32
        %dma_wait3A_348 = arith.constant 0 : i32
        %dma_wait3A_349 = tpu.memref_slice %arg6[%dma_wait3A_346, %dma_wait3A_347, %dma_wait3A_348] : memref<2x4x128xi32, #tpu.memory_space<vmem>> -> memref<1x1x128xi32, #tpu.memory_space<vmem>>
        %dma_wait3A_350 = tpu.memref_squeeze %dma_wait3A_349 : memref<1x1x128xi32, #tpu.memory_space<vmem>> -> memref<128xi32, #tpu.memory_space<vmem>>
        %dma_wait3A_351 = arith.constant 0 : i32
        %dma_wait3A_352 = arith.constant 0 : i32
        %dma_wait3A_353 = tpu.memref_slice %arg2[%dma_wait3A_351, %dma_wait3A_352] : memref<10000x128xf32, #tpu.memory_space<hbm>> -> memref<10000x128xf32, #tpu.memory_space<hbm>>
        tpu.wait_indirect_dma semaphore(%arg12 : memref<!tpu.dma_semaphore, #tpu.memory_space<semaphore_mem>>) src(%dma_wait3A_353 : memref<10000x128xf32, #tpu.memory_space<hbm>>) dst(%arg9 : memref<128x128xf32, #tpu.memory_space<vmem>>)
        %run_scoped3A_354 = arith.constant 1 : i32
        %run_scoped3A_355 = arith.constant 1 : i32
        "tpu.region"() ({
          %run_scoped3A_429 = tpu.sem_alloc : memref<!tpu.dma_semaphore, #tpu.memory_space<semaphore_mem>>
          %dma_start3A_430 = arith.constant 0 : i32
          %dma_start3A_431 = tpu.memref_slice %arg7[%run_scoped3A_354, %run_scoped3A_355, %dma_start3A_430] : memref<2x4x128xi32, #tpu.memory_space<vmem>> -> memref<1x1x128xi32, #tpu.memory_space<vmem>>
          %dma_start3A_432 = tpu.memref_squeeze %dma_start3A_431 : memref<1x1x128xi32, #tpu.memory_space<vmem>> -> memref<128xi32, #tpu.memory_space<vmem>>
          %dma_start3A_433 = arith.constant 0 : i32
          %dma_start3A_434 = arith.constant 0 : i32
          %dma_start3A_435 = tpu.memref_slice %arg10[%dma_start3A_433, %dma_start3A_434] : memref<10112x128xf32, #tpu.memory_space<vmem_shared>> -> memref<10112x128xf32, #tpu.memory_space<vmem_shared>>
          tpu.enqueue_indirect_dma source(%arg9 : memref<128x128xf32, #tpu.memory_space<vmem>>) target(%dma_start3A_435 : memref<10112x128xf32, #tpu.memory_space<vmem_shared>>) offsets(%dma_start3A_432 : memref<128xi32, #tpu.memory_space<vmem>>) semaphore(%run_scoped3A_429 : memref<!tpu.dma_semaphore, #tpu.memory_space<semaphore_mem>>) {add = true}
          %dma_wait3A_436 = arith.constant 0 : i32
          %dma_wait3A_437 = tpu.memref_slice %arg7[%run_scoped3A_354, %run_scoped3A_355, %dma_wait3A_436] : memref<2x4x128xi32, #tpu.memory_space<vmem>> -> memref<1x1x128xi32, #tpu.memory_space<vmem>>
          %dma_wait3A_438 = tpu.memref_squeeze %dma_wait3A_437 : memref<1x1x128xi32, #tpu.memory_space<vmem>> -> memref<128xi32, #tpu.memory_space<vmem>>
          %dma_wait3A_439 = arith.constant 0 : i32
          %dma_wait3A_440 = arith.constant 0 : i32
          %dma_wait3A_441 = tpu.memref_slice %arg10[%dma_wait3A_439, %dma_wait3A_440] : memref<10112x128xf32, #tpu.memory_space<vmem_shared>> -> memref<10112x128xf32, #tpu.memory_space<vmem_shared>>
          tpu.wait_indirect_dma semaphore(%run_scoped3A_429 : memref<!tpu.dma_semaphore, #tpu.memory_space<semaphore_mem>>) src(%arg9 : memref<128x128xf32, #tpu.memory_space<vmem>>) dst(%dma_wait3A_441 : memref<10112x128xf32, #tpu.memory_space<vmem_shared>>)
          tpu.yield
        }) : () -> ()
        %dma_start3A_356 = arith.constant 1 : i32
        %dma_start3A_357 = arith.constant 3 : i32
        %dma_start3A_358 = arith.constant 0 : i32
        %dma_start3A_359 = tpu.memref_slice %arg6[%dma_start3A_356, %dma_start3A_357, %dma_start3A_358] : memref<2x4x128xi32, #tpu.memory_space<vmem>> -> memref<1x1x128xi32, #tpu.memory_space<vmem>>
        %dma_start3A_360 = tpu.memref_squeeze %dma_start3A_359 : memref<1x1x128xi32, #tpu.memory_space<vmem>> -> memref<128xi32, #tpu.memory_space<vmem>>
        %dma_start3A_361 = arith.constant 0 : i32
        %dma_start3A_362 = arith.constant 0 : i32
        %dma_start3A_363 = tpu.memref_slice %arg2[%dma_start3A_361, %dma_start3A_362] : memref<10000x128xf32, #tpu.memory_space<hbm>> -> memref<10000x128xf32, #tpu.memory_space<hbm>>
        tpu.enqueue_indirect_dma source(%dma_start3A_363 : memref<10000x128xf32, #tpu.memory_space<hbm>>) target(%arg9 : memref<128x128xf32, #tpu.memory_space<vmem>>) offsets(%dma_start3A_360 : memref<128xi32, #tpu.memory_space<vmem>>) semaphore(%arg12 : memref<!tpu.dma_semaphore, #tpu.memory_space<semaphore_mem>>)
        %dma_wait3A_364 = arith.constant 0 : i32
        %dma_wait3A_365 = arith.constant 0 : i32
        %dma_wait3A_366 = arith.constant 0 : i32
        %dma_wait3A_367 = tpu.memref_slice %arg6[%dma_wait3A_364, %dma_wait3A_365, %dma_wait3A_366] : memref<2x4x128xi32, #tpu.memory_space<vmem>> -> memref<1x1x128xi32, #tpu.memory_space<vmem>>
        %dma_wait3A_368 = tpu.memref_squeeze %dma_wait3A_367 : memref<1x1x128xi32, #tpu.memory_space<vmem>> -> memref<128xi32, #tpu.memory_space<vmem>>
        %dma_wait3A_369 = arith.constant 0 : i32
        %dma_wait3A_370 = arith.constant 0 : i32
        %dma_wait3A_371 = tpu.memref_slice %arg2[%dma_wait3A_369, %dma_wait3A_370] : memref<10000x128xf32, #tpu.memory_space<hbm>> -> memref<10000x128xf32, #tpu.memory_space<hbm>>
        tpu.wait_indirect_dma semaphore(%arg11 : memref<!tpu.dma_semaphore, #tpu.memory_space<semaphore_mem>>) src(%dma_wait3A_371 : memref<10000x128xf32, #tpu.memory_space<hbm>>) dst(%arg8 : memref<128x128xf32, #tpu.memory_space<vmem>>)
        %run_scoped3A_372 = arith.constant 1 : i32
        %run_scoped3A_373 = arith.constant 2 : i32
        "tpu.region"() ({
          %run_scoped3A_429 = tpu.sem_alloc : memref<!tpu.dma_semaphore, #tpu.memory_space<semaphore_mem>>
          %dma_start3A_430 = arith.constant 0 : i32
          %dma_start3A_431 = tpu.memref_slice %arg7[%run_scoped3A_372, %run_scoped3A_373, %dma_start3A_430] : memref<2x4x128xi32, #tpu.memory_space<vmem>> -> memref<1x1x128xi32, #tpu.memory_space<vmem>>
          %dma_start3A_432 = tpu.memref_squeeze %dma_start3A_431 : memref<1x1x128xi32, #tpu.memory_space<vmem>> -> memref<128xi32, #tpu.memory_space<vmem>>
          %dma_start3A_433 = arith.constant 0 : i32
          %dma_start3A_434 = arith.constant 0 : i32
          %dma_start3A_435 = tpu.memref_slice %arg10[%dma_start3A_433, %dma_start3A_434] : memref<10112x128xf32, #tpu.memory_space<vmem_shared>> -> memref<10112x128xf32, #tpu.memory_space<vmem_shared>>
          tpu.enqueue_indirect_dma source(%arg8 : memref<128x128xf32, #tpu.memory_space<vmem>>) target(%dma_start3A_435 : memref<10112x128xf32, #tpu.memory_space<vmem_shared>>) offsets(%dma_start3A_432 : memref<128xi32, #tpu.memory_space<vmem>>) semaphore(%run_scoped3A_429 : memref<!tpu.dma_semaphore, #tpu.memory_space<semaphore_mem>>) {add = true}
          %dma_wait3A_436 = arith.constant 0 : i32
          %dma_wait3A_437 = tpu.memref_slice %arg7[%run_scoped3A_372, %run_scoped3A_373, %dma_wait3A_436] : memref<2x4x128xi32, #tpu.memory_space<vmem>> -> memref<1x1x128xi32, #tpu.memory_space<vmem>>
          %dma_wait3A_438 = tpu.memref_squeeze %dma_wait3A_437 : memref<1x1x128xi32, #tpu.memory_space<vmem>> -> memref<128xi32, #tpu.memory_space<vmem>>
          %dma_wait3A_439 = arith.constant 0 : i32
          %dma_wait3A_440 = arith.constant 0 : i32
          %dma_wait3A_441 = tpu.memref_slice %arg10[%dma_wait3A_439, %dma_wait3A_440] : memref<10112x128xf32, #tpu.memory_space<vmem_shared>> -> memref<10112x128xf32, #tpu.memory_space<vmem_shared>>
          tpu.wait_indirect_dma semaphore(%run_scoped3A_429 : memref<!tpu.dma_semaphore, #tpu.memory_space<semaphore_mem>>) src(%arg8 : memref<128x128xf32, #tpu.memory_space<vmem>>) dst(%dma_wait3A_441 : memref<10112x128xf32, #tpu.memory_space<vmem_shared>>)
          tpu.yield
        }) : () -> ()
        %dma_wait3A_374 = arith.constant 0 : i32
        %dma_wait3A_375 = arith.constant 0 : i32
        %dma_wait3A_376 = arith.constant 0 : i32
        %dma_wait3A_377 = arith.constant 0 : i32
        %dma_wait3A_378 = tpu.memref_slice %arg6[%dma_wait3A_375, %dma_wait3A_376, %dma_wait3A_377] : memref<2x4x128xi32, #tpu.memory_space<vmem>> -> memref<1x4x128xi32, #tpu.memory_space<vmem>>
        %dma_wait3A_379 = tpu.memref_squeeze %dma_wait3A_378 : memref<1x4x128xi32, #tpu.memory_space<vmem>> -> memref<4x128xi32, #tpu.memory_space<vmem>>
        %dma_wait3A_380 = arith.constant 0 : i32
        %dma_wait3A_381 = arith.constant 0 : i32
        %dma_wait3A_382 = tpu.memref_slice %arg3[%add3A, %dma_wait3A_374, %dma_wait3A_380, %dma_wait3A_381] : memref<32x41x4x128xi32, #tpu.memory_space<hbm>> -> memref<1x1x4x128xi32, #tpu.memory_space<hbm>>
        %dma_wait3A_383 = tpu.memref_squeeze %dma_wait3A_382 : memref<1x1x4x128xi32, #tpu.memory_space<hbm>> -> memref<4x128xi32, #tpu.memory_space<hbm>>
        %dma_wait3A_384 = arith.constant 0 : i32
        %dma_wait3A_385 = arith.constant 0 : i32
        %dma_wait3A_386 = tpu.memref_slice %arg6[%dma_wait3A_375, %dma_wait3A_384, %dma_wait3A_385] : memref<2x4x128xi32, #tpu.memory_space<vmem>> -> memref<1x4x128xi32, #tpu.memory_space<vmem>>
        %dma_wait3A_387 = tpu.memref_squeeze %dma_wait3A_386 : memref<1x4x128xi32, #tpu.memory_space<vmem>> -> memref<4x128xi32, #tpu.memory_space<vmem>>
        %dma_wait3A_388 = arith.constant 0 : i32
        %dma_wait3A_389 = arith.constant 0 : i32
        %dma_wait3A_390 = tpu.memref_slice %arg3[%add3A, %dma_wait3A_374, %dma_wait3A_388, %dma_wait3A_389] : memref<32x41x4x128xi32, #tpu.memory_space<hbm>> -> memref<1x1x4x128xi32, #tpu.memory_space<hbm>>
        %dma_wait3A_391 = tpu.memref_squeeze %dma_wait3A_390 : memref<1x1x4x128xi32, #tpu.memory_space<hbm>> -> memref<4x128xi32, #tpu.memory_space<hbm>>
        tpu.wait_dma2 semaphore(%arg13 : memref<!tpu.dma_semaphore, #tpu.memory_space<semaphore_mem>>) src(%dma_wait3A_391 : memref<4x128xi32, #tpu.memory_space<hbm>>) dst(%dma_wait3A_387 : memref<4x128xi32, #tpu.memory_space<vmem>>)
        %dma_wait3A_392 = arith.constant 0 : i32
        %dma_wait3A_393 = arith.constant 0 : i32
        %dma_wait3A_394 = arith.constant 0 : i32
        %dma_wait3A_395 = arith.constant 0 : i32
        %dma_wait3A_396 = tpu.memref_slice %arg7[%dma_wait3A_393, %dma_wait3A_394, %dma_wait3A_395] : memref<2x4x128xi32, #tpu.memory_space<vmem>> -> memref<1x4x128xi32, #tpu.memory_space<vmem>>
        %dma_wait3A_397 = tpu.memref_squeeze %dma_wait3A_396 : memref<1x4x128xi32, #tpu.memory_space<vmem>> -> memref<4x128xi32, #tpu.memory_space<vmem>>
        %dma_wait3A_398 = arith.constant 0 : i32
        %dma_wait3A_399 = arith.constant 0 : i32
        %dma_wait3A_400 = tpu.memref_slice %arg4[%add3A, %dma_wait3A_392, %dma_wait3A_398, %dma_wait3A_399] : memref<32x41x4x128xi32, #tpu.memory_space<hbm>> -> memref<1x1x4x128xi32, #tpu.memory_space<hbm>>
        %dma_wait3A_401 = tpu.memref_squeeze %dma_wait3A_400 : memref<1x1x4x128xi32, #tpu.memory_space<hbm>> -> memref<4x128xi32, #tpu.memory_space<hbm>>
        %dma_wait3A_402 = arith.constant 0 : i32
        %dma_wait3A_403 = arith.constant 0 : i32
        %dma_wait3A_404 = tpu.memref_slice %arg7[%dma_wait3A_393, %dma_wait3A_402, %dma_wait3A_403] : memref<2x4x128xi32, #tpu.memory_space<vmem>> -> memref<1x4x128xi32, #tpu.memory_space<vmem>>
        %dma_wait3A_405 = tpu.memref_squeeze %dma_wait3A_404 : memref<1x4x128xi32, #tpu.memory_space<vmem>> -> memref<4x128xi32, #tpu.memory_space<vmem>>
        %dma_wait3A_406 = arith.constant 0 : i32
        %dma_wait3A_407 = arith.constant 0 : i32
        %dma_wait3A_408 = tpu.memref_slice %arg4[%add3A, %dma_wait3A_392, %dma_wait3A_406, %dma_wait3A_407] : memref<32x41x4x128xi32, #tpu.memory_space<hbm>> -> memref<1x1x4x128xi32, #tpu.memory_space<hbm>>
        %dma_wait3A_409 = tpu.memref_squeeze %dma_wait3A_408 : memref<1x1x4x128xi32, #tpu.memory_space<hbm>> -> memref<4x128xi32, #tpu.memory_space<hbm>>
        tpu.wait_dma2 semaphore(%arg13 : memref<!tpu.dma_semaphore, #tpu.memory_space<semaphore_mem>>) src(%dma_wait3A_409 : memref<4x128xi32, #tpu.memory_space<hbm>>) dst(%dma_wait3A_405 : memref<4x128xi32, #tpu.memory_space<vmem>>)
        %dma_start3A_410 = arith.constant 0 : i32
        %dma_start3A_411 = arith.constant 0 : i32
        %dma_start3A_412 = arith.constant 0 : i32
        %dma_start3A_413 = tpu.memref_slice %arg6[%dma_start3A_410, %dma_start3A_411, %dma_start3A_412] : memref<2x4x128xi32, #tpu.memory_space<vmem>> -> memref<1x1x128xi32, #tpu.memory_space<vmem>>
        %dma_start3A_414 = tpu.memref_squeeze %dma_start3A_413 : memref<1x1x128xi32, #tpu.memory_space<vmem>> -> memref<128xi32, #tpu.memory_space<vmem>>
        %dma_start3A_415 = arith.constant 0 : i32
        %dma_start3A_416 = arith.constant 0 : i32
        %dma_start3A_417 = tpu.memref_slice %arg2[%dma_start3A_415, %dma_start3A_416] : memref<10000x128xf32, #tpu.memory_space<hbm>> -> memref<10000x128xf32, #tpu.memory_space<hbm>>
        tpu.enqueue_indirect_dma source(%dma_start3A_417 : memref<10000x128xf32, #tpu.memory_space<hbm>>) target(%arg8 : memref<128x128xf32, #tpu.memory_space<vmem>>) offsets(%dma_start3A_414 : memref<128xi32, #tpu.memory_space<vmem>>) semaphore(%arg11 : memref<!tpu.dma_semaphore, #tpu.memory_space<semaphore_mem>>)
        %dma_wait3A_418 = arith.constant 0 : i32
        %dma_wait3A_419 = arith.constant 0 : i32
        %dma_wait3A_420 = arith.constant 0 : i32
        %dma_wait3A_421 = tpu.memref_slice %arg6[%dma_wait3A_418, %dma_wait3A_419, %dma_wait3A_420] : memref<2x4x128xi32, #tpu.memory_space<vmem>> -> memref<1x1x128xi32, #tpu.memory_space<vmem>>
        %dma_wait3A_422 = tpu.memref_squeeze %dma_wait3A_421 : memref<1x1x128xi32, #tpu.memory_space<vmem>> -> memref<128xi32, #tpu.memory_space<vmem>>
        %dma_wait3A_423 = arith.constant 0 : i32
        %dma_wait3A_424 = arith.constant 0 : i32
        %dma_wait3A_425 = tpu.memref_slice %arg2[%dma_wait3A_423, %dma_wait3A_424] : memref<10000x128xf32, #tpu.memory_space<hbm>> -> memref<10000x128xf32, #tpu.memory_space<hbm>>
        tpu.wait_indirect_dma semaphore(%arg12 : memref<!tpu.dma_semaphore, #tpu.memory_space<semaphore_mem>>) src(%dma_wait3A_425 : memref<10000x128xf32, #tpu.memory_space<hbm>>) dst(%arg9 : memref<128x128xf32, #tpu.memory_space<vmem>>)
        %run_scoped3A_426 = arith.constant 1 : i32
        %run_scoped3A_427 = arith.constant 3 : i32
        "tpu.region"() ({
          %run_scoped3A_429 = tpu.sem_alloc : memref<!tpu.dma_semaphore, #tpu.memory_space<semaphore_mem>>
          %dma_start3A_430 = arith.constant 0 : i32
          %dma_start3A_431 = tpu.memref_slice %arg7[%run_scoped3A_426, %run_scoped3A_427, %dma_start3A_430] : memref<2x4x128xi32, #tpu.memory_space<vmem>> -> memref<1x1x128xi32, #tpu.memory_space<vmem>>
          %dma_start3A_432 = tpu.memref_squeeze %dma_start3A_431 : memref<1x1x128xi32, #tpu.memory_space<vmem>> -> memref<128xi32, #tpu.memory_space<vmem>>
          %dma_start3A_433 = arith.constant 0 : i32
          %dma_start3A_434 = arith.constant 0 : i32
          %dma_start3A_435 = tpu.memref_slice %arg10[%dma_start3A_433, %dma_start3A_434] : memref<10112x128xf32, #tpu.memory_space<vmem_shared>> -> memref<10112x128xf32, #tpu.memory_space<vmem_shared>>
          tpu.enqueue_indirect_dma source(%arg9 : memref<128x128xf32, #tpu.memory_space<vmem>>) target(%dma_start3A_435 : memref<10112x128xf32, #tpu.memory_space<vmem_shared>>) offsets(%dma_start3A_432 : memref<128xi32, #tpu.memory_space<vmem>>) semaphore(%run_scoped3A_429 : memref<!tpu.dma_semaphore, #tpu.memory_space<semaphore_mem>>) {add = true}
          %dma_wait3A_436 = arith.constant 0 : i32
          %dma_wait3A_437 = tpu.memref_slice %arg7[%run_scoped3A_426, %run_scoped3A_427, %dma_wait3A_436] : memref<2x4x128xi32, #tpu.memory_space<vmem>> -> memref<1x1x128xi32, #tpu.memory_space<vmem>>
          %dma_wait3A_438 = tpu.memref_squeeze %dma_wait3A_437 : memref<1x1x128xi32, #tpu.memory_space<vmem>> -> memref<128xi32, #tpu.memory_space<vmem>>
          %dma_wait3A_439 = arith.constant 0 : i32
          %dma_wait3A_440 = arith.constant 0 : i32
          %dma_wait3A_441 = tpu.memref_slice %arg10[%dma_wait3A_439, %dma_wait3A_440] : memref<10112x128xf32, #tpu.memory_space<vmem_shared>> -> memref<10112x128xf32, #tpu.memory_space<vmem_shared>>
          tpu.wait_indirect_dma semaphore(%run_scoped3A_429 : memref<!tpu.dma_semaphore, #tpu.memory_space<semaphore_mem>>) src(%arg9 : memref<128x128xf32, #tpu.memory_space<vmem>>) dst(%dma_wait3A_441 : memref<10112x128xf32, #tpu.memory_space<vmem_shared>>)
          tpu.yield
        }) : () -> ()
        %scan3A_428 = arith.constant 0 : i32
        scf.yield %scan3A_428 : i32
      }
      %scan3A_126 = arith.constant 20 : i32
      %dma_wait3A_127 = arith.constant 0 : i32
      %dma_wait3A_128 = arith.constant 0 : i32
      %dma_wait3A_129 = arith.constant 0 : i32
      %dma_wait3A_130 = tpu.memref_slice %arg6[%dma_wait3A_127, %dma_wait3A_128, %dma_wait3A_129] : memref<2x4x128xi32, #tpu.memory_space<vmem>> -> memref<1x1x128xi32, #tpu.memory_space<vmem>>
      %dma_wait3A_131 = tpu.memref_squeeze %dma_wait3A_130 : memref<1x1x128xi32, #tpu.memory_space<vmem>> -> memref<128xi32, #tpu.memory_space<vmem>>
      %dma_wait3A_132 = arith.constant 0 : i32
      %dma_wait3A_133 = arith.constant 0 : i32
      %dma_wait3A_134 = tpu.memref_slice %arg2[%dma_wait3A_132, %dma_wait3A_133] : memref<10000x128xf32, #tpu.memory_space<hbm>> -> memref<10000x128xf32, #tpu.memory_space<hbm>>
      tpu.wait_indirect_dma semaphore(%arg11 : memref<!tpu.dma_semaphore, #tpu.memory_space<semaphore_mem>>) src(%dma_wait3A_134 : memref<10000x128xf32, #tpu.memory_space<hbm>>) dst(%arg8 : memref<128x128xf32, #tpu.memory_space<vmem>>)
    } else {
    }
    %barrier3A_21 = arith.constant 0 : index
    tpu.barrier barrier_id(%barrier3A_21)
    %add3A_22 = arith.constant 0 : i32
    %add3A_23 = arith.addi %mul3A_8, %add3A_22 : i32
    "tpu.region"() ({
      %run_scoped3A = tpu.sem_alloc : memref<!tpu.dma_semaphore, #tpu.memory_space<semaphore_mem>>
      %dma_start3A = arith.constant 0 : i32
      %dma_start3A_42 = arith.constant 0 : i32
      %dma_start3A_43 = tpu.memref_slice %arg8[%dma_start3A, %dma_start3A_42] : memref<128x128xf32, #tpu.memory_space<vmem>> -> memref<128x128xf32, #tpu.memory_space<vmem>>
      %dma_start3A_44 = arith.constant 0 : i32
      %dma_start3A_45 = tpu.memref_slice %arg10[%add3A_23, %dma_start3A_44] : memref<10112x128xf32, #tpu.memory_space<vmem_shared>> -> memref<128x128xf32, #tpu.memory_space<vmem_shared>>
      %dma_start3A_46 = arith.constant 0 : i32
      %dma_start3A_47 = arith.constant 0 : i32
      %dma_start3A_48 = tpu.memref_slice %arg8[%dma_start3A_46, %dma_start3A_47] : memref<128x128xf32, #tpu.memory_space<vmem>> -> memref<128x128xf32, #tpu.memory_space<vmem>>
      %dma_start3A_49 = arith.constant 0 : i32
      %dma_start3A_50 = tpu.memref_slice %arg10[%add3A_23, %dma_start3A_49] : memref<10112x128xf32, #tpu.memory_space<vmem_shared>> -> memref<128x128xf32, #tpu.memory_space<vmem_shared>>
      tpu.enqueue_dma source(%dma_start3A_50 : memref<128x128xf32, #tpu.memory_space<vmem_shared>>) target(%dma_start3A_48 : memref<128x128xf32, #tpu.memory_space<vmem>>) target_semaphore(%run_scoped3A : memref<!tpu.dma_semaphore, #tpu.memory_space<semaphore_mem>>)
      %dma_wait3A = arith.constant 0 : i32
      %dma_wait3A_51 = arith.constant 0 : i32
      %dma_wait3A_52 = tpu.memref_slice %arg8[%dma_wait3A, %dma_wait3A_51] : memref<128x128xf32, #tpu.memory_space<vmem>> -> memref<128x128xf32, #tpu.memory_space<vmem>>
      %dma_wait3A_53 = arith.constant 0 : i32
      %dma_wait3A_54 = tpu.memref_slice %arg10[%add3A_23, %dma_wait3A_53] : memref<10112x128xf32, #tpu.memory_space<vmem_shared>> -> memref<128x128xf32, #tpu.memory_space<vmem_shared>>
      %dma_wait3A_55 = arith.constant 0 : i32
      %dma_wait3A_56 = arith.constant 0 : i32
      %dma_wait3A_57 = tpu.memref_slice %arg8[%dma_wait3A_55, %dma_wait3A_56] : memref<128x128xf32, #tpu.memory_space<vmem>> -> memref<128x128xf32, #tpu.memory_space<vmem>>
      %dma_wait3A_58 = arith.constant 0 : i32
      %dma_wait3A_59 = tpu.memref_slice %arg10[%add3A_23, %dma_wait3A_58] : memref<10112x128xf32, #tpu.memory_space<vmem_shared>> -> memref<128x128xf32, #tpu.memory_space<vmem_shared>>
      tpu.wait_dma2 semaphore(%run_scoped3A : memref<!tpu.dma_semaphore, #tpu.memory_space<semaphore_mem>>) src(%dma_wait3A_59 : memref<128x128xf32, #tpu.memory_space<vmem_shared>>) dst(%dma_wait3A_57 : memref<128x128xf32, #tpu.memory_space<vmem>>)
      tpu.yield
    }) : () -> ()
    %add3A_24 = arith.constant 0 : i32
    %add3A_25 = arith.addi %mul3A_8, %add3A_24 : i32
    "tpu.region"() ({
      %run_scoped3A = tpu.sem_alloc : memref<!tpu.dma_semaphore, #tpu.memory_space<semaphore_mem>>
      %dma_start3A = arith.constant 0 : i32
      %dma_start3A_42 = arith.constant 0 : i32
      %dma_start3A_43 = tpu.memref_slice %arg8[%dma_start3A, %dma_start3A_42] : memref<128x128xf32, #tpu.memory_space<vmem>> -> memref<128x128xf32, #tpu.memory_space<vmem>>
      %dma_start3A_44 = arith.constant 0 : i32
      %dma_start3A_45 = tpu.memref_slice %arg5[%arg0, %add3A_25, %dma_start3A_44] : memref<2x10112x128xf32, #tpu.memory_space<hbm>> -> memref<1x128x128xf32, #tpu.memory_space<hbm>>
      %dma_start3A_46 = tpu.memref_squeeze %dma_start3A_45 : memref<1x128x128xf32, #tpu.memory_space<hbm>> -> memref<128x128xf32, #tpu.memory_space<hbm>>
      %dma_start3A_47 = arith.constant 0 : i32
      %dma_start3A_48 = tpu.memref_slice %arg5[%arg0, %add3A_25, %dma_start3A_47] : memref<2x10112x128xf32, #tpu.memory_space<hbm>> -> memref<1x128x128xf32, #tpu.memory_space<hbm>>
      %dma_start3A_49 = tpu.memref_squeeze %dma_start3A_48 : memref<1x128x128xf32, #tpu.memory_space<hbm>> -> memref<128x128xf32, #tpu.memory_space<hbm>>
      %dma_start3A_50 = arith.constant 0 : i32
      %dma_start3A_51 = arith.constant 0 : i32
      %dma_start3A_52 = tpu.memref_slice %arg8[%dma_start3A_50, %dma_start3A_51] : memref<128x128xf32, #tpu.memory_space<vmem>> -> memref<128x128xf32, #tpu.memory_space<vmem>>
      tpu.enqueue_dma source(%dma_start3A_52 : memref<128x128xf32, #tpu.memory_space<vmem>>) target(%dma_start3A_49 : memref<128x128xf32, #tpu.memory_space<hbm>>) target_semaphore(%run_scoped3A : memref<!tpu.dma_semaphore, #tpu.memory_space<semaphore_mem>>)
      %dma_wait3A = arith.constant 0 : i32
      %dma_wait3A_53 = arith.constant 0 : i32
      %dma_wait3A_54 = tpu.memref_slice %arg8[%dma_wait3A, %dma_wait3A_53] : memref<128x128xf32, #tpu.memory_space<vmem>> -> memref<128x128xf32, #tpu.memory_space<vmem>>
      %dma_wait3A_55 = arith.constant 0 : i32
      %dma_wait3A_56 = tpu.memref_slice %arg5[%arg0, %add3A_25, %dma_wait3A_55] : memref<2x10112x128xf32, #tpu.memory_space<hbm>> -> memref<1x128x128xf32, #tpu.memory_space<hbm>>
      %dma_wait3A_57 = tpu.memref_squeeze %dma_wait3A_56 : memref<1x128x128xf32, #tpu.memory_space<hbm>> -> memref<128x128xf32, #tpu.memory_space<hbm>>
      %dma_wait3A_58 = arith.constant 0 : i32
      %dma_wait3A_59 = tpu.memref_slice %arg5[%arg0, %add3A_25, %dma_wait3A_58] : memref<2x10112x128xf32, #tpu.memory_space<hbm>> -> memref<1x128x128xf32, #tpu.memory_space<hbm>>
      %dma_wait3A_60 = tpu.memref_squeeze %dma_wait3A_59 : memref<1x128x128xf32, #tpu.memory_space<hbm>> -> memref<128x128xf32, #tpu.memory_space<hbm>>
      %dma_wait3A_61 = arith.constant 0 : i32
      %dma_wait3A_62 = arith.constant 0 : i32
      %dma_wait3A_63 = tpu.memref_slice %arg8[%dma_wait3A_61, %dma_wait3A_62] : memref<128x128xf32, #tpu.memory_space<vmem>> -> memref<128x128xf32, #tpu.memory_space<vmem>>
      tpu.wait_dma2 semaphore(%run_scoped3A : memref<!tpu.dma_semaphore, #tpu.memory_space<semaphore_mem>>) src(%dma_wait3A_63 : memref<128x128xf32, #tpu.memory_space<vmem>>) dst(%dma_wait3A_60 : memref<128x128xf32, #tpu.memory_space<hbm>>)
      tpu.yield
    }) : () -> ()
    %add3A_26 = arith.constant 128 : i32
    %add3A_27 = arith.addi %mul3A_8, %add3A_26 : i32
    "tpu.region"() ({
      %run_scoped3A = tpu.sem_alloc : memref<!tpu.dma_semaphore, #tpu.memory_space<semaphore_mem>>
      %dma_start3A = arith.constant 0 : i32
      %dma_start3A_42 = arith.constant 0 : i32
      %dma_start3A_43 = tpu.memref_slice %arg8[%dma_start3A, %dma_start3A_42] : memref<128x128xf32, #tpu.memory_space<vmem>> -> memref<128x128xf32, #tpu.memory_space<vmem>>
      %dma_start3A_44 = arith.constant 0 : i32
      %dma_start3A_45 = tpu.memref_slice %arg10[%add3A_27, %dma_start3A_44] : memref<10112x128xf32, #tpu.memory_space<vmem_shared>> -> memref<128x128xf32, #tpu.memory_space<vmem_shared>>
      %dma_start3A_46 = arith.constant 0 : i32
      %dma_start3A_47 = arith.constant 0 : i32
      %dma_start3A_48 = tpu.memref_slice %arg8[%dma_start3A_46, %dma_start3A_47] : memref<128x128xf32, #tpu.memory_space<vmem>> -> memref<128x128xf32, #tpu.memory_space<vmem>>
      %dma_start3A_49 = arith.constant 0 : i32
      %dma_start3A_50 = tpu.memref_slice %arg10[%add3A_27, %dma_start3A_49] : memref<10112x128xf32, #tpu.memory_space<vmem_shared>> -> memref<128x128xf32, #tpu.memory_space<vmem_shared>>
      tpu.enqueue_dma source(%dma_start3A_50 : memref<128x128xf32, #tpu.memory_space<vmem_shared>>) target(%dma_start3A_48 : memref<128x128xf32, #tpu.memory_space<vmem>>) target_semaphore(%run_scoped3A : memref<!tpu.dma_semaphore, #tpu.memory_space<semaphore_mem>>)
      %dma_wait3A = arith.constant 0 : i32
      %dma_wait3A_51 = arith.constant 0 : i32
      %dma_wait3A_52 = tpu.memref_slice %arg8[%dma_wait3A, %dma_wait3A_51] : memref<128x128xf32, #tpu.memory_space<vmem>> -> memref<128x128xf32, #tpu.memory_space<vmem>>
      %dma_wait3A_53 = arith.constant 0 : i32
      %dma_wait3A_54 = tpu.memref_slice %arg10[%add3A_27, %dma_wait3A_53] : memref<10112x128xf32, #tpu.memory_space<vmem_shared>> -> memref<128x128xf32, #tpu.memory_space<vmem_shared>>
      %dma_wait3A_55 = arith.constant 0 : i32
      %dma_wait3A_56 = arith.constant 0 : i32
      %dma_wait3A_57 = tpu.memref_slice %arg8[%dma_wait3A_55, %dma_wait3A_56] : memref<128x128xf32, #tpu.memory_space<vmem>> -> memref<128x128xf32, #tpu.memory_space<vmem>>
      %dma_wait3A_58 = arith.constant 0 : i32
      %dma_wait3A_59 = tpu.memref_slice %arg10[%add3A_27, %dma_wait3A_58] : memref<10112x128xf32, #tpu.memory_space<vmem_shared>> -> memref<128x128xf32, #tpu.memory_space<vmem_shared>>
      tpu.wait_dma2 semaphore(%run_scoped3A : memref<!tpu.dma_semaphore, #tpu.memory_space<semaphore_mem>>) src(%dma_wait3A_59 : memref<128x128xf32, #tpu.memory_space<vmem_shared>>) dst(%dma_wait3A_57 : memref<128x128xf32, #tpu.memory_space<vmem>>)
      tpu.yield
    }) : () -> ()
    %add3A_28 = arith.constant 128 : i32
    %add3A_29 = arith.addi %mul3A_8, %add3A_28 : i32
    "tpu.region"() ({
      %run_scoped3A = tpu.sem_alloc : memref<!tpu.dma_semaphore, #tpu.memory_space<semaphore_mem>>
      %dma_start3A = arith.constant 0 : i32
      %dma_start3A_42 = arith.constant 0 : i32
      %dma_start3A_43 = tpu.memref_slice %arg8[%dma_start3A, %dma_start3A_42] : memref<128x128xf32, #tpu.memory_space<vmem>> -> memref<128x128xf32, #tpu.memory_space<vmem>>
      %dma_start3A_44 = arith.constant 0 : i32
      %dma_start3A_45 = tpu.memref_slice %arg5[%arg0, %add3A_29, %dma_start3A_44] : memref<2x10112x128xf32, #tpu.memory_space<hbm>> -> memref<1x128x128xf32, #tpu.memory_space<hbm>>
      %dma_start3A_46 = tpu.memref_squeeze %dma_start3A_45 : memref<1x128x128xf32, #tpu.memory_space<hbm>> -> memref<128x128xf32, #tpu.memory_space<hbm>>
      %dma_start3A_47 = arith.constant 0 : i32
      %dma_start3A_48 = tpu.memref_slice %arg5[%arg0, %add3A_29, %dma_start3A_47] : memref<2x10112x128xf32, #tpu.memory_space<hbm>> -> memref<1x128x128xf32, #tpu.memory_space<hbm>>
      %dma_start3A_49 = tpu.memref_squeeze %dma_start3A_48 : memref<1x128x128xf32, #tpu.memory_space<hbm>> -> memref<128x128xf32, #tpu.memory_space<hbm>>
      %dma_start3A_50 = arith.constant 0 : i32
      %dma_start3A_51 = arith.constant 0 : i32
      %dma_start3A_52 = tpu.memref_slice %arg8[%dma_start3A_50, %dma_start3A_51] : memref<128x128xf32, #tpu.memory_space<vmem>> -> memref<128x128xf32, #tpu.memory_space<vmem>>
      tpu.enqueue_dma source(%dma_start3A_52 : memref<128x128xf32, #tpu.memory_space<vmem>>) target(%dma_start3A_49 : memref<128x128xf32, #tpu.memory_space<hbm>>) target_semaphore(%run_scoped3A : memref<!tpu.dma_semaphore, #tpu.memory_space<semaphore_mem>>)
      %dma_wait3A = arith.constant 0 : i32
      %dma_wait3A_53 = arith.constant 0 : i32
      %dma_wait3A_54 = tpu.memref_slice %arg8[%dma_wait3A, %dma_wait3A_53] : memref<128x128xf32, #tpu.memory_space<vmem>> -> memref<128x128xf32, #tpu.memory_space<vmem>>
      %dma_wait3A_55 = arith.constant 0 : i32
      %dma_wait3A_56 = tpu.memref_slice %arg5[%arg0, %add3A_29, %dma_wait3A_55] : memref<2x10112x128xf32, #tpu.memory_space<hbm>> -> memref<1x128x128xf32, #tpu.memory_space<hbm>>
      %dma_wait3A_57 = tpu.memref_squeeze %dma_wait3A_56 : memref<1x128x128xf32, #tpu.memory_space<hbm>> -> memref<128x128xf32, #tpu.memory_space<hbm>>
      %dma_wait3A_58 = arith.constant 0 : i32
      %dma_wait3A_59 = tpu.memref_slice %arg5[%arg0, %add3A_29, %dma_wait3A_58] : memref<2x10112x128xf32, #tpu.memory_space<hbm>> -> memref<1x128x128xf32, #tpu.memory_space<hbm>>
      %dma_wait3A_60 = tpu.memref_squeeze %dma_wait3A_59 : memref<1x128x128xf32, #tpu.memory_space<hbm>> -> memref<128x128xf32, #tpu.memory_space<hbm>>
      %dma_wait3A_61 = arith.constant 0 : i32
      %dma_wait3A_62 = arith.constant 0 : i32
      %dma_wait3A_63 = tpu.memref_slice %arg8[%dma_wait3A_61, %dma_wait3A_62] : memref<128x128xf32, #tpu.memory_space<vmem>> -> memref<128x128xf32, #tpu.memory_space<vmem>>
      tpu.wait_dma2 semaphore(%run_scoped3A : memref<!tpu.dma_semaphore, #tpu.memory_space<semaphore_mem>>) src(%dma_wait3A_63 : memref<128x128xf32, #tpu.memory_space<vmem>>) dst(%dma_wait3A_60 : memref<128x128xf32, #tpu.memory_space<hbm>>)
      tpu.yield
    }) : () -> ()
    %add3A_30 = arith.constant 256 : i32
    %add3A_31 = arith.addi %mul3A_8, %add3A_30 : i32
    "tpu.region"() ({
      %run_scoped3A = tpu.sem_alloc : memref<!tpu.dma_semaphore, #tpu.memory_space<semaphore_mem>>
      %dma_start3A = arith.constant 0 : i32
      %dma_start3A_42 = arith.constant 0 : i32
      %dma_start3A_43 = tpu.memref_slice %arg8[%dma_start3A, %dma_start3A_42] : memref<128x128xf32, #tpu.memory_space<vmem>> -> memref<128x128xf32, #tpu.memory_space<vmem>>
      %dma_start3A_44 = arith.constant 0 : i32
      %dma_start3A_45 = tpu.memref_slice %arg10[%add3A_31, %dma_start3A_44] : memref<10112x128xf32, #tpu.memory_space<vmem_shared>> -> memref<128x128xf32, #tpu.memory_space<vmem_shared>>
      %dma_start3A_46 = arith.constant 0 : i32
      %dma_start3A_47 = arith.constant 0 : i32
      %dma_start3A_48 = tpu.memref_slice %arg8[%dma_start3A_46, %dma_start3A_47] : memref<128x128xf32, #tpu.memory_space<vmem>> -> memref<128x128xf32, #tpu.memory_space<vmem>>
      %dma_start3A_49 = arith.constant 0 : i32
      %dma_start3A_50 = tpu.memref_slice %arg10[%add3A_31, %dma_start3A_49] : memref<10112x128xf32, #tpu.memory_space<vmem_shared>> -> memref<128x128xf32, #tpu.memory_space<vmem_shared>>
      tpu.enqueue_dma source(%dma_start3A_50 : memref<128x128xf32, #tpu.memory_space<vmem_shared>>) target(%dma_start3A_48 : memref<128x128xf32, #tpu.memory_space<vmem>>) target_semaphore(%run_scoped3A : memref<!tpu.dma_semaphore, #tpu.memory_space<semaphore_mem>>)
      %dma_wait3A = arith.constant 0 : i32
      %dma_wait3A_51 = arith.constant 0 : i32
      %dma_wait3A_52 = tpu.memref_slice %arg8[%dma_wait3A, %dma_wait3A_51] : memref<128x128xf32, #tpu.memory_space<vmem>> -> memref<128x128xf32, #tpu.memory_space<vmem>>
      %dma_wait3A_53 = arith.constant 0 : i32
      %dma_wait3A_54 = tpu.memref_slice %arg10[%add3A_31, %dma_wait3A_53] : memref<10112x128xf32, #tpu.memory_space<vmem_shared>> -> memref<128x128xf32, #tpu.memory_space<vmem_shared>>
      %dma_wait3A_55 = arith.constant 0 : i32
      %dma_wait3A_56 = arith.constant 0 : i32
      %dma_wait3A_57 = tpu.memref_slice %arg8[%dma_wait3A_55, %dma_wait3A_56] : memref<128x128xf32, #tpu.memory_space<vmem>> -> memref<128x128xf32, #tpu.memory_space<vmem>>
      %dma_wait3A_58 = arith.constant 0 : i32
      %dma_wait3A_59 = tpu.memref_slice %arg10[%add3A_31, %dma_wait3A_58] : memref<10112x128xf32, #tpu.memory_space<vmem_shared>> -> memref<128x128xf32, #tpu.memory_space<vmem_shared>>
      tpu.wait_dma2 semaphore(%run_scoped3A : memref<!tpu.dma_semaphore, #tpu.memory_space<semaphore_mem>>) src(%dma_wait3A_59 : memref<128x128xf32, #tpu.memory_space<vmem_shared>>) dst(%dma_wait3A_57 : memref<128x128xf32, #tpu.memory_space<vmem>>)
      tpu.yield
    }) : () -> ()
    %add3A_32 = arith.constant 256 : i32
    %add3A_33 = arith.addi %mul3A_8, %add3A_32 : i32
    "tpu.region"() ({
      %run_scoped3A = tpu.sem_alloc : memref<!tpu.dma_semaphore, #tpu.memory_space<semaphore_mem>>
      %dma_start3A = arith.constant 0 : i32
      %dma_start3A_42 = arith.constant 0 : i32
      %dma_start3A_43 = tpu.memref_slice %arg8[%dma_start3A, %dma_start3A_42] : memref<128x128xf32, #tpu.memory_space<vmem>> -> memref<128x128xf32, #tpu.memory_space<vmem>>
      %dma_start3A_44 = arith.constant 0 : i32
      %dma_start3A_45 = tpu.memref_slice %arg5[%arg0, %add3A_33, %dma_start3A_44] : memref<2x10112x128xf32, #tpu.memory_space<hbm>> -> memref<1x128x128xf32, #tpu.memory_space<hbm>>
      %dma_start3A_46 = tpu.memref_squeeze %dma_start3A_45 : memref<1x128x128xf32, #tpu.memory_space<hbm>> -> memref<128x128xf32, #tpu.memory_space<hbm>>
      %dma_start3A_47 = arith.constant 0 : i32
      %dma_start3A_48 = tpu.memref_slice %arg5[%arg0, %add3A_33, %dma_start3A_47] : memref<2x10112x128xf32, #tpu.memory_space<hbm>> -> memref<1x128x128xf32, #tpu.memory_space<hbm>>
      %dma_start3A_49 = tpu.memref_squeeze %dma_start3A_48 : memref<1x128x128xf32, #tpu.memory_space<hbm>> -> memref<128x128xf32, #tpu.memory_space<hbm>>
      %dma_start3A_50 = arith.constant 0 : i32
      %dma_start3A_51 = arith.constant 0 : i32
      %dma_start3A_52 = tpu.memref_slice %arg8[%dma_start3A_50, %dma_start3A_51] : memref<128x128xf32, #tpu.memory_space<vmem>> -> memref<128x128xf32, #tpu.memory_space<vmem>>
      tpu.enqueue_dma source(%dma_start3A_52 : memref<128x128xf32, #tpu.memory_space<vmem>>) target(%dma_start3A_49 : memref<128x128xf32, #tpu.memory_space<hbm>>) target_semaphore(%run_scoped3A : memref<!tpu.dma_semaphore, #tpu.memory_space<semaphore_mem>>)
      %dma_wait3A = arith.constant 0 : i32
      %dma_wait3A_53 = arith.constant 0 : i32
      %dma_wait3A_54 = tpu.memref_slice %arg8[%dma_wait3A, %dma_wait3A_53] : memref<128x128xf32, #tpu.memory_space<vmem>> -> memref<128x128xf32, #tpu.memory_space<vmem>>
      %dma_wait3A_55 = arith.constant 0 : i32
      %dma_wait3A_56 = tpu.memref_slice %arg5[%arg0, %add3A_33, %dma_wait3A_55] : memref<2x10112x128xf32, #tpu.memory_space<hbm>> -> memref<1x128x128xf32, #tpu.memory_space<hbm>>
      %dma_wait3A_57 = tpu.memref_squeeze %dma_wait3A_56 : memref<1x128x128xf32, #tpu.memory_space<hbm>> -> memref<128x128xf32, #tpu.memory_space<hbm>>
      %dma_wait3A_58 = arith.constant 0 : i32
      %dma_wait3A_59 = tpu.memref_slice %arg5[%arg0, %add3A_33, %dma_wait3A_58] : memref<2x10112x128xf32, #tpu.memory_space<hbm>> -> memref<1x128x128xf32, #tpu.memory_space<hbm>>
      %dma_wait3A_60 = tpu.memref_squeeze %dma_wait3A_59 : memref<1x128x128xf32, #tpu.memory_space<hbm>> -> memref<128x128xf32, #tpu.memory_space<hbm>>
      %dma_wait3A_61 = arith.constant 0 : i32
      %dma_wait3A_62 = arith.constant 0 : i32
      %dma_wait3A_63 = tpu.memref_slice %arg8[%dma_wait3A_61, %dma_wait3A_62] : memref<128x128xf32, #tpu.memory_space<vmem>> -> memref<128x128xf32, #tpu.memory_space<vmem>>
      tpu.wait_dma2 semaphore(%run_scoped3A : memref<!tpu.dma_semaphore, #tpu.memory_space<semaphore_mem>>) src(%dma_wait3A_63 : memref<128x128xf32, #tpu.memory_space<vmem>>) dst(%dma_wait3A_60 : memref<128x128xf32, #tpu.memory_space<hbm>>)
      tpu.yield
    }) : () -> ()
    %add3A_34 = arith.constant 384 : i32
    %add3A_35 = arith.addi %mul3A_8, %add3A_34 : i32
    "tpu.region"() ({
      %run_scoped3A = tpu.sem_alloc : memref<!tpu.dma_semaphore, #tpu.memory_space<semaphore_mem>>
      %dma_start3A = arith.constant 0 : i32
      %dma_start3A_42 = arith.constant 0 : i32
      %dma_start3A_43 = tpu.memref_slice %arg8[%dma_start3A, %dma_start3A_42] : memref<128x128xf32, #tpu.memory_space<vmem>> -> memref<128x128xf32, #tpu.memory_space<vmem>>
      %dma_start3A_44 = arith.constant 0 : i32
      %dma_start3A_45 = tpu.memref_slice %arg10[%add3A_35, %dma_start3A_44] : memref<10112x128xf32, #tpu.memory_space<vmem_shared>> -> memref<128x128xf32, #tpu.memory_space<vmem_shared>>
      %dma_start3A_46 = arith.constant 0 : i32
      %dma_start3A_47 = arith.constant 0 : i32
      %dma_start3A_48 = tpu.memref_slice %arg8[%dma_start3A_46, %dma_start3A_47] : memref<128x128xf32, #tpu.memory_space<vmem>> -> memref<128x128xf32, #tpu.memory_space<vmem>>
      %dma_start3A_49 = arith.constant 0 : i32
      %dma_start3A_50 = tpu.memref_slice %arg10[%add3A_35, %dma_start3A_49] : memref<10112x128xf32, #tpu.memory_space<vmem_shared>> -> memref<128x128xf32, #tpu.memory_space<vmem_shared>>
      tpu.enqueue_dma source(%dma_start3A_50 : memref<128x128xf32, #tpu.memory_space<vmem_shared>>) target(%dma_start3A_48 : memref<128x128xf32, #tpu.memory_space<vmem>>) target_semaphore(%run_scoped3A : memref<!tpu.dma_semaphore, #tpu.memory_space<semaphore_mem>>)
      %dma_wait3A = arith.constant 0 : i32
      %dma_wait3A_51 = arith.constant 0 : i32
      %dma_wait3A_52 = tpu.memref_slice %arg8[%dma_wait3A, %dma_wait3A_51] : memref<128x128xf32, #tpu.memory_space<vmem>> -> memref<128x128xf32, #tpu.memory_space<vmem>>
      %dma_wait3A_53 = arith.constant 0 : i32
      %dma_wait3A_54 = tpu.memref_slice %arg10[%add3A_35, %dma_wait3A_53] : memref<10112x128xf32, #tpu.memory_space<vmem_shared>> -> memref<128x128xf32, #tpu.memory_space<vmem_shared>>
      %dma_wait3A_55 = arith.constant 0 : i32
      %dma_wait3A_56 = arith.constant 0 : i32
      %dma_wait3A_57 = tpu.memref_slice %arg8[%dma_wait3A_55, %dma_wait3A_56] : memref<128x128xf32, #tpu.memory_space<vmem>> -> memref<128x128xf32, #tpu.memory_space<vmem>>
      %dma_wait3A_58 = arith.constant 0 : i32
      %dma_wait3A_59 = tpu.memref_slice %arg10[%add3A_35, %dma_wait3A_58] : memref<10112x128xf32, #tpu.memory_space<vmem_shared>> -> memref<128x128xf32, #tpu.memory_space<vmem_shared>>
      tpu.wait_dma2 semaphore(%run_scoped3A : memref<!tpu.dma_semaphore, #tpu.memory_space<semaphore_mem>>) src(%dma_wait3A_59 : memref<128x128xf32, #tpu.memory_space<vmem_shared>>) dst(%dma_wait3A_57 : memref<128x128xf32, #tpu.memory_space<vmem>>)
      tpu.yield
    }) : () -> ()
    %add3A_36 = arith.constant 384 : i32
    %add3A_37 = arith.addi %mul3A_8, %add3A_36 : i32
    "tpu.region"() ({
      %run_scoped3A = tpu.sem_alloc : memref<!tpu.dma_semaphore, #tpu.memory_space<semaphore_mem>>
      %dma_start3A = arith.constant 0 : i32
      %dma_start3A_42 = arith.constant 0 : i32
      %dma_start3A_43 = tpu.memref_slice %arg8[%dma_start3A, %dma_start3A_42] : memref<128x128xf32, #tpu.memory_space<vmem>> -> memref<128x128xf32, #tpu.memory_space<vmem>>
      %dma_start3A_44 = arith.constant 0 : i32
      %dma_start3A_45 = tpu.memref_slice %arg5[%arg0, %add3A_37, %dma_start3A_44] : memref<2x10112x128xf32, #tpu.memory_space<hbm>> -> memref<1x128x128xf32, #tpu.memory_space<hbm>>
      %dma_start3A_46 = tpu.memref_squeeze %dma_start3A_45 : memref<1x128x128xf32, #tpu.memory_space<hbm>> -> memref<128x128xf32, #tpu.memory_space<hbm>>
      %dma_start3A_47 = arith.constant 0 : i32
      %dma_start3A_48 = tpu.memref_slice %arg5[%arg0, %add3A_37, %dma_start3A_47] : memref<2x10112x128xf32, #tpu.memory_space<hbm>> -> memref<1x128x128xf32, #tpu.memory_space<hbm>>
      %dma_start3A_49 = tpu.memref_squeeze %dma_start3A_48 : memref<1x128x128xf32, #tpu.memory_space<hbm>> -> memref<128x128xf32, #tpu.memory_space<hbm>>
      %dma_start3A_50 = arith.constant 0 : i32
      %dma_start3A_51 = arith.constant 0 : i32
      %dma_start3A_52 = tpu.memref_slice %arg8[%dma_start3A_50, %dma_start3A_51] : memref<128x128xf32, #tpu.memory_space<vmem>> -> memref<128x128xf32, #tpu.memory_space<vmem>>
      tpu.enqueue_dma source(%dma_start3A_52 : memref<128x128xf32, #tpu.memory_space<vmem>>) target(%dma_start3A_49 : memref<128x128xf32, #tpu.memory_space<hbm>>) target_semaphore(%run_scoped3A : memref<!tpu.dma_semaphore, #tpu.memory_space<semaphore_mem>>)
      %dma_wait3A = arith.constant 0 : i32
      %dma_wait3A_53 = arith.constant 0 : i32
      %dma_wait3A_54 = tpu.memref_slice %arg8[%dma_wait3A, %dma_wait3A_53] : memref<128x128xf32, #tpu.memory_space<vmem>> -> memref<128x128xf32, #tpu.memory_space<vmem>>
      %dma_wait3A_55 = arith.constant 0 : i32
      %dma_wait3A_56 = tpu.memref_slice %arg5[%arg0, %add3A_37, %dma_wait3A_55] : memref<2x10112x128xf32, #tpu.memory_space<hbm>> -> memref<1x128x128xf32, #tpu.memory_space<hbm>>
      %dma_wait3A_57 = tpu.memref_squeeze %dma_wait3A_56 : memref<1x128x128xf32, #tpu.memory_space<hbm>> -> memref<128x128xf32, #tpu.memory_space<hbm>>
      %dma_wait3A_58 = arith.constant 0 : i32
      %dma_wait3A_59 = tpu.memref_slice %arg5[%arg0, %add3A_37, %dma_wait3A_58] : memref<2x10112x128xf32, #tpu.memory_space<hbm>> -> memref<1x128x128xf32, #tpu.memory_space<hbm>>
      %dma_wait3A_60 = tpu.memref_squeeze %dma_wait3A_59 : memref<1x128x128xf32, #tpu.memory_space<hbm>> -> memref<128x128xf32, #tpu.memory_space<hbm>>
      %dma_wait3A_61 = arith.constant 0 : i32
      %dma_wait3A_62 = arith.constant 0 : i32
      %dma_wait3A_63 = tpu.memref_slice %arg8[%dma_wait3A_61, %dma_wait3A_62] : memref<128x128xf32, #tpu.memory_space<vmem>> -> memref<128x128xf32, #tpu.memory_space<vmem>>
      tpu.wait_dma2 semaphore(%run_scoped3A : memref<!tpu.dma_semaphore, #tpu.memory_space<semaphore_mem>>) src(%dma_wait3A_63 : memref<128x128xf32, #tpu.memory_space<vmem>>) dst(%dma_wait3A_60 : memref<128x128xf32, #tpu.memory_space<hbm>>)
      tpu.yield
    }) : () -> ()
    %add3A_38 = arith.constant 512 : i32
    %add3A_39 = arith.addi %mul3A_8, %add3A_38 : i32
    "tpu.region"() ({
      %run_scoped3A = tpu.sem_alloc : memref<!tpu.dma_semaphore, #tpu.memory_space<semaphore_mem>>
      %dma_start3A = arith.constant 0 : i32
      %dma_start3A_42 = arith.constant 0 : i32
      %dma_start3A_43 = tpu.memref_slice %arg8[%dma_start3A, %dma_start3A_42] : memref<128x128xf32, #tpu.memory_space<vmem>> -> memref<120x128xf32, #tpu.memory_space<vmem>>
      %dma_start3A_44 = arith.constant 0 : i32
      %dma_start3A_45 = tpu.memref_slice %arg10[%add3A_39, %dma_start3A_44] : memref<10112x128xf32, #tpu.memory_space<vmem_shared>> -> memref<120x128xf32, #tpu.memory_space<vmem_shared>>
      %dma_start3A_46 = arith.constant 0 : i32
      %dma_start3A_47 = arith.constant 0 : i32
      %dma_start3A_48 = tpu.memref_slice %arg8[%dma_start3A_46, %dma_start3A_47] : memref<128x128xf32, #tpu.memory_space<vmem>> -> memref<120x128xf32, #tpu.memory_space<vmem>>
      %dma_start3A_49 = arith.constant 0 : i32
      %dma_start3A_50 = tpu.memref_slice %arg10[%add3A_39, %dma_start3A_49] : memref<10112x128xf32, #tpu.memory_space<vmem_shared>> -> memref<120x128xf32, #tpu.memory_space<vmem_shared>>
      tpu.enqueue_dma source(%dma_start3A_50 : memref<120x128xf32, #tpu.memory_space<vmem_shared>>) target(%dma_start3A_48 : memref<120x128xf32, #tpu.memory_space<vmem>>) target_semaphore(%run_scoped3A : memref<!tpu.dma_semaphore, #tpu.memory_space<semaphore_mem>>)
      %dma_wait3A = arith.constant 0 : i32
      %dma_wait3A_51 = arith.constant 0 : i32
      %dma_wait3A_52 = tpu.memref_slice %arg8[%dma_wait3A, %dma_wait3A_51] : memref<128x128xf32, #tpu.memory_space<vmem>> -> memref<120x128xf32, #tpu.memory_space<vmem>>
      %dma_wait3A_53 = arith.constant 0 : i32
      %dma_wait3A_54 = tpu.memref_slice %arg10[%add3A_39, %dma_wait3A_53] : memref<10112x128xf32, #tpu.memory_space<vmem_shared>> -> memref<120x128xf32, #tpu.memory_space<vmem_shared>>
      %dma_wait3A_55 = arith.constant 0 : i32
      %dma_wait3A_56 = arith.constant 0 : i32
      %dma_wait3A_57 = tpu.memref_slice %arg8[%dma_wait3A_55, %dma_wait3A_56] : memref<128x128xf32, #tpu.memory_space<vmem>> -> memref<120x128xf32, #tpu.memory_space<vmem>>
      %dma_wait3A_58 = arith.constant 0 : i32
      %dma_wait3A_59 = tpu.memref_slice %arg10[%add3A_39, %dma_wait3A_58] : memref<10112x128xf32, #tpu.memory_space<vmem_shared>> -> memref<120x128xf32, #tpu.memory_space<vmem_shared>>
      tpu.wait_dma2 semaphore(%run_scoped3A : memref<!tpu.dma_semaphore, #tpu.memory_space<semaphore_mem>>) src(%dma_wait3A_59 : memref<120x128xf32, #tpu.memory_space<vmem_shared>>) dst(%dma_wait3A_57 : memref<120x128xf32, #tpu.memory_space<vmem>>)
      tpu.yield
    }) : () -> ()
    %add3A_40 = arith.constant 512 : i32
    %add3A_41 = arith.addi %mul3A_8, %add3A_40 : i32
    "tpu.region"() ({
      %run_scoped3A = tpu.sem_alloc : memref<!tpu.dma_semaphore, #tpu.memory_space<semaphore_mem>>
      %dma_start3A = arith.constant 0 : i32
      %dma_start3A_42 = arith.constant 0 : i32
      %dma_start3A_43 = tpu.memref_slice %arg8[%dma_start3A, %dma_start3A_42] : memref<128x128xf32, #tpu.memory_space<vmem>> -> memref<120x128xf32, #tpu.memory_space<vmem>>
      %dma_start3A_44 = arith.constant 0 : i32
      %dma_start3A_45 = tpu.memref_slice %arg5[%arg0, %add3A_41, %dma_start3A_44] : memref<2x10112x128xf32, #tpu.memory_space<hbm>> -> memref<1x120x128xf32, #tpu.memory_space<hbm>>
      %dma_start3A_46 = tpu.memref_squeeze %dma_start3A_45 : memref<1x120x128xf32, #tpu.memory_space<hbm>> -> memref<120x128xf32, #tpu.memory_space<hbm>>
      %dma_start3A_47 = arith.constant 0 : i32
      %dma_start3A_48 = tpu.memref_slice %arg5[%arg0, %add3A_41, %dma_start3A_47] : memref<2x10112x128xf32, #tpu.memory_space<hbm>> -> memref<1x120x128xf32, #tpu.memory_space<hbm>>
      %dma_start3A_49 = tpu.memref_squeeze %dma_start3A_48 : memref<1x120x128xf32, #tpu.memory_space<hbm>> -> memref<120x128xf32, #tpu.memory_space<hbm>>
      %dma_start3A_50 = arith.constant 0 : i32
      %dma_start3A_51 = arith.constant 0 : i32
      %dma_start3A_52 = tpu.memref_slice %arg8[%dma_start3A_50, %dma_start3A_51] : memref<128x128xf32, #tpu.memory_space<vmem>> -> memref<120x128xf32, #tpu.memory_space<vmem>>
      tpu.enqueue_dma source(%dma_start3A_52 : memref<120x128xf32, #tpu.memory_space<vmem>>) target(%dma_start3A_49 : memref<120x128xf32, #tpu.memory_space<hbm>>) target_semaphore(%run_scoped3A : memref<!tpu.dma_semaphore, #tpu.memory_space<semaphore_mem>>)
      %dma_wait3A = arith.constant 0 : i32
      %dma_wait3A_53 = arith.constant 0 : i32
      %dma_wait3A_54 = tpu.memref_slice %arg8[%dma_wait3A, %dma_wait3A_53] : memref<128x128xf32, #tpu.memory_space<vmem>> -> memref<120x128xf32, #tpu.memory_space<vmem>>
      %dma_wait3A_55 = arith.constant 0 : i32
      %dma_wait3A_56 = tpu.memref_slice %arg5[%arg0, %add3A_41, %dma_wait3A_55] : memref<2x10112x128xf32, #tpu.memory_space<hbm>> -> memref<1x120x128xf32, #tpu.memory_space<hbm>>
      %dma_wait3A_57 = tpu.memref_squeeze %dma_wait3A_56 : memref<1x120x128xf32, #tpu.memory_space<hbm>> -> memref<120x128xf32, #tpu.memory_space<hbm>>
      %dma_wait3A_58 = arith.constant 0 : i32
      %dma_wait3A_59 = tpu.memref_slice %arg5[%arg0, %add3A_41, %dma_wait3A_58] : memref<2x10112x128xf32, #tpu.memory_space<hbm>> -> memref<1x120x128xf32, #tpu.memory_space<hbm>>
      %dma_wait3A_60 = tpu.memref_squeeze %dma_wait3A_59 : memref<1x120x128xf32, #tpu.memory_space<hbm>> -> memref<120x128xf32, #tpu.memory_space<hbm>>
      %dma_wait3A_61 = arith.constant 0 : i32
      %dma_wait3A_62 = arith.constant 0 : i32
      %dma_wait3A_63 = tpu.memref_slice %arg8[%dma_wait3A_61, %dma_wait3A_62] : memref<128x128xf32, #tpu.memory_space<vmem>> -> memref<120x128xf32, #tpu.memory_space<vmem>>
      tpu.wait_dma2 semaphore(%run_scoped3A : memref<!tpu.dma_semaphore, #tpu.memory_space<semaphore_mem>>) src(%dma_wait3A_63 : memref<120x128xf32, #tpu.memory_space<vmem>>) dst(%dma_wait3A_60 : memref<120x128xf32, #tpu.memory_space<hbm>>)
      tpu.yield
    }) : () -> ()
    return
  }
}

#map = affine_map<(d0, d1) -> (0, 0)>
#map1 = affine_map<(d0, d1) -> (0, 0, 0, 0)>
#map2 = affine_map<(d0, d1) -> (0, 0, 0)>
module attributes {stable_mosaic.version = 14 : i64} {
  func.func @body(%arg0: i32, %arg1: i32, %arg2: memref<10000x128xf32, #tpu.memory_space<hbm>>, %arg3: memref<32x41x4x128xi32, #tpu.memory_space<hbm>>, %arg4: memref<32x41x4x128xi32, #tpu.memory_space<hbm>>, %arg5: memref<16x2x79x128xi32, #tpu.memory_space<hbm>>, %arg6: memref<2x10112x128xf32, #tpu.memory_space<hbm>>, %arg7: memref<2x4x128xi32, #tpu.memory_space<vmem>>, %arg8: memref<2x4x128xi32, #tpu.memory_space<vmem>>, %arg9: memref<128x128xf32, #tpu.memory_space<vmem>>, %arg10: memref<128x128xf32, #tpu.memory_space<vmem>>, %arg11: memref<10112x128xf32, #tpu.memory_space<vmem_shared>>, %arg12: memref<!tpu.dma_semaphore, #tpu.memory_space<semaphore_mem>>, %arg13: memref<!tpu.dma_semaphore, #tpu.memory_space<semaphore_mem>>, %arg14: memref<!tpu.dma_semaphore, #tpu.memory_space<semaphore_mem>>, %arg15: memref<!tpu.dma_semaphore, #tpu.memory_space<semaphore_mem>>, %arg16: memref<79x128xi32, #tpu.memory_space<vmem>>) attributes {dimension_semantics = [#tpu.dimension_semantics<core_parallel>, #tpu.dimension_semantics<subcore_parallel>], iteration_bounds = array<i64: 2, 16>, scalar_prefetch = 0 : i64, scratch_operands = 10 : i64, tpu.core_type = #tpu.core_type<sc_vector_subcore>, window_params = [{transform_indices = #map}, {transform_indices = #map1}, {transform_indices = #map1}, {transform_indices = #map1}, {transform_indices = #map2}]} {
    %mul3A = arith.constant 16 : i32
    %mul3A_0 = arith.muli %arg0, %mul3A : i32
    %add3A = arith.addi %mul3A_0, %arg1 : i32
    %scan3A = arith.constant 0 : i32
    %scan3A_1 = arith.constant 0 : i32
    %scan3A_2 = arith.constant 1024 : i32
    %scan3A_3 = arith.addi %scan3A_1, %scan3A_2 : i32
    %scan3A_4 = arith.constant 1 : i32
    %scan3A_5 = scf.for %scan3A_47 = %scan3A_1 to %scan3A_3 step %scan3A_4 iter_args(%scan3A_48 = %scan3A) -> (i32)  : i32 {
      %broadcast_in_dim3A = arith.constant 0.000000e+00 : f32
      %broadcast_in_dim3A_49 = vector.broadcast %broadcast_in_dim3A : f32 to vector<16xf32>
      %jit3A = arith.constant 8 : i32
      %div3A = arith.divsi %scan3A_47, %jit3A : i32
      %sign3A = arith.constant 0 : i32
      %sign3A_50 = arith.cmpi sgt, %scan3A_47, %sign3A : i32
      %sign3A_51 = arith.extui %sign3A_50 : i1 to i32
      %sign3A_52 = arith.constant 0 : i32
      %sign3A_53 = arith.cmpi slt, %scan3A_47, %sign3A_52 : i32
      %sign3A_54 = arith.extui %sign3A_53 : i1 to i32
      %sign3A_55 = arith.subi %sign3A_51, %sign3A_54 : i32
      %sign3A_56 = arith.constant 0 : i32
      %sign3A_57 = arith.cmpi sgt, %jit3A, %sign3A_56 : i32
      %sign3A_58 = arith.extui %sign3A_57 : i1 to i32
      %sign3A_59 = arith.constant 0 : i32
      %sign3A_60 = arith.cmpi slt, %jit3A, %sign3A_59 : i32
      %sign3A_61 = arith.extui %sign3A_60 : i1 to i32
      %sign3A_62 = arith.subi %sign3A_58, %sign3A_61 : i32
      %ne3A = arith.cmpi ne, %sign3A_55, %sign3A_62 : i32
      %rem3A = arith.remsi %scan3A_47, %jit3A : i32
      %ne3A_63 = arith.constant 0 : i32
      %ne3A_64 = arith.cmpi ne, %rem3A, %ne3A_63 : i32
      %and3A = arith.andi %ne3A, %ne3A_64 : i1
      %sub3A = arith.constant 1 : i32
      %sub3A_65 = arith.subi %div3A, %sub3A : i32
      %select_n3A = arith.select %and3A, %sub3A_65, %div3A : i32
      %jit3A_66 = arith.constant 8 : i32
      %eq3A_67 = arith.constant 0 : i32
      %eq3A_68 = arith.cmpi eq, %jit3A_66, %eq3A_67 : i32
      %jit3A_69 = arith.constant 1 : i32
      %select_n3A_70 = arith.select %eq3A_68, %jit3A_69, %jit3A_66 : i32
      %rem3A_71 = arith.remsi %scan3A_47, %select_n3A_70 : i32
      %ne3A_72 = arith.constant 0 : i32
      %ne3A_73 = arith.cmpi ne, %rem3A_71, %ne3A_72 : i32
      %lt3A = arith.constant 0 : i32
      %lt3A_74 = arith.cmpi slt, %rem3A_71, %lt3A : i32
      %lt3A_75 = arith.constant 0 : i32
      %lt3A_76 = arith.cmpi slt, %select_n3A_70, %lt3A_75 : i32
      %ne3A_77 = arith.xori %lt3A_74, %lt3A_76 : i1
      %and3A_78 = arith.andi %ne3A_77, %ne3A_73 : i1
      %add3A_79 = arith.addi %rem3A_71, %select_n3A_70 : i32
      %select_n3A_80 = arith.select %and3A_78, %add3A_79, %rem3A_71 : i32
      %mul3A_81 = arith.constant 16 : i32
      %mul3A_82 = arith.muli %select_n3A_80, %mul3A_81 : i32
      %swap3A = arith.index_cast %select_n3A : i32 to index
      %swap3A_83 = arith.index_cast %mul3A_82 : i32 to index
      %swap3A_84 = tpu.vector_load %arg9[%swap3A, %swap3A_83] {strides = array<i32>} : memref<128x128xf32, #tpu.memory_space<vmem>>, vector<1x16xf32>,
      %swap3A_85 = vector.shape_cast %swap3A_84 : vector<1x16xf32> to vector<16xf32>
      %swap3A_86 = vector.shape_cast %broadcast_in_dim3A_49 : vector<16xf32> to vector<1x16xf32>
      tpu.vector_store %arg9[%swap3A, %swap3A_83], %swap3A_86 {strides = array<i32>} : memref<128x128xf32, #tpu.memory_space<vmem>>, vector<1x16xf32>,
      %scan3A_87 = arith.constant 0 : i32
      scf.yield %scan3A_87 : i32
    }
    %scan3A_6 = arith.constant 1024 : i32
    %mul3A_7 = arith.constant 632 : i32
    %mul3A_8 = arith.muli %arg1, %mul3A_7 : i32
    %add3A_9 = arith.constant 0 : i32
    %add3A_10 = arith.addi %mul3A_8, %add3A_9 : i32
    "tpu.region"() ({
      %run_scoped3A = tpu.sem_alloc : memref<!tpu.dma_semaphore, #tpu.memory_space<semaphore_mem>>
      %dma_start3A = arith.constant 0 : i32
      %dma_start3A_47 = arith.constant 0 : i32
      %dma_start3A_48 = tpu.memref_slice %arg9[%dma_start3A, %dma_start3A_47] : memref<128x128xf32, #tpu.memory_space<vmem>> -> memref<128x128xf32, #tpu.memory_space<vmem>>
      %dma_start3A_49 = arith.constant 0 : i32
      %dma_start3A_50 = tpu.memref_slice %arg11[%add3A_10, %dma_start3A_49] : memref<10112x128xf32, #tpu.memory_space<vmem_shared>> -> memref<128x128xf32, #tpu.memory_space<vmem_shared>>
      %dma_start3A_51 = arith.constant 0 : i32
      %dma_start3A_52 = tpu.memref_slice %arg11[%add3A_10, %dma_start3A_51] : memref<10112x128xf32, #tpu.memory_space<vmem_shared>> -> memref<128x128xf32, #tpu.memory_space<vmem_shared>>
      %dma_start3A_53 = arith.constant 0 : i32
      %dma_start3A_54 = arith.constant 0 : i32
      %dma_start3A_55 = tpu.memref_slice %arg9[%dma_start3A_53, %dma_start3A_54] : memref<128x128xf32, #tpu.memory_space<vmem>> -> memref<128x128xf32, #tpu.memory_space<vmem>>
      tpu.enqueue_dma source(%dma_start3A_55 : memref<128x128xf32, #tpu.memory_space<vmem>>) target(%dma_start3A_52 : memref<128x128xf32, #tpu.memory_space<vmem_shared>>) target_semaphore(%run_scoped3A : memref<!tpu.dma_semaphore, #tpu.memory_space<semaphore_mem>>)
      %dma_wait3A = arith.constant 0 : i32
      %dma_wait3A_56 = arith.constant 0 : i32
      %dma_wait3A_57 = tpu.memref_slice %arg9[%dma_wait3A, %dma_wait3A_56] : memref<128x128xf32, #tpu.memory_space<vmem>> -> memref<128x128xf32, #tpu.memory_space<vmem>>
      %dma_wait3A_58 = arith.constant 0 : i32
      %dma_wait3A_59 = tpu.memref_slice %arg11[%add3A_10, %dma_wait3A_58] : memref<10112x128xf32, #tpu.memory_space<vmem_shared>> -> memref<128x128xf32, #tpu.memory_space<vmem_shared>>
      %dma_wait3A_60 = arith.constant 0 : i32
      %dma_wait3A_61 = tpu.memref_slice %arg11[%add3A_10, %dma_wait3A_60] : memref<10112x128xf32, #tpu.memory_space<vmem_shared>> -> memref<128x128xf32, #tpu.memory_space<vmem_shared>>
      %dma_wait3A_62 = arith.constant 0 : i32
      %dma_wait3A_63 = arith.constant 0 : i32
      %dma_wait3A_64 = tpu.memref_slice %arg9[%dma_wait3A_62, %dma_wait3A_63] : memref<128x128xf32, #tpu.memory_space<vmem>> -> memref<128x128xf32, #tpu.memory_space<vmem>>
      tpu.wait_dma2 semaphore(%run_scoped3A : memref<!tpu.dma_semaphore, #tpu.memory_space<semaphore_mem>>) src(%dma_wait3A_64 : memref<128x128xf32, #tpu.memory_space<vmem>>) dst(%dma_wait3A_61 : memref<128x128xf32, #tpu.memory_space<vmem_shared>>)
      tpu.yield
    }) : () -> ()
    %add3A_11 = arith.constant 128 : i32
    %add3A_12 = arith.addi %mul3A_8, %add3A_11 : i32
    "tpu.region"() ({
      %run_scoped3A = tpu.sem_alloc : memref<!tpu.dma_semaphore, #tpu.memory_space<semaphore_mem>>
      %dma_start3A = arith.constant 0 : i32
      %dma_start3A_47 = arith.constant 0 : i32
      %dma_start3A_48 = tpu.memref_slice %arg9[%dma_start3A, %dma_start3A_47] : memref<128x128xf32, #tpu.memory_space<vmem>> -> memref<128x128xf32, #tpu.memory_space<vmem>>
      %dma_start3A_49 = arith.constant 0 : i32
      %dma_start3A_50 = tpu.memref_slice %arg11[%add3A_12, %dma_start3A_49] : memref<10112x128xf32, #tpu.memory_space<vmem_shared>> -> memref<128x128xf32, #tpu.memory_space<vmem_shared>>
      %dma_start3A_51 = arith.constant 0 : i32
      %dma_start3A_52 = tpu.memref_slice %arg11[%add3A_12, %dma_start3A_51] : memref<10112x128xf32, #tpu.memory_space<vmem_shared>> -> memref<128x128xf32, #tpu.memory_space<vmem_shared>>
      %dma_start3A_53 = arith.constant 0 : i32
      %dma_start3A_54 = arith.constant 0 : i32
      %dma_start3A_55 = tpu.memref_slice %arg9[%dma_start3A_53, %dma_start3A_54] : memref<128x128xf32, #tpu.memory_space<vmem>> -> memref<128x128xf32, #tpu.memory_space<vmem>>
      tpu.enqueue_dma source(%dma_start3A_55 : memref<128x128xf32, #tpu.memory_space<vmem>>) target(%dma_start3A_52 : memref<128x128xf32, #tpu.memory_space<vmem_shared>>) target_semaphore(%run_scoped3A : memref<!tpu.dma_semaphore, #tpu.memory_space<semaphore_mem>>)
      %dma_wait3A = arith.constant 0 : i32
      %dma_wait3A_56 = arith.constant 0 : i32
      %dma_wait3A_57 = tpu.memref_slice %arg9[%dma_wait3A, %dma_wait3A_56] : memref<128x128xf32, #tpu.memory_space<vmem>> -> memref<128x128xf32, #tpu.memory_space<vmem>>
      %dma_wait3A_58 = arith.constant 0 : i32
      %dma_wait3A_59 = tpu.memref_slice %arg11[%add3A_12, %dma_wait3A_58] : memref<10112x128xf32, #tpu.memory_space<vmem_shared>> -> memref<128x128xf32, #tpu.memory_space<vmem_shared>>
      %dma_wait3A_60 = arith.constant 0 : i32
      %dma_wait3A_61 = tpu.memref_slice %arg11[%add3A_12, %dma_wait3A_60] : memref<10112x128xf32, #tpu.memory_space<vmem_shared>> -> memref<128x128xf32, #tpu.memory_space<vmem_shared>>
      %dma_wait3A_62 = arith.constant 0 : i32
      %dma_wait3A_63 = arith.constant 0 : i32
      %dma_wait3A_64 = tpu.memref_slice %arg9[%dma_wait3A_62, %dma_wait3A_63] : memref<128x128xf32, #tpu.memory_space<vmem>> -> memref<128x128xf32, #tpu.memory_space<vmem>>
      tpu.wait_dma2 semaphore(%run_scoped3A : memref<!tpu.dma_semaphore, #tpu.memory_space<semaphore_mem>>) src(%dma_wait3A_64 : memref<128x128xf32, #tpu.memory_space<vmem>>) dst(%dma_wait3A_61 : memref<128x128xf32, #tpu.memory_space<vmem_shared>>)
      tpu.yield
    }) : () -> ()
    %add3A_13 = arith.constant 256 : i32
    %add3A_14 = arith.addi %mul3A_8, %add3A_13 : i32
    "tpu.region"() ({
      %run_scoped3A = tpu.sem_alloc : memref<!tpu.dma_semaphore, #tpu.memory_space<semaphore_mem>>
      %dma_start3A = arith.constant 0 : i32
      %dma_start3A_47 = arith.constant 0 : i32
      %dma_start3A_48 = tpu.memref_slice %arg9[%dma_start3A, %dma_start3A_47] : memref<128x128xf32, #tpu.memory_space<vmem>> -> memref<128x128xf32, #tpu.memory_space<vmem>>
      %dma_start3A_49 = arith.constant 0 : i32
      %dma_start3A_50 = tpu.memref_slice %arg11[%add3A_14, %dma_start3A_49] : memref<10112x128xf32, #tpu.memory_space<vmem_shared>> -> memref<128x128xf32, #tpu.memory_space<vmem_shared>>
      %dma_start3A_51 = arith.constant 0 : i32
      %dma_start3A_52 = tpu.memref_slice %arg11[%add3A_14, %dma_start3A_51] : memref<10112x128xf32, #tpu.memory_space<vmem_shared>> -> memref<128x128xf32, #tpu.memory_space<vmem_shared>>
      %dma_start3A_53 = arith.constant 0 : i32
      %dma_start3A_54 = arith.constant 0 : i32
      %dma_start3A_55 = tpu.memref_slice %arg9[%dma_start3A_53, %dma_start3A_54] : memref<128x128xf32, #tpu.memory_space<vmem>> -> memref<128x128xf32, #tpu.memory_space<vmem>>
      tpu.enqueue_dma source(%dma_start3A_55 : memref<128x128xf32, #tpu.memory_space<vmem>>) target(%dma_start3A_52 : memref<128x128xf32, #tpu.memory_space<vmem_shared>>) target_semaphore(%run_scoped3A : memref<!tpu.dma_semaphore, #tpu.memory_space<semaphore_mem>>)
      %dma_wait3A = arith.constant 0 : i32
      %dma_wait3A_56 = arith.constant 0 : i32
      %dma_wait3A_57 = tpu.memref_slice %arg9[%dma_wait3A, %dma_wait3A_56] : memref<128x128xf32, #tpu.memory_space<vmem>> -> memref<128x128xf32, #tpu.memory_space<vmem>>
      %dma_wait3A_58 = arith.constant 0 : i32
      %dma_wait3A_59 = tpu.memref_slice %arg11[%add3A_14, %dma_wait3A_58] : memref<10112x128xf32, #tpu.memory_space<vmem_shared>> -> memref<128x128xf32, #tpu.memory_space<vmem_shared>>
      %dma_wait3A_60 = arith.constant 0 : i32
      %dma_wait3A_61 = tpu.memref_slice %arg11[%add3A_14, %dma_wait3A_60] : memref<10112x128xf32, #tpu.memory_space<vmem_shared>> -> memref<128x128xf32, #tpu.memory_space<vmem_shared>>
      %dma_wait3A_62 = arith.constant 0 : i32
      %dma_wait3A_63 = arith.constant 0 : i32
      %dma_wait3A_64 = tpu.memref_slice %arg9[%dma_wait3A_62, %dma_wait3A_63] : memref<128x128xf32, #tpu.memory_space<vmem>> -> memref<128x128xf32, #tpu.memory_space<vmem>>
      tpu.wait_dma2 semaphore(%run_scoped3A : memref<!tpu.dma_semaphore, #tpu.memory_space<semaphore_mem>>) src(%dma_wait3A_64 : memref<128x128xf32, #tpu.memory_space<vmem>>) dst(%dma_wait3A_61 : memref<128x128xf32, #tpu.memory_space<vmem_shared>>)
      tpu.yield
    }) : () -> ()
    %add3A_15 = arith.constant 384 : i32
    %add3A_16 = arith.addi %mul3A_8, %add3A_15 : i32
    "tpu.region"() ({
      %run_scoped3A = tpu.sem_alloc : memref<!tpu.dma_semaphore, #tpu.memory_space<semaphore_mem>>
      %dma_start3A = arith.constant 0 : i32
      %dma_start3A_47 = arith.constant 0 : i32
      %dma_start3A_48 = tpu.memref_slice %arg9[%dma_start3A, %dma_start3A_47] : memref<128x128xf32, #tpu.memory_space<vmem>> -> memref<128x128xf32, #tpu.memory_space<vmem>>
      %dma_start3A_49 = arith.constant 0 : i32
      %dma_start3A_50 = tpu.memref_slice %arg11[%add3A_16, %dma_start3A_49] : memref<10112x128xf32, #tpu.memory_space<vmem_shared>> -> memref<128x128xf32, #tpu.memory_space<vmem_shared>>
      %dma_start3A_51 = arith.constant 0 : i32
      %dma_start3A_52 = tpu.memref_slice %arg11[%add3A_16, %dma_start3A_51] : memref<10112x128xf32, #tpu.memory_space<vmem_shared>> -> memref<128x128xf32, #tpu.memory_space<vmem_shared>>
      %dma_start3A_53 = arith.constant 0 : i32
      %dma_start3A_54 = arith.constant 0 : i32
      %dma_start3A_55 = tpu.memref_slice %arg9[%dma_start3A_53, %dma_start3A_54] : memref<128x128xf32, #tpu.memory_space<vmem>> -> memref<128x128xf32, #tpu.memory_space<vmem>>
      tpu.enqueue_dma source(%dma_start3A_55 : memref<128x128xf32, #tpu.memory_space<vmem>>) target(%dma_start3A_52 : memref<128x128xf32, #tpu.memory_space<vmem_shared>>) target_semaphore(%run_scoped3A : memref<!tpu.dma_semaphore, #tpu.memory_space<semaphore_mem>>)
      %dma_wait3A = arith.constant 0 : i32
      %dma_wait3A_56 = arith.constant 0 : i32
      %dma_wait3A_57 = tpu.memref_slice %arg9[%dma_wait3A, %dma_wait3A_56] : memref<128x128xf32, #tpu.memory_space<vmem>> -> memref<128x128xf32, #tpu.memory_space<vmem>>
      %dma_wait3A_58 = arith.constant 0 : i32
      %dma_wait3A_59 = tpu.memref_slice %arg11[%add3A_16, %dma_wait3A_58] : memref<10112x128xf32, #tpu.memory_space<vmem_shared>> -> memref<128x128xf32, #tpu.memory_space<vmem_shared>>
      %dma_wait3A_60 = arith.constant 0 : i32
      %dma_wait3A_61 = tpu.memref_slice %arg11[%add3A_16, %dma_wait3A_60] : memref<10112x128xf32, #tpu.memory_space<vmem_shared>> -> memref<128x128xf32, #tpu.memory_space<vmem_shared>>
      %dma_wait3A_62 = arith.constant 0 : i32
      %dma_wait3A_63 = arith.constant 0 : i32
      %dma_wait3A_64 = tpu.memref_slice %arg9[%dma_wait3A_62, %dma_wait3A_63] : memref<128x128xf32, #tpu.memory_space<vmem>> -> memref<128x128xf32, #tpu.memory_space<vmem>>
      tpu.wait_dma2 semaphore(%run_scoped3A : memref<!tpu.dma_semaphore, #tpu.memory_space<semaphore_mem>>) src(%dma_wait3A_64 : memref<128x128xf32, #tpu.memory_space<vmem>>) dst(%dma_wait3A_61 : memref<128x128xf32, #tpu.memory_space<vmem_shared>>)
      tpu.yield
    }) : () -> ()
    %add3A_17 = arith.constant 512 : i32
    %add3A_18 = arith.addi %mul3A_8, %add3A_17 : i32
    "tpu.region"() ({
      %run_scoped3A = tpu.sem_alloc : memref<!tpu.dma_semaphore, #tpu.memory_space<semaphore_mem>>
      %dma_start3A = arith.constant 0 : i32
      %dma_start3A_47 = arith.constant 0 : i32
      %dma_start3A_48 = tpu.memref_slice %arg9[%dma_start3A, %dma_start3A_47] : memref<128x128xf32, #tpu.memory_space<vmem>> -> memref<120x128xf32, #tpu.memory_space<vmem>>
      %dma_start3A_49 = arith.constant 0 : i32
      %dma_start3A_50 = tpu.memref_slice %arg11[%add3A_18, %dma_start3A_49] : memref<10112x128xf32, #tpu.memory_space<vmem_shared>> -> memref<120x128xf32, #tpu.memory_space<vmem_shared>>
      %dma_start3A_51 = arith.constant 0 : i32
      %dma_start3A_52 = tpu.memref_slice %arg11[%add3A_18, %dma_start3A_51] : memref<10112x128xf32, #tpu.memory_space<vmem_shared>> -> memref<120x128xf32, #tpu.memory_space<vmem_shared>>
      %dma_start3A_53 = arith.constant 0 : i32
      %dma_start3A_54 = arith.constant 0 : i32
      %dma_start3A_55 = tpu.memref_slice %arg9[%dma_start3A_53, %dma_start3A_54] : memref<128x128xf32, #tpu.memory_space<vmem>> -> memref<120x128xf32, #tpu.memory_space<vmem>>
      tpu.enqueue_dma source(%dma_start3A_55 : memref<120x128xf32, #tpu.memory_space<vmem>>) target(%dma_start3A_52 : memref<120x128xf32, #tpu.memory_space<vmem_shared>>) target_semaphore(%run_scoped3A : memref<!tpu.dma_semaphore, #tpu.memory_space<semaphore_mem>>)
      %dma_wait3A = arith.constant 0 : i32
      %dma_wait3A_56 = arith.constant 0 : i32
      %dma_wait3A_57 = tpu.memref_slice %arg9[%dma_wait3A, %dma_wait3A_56] : memref<128x128xf32, #tpu.memory_space<vmem>> -> memref<120x128xf32, #tpu.memory_space<vmem>>
      %dma_wait3A_58 = arith.constant 0 : i32
      %dma_wait3A_59 = tpu.memref_slice %arg11[%add3A_18, %dma_wait3A_58] : memref<10112x128xf32, #tpu.memory_space<vmem_shared>> -> memref<120x128xf32, #tpu.memory_space<vmem_shared>>
      %dma_wait3A_60 = arith.constant 0 : i32
      %dma_wait3A_61 = tpu.memref_slice %arg11[%add3A_18, %dma_wait3A_60] : memref<10112x128xf32, #tpu.memory_space<vmem_shared>> -> memref<120x128xf32, #tpu.memory_space<vmem_shared>>
      %dma_wait3A_62 = arith.constant 0 : i32
      %dma_wait3A_63 = arith.constant 0 : i32
      %dma_wait3A_64 = tpu.memref_slice %arg9[%dma_wait3A_62, %dma_wait3A_63] : memref<128x128xf32, #tpu.memory_space<vmem>> -> memref<120x128xf32, #tpu.memory_space<vmem>>
      tpu.wait_dma2 semaphore(%run_scoped3A : memref<!tpu.dma_semaphore, #tpu.memory_space<semaphore_mem>>) src(%dma_wait3A_64 : memref<120x128xf32, #tpu.memory_space<vmem>>) dst(%dma_wait3A_61 : memref<120x128xf32, #tpu.memory_space<vmem_shared>>)
      tpu.yield
    }) : () -> ()
    %barrier3A = arith.constant 0 : index
    tpu.barrier barrier_id(%barrier3A)
    %eq3A = arith.constant 0 : i32
    %eq3A_19 = arith.cmpi eq, %arg0, %eq3A : i32
    %convert_element_type3A = arith.extui %eq3A_19 : i1 to i32
    %cond3A = arith.constant 0 : i32
    %cond3A_20 = arith.cmpi ne, %convert_element_type3A, %cond3A : i32
    scf.if %cond3A_20 {
      %dma_start3A = arith.constant 0 : i32
      %dma_start3A_47 = arith.constant 0 : i32
      %dma_start3A_48 = arith.constant 0 : i32
      %dma_start3A_49 = arith.constant 0 : i32
      %dma_start3A_50 = tpu.memref_slice %arg7[%dma_start3A_47, %dma_start3A_48, %dma_start3A_49] : memref<2x4x128xi32, #tpu.memory_space<vmem>> -> memref<1x4x128xi32, #tpu.memory_space<vmem>>
      %dma_start3A_51 = tpu.memref_squeeze %dma_start3A_50 : memref<1x4x128xi32, #tpu.memory_space<vmem>> -> memref<4x128xi32, #tpu.memory_space<vmem>>
      %dma_start3A_52 = arith.constant 0 : i32
      %dma_start3A_53 = arith.constant 0 : i32
      %dma_start3A_54 = tpu.memref_slice %arg3[%add3A, %dma_start3A, %dma_start3A_52, %dma_start3A_53] : memref<32x41x4x128xi32, #tpu.memory_space<hbm>> -> memref<1x1x4x128xi32, #tpu.memory_space<hbm>>
      %dma_start3A_55 = tpu.memref_squeeze %dma_start3A_54 : memref<1x1x4x128xi32, #tpu.memory_space<hbm>> -> memref<4x128xi32, #tpu.memory_space<hbm>>
      %dma_start3A_56 = arith.constant 0 : i32
      %dma_start3A_57 = arith.constant 0 : i32
      %dma_start3A_58 = tpu.memref_slice %arg7[%dma_start3A_47, %dma_start3A_56, %dma_start3A_57] : memref<2x4x128xi32, #tpu.memory_space<vmem>> -> memref<1x4x128xi32, #tpu.memory_space<vmem>>
      %dma_start3A_59 = tpu.memref_squeeze %dma_start3A_58 : memref<1x4x128xi32, #tpu.memory_space<vmem>> -> memref<4x128xi32, #tpu.memory_space<vmem>>
      %dma_start3A_60 = arith.constant 0 : i32
      %dma_start3A_61 = arith.constant 0 : i32
      %dma_start3A_62 = tpu.memref_slice %arg3[%add3A, %dma_start3A, %dma_start3A_60, %dma_start3A_61] : memref<32x41x4x128xi32, #tpu.memory_space<hbm>> -> memref<1x1x4x128xi32, #tpu.memory_space<hbm>>
      %dma_start3A_63 = tpu.memref_squeeze %dma_start3A_62 : memref<1x1x4x128xi32, #tpu.memory_space<hbm>> -> memref<4x128xi32, #tpu.memory_space<hbm>>
      tpu.enqueue_dma source(%dma_start3A_63 : memref<4x128xi32, #tpu.memory_space<hbm>>) target(%dma_start3A_59 : memref<4x128xi32, #tpu.memory_space<vmem>>) target_semaphore(%arg14 : memref<!tpu.dma_semaphore, #tpu.memory_space<semaphore_mem>>)
      %dma_start3A_64 = arith.constant 0 : i32
      %dma_start3A_65 = arith.constant 0 : i32
      %dma_start3A_66 = arith.constant 0 : i32
      %dma_start3A_67 = arith.constant 0 : i32
      %dma_start3A_68 = tpu.memref_slice %arg8[%dma_start3A_65, %dma_start3A_66, %dma_start3A_67] : memref<2x4x128xi32, #tpu.memory_space<vmem>> -> memref<1x4x128xi32, #tpu.memory_space<vmem>>
      %dma_start3A_69 = tpu.memref_squeeze %dma_start3A_68 : memref<1x4x128xi32, #tpu.memory_space<vmem>> -> memref<4x128xi32, #tpu.memory_space<vmem>>
      %dma_start3A_70 = arith.constant 0 : i32
      %dma_start3A_71 = arith.constant 0 : i32
      %dma_start3A_72 = tpu.memref_slice %arg4[%add3A, %dma_start3A_64, %dma_start3A_70, %dma_start3A_71] : memref<32x41x4x128xi32, #tpu.memory_space<hbm>> -> memref<1x1x4x128xi32, #tpu.memory_space<hbm>>
      %dma_start3A_73 = tpu.memref_squeeze %dma_start3A_72 : memref<1x1x4x128xi32, #tpu.memory_space<hbm>> -> memref<4x128xi32, #tpu.memory_space<hbm>>
      %dma_start3A_74 = arith.constant 0 : i32
      %dma_start3A_75 = arith.constant 0 : i32
      %dma_start3A_76 = tpu.memref_slice %arg8[%dma_start3A_65, %dma_start3A_74, %dma_start3A_75] : memref<2x4x128xi32, #tpu.memory_space<vmem>> -> memref<1x4x128xi32, #tpu.memory_space<vmem>>
      %dma_start3A_77 = tpu.memref_squeeze %dma_start3A_76 : memref<1x4x128xi32, #tpu.memory_space<vmem>> -> memref<4x128xi32, #tpu.memory_space<vmem>>
      %dma_start3A_78 = arith.constant 0 : i32
      %dma_start3A_79 = arith.constant 0 : i32
      %dma_start3A_80 = tpu.memref_slice %arg4[%add3A, %dma_start3A_64, %dma_start3A_78, %dma_start3A_79] : memref<32x41x4x128xi32, #tpu.memory_space<hbm>> -> memref<1x1x4x128xi32, #tpu.memory_space<hbm>>
      %dma_start3A_81 = tpu.memref_squeeze %dma_start3A_80 : memref<1x1x4x128xi32, #tpu.memory_space<hbm>> -> memref<4x128xi32, #tpu.memory_space<hbm>>
      tpu.enqueue_dma source(%dma_start3A_81 : memref<4x128xi32, #tpu.memory_space<hbm>>) target(%dma_start3A_77 : memref<4x128xi32, #tpu.memory_space<vmem>>) target_semaphore(%arg14 : memref<!tpu.dma_semaphore, #tpu.memory_space<semaphore_mem>>)
      %dma_wait3A = arith.constant 0 : i32
      %dma_wait3A_82 = arith.constant 0 : i32
      %dma_wait3A_83 = arith.constant 0 : i32
      %dma_wait3A_84 = arith.constant 0 : i32
      %dma_wait3A_85 = tpu.memref_slice %arg7[%dma_wait3A_82, %dma_wait3A_83, %dma_wait3A_84] : memref<2x4x128xi32, #tpu.memory_space<vmem>> -> memref<1x4x128xi32, #tpu.memory_space<vmem>>
      %dma_wait3A_86 = tpu.memref_squeeze %dma_wait3A_85 : memref<1x4x128xi32, #tpu.memory_space<vmem>> -> memref<4x128xi32, #tpu.memory_space<vmem>>
      %dma_wait3A_87 = arith.constant 0 : i32
      %dma_wait3A_88 = arith.constant 0 : i32
      %dma_wait3A_89 = tpu.memref_slice %arg3[%add3A, %dma_wait3A, %dma_wait3A_87, %dma_wait3A_88] : memref<32x41x4x128xi32, #tpu.memory_space<hbm>> -> memref<1x1x4x128xi32, #tpu.memory_space<hbm>>
      %dma_wait3A_90 = tpu.memref_squeeze %dma_wait3A_89 : memref<1x1x4x128xi32, #tpu.memory_space<hbm>> -> memref<4x128xi32, #tpu.memory_space<hbm>>
      %dma_wait3A_91 = arith.constant 0 : i32
      %dma_wait3A_92 = arith.constant 0 : i32
      %dma_wait3A_93 = tpu.memref_slice %arg7[%dma_wait3A_82, %dma_wait3A_91, %dma_wait3A_92] : memref<2x4x128xi32, #tpu.memory_space<vmem>> -> memref<1x4x128xi32, #tpu.memory_space<vmem>>
      %dma_wait3A_94 = tpu.memref_squeeze %dma_wait3A_93 : memref<1x4x128xi32, #tpu.memory_space<vmem>> -> memref<4x128xi32, #tpu.memory_space<vmem>>
      %dma_wait3A_95 = arith.constant 0 : i32
      %dma_wait3A_96 = arith.constant 0 : i32
      %dma_wait3A_97 = tpu.memref_slice %arg3[%add3A, %dma_wait3A, %dma_wait3A_95, %dma_wait3A_96] : memref<32x41x4x128xi32, #tpu.memory_space<hbm>> -> memref<1x1x4x128xi32, #tpu.memory_space<hbm>>
      %dma_wait3A_98 = tpu.memref_squeeze %dma_wait3A_97 : memref<1x1x4x128xi32, #tpu.memory_space<hbm>> -> memref<4x128xi32, #tpu.memory_space<hbm>>
      tpu.wait_dma2 semaphore(%arg14 : memref<!tpu.dma_semaphore, #tpu.memory_space<semaphore_mem>>) src(%dma_wait3A_98 : memref<4x128xi32, #tpu.memory_space<hbm>>) dst(%dma_wait3A_94 : memref<4x128xi32, #tpu.memory_space<vmem>>)
      %dma_wait3A_99 = arith.constant 0 : i32
      %dma_wait3A_100 = arith.constant 0 : i32
      %dma_wait3A_101 = arith.constant 0 : i32
      %dma_wait3A_102 = arith.constant 0 : i32
      %dma_wait3A_103 = tpu.memref_slice %arg8[%dma_wait3A_100, %dma_wait3A_101, %dma_wait3A_102] : memref<2x4x128xi32, #tpu.memory_space<vmem>> -> memref<1x4x128xi32, #tpu.memory_space<vmem>>
      %dma_wait3A_104 = tpu.memref_squeeze %dma_wait3A_103 : memref<1x4x128xi32, #tpu.memory_space<vmem>> -> memref<4x128xi32, #tpu.memory_space<vmem>>
      %dma_wait3A_105 = arith.constant 0 : i32
      %dma_wait3A_106 = arith.constant 0 : i32
      %dma_wait3A_107 = tpu.memref_slice %arg4[%add3A, %dma_wait3A_99, %dma_wait3A_105, %dma_wait3A_106] : memref<32x41x4x128xi32, #tpu.memory_space<hbm>> -> memref<1x1x4x128xi32, #tpu.memory_space<hbm>>
      %dma_wait3A_108 = tpu.memref_squeeze %dma_wait3A_107 : memref<1x1x4x128xi32, #tpu.memory_space<hbm>> -> memref<4x128xi32, #tpu.memory_space<hbm>>
      %dma_wait3A_109 = arith.constant 0 : i32
      %dma_wait3A_110 = arith.constant 0 : i32
      %dma_wait3A_111 = tpu.memref_slice %arg8[%dma_wait3A_100, %dma_wait3A_109, %dma_wait3A_110] : memref<2x4x128xi32, #tpu.memory_space<vmem>> -> memref<1x4x128xi32, #tpu.memory_space<vmem>>
      %dma_wait3A_112 = tpu.memref_squeeze %dma_wait3A_111 : memref<1x4x128xi32, #tpu.memory_space<vmem>> -> memref<4x128xi32, #tpu.memory_space<vmem>>
      %dma_wait3A_113 = arith.constant 0 : i32
      %dma_wait3A_114 = arith.constant 0 : i32
      %dma_wait3A_115 = tpu.memref_slice %arg4[%add3A, %dma_wait3A_99, %dma_wait3A_113, %dma_wait3A_114] : memref<32x41x4x128xi32, #tpu.memory_space<hbm>> -> memref<1x1x4x128xi32, #tpu.memory_space<hbm>>
      %dma_wait3A_116 = tpu.memref_squeeze %dma_wait3A_115 : memref<1x1x4x128xi32, #tpu.memory_space<hbm>> -> memref<4x128xi32, #tpu.memory_space<hbm>>
      tpu.wait_dma2 semaphore(%arg14 : memref<!tpu.dma_semaphore, #tpu.memory_space<semaphore_mem>>) src(%dma_wait3A_116 : memref<4x128xi32, #tpu.memory_space<hbm>>) dst(%dma_wait3A_112 : memref<4x128xi32, #tpu.memory_space<vmem>>)
      %dma_start3A_117 = arith.constant 0 : i32
      %dma_start3A_118 = arith.constant 0 : i32
      %dma_start3A_119 = arith.constant 0 : i32
      %dma_start3A_120 = tpu.memref_slice %arg7[%dma_start3A_117, %dma_start3A_118, %dma_start3A_119] : memref<2x4x128xi32, #tpu.memory_space<vmem>> -> memref<1x1x128xi32, #tpu.memory_space<vmem>>
      %dma_start3A_121 = tpu.memref_squeeze %dma_start3A_120 : memref<1x1x128xi32, #tpu.memory_space<vmem>> -> memref<128xi32, #tpu.memory_space<vmem>>
      %dma_start3A_122 = arith.constant 0 : i32
      %dma_start3A_123 = arith.constant 0 : i32
      %dma_start3A_124 = tpu.memref_slice %arg2[%dma_start3A_122, %dma_start3A_123] : memref<10000x128xf32, #tpu.memory_space<hbm>> -> memref<10000x128xf32, #tpu.memory_space<hbm>>
      tpu.enqueue_indirect_dma source(%dma_start3A_124 : memref<10000x128xf32, #tpu.memory_space<hbm>>) target(%arg9 : memref<128x128xf32, #tpu.memory_space<vmem>>) offsets(%dma_start3A_121 : memref<128xi32, #tpu.memory_space<vmem>>) semaphore(%arg12 : memref<!tpu.dma_semaphore, #tpu.memory_space<semaphore_mem>>)
      %scan3A_125 = arith.constant 0 : i32
      %scan3A_126 = arith.constant 0 : i32
      %scan3A_127 = arith.constant 20 : i32
      %scan3A_128 = arith.addi %scan3A_126, %scan3A_127 : i32
      %scan3A_129 = arith.constant 1 : i32
      %scan3A_130 = scf.for %scan3A_140 = %scan3A_126 to %scan3A_128 step %scan3A_129 iter_args(%scan3A_141 = %scan3A_125) -> (i32)  : i32 {
        %mul3A_142 = arith.constant 2 : i32
        %mul3A_143 = arith.muli %mul3A_142, %scan3A_140 : i32
        %add3A_144 = arith.constant 1 : i32
        %add3A_145 = arith.addi %mul3A_143, %add3A_144 : i32
        %dma_start3A_146 = arith.constant 1 : i32
        %dma_start3A_147 = arith.constant 0 : i32
        %dma_start3A_148 = arith.constant 0 : i32
        %dma_start3A_149 = tpu.memref_slice %arg7[%dma_start3A_146, %dma_start3A_147, %dma_start3A_148] : memref<2x4x128xi32, #tpu.memory_space<vmem>> -> memref<1x4x128xi32, #tpu.memory_space<vmem>>
        %dma_start3A_150 = tpu.memref_squeeze %dma_start3A_149 : memref<1x4x128xi32, #tpu.memory_space<vmem>> -> memref<4x128xi32, #tpu.memory_space<vmem>>
        %dma_start3A_151 = arith.constant 0 : i32
        %dma_start3A_152 = arith.constant 0 : i32
        %dma_start3A_153 = tpu.memref_slice %arg3[%add3A, %add3A_145, %dma_start3A_151, %dma_start3A_152] : memref<32x41x4x128xi32, #tpu.memory_space<hbm>> -> memref<1x1x4x128xi32, #tpu.memory_space<hbm>>
        %dma_start3A_154 = tpu.memref_squeeze %dma_start3A_153 : memref<1x1x4x128xi32, #tpu.memory_space<hbm>> -> memref<4x128xi32, #tpu.memory_space<hbm>>
        %dma_start3A_155 = arith.constant 0 : i32
        %dma_start3A_156 = arith.constant 0 : i32
        %dma_start3A_157 = tpu.memref_slice %arg7[%dma_start3A_146, %dma_start3A_155, %dma_start3A_156] : memref<2x4x128xi32, #tpu.memory_space<vmem>> -> memref<1x4x128xi32, #tpu.memory_space<vmem>>
        %dma_start3A_158 = tpu.memref_squeeze %dma_start3A_157 : memref<1x4x128xi32, #tpu.memory_space<vmem>> -> memref<4x128xi32, #tpu.memory_space<vmem>>
        %dma_start3A_159 = arith.constant 0 : i32
        %dma_start3A_160 = arith.constant 0 : i32
        %dma_start3A_161 = tpu.memref_slice %arg3[%add3A, %add3A_145, %dma_start3A_159, %dma_start3A_160] : memref<32x41x4x128xi32, #tpu.memory_space<hbm>> -> memref<1x1x4x128xi32, #tpu.memory_space<hbm>>
        %dma_start3A_162 = tpu.memref_squeeze %dma_start3A_161 : memref<1x1x4x128xi32, #tpu.memory_space<hbm>> -> memref<4x128xi32, #tpu.memory_space<hbm>>
        tpu.enqueue_dma source(%dma_start3A_162 : memref<4x128xi32, #tpu.memory_space<hbm>>) target(%dma_start3A_158 : memref<4x128xi32, #tpu.memory_space<vmem>>) target_semaphore(%arg15 : memref<!tpu.dma_semaphore, #tpu.memory_space<semaphore_mem>>)
        %dma_start3A_163 = arith.constant 1 : i32
        %dma_start3A_164 = arith.constant 0 : i32
        %dma_start3A_165 = arith.constant 0 : i32
        %dma_start3A_166 = tpu.memref_slice %arg8[%dma_start3A_163, %dma_start3A_164, %dma_start3A_165] : memref<2x4x128xi32, #tpu.memory_space<vmem>> -> memref<1x4x128xi32, #tpu.memory_space<vmem>>
        %dma_start3A_167 = tpu.memref_squeeze %dma_start3A_166 : memref<1x4x128xi32, #tpu.memory_space<vmem>> -> memref<4x128xi32, #tpu.memory_space<vmem>>
        %dma_start3A_168 = arith.constant 0 : i32
        %dma_start3A_169 = arith.constant 0 : i32
        %dma_start3A_170 = tpu.memref_slice %arg4[%add3A, %add3A_145, %dma_start3A_168, %dma_start3A_169] : memref<32x41x4x128xi32, #tpu.memory_space<hbm>> -> memref<1x1x4x128xi32, #tpu.memory_space<hbm>>
        %dma_start3A_171 = tpu.memref_squeeze %dma_start3A_170 : memref<1x1x4x128xi32, #tpu.memory_space<hbm>> -> memref<4x128xi32, #tpu.memory_space<hbm>>
        %dma_start3A_172 = arith.constant 0 : i32
        %dma_start3A_173 = arith.constant 0 : i32
        %dma_start3A_174 = tpu.memref_slice %arg8[%dma_start3A_163, %dma_start3A_172, %dma_start3A_173] : memref<2x4x128xi32, #tpu.memory_space<vmem>> -> memref<1x4x128xi32, #tpu.memory_space<vmem>>
        %dma_start3A_175 = tpu.memref_squeeze %dma_start3A_174 : memref<1x4x128xi32, #tpu.memory_space<vmem>> -> memref<4x128xi32, #tpu.memory_space<vmem>>
        %dma_start3A_176 = arith.constant 0 : i32
        %dma_start3A_177 = arith.constant 0 : i32
        %dma_start3A_178 = tpu.memref_slice %arg4[%add3A, %add3A_145, %dma_start3A_176, %dma_start3A_177] : memref<32x41x4x128xi32, #tpu.memory_space<hbm>> -> memref<1x1x4x128xi32, #tpu.memory_space<hbm>>
        %dma_start3A_179 = tpu.memref_squeeze %dma_start3A_178 : memref<1x1x4x128xi32, #tpu.memory_space<hbm>> -> memref<4x128xi32, #tpu.memory_space<hbm>>
        tpu.enqueue_dma source(%dma_start3A_179 : memref<4x128xi32, #tpu.memory_space<hbm>>) target(%dma_start3A_175 : memref<4x128xi32, #tpu.memory_space<vmem>>) target_semaphore(%arg15 : memref<!tpu.dma_semaphore, #tpu.memory_space<semaphore_mem>>)
        %dma_start3A_180 = arith.constant 0 : i32
        %dma_start3A_181 = arith.constant 1 : i32
        %dma_start3A_182 = arith.constant 0 : i32
        %dma_start3A_183 = tpu.memref_slice %arg7[%dma_start3A_180, %dma_start3A_181, %dma_start3A_182] : memref<2x4x128xi32, #tpu.memory_space<vmem>> -> memref<1x1x128xi32, #tpu.memory_space<vmem>>
        %dma_start3A_184 = tpu.memref_squeeze %dma_start3A_183 : memref<1x1x128xi32, #tpu.memory_space<vmem>> -> memref<128xi32, #tpu.memory_space<vmem>>
        %dma_start3A_185 = arith.constant 0 : i32
        %dma_start3A_186 = arith.constant 0 : i32
        %dma_start3A_187 = tpu.memref_slice %arg2[%dma_start3A_185, %dma_start3A_186] : memref<10000x128xf32, #tpu.memory_space<hbm>> -> memref<10000x128xf32, #tpu.memory_space<hbm>>
        tpu.enqueue_indirect_dma source(%dma_start3A_187 : memref<10000x128xf32, #tpu.memory_space<hbm>>) target(%arg10 : memref<128x128xf32, #tpu.memory_space<vmem>>) offsets(%dma_start3A_184 : memref<128xi32, #tpu.memory_space<vmem>>) semaphore(%arg13 : memref<!tpu.dma_semaphore, #tpu.memory_space<semaphore_mem>>)
        %dma_wait3A_188 = arith.constant 0 : i32
        %dma_wait3A_189 = arith.constant 0 : i32
        %dma_wait3A_190 = arith.constant 0 : i32
        %dma_wait3A_191 = tpu.memref_slice %arg7[%dma_wait3A_188, %dma_wait3A_189, %dma_wait3A_190] : memref<2x4x128xi32, #tpu.memory_space<vmem>> -> memref<1x1x128xi32, #tpu.memory_space<vmem>>
        %dma_wait3A_192 = tpu.memref_squeeze %dma_wait3A_191 : memref<1x1x128xi32, #tpu.memory_space<vmem>> -> memref<128xi32, #tpu.memory_space<vmem>>
        %dma_wait3A_193 = arith.constant 0 : i32
        %dma_wait3A_194 = arith.constant 0 : i32
        %dma_wait3A_195 = tpu.memref_slice %arg2[%dma_wait3A_193, %dma_wait3A_194] : memref<10000x128xf32, #tpu.memory_space<hbm>> -> memref<10000x128xf32, #tpu.memory_space<hbm>>
        tpu.wait_indirect_dma semaphore(%arg12 : memref<!tpu.dma_semaphore, #tpu.memory_space<semaphore_mem>>) src(%dma_wait3A_195 : memref<10000x128xf32, #tpu.memory_space<hbm>>) dst(%arg9 : memref<128x128xf32, #tpu.memory_space<vmem>>)
        %run_scoped3A = arith.constant 0 : i32
        %run_scoped3A_196 = arith.constant 0 : i32
        "tpu.region"() ({
          %run_scoped3A_434 = tpu.sem_alloc : memref<!tpu.dma_semaphore, #tpu.memory_space<semaphore_mem>>
          %dma_start3A_435 = arith.constant 0 : i32
          %dma_start3A_436 = tpu.memref_slice %arg8[%run_scoped3A, %run_scoped3A_196, %dma_start3A_435] : memref<2x4x128xi32, #tpu.memory_space<vmem>> -> memref<1x1x128xi32, #tpu.memory_space<vmem>>
          %dma_start3A_437 = tpu.memref_squeeze %dma_start3A_436 : memref<1x1x128xi32, #tpu.memory_space<vmem>> -> memref<128xi32, #tpu.memory_space<vmem>>
          %dma_start3A_438 = arith.constant 0 : i32
          %dma_start3A_439 = arith.constant 0 : i32
          %dma_start3A_440 = tpu.memref_slice %arg11[%dma_start3A_438, %dma_start3A_439] : memref<10112x128xf32, #tpu.memory_space<vmem_shared>> -> memref<10112x128xf32, #tpu.memory_space<vmem_shared>>
          tpu.enqueue_indirect_dma source(%arg9 : memref<128x128xf32, #tpu.memory_space<vmem>>) target(%dma_start3A_440 : memref<10112x128xf32, #tpu.memory_space<vmem_shared>>) offsets(%dma_start3A_437 : memref<128xi32, #tpu.memory_space<vmem>>) semaphore(%run_scoped3A_434 : memref<!tpu.dma_semaphore, #tpu.memory_space<semaphore_mem>>) {add = true}
          %dma_wait3A_441 = arith.constant 0 : i32
          %dma_wait3A_442 = tpu.memref_slice %arg8[%run_scoped3A, %run_scoped3A_196, %dma_wait3A_441] : memref<2x4x128xi32, #tpu.memory_space<vmem>> -> memref<1x1x128xi32, #tpu.memory_space<vmem>>
          %dma_wait3A_443 = tpu.memref_squeeze %dma_wait3A_442 : memref<1x1x128xi32, #tpu.memory_space<vmem>> -> memref<128xi32, #tpu.memory_space<vmem>>
          %dma_wait3A_444 = arith.constant 0 : i32
          %dma_wait3A_445 = arith.constant 0 : i32
          %dma_wait3A_446 = tpu.memref_slice %arg11[%dma_wait3A_444, %dma_wait3A_445] : memref<10112x128xf32, #tpu.memory_space<vmem_shared>> -> memref<10112x128xf32, #tpu.memory_space<vmem_shared>>
          tpu.wait_indirect_dma semaphore(%run_scoped3A_434 : memref<!tpu.dma_semaphore, #tpu.memory_space<semaphore_mem>>) src(%arg9 : memref<128x128xf32, #tpu.memory_space<vmem>>) dst(%dma_wait3A_446 : memref<10112x128xf32, #tpu.memory_space<vmem_shared>>)
          tpu.yield
        }) : () -> ()
        %dma_start3A_197 = arith.constant 0 : i32
        %dma_start3A_198 = arith.constant 2 : i32
        %dma_start3A_199 = arith.constant 0 : i32
        %dma_start3A_200 = tpu.memref_slice %arg7[%dma_start3A_197, %dma_start3A_198, %dma_start3A_199] : memref<2x4x128xi32, #tpu.memory_space<vmem>> -> memref<1x1x128xi32, #tpu.memory_space<vmem>>
        %dma_start3A_201 = tpu.memref_squeeze %dma_start3A_200 : memref<1x1x128xi32, #tpu.memory_space<vmem>> -> memref<128xi32, #tpu.memory_space<vmem>>
        %dma_start3A_202 = arith.constant 0 : i32
        %dma_start3A_203 = arith.constant 0 : i32
        %dma_start3A_204 = tpu.memref_slice %arg2[%dma_start3A_202, %dma_start3A_203] : memref<10000x128xf32, #tpu.memory_space<hbm>> -> memref<10000x128xf32, #tpu.memory_space<hbm>>
        tpu.enqueue_indirect_dma source(%dma_start3A_204 : memref<10000x128xf32, #tpu.memory_space<hbm>>) target(%arg9 : memref<128x128xf32, #tpu.memory_space<vmem>>) offsets(%dma_start3A_201 : memref<128xi32, #tpu.memory_space<vmem>>) semaphore(%arg12 : memref<!tpu.dma_semaphore, #tpu.memory_space<semaphore_mem>>)
        %dma_wait3A_205 = arith.constant 0 : i32
        %dma_wait3A_206 = arith.constant 0 : i32
        %dma_wait3A_207 = arith.constant 0 : i32
        %dma_wait3A_208 = tpu.memref_slice %arg7[%dma_wait3A_205, %dma_wait3A_206, %dma_wait3A_207] : memref<2x4x128xi32, #tpu.memory_space<vmem>> -> memref<1x1x128xi32, #tpu.memory_space<vmem>>
        %dma_wait3A_209 = tpu.memref_squeeze %dma_wait3A_208 : memref<1x1x128xi32, #tpu.memory_space<vmem>> -> memref<128xi32, #tpu.memory_space<vmem>>
        %dma_wait3A_210 = arith.constant 0 : i32
        %dma_wait3A_211 = arith.constant 0 : i32
        %dma_wait3A_212 = tpu.memref_slice %arg2[%dma_wait3A_210, %dma_wait3A_211] : memref<10000x128xf32, #tpu.memory_space<hbm>> -> memref<10000x128xf32, #tpu.memory_space<hbm>>
        tpu.wait_indirect_dma semaphore(%arg13 : memref<!tpu.dma_semaphore, #tpu.memory_space<semaphore_mem>>) src(%dma_wait3A_212 : memref<10000x128xf32, #tpu.memory_space<hbm>>) dst(%arg10 : memref<128x128xf32, #tpu.memory_space<vmem>>)
        %run_scoped3A_213 = arith.constant 0 : i32
        %run_scoped3A_214 = arith.constant 1 : i32
        "tpu.region"() ({
          %run_scoped3A_434 = tpu.sem_alloc : memref<!tpu.dma_semaphore, #tpu.memory_space<semaphore_mem>>
          %dma_start3A_435 = arith.constant 0 : i32
          %dma_start3A_436 = tpu.memref_slice %arg8[%run_scoped3A_213, %run_scoped3A_214, %dma_start3A_435] : memref<2x4x128xi32, #tpu.memory_space<vmem>> -> memref<1x1x128xi32, #tpu.memory_space<vmem>>
          %dma_start3A_437 = tpu.memref_squeeze %dma_start3A_436 : memref<1x1x128xi32, #tpu.memory_space<vmem>> -> memref<128xi32, #tpu.memory_space<vmem>>
          %dma_start3A_438 = arith.constant 0 : i32
          %dma_start3A_439 = arith.constant 0 : i32
          %dma_start3A_440 = tpu.memref_slice %arg11[%dma_start3A_438, %dma_start3A_439] : memref<10112x128xf32, #tpu.memory_space<vmem_shared>> -> memref<10112x128xf32, #tpu.memory_space<vmem_shared>>
          tpu.enqueue_indirect_dma source(%arg10 : memref<128x128xf32, #tpu.memory_space<vmem>>) target(%dma_start3A_440 : memref<10112x128xf32, #tpu.memory_space<vmem_shared>>) offsets(%dma_start3A_437 : memref<128xi32, #tpu.memory_space<vmem>>) semaphore(%run_scoped3A_434 : memref<!tpu.dma_semaphore, #tpu.memory_space<semaphore_mem>>) {add = true}
          %dma_wait3A_441 = arith.constant 0 : i32
          %dma_wait3A_442 = tpu.memref_slice %arg8[%run_scoped3A_213, %run_scoped3A_214, %dma_wait3A_441] : memref<2x4x128xi32, #tpu.memory_space<vmem>> -> memref<1x1x128xi32, #tpu.memory_space<vmem>>
          %dma_wait3A_443 = tpu.memref_squeeze %dma_wait3A_442 : memref<1x1x128xi32, #tpu.memory_space<vmem>> -> memref<128xi32, #tpu.memory_space<vmem>>
          %dma_wait3A_444 = arith.constant 0 : i32
          %dma_wait3A_445 = arith.constant 0 : i32
          %dma_wait3A_446 = tpu.memref_slice %arg11[%dma_wait3A_444, %dma_wait3A_445] : memref<10112x128xf32, #tpu.memory_space<vmem_shared>> -> memref<10112x128xf32, #tpu.memory_space<vmem_shared>>
          tpu.wait_indirect_dma semaphore(%run_scoped3A_434 : memref<!tpu.dma_semaphore, #tpu.memory_space<semaphore_mem>>) src(%arg10 : memref<128x128xf32, #tpu.memory_space<vmem>>) dst(%dma_wait3A_446 : memref<10112x128xf32, #tpu.memory_space<vmem_shared>>)
          tpu.yield
        }) : () -> ()
        %dma_start3A_215 = arith.constant 0 : i32
        %dma_start3A_216 = arith.constant 3 : i32
        %dma_start3A_217 = arith.constant 0 : i32
        %dma_start3A_218 = tpu.memref_slice %arg7[%dma_start3A_215, %dma_start3A_216, %dma_start3A_217] : memref<2x4x128xi32, #tpu.memory_space<vmem>> -> memref<1x1x128xi32, #tpu.memory_space<vmem>>
        %dma_start3A_219 = tpu.memref_squeeze %dma_start3A_218 : memref<1x1x128xi32, #tpu.memory_space<vmem>> -> memref<128xi32, #tpu.memory_space<vmem>>
        %dma_start3A_220 = arith.constant 0 : i32
        %dma_start3A_221 = arith.constant 0 : i32
        %dma_start3A_222 = tpu.memref_slice %arg2[%dma_start3A_220, %dma_start3A_221] : memref<10000x128xf32, #tpu.memory_space<hbm>> -> memref<10000x128xf32, #tpu.memory_space<hbm>>
        tpu.enqueue_indirect_dma source(%dma_start3A_222 : memref<10000x128xf32, #tpu.memory_space<hbm>>) target(%arg10 : memref<128x128xf32, #tpu.memory_space<vmem>>) offsets(%dma_start3A_219 : memref<128xi32, #tpu.memory_space<vmem>>) semaphore(%arg13 : memref<!tpu.dma_semaphore, #tpu.memory_space<semaphore_mem>>)
        %dma_wait3A_223 = arith.constant 0 : i32
        %dma_wait3A_224 = arith.constant 0 : i32
        %dma_wait3A_225 = arith.constant 0 : i32
        %dma_wait3A_226 = tpu.memref_slice %arg7[%dma_wait3A_223, %dma_wait3A_224, %dma_wait3A_225] : memref<2x4x128xi32, #tpu.memory_space<vmem>> -> memref<1x1x128xi32, #tpu.memory_space<vmem>>
        %dma_wait3A_227 = tpu.memref_squeeze %dma_wait3A_226 : memref<1x1x128xi32, #tpu.memory_space<vmem>> -> memref<128xi32, #tpu.memory_space<vmem>>
        %dma_wait3A_228 = arith.constant 0 : i32
        %dma_wait3A_229 = arith.constant 0 : i32
        %dma_wait3A_230 = tpu.memref_slice %arg2[%dma_wait3A_228, %dma_wait3A_229] : memref<10000x128xf32, #tpu.memory_space<hbm>> -> memref<10000x128xf32, #tpu.memory_space<hbm>>
        tpu.wait_indirect_dma semaphore(%arg12 : memref<!tpu.dma_semaphore, #tpu.memory_space<semaphore_mem>>) src(%dma_wait3A_230 : memref<10000x128xf32, #tpu.memory_space<hbm>>) dst(%arg9 : memref<128x128xf32, #tpu.memory_space<vmem>>)
        %run_scoped3A_231 = arith.constant 0 : i32
        %run_scoped3A_232 = arith.constant 2 : i32
        "tpu.region"() ({
          %run_scoped3A_434 = tpu.sem_alloc : memref<!tpu.dma_semaphore, #tpu.memory_space<semaphore_mem>>
          %dma_start3A_435 = arith.constant 0 : i32
          %dma_start3A_436 = tpu.memref_slice %arg8[%run_scoped3A_231, %run_scoped3A_232, %dma_start3A_435] : memref<2x4x128xi32, #tpu.memory_space<vmem>> -> memref<1x1x128xi32, #tpu.memory_space<vmem>>
          %dma_start3A_437 = tpu.memref_squeeze %dma_start3A_436 : memref<1x1x128xi32, #tpu.memory_space<vmem>> -> memref<128xi32, #tpu.memory_space<vmem>>
          %dma_start3A_438 = arith.constant 0 : i32
          %dma_start3A_439 = arith.constant 0 : i32
          %dma_start3A_440 = tpu.memref_slice %arg11[%dma_start3A_438, %dma_start3A_439] : memref<10112x128xf32, #tpu.memory_space<vmem_shared>> -> memref<10112x128xf32, #tpu.memory_space<vmem_shared>>
          tpu.enqueue_indirect_dma source(%arg9 : memref<128x128xf32, #tpu.memory_space<vmem>>) target(%dma_start3A_440 : memref<10112x128xf32, #tpu.memory_space<vmem_shared>>) offsets(%dma_start3A_437 : memref<128xi32, #tpu.memory_space<vmem>>) semaphore(%run_scoped3A_434 : memref<!tpu.dma_semaphore, #tpu.memory_space<semaphore_mem>>) {add = true}
          %dma_wait3A_441 = arith.constant 0 : i32
          %dma_wait3A_442 = tpu.memref_slice %arg8[%run_scoped3A_231, %run_scoped3A_232, %dma_wait3A_441] : memref<2x4x128xi32, #tpu.memory_space<vmem>> -> memref<1x1x128xi32, #tpu.memory_space<vmem>>
          %dma_wait3A_443 = tpu.memref_squeeze %dma_wait3A_442 : memref<1x1x128xi32, #tpu.memory_space<vmem>> -> memref<128xi32, #tpu.memory_space<vmem>>
          %dma_wait3A_444 = arith.constant 0 : i32
          %dma_wait3A_445 = arith.constant 0 : i32
          %dma_wait3A_446 = tpu.memref_slice %arg11[%dma_wait3A_444, %dma_wait3A_445] : memref<10112x128xf32, #tpu.memory_space<vmem_shared>> -> memref<10112x128xf32, #tpu.memory_space<vmem_shared>>
          tpu.wait_indirect_dma semaphore(%run_scoped3A_434 : memref<!tpu.dma_semaphore, #tpu.memory_space<semaphore_mem>>) src(%arg9 : memref<128x128xf32, #tpu.memory_space<vmem>>) dst(%dma_wait3A_446 : memref<10112x128xf32, #tpu.memory_space<vmem_shared>>)
          tpu.yield
        }) : () -> ()
        %dma_wait3A_233 = arith.constant 0 : i32
        %dma_wait3A_234 = arith.constant 1 : i32
        %dma_wait3A_235 = arith.constant 0 : i32
        %dma_wait3A_236 = arith.constant 0 : i32
        %dma_wait3A_237 = tpu.memref_slice %arg7[%dma_wait3A_234, %dma_wait3A_235, %dma_wait3A_236] : memref<2x4x128xi32, #tpu.memory_space<vmem>> -> memref<1x4x128xi32, #tpu.memory_space<vmem>>
        %dma_wait3A_238 = tpu.memref_squeeze %dma_wait3A_237 : memref<1x4x128xi32, #tpu.memory_space<vmem>> -> memref<4x128xi32, #tpu.memory_space<vmem>>
        %dma_wait3A_239 = arith.constant 0 : i32
        %dma_wait3A_240 = arith.constant 0 : i32
        %dma_wait3A_241 = tpu.memref_slice %arg3[%add3A, %dma_wait3A_233, %dma_wait3A_239, %dma_wait3A_240] : memref<32x41x4x128xi32, #tpu.memory_space<hbm>> -> memref<1x1x4x128xi32, #tpu.memory_space<hbm>>
        %dma_wait3A_242 = tpu.memref_squeeze %dma_wait3A_241 : memref<1x1x4x128xi32, #tpu.memory_space<hbm>> -> memref<4x128xi32, #tpu.memory_space<hbm>>
        %dma_wait3A_243 = arith.constant 0 : i32
        %dma_wait3A_244 = arith.constant 0 : i32
        %dma_wait3A_245 = tpu.memref_slice %arg7[%dma_wait3A_234, %dma_wait3A_243, %dma_wait3A_244] : memref<2x4x128xi32, #tpu.memory_space<vmem>> -> memref<1x4x128xi32, #tpu.memory_space<vmem>>
        %dma_wait3A_246 = tpu.memref_squeeze %dma_wait3A_245 : memref<1x4x128xi32, #tpu.memory_space<vmem>> -> memref<4x128xi32, #tpu.memory_space<vmem>>
        %dma_wait3A_247 = arith.constant 0 : i32
        %dma_wait3A_248 = arith.constant 0 : i32
        %dma_wait3A_249 = tpu.memref_slice %arg3[%add3A, %dma_wait3A_233, %dma_wait3A_247, %dma_wait3A_248] : memref<32x41x4x128xi32, #tpu.memory_space<hbm>> -> memref<1x1x4x128xi32, #tpu.memory_space<hbm>>
        %dma_wait3A_250 = tpu.memref_squeeze %dma_wait3A_249 : memref<1x1x4x128xi32, #tpu.memory_space<hbm>> -> memref<4x128xi32, #tpu.memory_space<hbm>>
        tpu.wait_dma2 semaphore(%arg15 : memref<!tpu.dma_semaphore, #tpu.memory_space<semaphore_mem>>) src(%dma_wait3A_250 : memref<4x128xi32, #tpu.memory_space<hbm>>) dst(%dma_wait3A_246 : memref<4x128xi32, #tpu.memory_space<vmem>>)
        %dma_wait3A_251 = arith.constant 0 : i32
        %dma_wait3A_252 = arith.constant 1 : i32
        %dma_wait3A_253 = arith.constant 0 : i32
        %dma_wait3A_254 = arith.constant 0 : i32
        %dma_wait3A_255 = tpu.memref_slice %arg8[%dma_wait3A_252, %dma_wait3A_253, %dma_wait3A_254] : memref<2x4x128xi32, #tpu.memory_space<vmem>> -> memref<1x4x128xi32, #tpu.memory_space<vmem>>
        %dma_wait3A_256 = tpu.memref_squeeze %dma_wait3A_255 : memref<1x4x128xi32, #tpu.memory_space<vmem>> -> memref<4x128xi32, #tpu.memory_space<vmem>>
        %dma_wait3A_257 = arith.constant 0 : i32
        %dma_wait3A_258 = arith.constant 0 : i32
        %dma_wait3A_259 = tpu.memref_slice %arg4[%add3A, %dma_wait3A_251, %dma_wait3A_257, %dma_wait3A_258] : memref<32x41x4x128xi32, #tpu.memory_space<hbm>> -> memref<1x1x4x128xi32, #tpu.memory_space<hbm>>
        %dma_wait3A_260 = tpu.memref_squeeze %dma_wait3A_259 : memref<1x1x4x128xi32, #tpu.memory_space<hbm>> -> memref<4x128xi32, #tpu.memory_space<hbm>>
        %dma_wait3A_261 = arith.constant 0 : i32
        %dma_wait3A_262 = arith.constant 0 : i32
        %dma_wait3A_263 = tpu.memref_slice %arg8[%dma_wait3A_252, %dma_wait3A_261, %dma_wait3A_262] : memref<2x4x128xi32, #tpu.memory_space<vmem>> -> memref<1x4x128xi32, #tpu.memory_space<vmem>>
        %dma_wait3A_264 = tpu.memref_squeeze %dma_wait3A_263 : memref<1x4x128xi32, #tpu.memory_space<vmem>> -> memref<4x128xi32, #tpu.memory_space<vmem>>
        %dma_wait3A_265 = arith.constant 0 : i32
        %dma_wait3A_266 = arith.constant 0 : i32
        %dma_wait3A_267 = tpu.memref_slice %arg4[%add3A, %dma_wait3A_251, %dma_wait3A_265, %dma_wait3A_266] : memref<32x41x4x128xi32, #tpu.memory_space<hbm>> -> memref<1x1x4x128xi32, #tpu.memory_space<hbm>>
        %dma_wait3A_268 = tpu.memref_squeeze %dma_wait3A_267 : memref<1x1x4x128xi32, #tpu.memory_space<hbm>> -> memref<4x128xi32, #tpu.memory_space<hbm>>
        tpu.wait_dma2 semaphore(%arg15 : memref<!tpu.dma_semaphore, #tpu.memory_space<semaphore_mem>>) src(%dma_wait3A_268 : memref<4x128xi32, #tpu.memory_space<hbm>>) dst(%dma_wait3A_264 : memref<4x128xi32, #tpu.memory_space<vmem>>)
        %dma_start3A_269 = arith.constant 1 : i32
        %dma_start3A_270 = arith.constant 0 : i32
        %dma_start3A_271 = arith.constant 0 : i32
        %dma_start3A_272 = tpu.memref_slice %arg7[%dma_start3A_269, %dma_start3A_270, %dma_start3A_271] : memref<2x4x128xi32, #tpu.memory_space<vmem>> -> memref<1x1x128xi32, #tpu.memory_space<vmem>>
        %dma_start3A_273 = tpu.memref_squeeze %dma_start3A_272 : memref<1x1x128xi32, #tpu.memory_space<vmem>> -> memref<128xi32, #tpu.memory_space<vmem>>
        %dma_start3A_274 = arith.constant 0 : i32
        %dma_start3A_275 = arith.constant 0 : i32
        %dma_start3A_276 = tpu.memref_slice %arg2[%dma_start3A_274, %dma_start3A_275] : memref<10000x128xf32, #tpu.memory_space<hbm>> -> memref<10000x128xf32, #tpu.memory_space<hbm>>
        tpu.enqueue_indirect_dma source(%dma_start3A_276 : memref<10000x128xf32, #tpu.memory_space<hbm>>) target(%arg9 : memref<128x128xf32, #tpu.memory_space<vmem>>) offsets(%dma_start3A_273 : memref<128xi32, #tpu.memory_space<vmem>>) semaphore(%arg12 : memref<!tpu.dma_semaphore, #tpu.memory_space<semaphore_mem>>)
        %dma_wait3A_277 = arith.constant 0 : i32
        %dma_wait3A_278 = arith.constant 0 : i32
        %dma_wait3A_279 = arith.constant 0 : i32
        %dma_wait3A_280 = tpu.memref_slice %arg7[%dma_wait3A_277, %dma_wait3A_278, %dma_wait3A_279] : memref<2x4x128xi32, #tpu.memory_space<vmem>> -> memref<1x1x128xi32, #tpu.memory_space<vmem>>
        %dma_wait3A_281 = tpu.memref_squeeze %dma_wait3A_280 : memref<1x1x128xi32, #tpu.memory_space<vmem>> -> memref<128xi32, #tpu.memory_space<vmem>>
        %dma_wait3A_282 = arith.constant 0 : i32
        %dma_wait3A_283 = arith.constant 0 : i32
        %dma_wait3A_284 = tpu.memref_slice %arg2[%dma_wait3A_282, %dma_wait3A_283] : memref<10000x128xf32, #tpu.memory_space<hbm>> -> memref<10000x128xf32, #tpu.memory_space<hbm>>
        tpu.wait_indirect_dma semaphore(%arg13 : memref<!tpu.dma_semaphore, #tpu.memory_space<semaphore_mem>>) src(%dma_wait3A_284 : memref<10000x128xf32, #tpu.memory_space<hbm>>) dst(%arg10 : memref<128x128xf32, #tpu.memory_space<vmem>>)
        %run_scoped3A_285 = arith.constant 0 : i32
        %run_scoped3A_286 = arith.constant 3 : i32
        "tpu.region"() ({
          %run_scoped3A_434 = tpu.sem_alloc : memref<!tpu.dma_semaphore, #tpu.memory_space<semaphore_mem>>
          %dma_start3A_435 = arith.constant 0 : i32
          %dma_start3A_436 = tpu.memref_slice %arg8[%run_scoped3A_285, %run_scoped3A_286, %dma_start3A_435] : memref<2x4x128xi32, #tpu.memory_space<vmem>> -> memref<1x1x128xi32, #tpu.memory_space<vmem>>
          %dma_start3A_437 = tpu.memref_squeeze %dma_start3A_436 : memref<1x1x128xi32, #tpu.memory_space<vmem>> -> memref<128xi32, #tpu.memory_space<vmem>>
          %dma_start3A_438 = arith.constant 0 : i32
          %dma_start3A_439 = arith.constant 0 : i32
          %dma_start3A_440 = tpu.memref_slice %arg11[%dma_start3A_438, %dma_start3A_439] : memref<10112x128xf32, #tpu.memory_space<vmem_shared>> -> memref<10112x128xf32, #tpu.memory_space<vmem_shared>>
          tpu.enqueue_indirect_dma source(%arg10 : memref<128x128xf32, #tpu.memory_space<vmem>>) target(%dma_start3A_440 : memref<10112x128xf32, #tpu.memory_space<vmem_shared>>) offsets(%dma_start3A_437 : memref<128xi32, #tpu.memory_space<vmem>>) semaphore(%run_scoped3A_434 : memref<!tpu.dma_semaphore, #tpu.memory_space<semaphore_mem>>) {add = true}
          %dma_wait3A_441 = arith.constant 0 : i32
          %dma_wait3A_442 = tpu.memref_slice %arg8[%run_scoped3A_285, %run_scoped3A_286, %dma_wait3A_441] : memref<2x4x128xi32, #tpu.memory_space<vmem>> -> memref<1x1x128xi32, #tpu.memory_space<vmem>>
          %dma_wait3A_443 = tpu.memref_squeeze %dma_wait3A_442 : memref<1x1x128xi32, #tpu.memory_space<vmem>> -> memref<128xi32, #tpu.memory_space<vmem>>
          %dma_wait3A_444 = arith.constant 0 : i32
          %dma_wait3A_445 = arith.constant 0 : i32
          %dma_wait3A_446 = tpu.memref_slice %arg11[%dma_wait3A_444, %dma_wait3A_445] : memref<10112x128xf32, #tpu.memory_space<vmem_shared>> -> memref<10112x128xf32, #tpu.memory_space<vmem_shared>>
          tpu.wait_indirect_dma semaphore(%run_scoped3A_434 : memref<!tpu.dma_semaphore, #tpu.memory_space<semaphore_mem>>) src(%arg10 : memref<128x128xf32, #tpu.memory_space<vmem>>) dst(%dma_wait3A_446 : memref<10112x128xf32, #tpu.memory_space<vmem_shared>>)
          tpu.yield
        }) : () -> ()
        %mul3A_287 = arith.constant 2 : i32
        %mul3A_288 = arith.muli %mul3A_287, %scan3A_140 : i32
        %add3A_289 = arith.constant 2 : i32
        %add3A_290 = arith.addi %mul3A_288, %add3A_289 : i32
        %dma_start3A_291 = arith.constant 0 : i32
        %dma_start3A_292 = arith.constant 0 : i32
        %dma_start3A_293 = arith.constant 0 : i32
        %dma_start3A_294 = tpu.memref_slice %arg7[%dma_start3A_291, %dma_start3A_292, %dma_start3A_293] : memref<2x4x128xi32, #tpu.memory_space<vmem>> -> memref<1x4x128xi32, #tpu.memory_space<vmem>>
        %dma_start3A_295 = tpu.memref_squeeze %dma_start3A_294 : memref<1x4x128xi32, #tpu.memory_space<vmem>> -> memref<4x128xi32, #tpu.memory_space<vmem>>
        %dma_start3A_296 = arith.constant 0 : i32
        %dma_start3A_297 = arith.constant 0 : i32
        %dma_start3A_298 = tpu.memref_slice %arg3[%add3A, %add3A_290, %dma_start3A_296, %dma_start3A_297] : memref<32x41x4x128xi32, #tpu.memory_space<hbm>> -> memref<1x1x4x128xi32, #tpu.memory_space<hbm>>
        %dma_start3A_299 = tpu.memref_squeeze %dma_start3A_298 : memref<1x1x4x128xi32, #tpu.memory_space<hbm>> -> memref<4x128xi32, #tpu.memory_space<hbm>>
        %dma_start3A_300 = arith.constant 0 : i32
        %dma_start3A_301 = arith.constant 0 : i32
        %dma_start3A_302 = tpu.memref_slice %arg7[%dma_start3A_291, %dma_start3A_300, %dma_start3A_301] : memref<2x4x128xi32, #tpu.memory_space<vmem>> -> memref<1x4x128xi32, #tpu.memory_space<vmem>>
        %dma_start3A_303 = tpu.memref_squeeze %dma_start3A_302 : memref<1x4x128xi32, #tpu.memory_space<vmem>> -> memref<4x128xi32, #tpu.memory_space<vmem>>
        %dma_start3A_304 = arith.constant 0 : i32
        %dma_start3A_305 = arith.constant 0 : i32
        %dma_start3A_306 = tpu.memref_slice %arg3[%add3A, %add3A_290, %dma_start3A_304, %dma_start3A_305] : memref<32x41x4x128xi32, #tpu.memory_space<hbm>> -> memref<1x1x4x128xi32, #tpu.memory_space<hbm>>
        %dma_start3A_307 = tpu.memref_squeeze %dma_start3A_306 : memref<1x1x4x128xi32, #tpu.memory_space<hbm>> -> memref<4x128xi32, #tpu.memory_space<hbm>>
        tpu.enqueue_dma source(%dma_start3A_307 : memref<4x128xi32, #tpu.memory_space<hbm>>) target(%dma_start3A_303 : memref<4x128xi32, #tpu.memory_space<vmem>>) target_semaphore(%arg14 : memref<!tpu.dma_semaphore, #tpu.memory_space<semaphore_mem>>)
        %dma_start3A_308 = arith.constant 0 : i32
        %dma_start3A_309 = arith.constant 0 : i32
        %dma_start3A_310 = arith.constant 0 : i32
        %dma_start3A_311 = tpu.memref_slice %arg8[%dma_start3A_308, %dma_start3A_309, %dma_start3A_310] : memref<2x4x128xi32, #tpu.memory_space<vmem>> -> memref<1x4x128xi32, #tpu.memory_space<vmem>>
        %dma_start3A_312 = tpu.memref_squeeze %dma_start3A_311 : memref<1x4x128xi32, #tpu.memory_space<vmem>> -> memref<4x128xi32, #tpu.memory_space<vmem>>
        %dma_start3A_313 = arith.constant 0 : i32
        %dma_start3A_314 = arith.constant 0 : i32
        %dma_start3A_315 = tpu.memref_slice %arg4[%add3A, %add3A_290, %dma_start3A_313, %dma_start3A_314] : memref<32x41x4x128xi32, #tpu.memory_space<hbm>> -> memref<1x1x4x128xi32, #tpu.memory_space<hbm>>
        %dma_start3A_316 = tpu.memref_squeeze %dma_start3A_315 : memref<1x1x4x128xi32, #tpu.memory_space<hbm>> -> memref<4x128xi32, #tpu.memory_space<hbm>>
        %dma_start3A_317 = arith.constant 0 : i32
        %dma_start3A_318 = arith.constant 0 : i32
        %dma_start3A_319 = tpu.memref_slice %arg8[%dma_start3A_308, %dma_start3A_317, %dma_start3A_318] : memref<2x4x128xi32, #tpu.memory_space<vmem>> -> memref<1x4x128xi32, #tpu.memory_space<vmem>>
        %dma_start3A_320 = tpu.memref_squeeze %dma_start3A_319 : memref<1x4x128xi32, #tpu.memory_space<vmem>> -> memref<4x128xi32, #tpu.memory_space<vmem>>
        %dma_start3A_321 = arith.constant 0 : i32
        %dma_start3A_322 = arith.constant 0 : i32
        %dma_start3A_323 = tpu.memref_slice %arg4[%add3A, %add3A_290, %dma_start3A_321, %dma_start3A_322] : memref<32x41x4x128xi32, #tpu.memory_space<hbm>> -> memref<1x1x4x128xi32, #tpu.memory_space<hbm>>
        %dma_start3A_324 = tpu.memref_squeeze %dma_start3A_323 : memref<1x1x4x128xi32, #tpu.memory_space<hbm>> -> memref<4x128xi32, #tpu.memory_space<hbm>>
        tpu.enqueue_dma source(%dma_start3A_324 : memref<4x128xi32, #tpu.memory_space<hbm>>) target(%dma_start3A_320 : memref<4x128xi32, #tpu.memory_space<vmem>>) target_semaphore(%arg14 : memref<!tpu.dma_semaphore, #tpu.memory_space<semaphore_mem>>)
        %dma_start3A_325 = arith.constant 1 : i32
        %dma_start3A_326 = arith.constant 1 : i32
        %dma_start3A_327 = arith.constant 0 : i32
        %dma_start3A_328 = tpu.memref_slice %arg7[%dma_start3A_325, %dma_start3A_326, %dma_start3A_327] : memref<2x4x128xi32, #tpu.memory_space<vmem>> -> memref<1x1x128xi32, #tpu.memory_space<vmem>>
        %dma_start3A_329 = tpu.memref_squeeze %dma_start3A_328 : memref<1x1x128xi32, #tpu.memory_space<vmem>> -> memref<128xi32, #tpu.memory_space<vmem>>
        %dma_start3A_330 = arith.constant 0 : i32
        %dma_start3A_331 = arith.constant 0 : i32
        %dma_start3A_332 = tpu.memref_slice %arg2[%dma_start3A_330, %dma_start3A_331] : memref<10000x128xf32, #tpu.memory_space<hbm>> -> memref<10000x128xf32, #tpu.memory_space<hbm>>
        tpu.enqueue_indirect_dma source(%dma_start3A_332 : memref<10000x128xf32, #tpu.memory_space<hbm>>) target(%arg10 : memref<128x128xf32, #tpu.memory_space<vmem>>) offsets(%dma_start3A_329 : memref<128xi32, #tpu.memory_space<vmem>>) semaphore(%arg13 : memref<!tpu.dma_semaphore, #tpu.memory_space<semaphore_mem>>)
        %dma_wait3A_333 = arith.constant 0 : i32
        %dma_wait3A_334 = arith.constant 0 : i32
        %dma_wait3A_335 = arith.constant 0 : i32
        %dma_wait3A_336 = tpu.memref_slice %arg7[%dma_wait3A_333, %dma_wait3A_334, %dma_wait3A_335] : memref<2x4x128xi32, #tpu.memory_space<vmem>> -> memref<1x1x128xi32, #tpu.memory_space<vmem>>
        %dma_wait3A_337 = tpu.memref_squeeze %dma_wait3A_336 : memref<1x1x128xi32, #tpu.memory_space<vmem>> -> memref<128xi32, #tpu.memory_space<vmem>>
        %dma_wait3A_338 = arith.constant 0 : i32
        %dma_wait3A_339 = arith.constant 0 : i32
        %dma_wait3A_340 = tpu.memref_slice %arg2[%dma_wait3A_338, %dma_wait3A_339] : memref<10000x128xf32, #tpu.memory_space<hbm>> -> memref<10000x128xf32, #tpu.memory_space<hbm>>
        tpu.wait_indirect_dma semaphore(%arg12 : memref<!tpu.dma_semaphore, #tpu.memory_space<semaphore_mem>>) src(%dma_wait3A_340 : memref<10000x128xf32, #tpu.memory_space<hbm>>) dst(%arg9 : memref<128x128xf32, #tpu.memory_space<vmem>>)
        %run_scoped3A_341 = arith.constant 1 : i32
        %run_scoped3A_342 = arith.constant 0 : i32
        "tpu.region"() ({
          %run_scoped3A_434 = tpu.sem_alloc : memref<!tpu.dma_semaphore, #tpu.memory_space<semaphore_mem>>
          %dma_start3A_435 = arith.constant 0 : i32
          %dma_start3A_436 = tpu.memref_slice %arg8[%run_scoped3A_341, %run_scoped3A_342, %dma_start3A_435] : memref<2x4x128xi32, #tpu.memory_space<vmem>> -> memref<1x1x128xi32, #tpu.memory_space<vmem>>
          %dma_start3A_437 = tpu.memref_squeeze %dma_start3A_436 : memref<1x1x128xi32, #tpu.memory_space<vmem>> -> memref<128xi32, #tpu.memory_space<vmem>>
          %dma_start3A_438 = arith.constant 0 : i32
          %dma_start3A_439 = arith.constant 0 : i32
          %dma_start3A_440 = tpu.memref_slice %arg11[%dma_start3A_438, %dma_start3A_439] : memref<10112x128xf32, #tpu.memory_space<vmem_shared>> -> memref<10112x128xf32, #tpu.memory_space<vmem_shared>>
          tpu.enqueue_indirect_dma source(%arg9 : memref<128x128xf32, #tpu.memory_space<vmem>>) target(%dma_start3A_440 : memref<10112x128xf32, #tpu.memory_space<vmem_shared>>) offsets(%dma_start3A_437 : memref<128xi32, #tpu.memory_space<vmem>>) semaphore(%run_scoped3A_434 : memref<!tpu.dma_semaphore, #tpu.memory_space<semaphore_mem>>) {add = true}
          %dma_wait3A_441 = arith.constant 0 : i32
          %dma_wait3A_442 = tpu.memref_slice %arg8[%run_scoped3A_341, %run_scoped3A_342, %dma_wait3A_441] : memref<2x4x128xi32, #tpu.memory_space<vmem>> -> memref<1x1x128xi32, #tpu.memory_space<vmem>>
          %dma_wait3A_443 = tpu.memref_squeeze %dma_wait3A_442 : memref<1x1x128xi32, #tpu.memory_space<vmem>> -> memref<128xi32, #tpu.memory_space<vmem>>
          %dma_wait3A_444 = arith.constant 0 : i32
          %dma_wait3A_445 = arith.constant 0 : i32
          %dma_wait3A_446 = tpu.memref_slice %arg11[%dma_wait3A_444, %dma_wait3A_445] : memref<10112x128xf32, #tpu.memory_space<vmem_shared>> -> memref<10112x128xf32, #tpu.memory_space<vmem_shared>>
          tpu.wait_indirect_dma semaphore(%run_scoped3A_434 : memref<!tpu.dma_semaphore, #tpu.memory_space<semaphore_mem>>) src(%arg9 : memref<128x128xf32, #tpu.memory_space<vmem>>) dst(%dma_wait3A_446 : memref<10112x128xf32, #tpu.memory_space<vmem_shared>>)
          tpu.yield
        }) : () -> ()
        %dma_start3A_343 = arith.constant 1 : i32
        %dma_start3A_344 = arith.constant 2 : i32
        %dma_start3A_345 = arith.constant 0 : i32
        %dma_start3A_346 = tpu.memref_slice %arg7[%dma_start3A_343, %dma_start3A_344, %dma_start3A_345] : memref<2x4x128xi32, #tpu.memory_space<vmem>> -> memref<1x1x128xi32, #tpu.memory_space<vmem>>
        %dma_start3A_347 = tpu.memref_squeeze %dma_start3A_346 : memref<1x1x128xi32, #tpu.memory_space<vmem>> -> memref<128xi32, #tpu.memory_space<vmem>>
        %dma_start3A_348 = arith.constant 0 : i32
        %dma_start3A_349 = arith.constant 0 : i32
        %dma_start3A_350 = tpu.memref_slice %arg2[%dma_start3A_348, %dma_start3A_349] : memref<10000x128xf32, #tpu.memory_space<hbm>> -> memref<10000x128xf32, #tpu.memory_space<hbm>>
        tpu.enqueue_indirect_dma source(%dma_start3A_350 : memref<10000x128xf32, #tpu.memory_space<hbm>>) target(%arg9 : memref<128x128xf32, #tpu.memory_space<vmem>>) offsets(%dma_start3A_347 : memref<128xi32, #tpu.memory_space<vmem>>) semaphore(%arg12 : memref<!tpu.dma_semaphore, #tpu.memory_space<semaphore_mem>>)
        %dma_wait3A_351 = arith.constant 0 : i32
        %dma_wait3A_352 = arith.constant 0 : i32
        %dma_wait3A_353 = arith.constant 0 : i32
        %dma_wait3A_354 = tpu.memref_slice %arg7[%dma_wait3A_351, %dma_wait3A_352, %dma_wait3A_353] : memref<2x4x128xi32, #tpu.memory_space<vmem>> -> memref<1x1x128xi32, #tpu.memory_space<vmem>>
        %dma_wait3A_355 = tpu.memref_squeeze %dma_wait3A_354 : memref<1x1x128xi32, #tpu.memory_space<vmem>> -> memref<128xi32, #tpu.memory_space<vmem>>
        %dma_wait3A_356 = arith.constant 0 : i32
        %dma_wait3A_357 = arith.constant 0 : i32
        %dma_wait3A_358 = tpu.memref_slice %arg2[%dma_wait3A_356, %dma_wait3A_357] : memref<10000x128xf32, #tpu.memory_space<hbm>> -> memref<10000x128xf32, #tpu.memory_space<hbm>>
        tpu.wait_indirect_dma semaphore(%arg13 : memref<!tpu.dma_semaphore, #tpu.memory_space<semaphore_mem>>) src(%dma_wait3A_358 : memref<10000x128xf32, #tpu.memory_space<hbm>>) dst(%arg10 : memref<128x128xf32, #tpu.memory_space<vmem>>)
        %run_scoped3A_359 = arith.constant 1 : i32
        %run_scoped3A_360 = arith.constant 1 : i32
        "tpu.region"() ({
          %run_scoped3A_434 = tpu.sem_alloc : memref<!tpu.dma_semaphore, #tpu.memory_space<semaphore_mem>>
          %dma_start3A_435 = arith.constant 0 : i32
          %dma_start3A_436 = tpu.memref_slice %arg8[%run_scoped3A_359, %run_scoped3A_360, %dma_start3A_435] : memref<2x4x128xi32, #tpu.memory_space<vmem>> -> memref<1x1x128xi32, #tpu.memory_space<vmem>>
          %dma_start3A_437 = tpu.memref_squeeze %dma_start3A_436 : memref<1x1x128xi32, #tpu.memory_space<vmem>> -> memref<128xi32, #tpu.memory_space<vmem>>
          %dma_start3A_438 = arith.constant 0 : i32
          %dma_start3A_439 = arith.constant 0 : i32
          %dma_start3A_440 = tpu.memref_slice %arg11[%dma_start3A_438, %dma_start3A_439] : memref<10112x128xf32, #tpu.memory_space<vmem_shared>> -> memref<10112x128xf32, #tpu.memory_space<vmem_shared>>
          tpu.enqueue_indirect_dma source(%arg10 : memref<128x128xf32, #tpu.memory_space<vmem>>) target(%dma_start3A_440 : memref<10112x128xf32, #tpu.memory_space<vmem_shared>>) offsets(%dma_start3A_437 : memref<128xi32, #tpu.memory_space<vmem>>) semaphore(%run_scoped3A_434 : memref<!tpu.dma_semaphore, #tpu.memory_space<semaphore_mem>>) {add = true}
          %dma_wait3A_441 = arith.constant 0 : i32
          %dma_wait3A_442 = tpu.memref_slice %arg8[%run_scoped3A_359, %run_scoped3A_360, %dma_wait3A_441] : memref<2x4x128xi32, #tpu.memory_space<vmem>> -> memref<1x1x128xi32, #tpu.memory_space<vmem>>
          %dma_wait3A_443 = tpu.memref_squeeze %dma_wait3A_442 : memref<1x1x128xi32, #tpu.memory_space<vmem>> -> memref<128xi32, #tpu.memory_space<vmem>>
          %dma_wait3A_444 = arith.constant 0 : i32
          %dma_wait3A_445 = arith.constant 0 : i32
          %dma_wait3A_446 = tpu.memref_slice %arg11[%dma_wait3A_444, %dma_wait3A_445] : memref<10112x128xf32, #tpu.memory_space<vmem_shared>> -> memref<10112x128xf32, #tpu.memory_space<vmem_shared>>
          tpu.wait_indirect_dma semaphore(%run_scoped3A_434 : memref<!tpu.dma_semaphore, #tpu.memory_space<semaphore_mem>>) src(%arg10 : memref<128x128xf32, #tpu.memory_space<vmem>>) dst(%dma_wait3A_446 : memref<10112x128xf32, #tpu.memory_space<vmem_shared>>)
          tpu.yield
        }) : () -> ()
        %dma_start3A_361 = arith.constant 1 : i32
        %dma_start3A_362 = arith.constant 3 : i32
        %dma_start3A_363 = arith.constant 0 : i32
        %dma_start3A_364 = tpu.memref_slice %arg7[%dma_start3A_361, %dma_start3A_362, %dma_start3A_363] : memref<2x4x128xi32, #tpu.memory_space<vmem>> -> memref<1x1x128xi32, #tpu.memory_space<vmem>>
        %dma_start3A_365 = tpu.memref_squeeze %dma_start3A_364 : memref<1x1x128xi32, #tpu.memory_space<vmem>> -> memref<128xi32, #tpu.memory_space<vmem>>
        %dma_start3A_366 = arith.constant 0 : i32
        %dma_start3A_367 = arith.constant 0 : i32
        %dma_start3A_368 = tpu.memref_slice %arg2[%dma_start3A_366, %dma_start3A_367] : memref<10000x128xf32, #tpu.memory_space<hbm>> -> memref<10000x128xf32, #tpu.memory_space<hbm>>
        tpu.enqueue_indirect_dma source(%dma_start3A_368 : memref<10000x128xf32, #tpu.memory_space<hbm>>) target(%arg10 : memref<128x128xf32, #tpu.memory_space<vmem>>) offsets(%dma_start3A_365 : memref<128xi32, #tpu.memory_space<vmem>>) semaphore(%arg13 : memref<!tpu.dma_semaphore, #tpu.memory_space<semaphore_mem>>)
        %dma_wait3A_369 = arith.constant 0 : i32
        %dma_wait3A_370 = arith.constant 0 : i32
        %dma_wait3A_371 = arith.constant 0 : i32
        %dma_wait3A_372 = tpu.memref_slice %arg7[%dma_wait3A_369, %dma_wait3A_370, %dma_wait3A_371] : memref<2x4x128xi32, #tpu.memory_space<vmem>> -> memref<1x1x128xi32, #tpu.memory_space<vmem>>
        %dma_wait3A_373 = tpu.memref_squeeze %dma_wait3A_372 : memref<1x1x128xi32, #tpu.memory_space<vmem>> -> memref<128xi32, #tpu.memory_space<vmem>>
        %dma_wait3A_374 = arith.constant 0 : i32
        %dma_wait3A_375 = arith.constant 0 : i32
        %dma_wait3A_376 = tpu.memref_slice %arg2[%dma_wait3A_374, %dma_wait3A_375] : memref<10000x128xf32, #tpu.memory_space<hbm>> -> memref<10000x128xf32, #tpu.memory_space<hbm>>
        tpu.wait_indirect_dma semaphore(%arg12 : memref<!tpu.dma_semaphore, #tpu.memory_space<semaphore_mem>>) src(%dma_wait3A_376 : memref<10000x128xf32, #tpu.memory_space<hbm>>) dst(%arg9 : memref<128x128xf32, #tpu.memory_space<vmem>>)
        %run_scoped3A_377 = arith.constant 1 : i32
        %run_scoped3A_378 = arith.constant 2 : i32
        "tpu.region"() ({
          %run_scoped3A_434 = tpu.sem_alloc : memref<!tpu.dma_semaphore, #tpu.memory_space<semaphore_mem>>
          %dma_start3A_435 = arith.constant 0 : i32
          %dma_start3A_436 = tpu.memref_slice %arg8[%run_scoped3A_377, %run_scoped3A_378, %dma_start3A_435] : memref<2x4x128xi32, #tpu.memory_space<vmem>> -> memref<1x1x128xi32, #tpu.memory_space<vmem>>
          %dma_start3A_437 = tpu.memref_squeeze %dma_start3A_436 : memref<1x1x128xi32, #tpu.memory_space<vmem>> -> memref<128xi32, #tpu.memory_space<vmem>>
          %dma_start3A_438 = arith.constant 0 : i32
          %dma_start3A_439 = arith.constant 0 : i32
          %dma_start3A_440 = tpu.memref_slice %arg11[%dma_start3A_438, %dma_start3A_439] : memref<10112x128xf32, #tpu.memory_space<vmem_shared>> -> memref<10112x128xf32, #tpu.memory_space<vmem_shared>>
          tpu.enqueue_indirect_dma source(%arg9 : memref<128x128xf32, #tpu.memory_space<vmem>>) target(%dma_start3A_440 : memref<10112x128xf32, #tpu.memory_space<vmem_shared>>) offsets(%dma_start3A_437 : memref<128xi32, #tpu.memory_space<vmem>>) semaphore(%run_scoped3A_434 : memref<!tpu.dma_semaphore, #tpu.memory_space<semaphore_mem>>) {add = true}
          %dma_wait3A_441 = arith.constant 0 : i32
          %dma_wait3A_442 = tpu.memref_slice %arg8[%run_scoped3A_377, %run_scoped3A_378, %dma_wait3A_441] : memref<2x4x128xi32, #tpu.memory_space<vmem>> -> memref<1x1x128xi32, #tpu.memory_space<vmem>>
          %dma_wait3A_443 = tpu.memref_squeeze %dma_wait3A_442 : memref<1x1x128xi32, #tpu.memory_space<vmem>> -> memref<128xi32, #tpu.memory_space<vmem>>
          %dma_wait3A_444 = arith.constant 0 : i32
          %dma_wait3A_445 = arith.constant 0 : i32
          %dma_wait3A_446 = tpu.memref_slice %arg11[%dma_wait3A_444, %dma_wait3A_445] : memref<10112x128xf32, #tpu.memory_space<vmem_shared>> -> memref<10112x128xf32, #tpu.memory_space<vmem_shared>>
          tpu.wait_indirect_dma semaphore(%run_scoped3A_434 : memref<!tpu.dma_semaphore, #tpu.memory_space<semaphore_mem>>) src(%arg9 : memref<128x128xf32, #tpu.memory_space<vmem>>) dst(%dma_wait3A_446 : memref<10112x128xf32, #tpu.memory_space<vmem_shared>>)
          tpu.yield
        }) : () -> ()
        %dma_wait3A_379 = arith.constant 0 : i32
        %dma_wait3A_380 = arith.constant 0 : i32
        %dma_wait3A_381 = arith.constant 0 : i32
        %dma_wait3A_382 = arith.constant 0 : i32
        %dma_wait3A_383 = tpu.memref_slice %arg7[%dma_wait3A_380, %dma_wait3A_381, %dma_wait3A_382] : memref<2x4x128xi32, #tpu.memory_space<vmem>> -> memref<1x4x128xi32, #tpu.memory_space<vmem>>
        %dma_wait3A_384 = tpu.memref_squeeze %dma_wait3A_383 : memref<1x4x128xi32, #tpu.memory_space<vmem>> -> memref<4x128xi32, #tpu.memory_space<vmem>>
        %dma_wait3A_385 = arith.constant 0 : i32
        %dma_wait3A_386 = arith.constant 0 : i32
        %dma_wait3A_387 = tpu.memref_slice %arg3[%add3A, %dma_wait3A_379, %dma_wait3A_385, %dma_wait3A_386] : memref<32x41x4x128xi32, #tpu.memory_space<hbm>> -> memref<1x1x4x128xi32, #tpu.memory_space<hbm>>
        %dma_wait3A_388 = tpu.memref_squeeze %dma_wait3A_387 : memref<1x1x4x128xi32, #tpu.memory_space<hbm>> -> memref<4x128xi32, #tpu.memory_space<hbm>>
        %dma_wait3A_389 = arith.constant 0 : i32
        %dma_wait3A_390 = arith.constant 0 : i32
        %dma_wait3A_391 = tpu.memref_slice %arg7[%dma_wait3A_380, %dma_wait3A_389, %dma_wait3A_390] : memref<2x4x128xi32, #tpu.memory_space<vmem>> -> memref<1x4x128xi32, #tpu.memory_space<vmem>>
        %dma_wait3A_392 = tpu.memref_squeeze %dma_wait3A_391 : memref<1x4x128xi32, #tpu.memory_space<vmem>> -> memref<4x128xi32, #tpu.memory_space<vmem>>
        %dma_wait3A_393 = arith.constant 0 : i32
        %dma_wait3A_394 = arith.constant 0 : i32
        %dma_wait3A_395 = tpu.memref_slice %arg3[%add3A, %dma_wait3A_379, %dma_wait3A_393, %dma_wait3A_394] : memref<32x41x4x128xi32, #tpu.memory_space<hbm>> -> memref<1x1x4x128xi32, #tpu.memory_space<hbm>>
        %dma_wait3A_396 = tpu.memref_squeeze %dma_wait3A_395 : memref<1x1x4x128xi32, #tpu.memory_space<hbm>> -> memref<4x128xi32, #tpu.memory_space<hbm>>
        tpu.wait_dma2 semaphore(%arg14 : memref<!tpu.dma_semaphore, #tpu.memory_space<semaphore_mem>>) src(%dma_wait3A_396 : memref<4x128xi32, #tpu.memory_space<hbm>>) dst(%dma_wait3A_392 : memref<4x128xi32, #tpu.memory_space<vmem>>)
        %dma_wait3A_397 = arith.constant 0 : i32
        %dma_wait3A_398 = arith.constant 0 : i32
        %dma_wait3A_399 = arith.constant 0 : i32
        %dma_wait3A_400 = arith.constant 0 : i32
        %dma_wait3A_401 = tpu.memref_slice %arg8[%dma_wait3A_398, %dma_wait3A_399, %dma_wait3A_400] : memref<2x4x128xi32, #tpu.memory_space<vmem>> -> memref<1x4x128xi32, #tpu.memory_space<vmem>>
        %dma_wait3A_402 = tpu.memref_squeeze %dma_wait3A_401 : memref<1x4x128xi32, #tpu.memory_space<vmem>> -> memref<4x128xi32, #tpu.memory_space<vmem>>
        %dma_wait3A_403 = arith.constant 0 : i32
        %dma_wait3A_404 = arith.constant 0 : i32
        %dma_wait3A_405 = tpu.memref_slice %arg4[%add3A, %dma_wait3A_397, %dma_wait3A_403, %dma_wait3A_404] : memref<32x41x4x128xi32, #tpu.memory_space<hbm>> -> memref<1x1x4x128xi32, #tpu.memory_space<hbm>>
        %dma_wait3A_406 = tpu.memref_squeeze %dma_wait3A_405 : memref<1x1x4x128xi32, #tpu.memory_space<hbm>> -> memref<4x128xi32, #tpu.memory_space<hbm>>
        %dma_wait3A_407 = arith.constant 0 : i32
        %dma_wait3A_408 = arith.constant 0 : i32
        %dma_wait3A_409 = tpu.memref_slice %arg8[%dma_wait3A_398, %dma_wait3A_407, %dma_wait3A_408] : memref<2x4x128xi32, #tpu.memory_space<vmem>> -> memref<1x4x128xi32, #tpu.memory_space<vmem>>
        %dma_wait3A_410 = tpu.memref_squeeze %dma_wait3A_409 : memref<1x4x128xi32, #tpu.memory_space<vmem>> -> memref<4x128xi32, #tpu.memory_space<vmem>>
        %dma_wait3A_411 = arith.constant 0 : i32
        %dma_wait3A_412 = arith.constant 0 : i32
        %dma_wait3A_413 = tpu.memref_slice %arg4[%add3A, %dma_wait3A_397, %dma_wait3A_411, %dma_wait3A_412] : memref<32x41x4x128xi32, #tpu.memory_space<hbm>> -> memref<1x1x4x128xi32, #tpu.memory_space<hbm>>
        %dma_wait3A_414 = tpu.memref_squeeze %dma_wait3A_413 : memref<1x1x4x128xi32, #tpu.memory_space<hbm>> -> memref<4x128xi32, #tpu.memory_space<hbm>>
        tpu.wait_dma2 semaphore(%arg14 : memref<!tpu.dma_semaphore, #tpu.memory_space<semaphore_mem>>) src(%dma_wait3A_414 : memref<4x128xi32, #tpu.memory_space<hbm>>) dst(%dma_wait3A_410 : memref<4x128xi32, #tpu.memory_space<vmem>>)
        %dma_start3A_415 = arith.constant 0 : i32
        %dma_start3A_416 = arith.constant 0 : i32
        %dma_start3A_417 = arith.constant 0 : i32
        %dma_start3A_418 = tpu.memref_slice %arg7[%dma_start3A_415, %dma_start3A_416, %dma_start3A_417] : memref<2x4x128xi32, #tpu.memory_space<vmem>> -> memref<1x1x128xi32, #tpu.memory_space<vmem>>
        %dma_start3A_419 = tpu.memref_squeeze %dma_start3A_418 : memref<1x1x128xi32, #tpu.memory_space<vmem>> -> memref<128xi32, #tpu.memory_space<vmem>>
        %dma_start3A_420 = arith.constant 0 : i32
        %dma_start3A_421 = arith.constant 0 : i32
        %dma_start3A_422 = tpu.memref_slice %arg2[%dma_start3A_420, %dma_start3A_421] : memref<10000x128xf32, #tpu.memory_space<hbm>> -> memref<10000x128xf32, #tpu.memory_space<hbm>>
        tpu.enqueue_indirect_dma source(%dma_start3A_422 : memref<10000x128xf32, #tpu.memory_space<hbm>>) target(%arg9 : memref<128x128xf32, #tpu.memory_space<vmem>>) offsets(%dma_start3A_419 : memref<128xi32, #tpu.memory_space<vmem>>) semaphore(%arg12 : memref<!tpu.dma_semaphore, #tpu.memory_space<semaphore_mem>>)
        %dma_wait3A_423 = arith.constant 0 : i32
        %dma_wait3A_424 = arith.constant 0 : i32
        %dma_wait3A_425 = arith.constant 0 : i32
        %dma_wait3A_426 = tpu.memref_slice %arg7[%dma_wait3A_423, %dma_wait3A_424, %dma_wait3A_425] : memref<2x4x128xi32, #tpu.memory_space<vmem>> -> memref<1x1x128xi32, #tpu.memory_space<vmem>>
        %dma_wait3A_427 = tpu.memref_squeeze %dma_wait3A_426 : memref<1x1x128xi32, #tpu.memory_space<vmem>> -> memref<128xi32, #tpu.memory_space<vmem>>
        %dma_wait3A_428 = arith.constant 0 : i32
        %dma_wait3A_429 = arith.constant 0 : i32
        %dma_wait3A_430 = tpu.memref_slice %arg2[%dma_wait3A_428, %dma_wait3A_429] : memref<10000x128xf32, #tpu.memory_space<hbm>> -> memref<10000x128xf32, #tpu.memory_space<hbm>>
        tpu.wait_indirect_dma semaphore(%arg13 : memref<!tpu.dma_semaphore, #tpu.memory_space<semaphore_mem>>) src(%dma_wait3A_430 : memref<10000x128xf32, #tpu.memory_space<hbm>>) dst(%arg10 : memref<128x128xf32, #tpu.memory_space<vmem>>)
        %run_scoped3A_431 = arith.constant 1 : i32
        %run_scoped3A_432 = arith.constant 3 : i32
        "tpu.region"() ({
          %run_scoped3A_434 = tpu.sem_alloc : memref<!tpu.dma_semaphore, #tpu.memory_space<semaphore_mem>>
          %dma_start3A_435 = arith.constant 0 : i32
          %dma_start3A_436 = tpu.memref_slice %arg8[%run_scoped3A_431, %run_scoped3A_432, %dma_start3A_435] : memref<2x4x128xi32, #tpu.memory_space<vmem>> -> memref<1x1x128xi32, #tpu.memory_space<vmem>>
          %dma_start3A_437 = tpu.memref_squeeze %dma_start3A_436 : memref<1x1x128xi32, #tpu.memory_space<vmem>> -> memref<128xi32, #tpu.memory_space<vmem>>
          %dma_start3A_438 = arith.constant 0 : i32
          %dma_start3A_439 = arith.constant 0 : i32
          %dma_start3A_440 = tpu.memref_slice %arg11[%dma_start3A_438, %dma_start3A_439] : memref<10112x128xf32, #tpu.memory_space<vmem_shared>> -> memref<10112x128xf32, #tpu.memory_space<vmem_shared>>
          tpu.enqueue_indirect_dma source(%arg10 : memref<128x128xf32, #tpu.memory_space<vmem>>) target(%dma_start3A_440 : memref<10112x128xf32, #tpu.memory_space<vmem_shared>>) offsets(%dma_start3A_437 : memref<128xi32, #tpu.memory_space<vmem>>) semaphore(%run_scoped3A_434 : memref<!tpu.dma_semaphore, #tpu.memory_space<semaphore_mem>>) {add = true}
          %dma_wait3A_441 = arith.constant 0 : i32
          %dma_wait3A_442 = tpu.memref_slice %arg8[%run_scoped3A_431, %run_scoped3A_432, %dma_wait3A_441] : memref<2x4x128xi32, #tpu.memory_space<vmem>> -> memref<1x1x128xi32, #tpu.memory_space<vmem>>
          %dma_wait3A_443 = tpu.memref_squeeze %dma_wait3A_442 : memref<1x1x128xi32, #tpu.memory_space<vmem>> -> memref<128xi32, #tpu.memory_space<vmem>>
          %dma_wait3A_444 = arith.constant 0 : i32
          %dma_wait3A_445 = arith.constant 0 : i32
          %dma_wait3A_446 = tpu.memref_slice %arg11[%dma_wait3A_444, %dma_wait3A_445] : memref<10112x128xf32, #tpu.memory_space<vmem_shared>> -> memref<10112x128xf32, #tpu.memory_space<vmem_shared>>
          tpu.wait_indirect_dma semaphore(%run_scoped3A_434 : memref<!tpu.dma_semaphore, #tpu.memory_space<semaphore_mem>>) src(%arg10 : memref<128x128xf32, #tpu.memory_space<vmem>>) dst(%dma_wait3A_446 : memref<10112x128xf32, #tpu.memory_space<vmem_shared>>)
          tpu.yield
        }) : () -> ()
        %scan3A_433 = arith.constant 0 : i32
        scf.yield %scan3A_433 : i32
      }
      %scan3A_131 = arith.constant 20 : i32
      %dma_wait3A_132 = arith.constant 0 : i32
      %dma_wait3A_133 = arith.constant 0 : i32
      %dma_wait3A_134 = arith.constant 0 : i32
      %dma_wait3A_135 = tpu.memref_slice %arg7[%dma_wait3A_132, %dma_wait3A_133, %dma_wait3A_134] : memref<2x4x128xi32, #tpu.memory_space<vmem>> -> memref<1x1x128xi32, #tpu.memory_space<vmem>>
      %dma_wait3A_136 = tpu.memref_squeeze %dma_wait3A_135 : memref<1x1x128xi32, #tpu.memory_space<vmem>> -> memref<128xi32, #tpu.memory_space<vmem>>
      %dma_wait3A_137 = arith.constant 0 : i32
      %dma_wait3A_138 = arith.constant 0 : i32
      %dma_wait3A_139 = tpu.memref_slice %arg2[%dma_wait3A_137, %dma_wait3A_138] : memref<10000x128xf32, #tpu.memory_space<hbm>> -> memref<10000x128xf32, #tpu.memory_space<hbm>>
      tpu.wait_indirect_dma semaphore(%arg12 : memref<!tpu.dma_semaphore, #tpu.memory_space<semaphore_mem>>) src(%dma_wait3A_139 : memref<10000x128xf32, #tpu.memory_space<hbm>>) dst(%arg9 : memref<128x128xf32, #tpu.memory_space<vmem>>)
    } else {
    }
    %eq3A_21 = arith.constant 1 : i32
    %eq3A_22 = arith.cmpi eq, %arg0, %eq3A_21 : i32
    %convert_element_type3A_23 = arith.extui %eq3A_22 : i1 to i32
    %cond3A_24 = arith.constant 0 : i32
    %cond3A_25 = arith.cmpi ne, %convert_element_type3A_23, %cond3A_24 : i32
    scf.if %cond3A_25 {
      %scan3A_47 = arith.constant 0 : i32
      %scan3A_48 = arith.constant 0 : i32
      %scan3A_49 = arith.constant 1024 : i32
      %scan3A_50 = arith.addi %scan3A_48, %scan3A_49 : i32
      %scan3A_51 = arith.constant 1 : i32
      %scan3A_52 = scf.for %scan3A_69 = %scan3A_48 to %scan3A_50 step %scan3A_51 iter_args(%scan3A_70 = %scan3A_47) -> (i32)  : i32 {
        %broadcast_in_dim3A = arith.constant 1.000000e+00 : f32
        %broadcast_in_dim3A_71 = vector.broadcast %broadcast_in_dim3A : f32 to vector<16xf32>
        %jit3A = arith.constant 8 : i32
        %div3A = arith.divsi %scan3A_69, %jit3A : i32
        %sign3A = arith.constant 0 : i32
        %sign3A_72 = arith.cmpi sgt, %scan3A_69, %sign3A : i32
        %sign3A_73 = arith.extui %sign3A_72 : i1 to i32
        %sign3A_74 = arith.constant 0 : i32
        %sign3A_75 = arith.cmpi slt, %scan3A_69, %sign3A_74 : i32
        %sign3A_76 = arith.extui %sign3A_75 : i1 to i32
        %sign3A_77 = arith.subi %sign3A_73, %sign3A_76 : i32
        %sign3A_78 = arith.constant 0 : i32
        %sign3A_79 = arith.cmpi sgt, %jit3A, %sign3A_78 : i32
        %sign3A_80 = arith.extui %sign3A_79 : i1 to i32
        %sign3A_81 = arith.constant 0 : i32
        %sign3A_82 = arith.cmpi slt, %jit3A, %sign3A_81 : i32
        %sign3A_83 = arith.extui %sign3A_82 : i1 to i32
        %sign3A_84 = arith.subi %sign3A_80, %sign3A_83 : i32
        %ne3A = arith.cmpi ne, %sign3A_77, %sign3A_84 : i32
        %rem3A = arith.remsi %scan3A_69, %jit3A : i32
        %ne3A_85 = arith.constant 0 : i32
        %ne3A_86 = arith.cmpi ne, %rem3A, %ne3A_85 : i32
        %and3A = arith.andi %ne3A, %ne3A_86 : i1
        %sub3A = arith.constant 1 : i32
        %sub3A_87 = arith.subi %div3A, %sub3A : i32
        %select_n3A = arith.select %and3A, %sub3A_87, %div3A : i32
        %jit3A_88 = arith.constant 8 : i32
        %eq3A_89 = arith.constant 0 : i32
        %eq3A_90 = arith.cmpi eq, %jit3A_88, %eq3A_89 : i32
        %jit3A_91 = arith.constant 1 : i32
        %select_n3A_92 = arith.select %eq3A_90, %jit3A_91, %jit3A_88 : i32
        %rem3A_93 = arith.remsi %scan3A_69, %select_n3A_92 : i32
        %ne3A_94 = arith.constant 0 : i32
        %ne3A_95 = arith.cmpi ne, %rem3A_93, %ne3A_94 : i32
        %lt3A = arith.constant 0 : i32
        %lt3A_96 = arith.cmpi slt, %rem3A_93, %lt3A : i32
        %lt3A_97 = arith.constant 0 : i32
        %lt3A_98 = arith.cmpi slt, %select_n3A_92, %lt3A_97 : i32
        %ne3A_99 = arith.xori %lt3A_96, %lt3A_98 : i1
        %and3A_100 = arith.andi %ne3A_99, %ne3A_95 : i1
        %add3A_101 = arith.addi %rem3A_93, %select_n3A_92 : i32
        %select_n3A_102 = arith.select %and3A_100, %add3A_101, %rem3A_93 : i32
        %mul3A_103 = arith.constant 16 : i32
        %mul3A_104 = arith.muli %select_n3A_102, %mul3A_103 : i32
        %swap3A = arith.index_cast %select_n3A : i32 to index
        %swap3A_105 = arith.index_cast %mul3A_104 : i32 to index
        %swap3A_106 = tpu.vector_load %arg9[%swap3A, %swap3A_105] {strides = array<i32>} : memref<128x128xf32, #tpu.memory_space<vmem>>, vector<1x16xf32>,
        %swap3A_107 = vector.shape_cast %swap3A_106 : vector<1x16xf32> to vector<16xf32>
        %swap3A_108 = vector.shape_cast %broadcast_in_dim3A_71 : vector<16xf32> to vector<1x16xf32>
        tpu.vector_store %arg9[%swap3A, %swap3A_105], %swap3A_108 {strides = array<i32>} : memref<128x128xf32, #tpu.memory_space<vmem>>, vector<1x16xf32>,
        %scan3A_109 = arith.constant 0 : i32
        scf.yield %scan3A_109 : i32
      }
      %scan3A_53 = arith.constant 1024 : i32
      %run_scoped3A = arith.constant 0 : i32
      "tpu.region"() ({
        %run_scoped3A_69 = tpu.sem_alloc : memref<!tpu.dma_semaphore, #tpu.memory_space<semaphore_mem>>
        %dma_start3A = arith.constant 0 : i32
        %dma_start3A_70 = arith.constant 0 : i32
        %dma_start3A_71 = tpu.memref_slice %arg5[%arg1, %run_scoped3A, %dma_start3A, %dma_start3A_70] : memref<16x2x79x128xi32, #tpu.memory_space<hbm>> -> memref<1x1x79x128xi32, #tpu.memory_space<hbm>>
        %dma_start3A_72 = tpu.memref_squeeze %dma_start3A_71 : memref<1x1x79x128xi32, #tpu.memory_space<hbm>> -> memref<79x128xi32, #tpu.memory_space<hbm>>
        %dma_start3A_73 = arith.constant 0 : i32
        %dma_start3A_74 = arith.constant 0 : i32
        %dma_start3A_75 = tpu.memref_slice %arg5[%arg1, %run_scoped3A, %dma_start3A_73, %dma_start3A_74] : memref<16x2x79x128xi32, #tpu.memory_space<hbm>> -> memref<1x1x79x128xi32, #tpu.memory_space<hbm>>
        %dma_start3A_76 = tpu.memref_squeeze %dma_start3A_75 : memref<1x1x79x128xi32, #tpu.memory_space<hbm>> -> memref<79x128xi32, #tpu.memory_space<hbm>>
        tpu.enqueue_dma source(%dma_start3A_76 : memref<79x128xi32, #tpu.memory_space<hbm>>) target(%arg16 : memref<79x128xi32, #tpu.memory_space<vmem>>) target_semaphore(%run_scoped3A_69 : memref<!tpu.dma_semaphore, #tpu.memory_space<semaphore_mem>>)
        %dma_wait3A = arith.constant 0 : i32
        %dma_wait3A_77 = arith.constant 0 : i32
        %dma_wait3A_78 = tpu.memref_slice %arg5[%arg1, %run_scoped3A, %dma_wait3A, %dma_wait3A_77] : memref<16x2x79x128xi32, #tpu.memory_space<hbm>> -> memref<1x1x79x128xi32, #tpu.memory_space<hbm>>
        %dma_wait3A_79 = tpu.memref_squeeze %dma_wait3A_78 : memref<1x1x79x128xi32, #tpu.memory_space<hbm>> -> memref<79x128xi32, #tpu.memory_space<hbm>>
        %dma_wait3A_80 = arith.constant 0 : i32
        %dma_wait3A_81 = arith.constant 0 : i32
        %dma_wait3A_82 = tpu.memref_slice %arg5[%arg1, %run_scoped3A, %dma_wait3A_80, %dma_wait3A_81] : memref<16x2x79x128xi32, #tpu.memory_space<hbm>> -> memref<1x1x79x128xi32, #tpu.memory_space<hbm>>
        %dma_wait3A_83 = tpu.memref_squeeze %dma_wait3A_82 : memref<1x1x79x128xi32, #tpu.memory_space<hbm>> -> memref<79x128xi32, #tpu.memory_space<hbm>>
        tpu.wait_dma2 semaphore(%run_scoped3A_69 : memref<!tpu.dma_semaphore, #tpu.memory_space<semaphore_mem>>) src(%dma_wait3A_83 : memref<79x128xi32, #tpu.memory_space<hbm>>) dst(%arg16 : memref<79x128xi32, #tpu.memory_space<vmem>>)
        tpu.yield
      }) : () -> ()
      %scan3A_54 = arith.constant 0 : i32
      %scan3A_55 = arith.constant 0 : i32
      %scan3A_56 = arith.constant 79 : i32
      %scan3A_57 = arith.addi %scan3A_55, %scan3A_56 : i32
      %scan3A_58 = arith.constant 1 : i32
      %scan3A_59 = scf.for %scan3A_69 = %scan3A_55 to %scan3A_57 step %scan3A_58 iter_args(%scan3A_70 = %scan3A_54) -> (i32)  : i32 {
        "tpu.region"() ({
          %run_scoped3A_72 = tpu.sem_alloc : memref<!tpu.dma_semaphore, #tpu.memory_space<semaphore_mem>>
          %dma_start3A = arith.constant 0 : i32
          %dma_start3A_73 = tpu.memref_slice %arg16[%scan3A_69, %dma_start3A] : memref<79x128xi32, #tpu.memory_space<vmem>> -> memref<1x128xi32, #tpu.memory_space<vmem>>
          %dma_start3A_74 = tpu.memref_squeeze %dma_start3A_73 : memref<1x128xi32, #tpu.memory_space<vmem>> -> memref<128xi32, #tpu.memory_space<vmem>>
          %dma_start3A_75 = arith.constant 0 : i32
          %dma_start3A_76 = arith.constant 0 : i32
          %dma_start3A_77 = tpu.memref_slice %arg11[%dma_start3A_75, %dma_start3A_76] : memref<10112x128xf32, #tpu.memory_space<vmem_shared>> -> memref<10112x128xf32, #tpu.memory_space<vmem_shared>>
          tpu.enqueue_indirect_dma source(%arg9 : memref<128x128xf32, #tpu.memory_space<vmem>>) target(%dma_start3A_77 : memref<10112x128xf32, #tpu.memory_space<vmem_shared>>) offsets(%dma_start3A_74 : memref<128xi32, #tpu.memory_space<vmem>>) semaphore(%run_scoped3A_72 : memref<!tpu.dma_semaphore, #tpu.memory_space<semaphore_mem>>) {add = true}
          %dma_wait3A = arith.constant 0 : i32
          %dma_wait3A_78 = tpu.memref_slice %arg16[%scan3A_69, %dma_wait3A] : memref<79x128xi32, #tpu.memory_space<vmem>> -> memref<1x128xi32, #tpu.memory_space<vmem>>
          %dma_wait3A_79 = tpu.memref_squeeze %dma_wait3A_78 : memref<1x128xi32, #tpu.memory_space<vmem>> -> memref<128xi32, #tpu.memory_space<vmem>>
          %dma_wait3A_80 = arith.constant 0 : i32
          %dma_wait3A_81 = arith.constant 0 : i32
          %dma_wait3A_82 = tpu.memref_slice %arg11[%dma_wait3A_80, %dma_wait3A_81] : memref<10112x128xf32, #tpu.memory_space<vmem_shared>> -> memref<10112x128xf32, #tpu.memory_space<vmem_shared>>
          tpu.wait_indirect_dma semaphore(%run_scoped3A_72 : memref<!tpu.dma_semaphore, #tpu.memory_space<semaphore_mem>>) src(%arg9 : memref<128x128xf32, #tpu.memory_space<vmem>>) dst(%dma_wait3A_82 : memref<10112x128xf32, #tpu.memory_space<vmem_shared>>)
          tpu.yield
        }) : () -> ()
        %scan3A_71 = arith.constant 0 : i32
        scf.yield %scan3A_71 : i32
      }
      %scan3A_60 = arith.constant 79 : i32
      %run_scoped3A_61 = arith.constant 1 : i32
      "tpu.region"() ({
        %run_scoped3A_69 = tpu.sem_alloc : memref<!tpu.dma_semaphore, #tpu.memory_space<semaphore_mem>>
        %dma_start3A = arith.constant 0 : i32
        %dma_start3A_70 = arith.constant 0 : i32
        %dma_start3A_71 = tpu.memref_slice %arg5[%arg1, %run_scoped3A_61, %dma_start3A, %dma_start3A_70] : memref<16x2x79x128xi32, #tpu.memory_space<hbm>> -> memref<1x1x79x128xi32, #tpu.memory_space<hbm>>
        %dma_start3A_72 = tpu.memref_squeeze %dma_start3A_71 : memref<1x1x79x128xi32, #tpu.memory_space<hbm>> -> memref<79x128xi32, #tpu.memory_space<hbm>>
        %dma_start3A_73 = arith.constant 0 : i32
        %dma_start3A_74 = arith.constant 0 : i32
        %dma_start3A_75 = tpu.memref_slice %arg5[%arg1, %run_scoped3A_61, %dma_start3A_73, %dma_start3A_74] : memref<16x2x79x128xi32, #tpu.memory_space<hbm>> -> memref<1x1x79x128xi32, #tpu.memory_space<hbm>>
        %dma_start3A_76 = tpu.memref_squeeze %dma_start3A_75 : memref<1x1x79x128xi32, #tpu.memory_space<hbm>> -> memref<79x128xi32, #tpu.memory_space<hbm>>
        tpu.enqueue_dma source(%dma_start3A_76 : memref<79x128xi32, #tpu.memory_space<hbm>>) target(%arg16 : memref<79x128xi32, #tpu.memory_space<vmem>>) target_semaphore(%run_scoped3A_69 : memref<!tpu.dma_semaphore, #tpu.memory_space<semaphore_mem>>)
        %dma_wait3A = arith.constant 0 : i32
        %dma_wait3A_77 = arith.constant 0 : i32
        %dma_wait3A_78 = tpu.memref_slice %arg5[%arg1, %run_scoped3A_61, %dma_wait3A, %dma_wait3A_77] : memref<16x2x79x128xi32, #tpu.memory_space<hbm>> -> memref<1x1x79x128xi32, #tpu.memory_space<hbm>>
        %dma_wait3A_79 = tpu.memref_squeeze %dma_wait3A_78 : memref<1x1x79x128xi32, #tpu.memory_space<hbm>> -> memref<79x128xi32, #tpu.memory_space<hbm>>
        %dma_wait3A_80 = arith.constant 0 : i32
        %dma_wait3A_81 = arith.constant 0 : i32
        %dma_wait3A_82 = tpu.memref_slice %arg5[%arg1, %run_scoped3A_61, %dma_wait3A_80, %dma_wait3A_81] : memref<16x2x79x128xi32, #tpu.memory_space<hbm>> -> memref<1x1x79x128xi32, #tpu.memory_space<hbm>>
        %dma_wait3A_83 = tpu.memref_squeeze %dma_wait3A_82 : memref<1x1x79x128xi32, #tpu.memory_space<hbm>> -> memref<79x128xi32, #tpu.memory_space<hbm>>
        tpu.wait_dma2 semaphore(%run_scoped3A_69 : memref<!tpu.dma_semaphore, #tpu.memory_space<semaphore_mem>>) src(%dma_wait3A_83 : memref<79x128xi32, #tpu.memory_space<hbm>>) dst(%arg16 : memref<79x128xi32, #tpu.memory_space<vmem>>)
        tpu.yield
      }) : () -> ()
      %scan3A_62 = arith.constant 0 : i32
      %scan3A_63 = arith.constant 0 : i32
      %scan3A_64 = arith.constant 79 : i32
      %scan3A_65 = arith.addi %scan3A_63, %scan3A_64 : i32
      %scan3A_66 = arith.constant 1 : i32
      %scan3A_67 = scf.for %scan3A_69 = %scan3A_63 to %scan3A_65 step %scan3A_66 iter_args(%scan3A_70 = %scan3A_62) -> (i32)  : i32 {
        "tpu.region"() ({
          %run_scoped3A_72 = tpu.sem_alloc : memref<!tpu.dma_semaphore, #tpu.memory_space<semaphore_mem>>
          %dma_start3A = arith.constant 0 : i32
          %dma_start3A_73 = tpu.memref_slice %arg16[%scan3A_69, %dma_start3A] : memref<79x128xi32, #tpu.memory_space<vmem>> -> memref<1x128xi32, #tpu.memory_space<vmem>>
          %dma_start3A_74 = tpu.memref_squeeze %dma_start3A_73 : memref<1x128xi32, #tpu.memory_space<vmem>> -> memref<128xi32, #tpu.memory_space<vmem>>
          %dma_start3A_75 = arith.constant 0 : i32
          %dma_start3A_76 = arith.constant 0 : i32
          %dma_start3A_77 = tpu.memref_slice %arg11[%dma_start3A_75, %dma_start3A_76] : memref<10112x128xf32, #tpu.memory_space<vmem_shared>> -> memref<10112x128xf32, #tpu.memory_space<vmem_shared>>
          tpu.enqueue_indirect_dma source(%arg9 : memref<128x128xf32, #tpu.memory_space<vmem>>) target(%dma_start3A_77 : memref<10112x128xf32, #tpu.memory_space<vmem_shared>>) offsets(%dma_start3A_74 : memref<128xi32, #tpu.memory_space<vmem>>) semaphore(%run_scoped3A_72 : memref<!tpu.dma_semaphore, #tpu.memory_space<semaphore_mem>>) {add = true}
          %dma_wait3A = arith.constant 0 : i32
          %dma_wait3A_78 = tpu.memref_slice %arg16[%scan3A_69, %dma_wait3A] : memref<79x128xi32, #tpu.memory_space<vmem>> -> memref<1x128xi32, #tpu.memory_space<vmem>>
          %dma_wait3A_79 = tpu.memref_squeeze %dma_wait3A_78 : memref<1x128xi32, #tpu.memory_space<vmem>> -> memref<128xi32, #tpu.memory_space<vmem>>
          %dma_wait3A_80 = arith.constant 0 : i32
          %dma_wait3A_81 = arith.constant 0 : i32
          %dma_wait3A_82 = tpu.memref_slice %arg11[%dma_wait3A_80, %dma_wait3A_81] : memref<10112x128xf32, #tpu.memory_space<vmem_shared>> -> memref<10112x128xf32, #tpu.memory_space<vmem_shared>>
          tpu.wait_indirect_dma semaphore(%run_scoped3A_72 : memref<!tpu.dma_semaphore, #tpu.memory_space<semaphore_mem>>) src(%arg9 : memref<128x128xf32, #tpu.memory_space<vmem>>) dst(%dma_wait3A_82 : memref<10112x128xf32, #tpu.memory_space<vmem_shared>>)
          tpu.yield
        }) : () -> ()
        %scan3A_71 = arith.constant 0 : i32
        scf.yield %scan3A_71 : i32
      }
      %scan3A_68 = arith.constant 79 : i32
    } else {
    }
    %barrier3A_26 = arith.constant 0 : index
    tpu.barrier barrier_id(%barrier3A_26)
    %add3A_27 = arith.constant 0 : i32
    %add3A_28 = arith.addi %mul3A_8, %add3A_27 : i32
    "tpu.region"() ({
      %run_scoped3A = tpu.sem_alloc : memref<!tpu.dma_semaphore, #tpu.memory_space<semaphore_mem>>
      %dma_start3A = arith.constant 0 : i32
      %dma_start3A_47 = arith.constant 0 : i32
      %dma_start3A_48 = tpu.memref_slice %arg9[%dma_start3A, %dma_start3A_47] : memref<128x128xf32, #tpu.memory_space<vmem>> -> memref<128x128xf32, #tpu.memory_space<vmem>>
      %dma_start3A_49 = arith.constant 0 : i32
      %dma_start3A_50 = tpu.memref_slice %arg11[%add3A_28, %dma_start3A_49] : memref<10112x128xf32, #tpu.memory_space<vmem_shared>> -> memref<128x128xf32, #tpu.memory_space<vmem_shared>>
      %dma_start3A_51 = arith.constant 0 : i32
      %dma_start3A_52 = arith.constant 0 : i32
      %dma_start3A_53 = tpu.memref_slice %arg9[%dma_start3A_51, %dma_start3A_52] : memref<128x128xf32, #tpu.memory_space<vmem>> -> memref<128x128xf32, #tpu.memory_space<vmem>>
      %dma_start3A_54 = arith.constant 0 : i32
      %dma_start3A_55 = tpu.memref_slice %arg11[%add3A_28, %dma_start3A_54] : memref<10112x128xf32, #tpu.memory_space<vmem_shared>> -> memref<128x128xf32, #tpu.memory_space<vmem_shared>>
      tpu.enqueue_dma source(%dma_start3A_55 : memref<128x128xf32, #tpu.memory_space<vmem_shared>>) target(%dma_start3A_53 : memref<128x128xf32, #tpu.memory_space<vmem>>) target_semaphore(%run_scoped3A : memref<!tpu.dma_semaphore, #tpu.memory_space<semaphore_mem>>)
      %dma_wait3A = arith.constant 0 : i32
      %dma_wait3A_56 = arith.constant 0 : i32
      %dma_wait3A_57 = tpu.memref_slice %arg9[%dma_wait3A, %dma_wait3A_56] : memref<128x128xf32, #tpu.memory_space<vmem>> -> memref<128x128xf32, #tpu.memory_space<vmem>>
      %dma_wait3A_58 = arith.constant 0 : i32
      %dma_wait3A_59 = tpu.memref_slice %arg11[%add3A_28, %dma_wait3A_58] : memref<10112x128xf32, #tpu.memory_space<vmem_shared>> -> memref<128x128xf32, #tpu.memory_space<vmem_shared>>
      %dma_wait3A_60 = arith.constant 0 : i32
      %dma_wait3A_61 = arith.constant 0 : i32
      %dma_wait3A_62 = tpu.memref_slice %arg9[%dma_wait3A_60, %dma_wait3A_61] : memref<128x128xf32, #tpu.memory_space<vmem>> -> memref<128x128xf32, #tpu.memory_space<vmem>>
      %dma_wait3A_63 = arith.constant 0 : i32
      %dma_wait3A_64 = tpu.memref_slice %arg11[%add3A_28, %dma_wait3A_63] : memref<10112x128xf32, #tpu.memory_space<vmem_shared>> -> memref<128x128xf32, #tpu.memory_space<vmem_shared>>
      tpu.wait_dma2 semaphore(%run_scoped3A : memref<!tpu.dma_semaphore, #tpu.memory_space<semaphore_mem>>) src(%dma_wait3A_64 : memref<128x128xf32, #tpu.memory_space<vmem_shared>>) dst(%dma_wait3A_62 : memref<128x128xf32, #tpu.memory_space<vmem>>)
      tpu.yield
    }) : () -> ()
    %add3A_29 = arith.constant 0 : i32
    %add3A_30 = arith.addi %mul3A_8, %add3A_29 : i32
    "tpu.region"() ({
      %run_scoped3A = tpu.sem_alloc : memref<!tpu.dma_semaphore, #tpu.memory_space<semaphore_mem>>
      %dma_start3A = arith.constant 0 : i32
      %dma_start3A_47 = arith.constant 0 : i32
      %dma_start3A_48 = tpu.memref_slice %arg9[%dma_start3A, %dma_start3A_47] : memref<128x128xf32, #tpu.memory_space<vmem>> -> memref<128x128xf32, #tpu.memory_space<vmem>>
      %dma_start3A_49 = arith.constant 0 : i32
      %dma_start3A_50 = tpu.memref_slice %arg6[%arg0, %add3A_30, %dma_start3A_49] : memref<2x10112x128xf32, #tpu.memory_space<hbm>> -> memref<1x128x128xf32, #tpu.memory_space<hbm>>
      %dma_start3A_51 = tpu.memref_squeeze %dma_start3A_50 : memref<1x128x128xf32, #tpu.memory_space<hbm>> -> memref<128x128xf32, #tpu.memory_space<hbm>>
      %dma_start3A_52 = arith.constant 0 : i32
      %dma_start3A_53 = tpu.memref_slice %arg6[%arg0, %add3A_30, %dma_start3A_52] : memref<2x10112x128xf32, #tpu.memory_space<hbm>> -> memref<1x128x128xf32, #tpu.memory_space<hbm>>
      %dma_start3A_54 = tpu.memref_squeeze %dma_start3A_53 : memref<1x128x128xf32, #tpu.memory_space<hbm>> -> memref<128x128xf32, #tpu.memory_space<hbm>>
      %dma_start3A_55 = arith.constant 0 : i32
      %dma_start3A_56 = arith.constant 0 : i32
      %dma_start3A_57 = tpu.memref_slice %arg9[%dma_start3A_55, %dma_start3A_56] : memref<128x128xf32, #tpu.memory_space<vmem>> -> memref<128x128xf32, #tpu.memory_space<vmem>>
      tpu.enqueue_dma source(%dma_start3A_57 : memref<128x128xf32, #tpu.memory_space<vmem>>) target(%dma_start3A_54 : memref<128x128xf32, #tpu.memory_space<hbm>>) target_semaphore(%run_scoped3A : memref<!tpu.dma_semaphore, #tpu.memory_space<semaphore_mem>>)
      %dma_wait3A = arith.constant 0 : i32
      %dma_wait3A_58 = arith.constant 0 : i32
      %dma_wait3A_59 = tpu.memref_slice %arg9[%dma_wait3A, %dma_wait3A_58] : memref<128x128xf32, #tpu.memory_space<vmem>> -> memref<128x128xf32, #tpu.memory_space<vmem>>
      %dma_wait3A_60 = arith.constant 0 : i32
      %dma_wait3A_61 = tpu.memref_slice %arg6[%arg0, %add3A_30, %dma_wait3A_60] : memref<2x10112x128xf32, #tpu.memory_space<hbm>> -> memref<1x128x128xf32, #tpu.memory_space<hbm>>
      %dma_wait3A_62 = tpu.memref_squeeze %dma_wait3A_61 : memref<1x128x128xf32, #tpu.memory_space<hbm>> -> memref<128x128xf32, #tpu.memory_space<hbm>>
      %dma_wait3A_63 = arith.constant 0 : i32
      %dma_wait3A_64 = tpu.memref_slice %arg6[%arg0, %add3A_30, %dma_wait3A_63] : memref<2x10112x128xf32, #tpu.memory_space<hbm>> -> memref<1x128x128xf32, #tpu.memory_space<hbm>>
      %dma_wait3A_65 = tpu.memref_squeeze %dma_wait3A_64 : memref<1x128x128xf32, #tpu.memory_space<hbm>> -> memref<128x128xf32, #tpu.memory_space<hbm>>
      %dma_wait3A_66 = arith.constant 0 : i32
      %dma_wait3A_67 = arith.constant 0 : i32
      %dma_wait3A_68 = tpu.memref_slice %arg9[%dma_wait3A_66, %dma_wait3A_67] : memref<128x128xf32, #tpu.memory_space<vmem>> -> memref<128x128xf32, #tpu.memory_space<vmem>>
      tpu.wait_dma2 semaphore(%run_scoped3A : memref<!tpu.dma_semaphore, #tpu.memory_space<semaphore_mem>>) src(%dma_wait3A_68 : memref<128x128xf32, #tpu.memory_space<vmem>>) dst(%dma_wait3A_65 : memref<128x128xf32, #tpu.memory_space<hbm>>)
      tpu.yield
    }) : () -> ()
    %add3A_31 = arith.constant 128 : i32
    %add3A_32 = arith.addi %mul3A_8, %add3A_31 : i32
    "tpu.region"() ({
      %run_scoped3A = tpu.sem_alloc : memref<!tpu.dma_semaphore, #tpu.memory_space<semaphore_mem>>
      %dma_start3A = arith.constant 0 : i32
      %dma_start3A_47 = arith.constant 0 : i32
      %dma_start3A_48 = tpu.memref_slice %arg9[%dma_start3A, %dma_start3A_47] : memref<128x128xf32, #tpu.memory_space<vmem>> -> memref<128x128xf32, #tpu.memory_space<vmem>>
      %dma_start3A_49 = arith.constant 0 : i32
      %dma_start3A_50 = tpu.memref_slice %arg11[%add3A_32, %dma_start3A_49] : memref<10112x128xf32, #tpu.memory_space<vmem_shared>> -> memref<128x128xf32, #tpu.memory_space<vmem_shared>>
      %dma_start3A_51 = arith.constant 0 : i32
      %dma_start3A_52 = arith.constant 0 : i32
      %dma_start3A_53 = tpu.memref_slice %arg9[%dma_start3A_51, %dma_start3A_52] : memref<128x128xf32, #tpu.memory_space<vmem>> -> memref<128x128xf32, #tpu.memory_space<vmem>>
      %dma_start3A_54 = arith.constant 0 : i32
      %dma_start3A_55 = tpu.memref_slice %arg11[%add3A_32, %dma_start3A_54] : memref<10112x128xf32, #tpu.memory_space<vmem_shared>> -> memref<128x128xf32, #tpu.memory_space<vmem_shared>>
      tpu.enqueue_dma source(%dma_start3A_55 : memref<128x128xf32, #tpu.memory_space<vmem_shared>>) target(%dma_start3A_53 : memref<128x128xf32, #tpu.memory_space<vmem>>) target_semaphore(%run_scoped3A : memref<!tpu.dma_semaphore, #tpu.memory_space<semaphore_mem>>)
      %dma_wait3A = arith.constant 0 : i32
      %dma_wait3A_56 = arith.constant 0 : i32
      %dma_wait3A_57 = tpu.memref_slice %arg9[%dma_wait3A, %dma_wait3A_56] : memref<128x128xf32, #tpu.memory_space<vmem>> -> memref<128x128xf32, #tpu.memory_space<vmem>>
      %dma_wait3A_58 = arith.constant 0 : i32
      %dma_wait3A_59 = tpu.memref_slice %arg11[%add3A_32, %dma_wait3A_58] : memref<10112x128xf32, #tpu.memory_space<vmem_shared>> -> memref<128x128xf32, #tpu.memory_space<vmem_shared>>
      %dma_wait3A_60 = arith.constant 0 : i32
      %dma_wait3A_61 = arith.constant 0 : i32
      %dma_wait3A_62 = tpu.memref_slice %arg9[%dma_wait3A_60, %dma_wait3A_61] : memref<128x128xf32, #tpu.memory_space<vmem>> -> memref<128x128xf32, #tpu.memory_space<vmem>>
      %dma_wait3A_63 = arith.constant 0 : i32
      %dma_wait3A_64 = tpu.memref_slice %arg11[%add3A_32, %dma_wait3A_63] : memref<10112x128xf32, #tpu.memory_space<vmem_shared>> -> memref<128x128xf32, #tpu.memory_space<vmem_shared>>
      tpu.wait_dma2 semaphore(%run_scoped3A : memref<!tpu.dma_semaphore, #tpu.memory_space<semaphore_mem>>) src(%dma_wait3A_64 : memref<128x128xf32, #tpu.memory_space<vmem_shared>>) dst(%dma_wait3A_62 : memref<128x128xf32, #tpu.memory_space<vmem>>)
      tpu.yield
    }) : () -> ()
    %add3A_33 = arith.constant 128 : i32
    %add3A_34 = arith.addi %mul3A_8, %add3A_33 : i32
    "tpu.region"() ({
      %run_scoped3A = tpu.sem_alloc : memref<!tpu.dma_semaphore, #tpu.memory_space<semaphore_mem>>
      %dma_start3A = arith.constant 0 : i32
      %dma_start3A_47 = arith.constant 0 : i32
      %dma_start3A_48 = tpu.memref_slice %arg9[%dma_start3A, %dma_start3A_47] : memref<128x128xf32, #tpu.memory_space<vmem>> -> memref<128x128xf32, #tpu.memory_space<vmem>>
      %dma_start3A_49 = arith.constant 0 : i32
      %dma_start3A_50 = tpu.memref_slice %arg6[%arg0, %add3A_34, %dma_start3A_49] : memref<2x10112x128xf32, #tpu.memory_space<hbm>> -> memref<1x128x128xf32, #tpu.memory_space<hbm>>
      %dma_start3A_51 = tpu.memref_squeeze %dma_start3A_50 : memref<1x128x128xf32, #tpu.memory_space<hbm>> -> memref<128x128xf32, #tpu.memory_space<hbm>>
      %dma_start3A_52 = arith.constant 0 : i32
      %dma_start3A_53 = tpu.memref_slice %arg6[%arg0, %add3A_34, %dma_start3A_52] : memref<2x10112x128xf32, #tpu.memory_space<hbm>> -> memref<1x128x128xf32, #tpu.memory_space<hbm>>
      %dma_start3A_54 = tpu.memref_squeeze %dma_start3A_53 : memref<1x128x128xf32, #tpu.memory_space<hbm>> -> memref<128x128xf32, #tpu.memory_space<hbm>>
      %dma_start3A_55 = arith.constant 0 : i32
      %dma_start3A_56 = arith.constant 0 : i32
      %dma_start3A_57 = tpu.memref_slice %arg9[%dma_start3A_55, %dma_start3A_56] : memref<128x128xf32, #tpu.memory_space<vmem>> -> memref<128x128xf32, #tpu.memory_space<vmem>>
      tpu.enqueue_dma source(%dma_start3A_57 : memref<128x128xf32, #tpu.memory_space<vmem>>) target(%dma_start3A_54 : memref<128x128xf32, #tpu.memory_space<hbm>>) target_semaphore(%run_scoped3A : memref<!tpu.dma_semaphore, #tpu.memory_space<semaphore_mem>>)
      %dma_wait3A = arith.constant 0 : i32
      %dma_wait3A_58 = arith.constant 0 : i32
      %dma_wait3A_59 = tpu.memref_slice %arg9[%dma_wait3A, %dma_wait3A_58] : memref<128x128xf32, #tpu.memory_space<vmem>> -> memref<128x128xf32, #tpu.memory_space<vmem>>
      %dma_wait3A_60 = arith.constant 0 : i32
      %dma_wait3A_61 = tpu.memref_slice %arg6[%arg0, %add3A_34, %dma_wait3A_60] : memref<2x10112x128xf32, #tpu.memory_space<hbm>> -> memref<1x128x128xf32, #tpu.memory_space<hbm>>
      %dma_wait3A_62 = tpu.memref_squeeze %dma_wait3A_61 : memref<1x128x128xf32, #tpu.memory_space<hbm>> -> memref<128x128xf32, #tpu.memory_space<hbm>>
      %dma_wait3A_63 = arith.constant 0 : i32
      %dma_wait3A_64 = tpu.memref_slice %arg6[%arg0, %add3A_34, %dma_wait3A_63] : memref<2x10112x128xf32, #tpu.memory_space<hbm>> -> memref<1x128x128xf32, #tpu.memory_space<hbm>>
      %dma_wait3A_65 = tpu.memref_squeeze %dma_wait3A_64 : memref<1x128x128xf32, #tpu.memory_space<hbm>> -> memref<128x128xf32, #tpu.memory_space<hbm>>
      %dma_wait3A_66 = arith.constant 0 : i32
      %dma_wait3A_67 = arith.constant 0 : i32
      %dma_wait3A_68 = tpu.memref_slice %arg9[%dma_wait3A_66, %dma_wait3A_67] : memref<128x128xf32, #tpu.memory_space<vmem>> -> memref<128x128xf32, #tpu.memory_space<vmem>>
      tpu.wait_dma2 semaphore(%run_scoped3A : memref<!tpu.dma_semaphore, #tpu.memory_space<semaphore_mem>>) src(%dma_wait3A_68 : memref<128x128xf32, #tpu.memory_space<vmem>>) dst(%dma_wait3A_65 : memref<128x128xf32, #tpu.memory_space<hbm>>)
      tpu.yield
    }) : () -> ()
    %add3A_35 = arith.constant 256 : i32
    %add3A_36 = arith.addi %mul3A_8, %add3A_35 : i32
    "tpu.region"() ({
      %run_scoped3A = tpu.sem_alloc : memref<!tpu.dma_semaphore, #tpu.memory_space<semaphore_mem>>
      %dma_start3A = arith.constant 0 : i32
      %dma_start3A_47 = arith.constant 0 : i32
      %dma_start3A_48 = tpu.memref_slice %arg9[%dma_start3A, %dma_start3A_47] : memref<128x128xf32, #tpu.memory_space<vmem>> -> memref<128x128xf32, #tpu.memory_space<vmem>>
      %dma_start3A_49 = arith.constant 0 : i32
      %dma_start3A_50 = tpu.memref_slice %arg11[%add3A_36, %dma_start3A_49] : memref<10112x128xf32, #tpu.memory_space<vmem_shared>> -> memref<128x128xf32, #tpu.memory_space<vmem_shared>>
      %dma_start3A_51 = arith.constant 0 : i32
      %dma_start3A_52 = arith.constant 0 : i32
      %dma_start3A_53 = tpu.memref_slice %arg9[%dma_start3A_51, %dma_start3A_52] : memref<128x128xf32, #tpu.memory_space<vmem>> -> memref<128x128xf32, #tpu.memory_space<vmem>>
      %dma_start3A_54 = arith.constant 0 : i32
      %dma_start3A_55 = tpu.memref_slice %arg11[%add3A_36, %dma_start3A_54] : memref<10112x128xf32, #tpu.memory_space<vmem_shared>> -> memref<128x128xf32, #tpu.memory_space<vmem_shared>>
      tpu.enqueue_dma source(%dma_start3A_55 : memref<128x128xf32, #tpu.memory_space<vmem_shared>>) target(%dma_start3A_53 : memref<128x128xf32, #tpu.memory_space<vmem>>) target_semaphore(%run_scoped3A : memref<!tpu.dma_semaphore, #tpu.memory_space<semaphore_mem>>)
      %dma_wait3A = arith.constant 0 : i32
      %dma_wait3A_56 = arith.constant 0 : i32
      %dma_wait3A_57 = tpu.memref_slice %arg9[%dma_wait3A, %dma_wait3A_56] : memref<128x128xf32, #tpu.memory_space<vmem>> -> memref<128x128xf32, #tpu.memory_space<vmem>>
      %dma_wait3A_58 = arith.constant 0 : i32
      %dma_wait3A_59 = tpu.memref_slice %arg11[%add3A_36, %dma_wait3A_58] : memref<10112x128xf32, #tpu.memory_space<vmem_shared>> -> memref<128x128xf32, #tpu.memory_space<vmem_shared>>
      %dma_wait3A_60 = arith.constant 0 : i32
      %dma_wait3A_61 = arith.constant 0 : i32
      %dma_wait3A_62 = tpu.memref_slice %arg9[%dma_wait3A_60, %dma_wait3A_61] : memref<128x128xf32, #tpu.memory_space<vmem>> -> memref<128x128xf32, #tpu.memory_space<vmem>>
      %dma_wait3A_63 = arith.constant 0 : i32
      %dma_wait3A_64 = tpu.memref_slice %arg11[%add3A_36, %dma_wait3A_63] : memref<10112x128xf32, #tpu.memory_space<vmem_shared>> -> memref<128x128xf32, #tpu.memory_space<vmem_shared>>
      tpu.wait_dma2 semaphore(%run_scoped3A : memref<!tpu.dma_semaphore, #tpu.memory_space<semaphore_mem>>) src(%dma_wait3A_64 : memref<128x128xf32, #tpu.memory_space<vmem_shared>>) dst(%dma_wait3A_62 : memref<128x128xf32, #tpu.memory_space<vmem>>)
      tpu.yield
    }) : () -> ()
    %add3A_37 = arith.constant 256 : i32
    %add3A_38 = arith.addi %mul3A_8, %add3A_37 : i32
    "tpu.region"() ({
      %run_scoped3A = tpu.sem_alloc : memref<!tpu.dma_semaphore, #tpu.memory_space<semaphore_mem>>
      %dma_start3A = arith.constant 0 : i32
      %dma_start3A_47 = arith.constant 0 : i32
      %dma_start3A_48 = tpu.memref_slice %arg9[%dma_start3A, %dma_start3A_47] : memref<128x128xf32, #tpu.memory_space<vmem>> -> memref<128x128xf32, #tpu.memory_space<vmem>>
      %dma_start3A_49 = arith.constant 0 : i32
      %dma_start3A_50 = tpu.memref_slice %arg6[%arg0, %add3A_38, %dma_start3A_49] : memref<2x10112x128xf32, #tpu.memory_space<hbm>> -> memref<1x128x128xf32, #tpu.memory_space<hbm>>
      %dma_start3A_51 = tpu.memref_squeeze %dma_start3A_50 : memref<1x128x128xf32, #tpu.memory_space<hbm>> -> memref<128x128xf32, #tpu.memory_space<hbm>>
      %dma_start3A_52 = arith.constant 0 : i32
      %dma_start3A_53 = tpu.memref_slice %arg6[%arg0, %add3A_38, %dma_start3A_52] : memref<2x10112x128xf32, #tpu.memory_space<hbm>> -> memref<1x128x128xf32, #tpu.memory_space<hbm>>
      %dma_start3A_54 = tpu.memref_squeeze %dma_start3A_53 : memref<1x128x128xf32, #tpu.memory_space<hbm>> -> memref<128x128xf32, #tpu.memory_space<hbm>>
      %dma_start3A_55 = arith.constant 0 : i32
      %dma_start3A_56 = arith.constant 0 : i32
      %dma_start3A_57 = tpu.memref_slice %arg9[%dma_start3A_55, %dma_start3A_56] : memref<128x128xf32, #tpu.memory_space<vmem>> -> memref<128x128xf32, #tpu.memory_space<vmem>>
      tpu.enqueue_dma source(%dma_start3A_57 : memref<128x128xf32, #tpu.memory_space<vmem>>) target(%dma_start3A_54 : memref<128x128xf32, #tpu.memory_space<hbm>>) target_semaphore(%run_scoped3A : memref<!tpu.dma_semaphore, #tpu.memory_space<semaphore_mem>>)
      %dma_wait3A = arith.constant 0 : i32
      %dma_wait3A_58 = arith.constant 0 : i32
      %dma_wait3A_59 = tpu.memref_slice %arg9[%dma_wait3A, %dma_wait3A_58] : memref<128x128xf32, #tpu.memory_space<vmem>> -> memref<128x128xf32, #tpu.memory_space<vmem>>
      %dma_wait3A_60 = arith.constant 0 : i32
      %dma_wait3A_61 = tpu.memref_slice %arg6[%arg0, %add3A_38, %dma_wait3A_60] : memref<2x10112x128xf32, #tpu.memory_space<hbm>> -> memref<1x128x128xf32, #tpu.memory_space<hbm>>
      %dma_wait3A_62 = tpu.memref_squeeze %dma_wait3A_61 : memref<1x128x128xf32, #tpu.memory_space<hbm>> -> memref<128x128xf32, #tpu.memory_space<hbm>>
      %dma_wait3A_63 = arith.constant 0 : i32
      %dma_wait3A_64 = tpu.memref_slice %arg6[%arg0, %add3A_38, %dma_wait3A_63] : memref<2x10112x128xf32, #tpu.memory_space<hbm>> -> memref<1x128x128xf32, #tpu.memory_space<hbm>>
      %dma_wait3A_65 = tpu.memref_squeeze %dma_wait3A_64 : memref<1x128x128xf32, #tpu.memory_space<hbm>> -> memref<128x128xf32, #tpu.memory_space<hbm>>
      %dma_wait3A_66 = arith.constant 0 : i32
      %dma_wait3A_67 = arith.constant 0 : i32
      %dma_wait3A_68 = tpu.memref_slice %arg9[%dma_wait3A_66, %dma_wait3A_67] : memref<128x128xf32, #tpu.memory_space<vmem>> -> memref<128x128xf32, #tpu.memory_space<vmem>>
      tpu.wait_dma2 semaphore(%run_scoped3A : memref<!tpu.dma_semaphore, #tpu.memory_space<semaphore_mem>>) src(%dma_wait3A_68 : memref<128x128xf32, #tpu.memory_space<vmem>>) dst(%dma_wait3A_65 : memref<128x128xf32, #tpu.memory_space<hbm>>)
      tpu.yield
    }) : () -> ()
    %add3A_39 = arith.constant 384 : i32
    %add3A_40 = arith.addi %mul3A_8, %add3A_39 : i32
    "tpu.region"() ({
      %run_scoped3A = tpu.sem_alloc : memref<!tpu.dma_semaphore, #tpu.memory_space<semaphore_mem>>
      %dma_start3A = arith.constant 0 : i32
      %dma_start3A_47 = arith.constant 0 : i32
      %dma_start3A_48 = tpu.memref_slice %arg9[%dma_start3A, %dma_start3A_47] : memref<128x128xf32, #tpu.memory_space<vmem>> -> memref<128x128xf32, #tpu.memory_space<vmem>>
      %dma_start3A_49 = arith.constant 0 : i32
      %dma_start3A_50 = tpu.memref_slice %arg11[%add3A_40, %dma_start3A_49] : memref<10112x128xf32, #tpu.memory_space<vmem_shared>> -> memref<128x128xf32, #tpu.memory_space<vmem_shared>>
      %dma_start3A_51 = arith.constant 0 : i32
      %dma_start3A_52 = arith.constant 0 : i32
      %dma_start3A_53 = tpu.memref_slice %arg9[%dma_start3A_51, %dma_start3A_52] : memref<128x128xf32, #tpu.memory_space<vmem>> -> memref<128x128xf32, #tpu.memory_space<vmem>>
      %dma_start3A_54 = arith.constant 0 : i32
      %dma_start3A_55 = tpu.memref_slice %arg11[%add3A_40, %dma_start3A_54] : memref<10112x128xf32, #tpu.memory_space<vmem_shared>> -> memref<128x128xf32, #tpu.memory_space<vmem_shared>>
      tpu.enqueue_dma source(%dma_start3A_55 : memref<128x128xf32, #tpu.memory_space<vmem_shared>>) target(%dma_start3A_53 : memref<128x128xf32, #tpu.memory_space<vmem>>) target_semaphore(%run_scoped3A : memref<!tpu.dma_semaphore, #tpu.memory_space<semaphore_mem>>)
      %dma_wait3A = arith.constant 0 : i32
      %dma_wait3A_56 = arith.constant 0 : i32
      %dma_wait3A_57 = tpu.memref_slice %arg9[%dma_wait3A, %dma_wait3A_56] : memref<128x128xf32, #tpu.memory_space<vmem>> -> memref<128x128xf32, #tpu.memory_space<vmem>>
      %dma_wait3A_58 = arith.constant 0 : i32
      %dma_wait3A_59 = tpu.memref_slice %arg11[%add3A_40, %dma_wait3A_58] : memref<10112x128xf32, #tpu.memory_space<vmem_shared>> -> memref<128x128xf32, #tpu.memory_space<vmem_shared>>
      %dma_wait3A_60 = arith.constant 0 : i32
      %dma_wait3A_61 = arith.constant 0 : i32
      %dma_wait3A_62 = tpu.memref_slice %arg9[%dma_wait3A_60, %dma_wait3A_61] : memref<128x128xf32, #tpu.memory_space<vmem>> -> memref<128x128xf32, #tpu.memory_space<vmem>>
      %dma_wait3A_63 = arith.constant 0 : i32
      %dma_wait3A_64 = tpu.memref_slice %arg11[%add3A_40, %dma_wait3A_63] : memref<10112x128xf32, #tpu.memory_space<vmem_shared>> -> memref<128x128xf32, #tpu.memory_space<vmem_shared>>
      tpu.wait_dma2 semaphore(%run_scoped3A : memref<!tpu.dma_semaphore, #tpu.memory_space<semaphore_mem>>) src(%dma_wait3A_64 : memref<128x128xf32, #tpu.memory_space<vmem_shared>>) dst(%dma_wait3A_62 : memref<128x128xf32, #tpu.memory_space<vmem>>)
      tpu.yield
    }) : () -> ()
    %add3A_41 = arith.constant 384 : i32
    %add3A_42 = arith.addi %mul3A_8, %add3A_41 : i32
    "tpu.region"() ({
      %run_scoped3A = tpu.sem_alloc : memref<!tpu.dma_semaphore, #tpu.memory_space<semaphore_mem>>
      %dma_start3A = arith.constant 0 : i32
      %dma_start3A_47 = arith.constant 0 : i32
      %dma_start3A_48 = tpu.memref_slice %arg9[%dma_start3A, %dma_start3A_47] : memref<128x128xf32, #tpu.memory_space<vmem>> -> memref<128x128xf32, #tpu.memory_space<vmem>>
      %dma_start3A_49 = arith.constant 0 : i32
      %dma_start3A_50 = tpu.memref_slice %arg6[%arg0, %add3A_42, %dma_start3A_49] : memref<2x10112x128xf32, #tpu.memory_space<hbm>> -> memref<1x128x128xf32, #tpu.memory_space<hbm>>
      %dma_start3A_51 = tpu.memref_squeeze %dma_start3A_50 : memref<1x128x128xf32, #tpu.memory_space<hbm>> -> memref<128x128xf32, #tpu.memory_space<hbm>>
      %dma_start3A_52 = arith.constant 0 : i32
      %dma_start3A_53 = tpu.memref_slice %arg6[%arg0, %add3A_42, %dma_start3A_52] : memref<2x10112x128xf32, #tpu.memory_space<hbm>> -> memref<1x128x128xf32, #tpu.memory_space<hbm>>
      %dma_start3A_54 = tpu.memref_squeeze %dma_start3A_53 : memref<1x128x128xf32, #tpu.memory_space<hbm>> -> memref<128x128xf32, #tpu.memory_space<hbm>>
      %dma_start3A_55 = arith.constant 0 : i32
      %dma_start3A_56 = arith.constant 0 : i32
      %dma_start3A_57 = tpu.memref_slice %arg9[%dma_start3A_55, %dma_start3A_56] : memref<128x128xf32, #tpu.memory_space<vmem>> -> memref<128x128xf32, #tpu.memory_space<vmem>>
      tpu.enqueue_dma source(%dma_start3A_57 : memref<128x128xf32, #tpu.memory_space<vmem>>) target(%dma_start3A_54 : memref<128x128xf32, #tpu.memory_space<hbm>>) target_semaphore(%run_scoped3A : memref<!tpu.dma_semaphore, #tpu.memory_space<semaphore_mem>>)
      %dma_wait3A = arith.constant 0 : i32
      %dma_wait3A_58 = arith.constant 0 : i32
      %dma_wait3A_59 = tpu.memref_slice %arg9[%dma_wait3A, %dma_wait3A_58] : memref<128x128xf32, #tpu.memory_space<vmem>> -> memref<128x128xf32, #tpu.memory_space<vmem>>
      %dma_wait3A_60 = arith.constant 0 : i32
      %dma_wait3A_61 = tpu.memref_slice %arg6[%arg0, %add3A_42, %dma_wait3A_60] : memref<2x10112x128xf32, #tpu.memory_space<hbm>> -> memref<1x128x128xf32, #tpu.memory_space<hbm>>
      %dma_wait3A_62 = tpu.memref_squeeze %dma_wait3A_61 : memref<1x128x128xf32, #tpu.memory_space<hbm>> -> memref<128x128xf32, #tpu.memory_space<hbm>>
      %dma_wait3A_63 = arith.constant 0 : i32
      %dma_wait3A_64 = tpu.memref_slice %arg6[%arg0, %add3A_42, %dma_wait3A_63] : memref<2x10112x128xf32, #tpu.memory_space<hbm>> -> memref<1x128x128xf32, #tpu.memory_space<hbm>>
      %dma_wait3A_65 = tpu.memref_squeeze %dma_wait3A_64 : memref<1x128x128xf32, #tpu.memory_space<hbm>> -> memref<128x128xf32, #tpu.memory_space<hbm>>
      %dma_wait3A_66 = arith.constant 0 : i32
      %dma_wait3A_67 = arith.constant 0 : i32
      %dma_wait3A_68 = tpu.memref_slice %arg9[%dma_wait3A_66, %dma_wait3A_67] : memref<128x128xf32, #tpu.memory_space<vmem>> -> memref<128x128xf32, #tpu.memory_space<vmem>>
      tpu.wait_dma2 semaphore(%run_scoped3A : memref<!tpu.dma_semaphore, #tpu.memory_space<semaphore_mem>>) src(%dma_wait3A_68 : memref<128x128xf32, #tpu.memory_space<vmem>>) dst(%dma_wait3A_65 : memref<128x128xf32, #tpu.memory_space<hbm>>)
      tpu.yield
    }) : () -> ()
    %add3A_43 = arith.constant 512 : i32
    %add3A_44 = arith.addi %mul3A_8, %add3A_43 : i32
    "tpu.region"() ({
      %run_scoped3A = tpu.sem_alloc : memref<!tpu.dma_semaphore, #tpu.memory_space<semaphore_mem>>
      %dma_start3A = arith.constant 0 : i32
      %dma_start3A_47 = arith.constant 0 : i32
      %dma_start3A_48 = tpu.memref_slice %arg9[%dma_start3A, %dma_start3A_47] : memref<128x128xf32, #tpu.memory_space<vmem>> -> memref<120x128xf32, #tpu.memory_space<vmem>>
      %dma_start3A_49 = arith.constant 0 : i32
      %dma_start3A_50 = tpu.memref_slice %arg11[%add3A_44, %dma_start3A_49] : memref<10112x128xf32, #tpu.memory_space<vmem_shared>> -> memref<120x128xf32, #tpu.memory_space<vmem_shared>>
      %dma_start3A_51 = arith.constant 0 : i32
      %dma_start3A_52 = arith.constant 0 : i32
      %dma_start3A_53 = tpu.memref_slice %arg9[%dma_start3A_51, %dma_start3A_52] : memref<128x128xf32, #tpu.memory_space<vmem>> -> memref<120x128xf32, #tpu.memory_space<vmem>>
      %dma_start3A_54 = arith.constant 0 : i32
      %dma_start3A_55 = tpu.memref_slice %arg11[%add3A_44, %dma_start3A_54] : memref<10112x128xf32, #tpu.memory_space<vmem_shared>> -> memref<120x128xf32, #tpu.memory_space<vmem_shared>>
      tpu.enqueue_dma source(%dma_start3A_55 : memref<120x128xf32, #tpu.memory_space<vmem_shared>>) target(%dma_start3A_53 : memref<120x128xf32, #tpu.memory_space<vmem>>) target_semaphore(%run_scoped3A : memref<!tpu.dma_semaphore, #tpu.memory_space<semaphore_mem>>)
      %dma_wait3A = arith.constant 0 : i32
      %dma_wait3A_56 = arith.constant 0 : i32
      %dma_wait3A_57 = tpu.memref_slice %arg9[%dma_wait3A, %dma_wait3A_56] : memref<128x128xf32, #tpu.memory_space<vmem>> -> memref<120x128xf32, #tpu.memory_space<vmem>>
      %dma_wait3A_58 = arith.constant 0 : i32
      %dma_wait3A_59 = tpu.memref_slice %arg11[%add3A_44, %dma_wait3A_58] : memref<10112x128xf32, #tpu.memory_space<vmem_shared>> -> memref<120x128xf32, #tpu.memory_space<vmem_shared>>
      %dma_wait3A_60 = arith.constant 0 : i32
      %dma_wait3A_61 = arith.constant 0 : i32
      %dma_wait3A_62 = tpu.memref_slice %arg9[%dma_wait3A_60, %dma_wait3A_61] : memref<128x128xf32, #tpu.memory_space<vmem>> -> memref<120x128xf32, #tpu.memory_space<vmem>>
      %dma_wait3A_63 = arith.constant 0 : i32
      %dma_wait3A_64 = tpu.memref_slice %arg11[%add3A_44, %dma_wait3A_63] : memref<10112x128xf32, #tpu.memory_space<vmem_shared>> -> memref<120x128xf32, #tpu.memory_space<vmem_shared>>
      tpu.wait_dma2 semaphore(%run_scoped3A : memref<!tpu.dma_semaphore, #tpu.memory_space<semaphore_mem>>) src(%dma_wait3A_64 : memref<120x128xf32, #tpu.memory_space<vmem_shared>>) dst(%dma_wait3A_62 : memref<120x128xf32, #tpu.memory_space<vmem>>)
      tpu.yield
    }) : () -> ()
    %add3A_45 = arith.constant 512 : i32
    %add3A_46 = arith.addi %mul3A_8, %add3A_45 : i32
    "tpu.region"() ({
      %run_scoped3A = tpu.sem_alloc : memref<!tpu.dma_semaphore, #tpu.memory_space<semaphore_mem>>
      %dma_start3A = arith.constant 0 : i32
      %dma_start3A_47 = arith.constant 0 : i32
      %dma_start3A_48 = tpu.memref_slice %arg9[%dma_start3A, %dma_start3A_47] : memref<128x128xf32, #tpu.memory_space<vmem>> -> memref<120x128xf32, #tpu.memory_space<vmem>>
      %dma_start3A_49 = arith.constant 0 : i32
      %dma_start3A_50 = tpu.memref_slice %arg6[%arg0, %add3A_46, %dma_start3A_49] : memref<2x10112x128xf32, #tpu.memory_space<hbm>> -> memref<1x120x128xf32, #tpu.memory_space<hbm>>
      %dma_start3A_51 = tpu.memref_squeeze %dma_start3A_50 : memref<1x120x128xf32, #tpu.memory_space<hbm>> -> memref<120x128xf32, #tpu.memory_space<hbm>>
      %dma_start3A_52 = arith.constant 0 : i32
      %dma_start3A_53 = tpu.memref_slice %arg6[%arg0, %add3A_46, %dma_start3A_52] : memref<2x10112x128xf32, #tpu.memory_space<hbm>> -> memref<1x120x128xf32, #tpu.memory_space<hbm>>
      %dma_start3A_54 = tpu.memref_squeeze %dma_start3A_53 : memref<1x120x128xf32, #tpu.memory_space<hbm>> -> memref<120x128xf32, #tpu.memory_space<hbm>>
      %dma_start3A_55 = arith.constant 0 : i32
      %dma_start3A_56 = arith.constant 0 : i32
      %dma_start3A_57 = tpu.memref_slice %arg9[%dma_start3A_55, %dma_start3A_56] : memref<128x128xf32, #tpu.memory_space<vmem>> -> memref<120x128xf32, #tpu.memory_space<vmem>>
      tpu.enqueue_dma source(%dma_start3A_57 : memref<120x128xf32, #tpu.memory_space<vmem>>) target(%dma_start3A_54 : memref<120x128xf32, #tpu.memory_space<hbm>>) target_semaphore(%run_scoped3A : memref<!tpu.dma_semaphore, #tpu.memory_space<semaphore_mem>>)
      %dma_wait3A = arith.constant 0 : i32
      %dma_wait3A_58 = arith.constant 0 : i32
      %dma_wait3A_59 = tpu.memref_slice %arg9[%dma_wait3A, %dma_wait3A_58] : memref<128x128xf32, #tpu.memory_space<vmem>> -> memref<120x128xf32, #tpu.memory_space<vmem>>
      %dma_wait3A_60 = arith.constant 0 : i32
      %dma_wait3A_61 = tpu.memref_slice %arg6[%arg0, %add3A_46, %dma_wait3A_60] : memref<2x10112x128xf32, #tpu.memory_space<hbm>> -> memref<1x120x128xf32, #tpu.memory_space<hbm>>
      %dma_wait3A_62 = tpu.memref_squeeze %dma_wait3A_61 : memref<1x120x128xf32, #tpu.memory_space<hbm>> -> memref<120x128xf32, #tpu.memory_space<hbm>>
      %dma_wait3A_63 = arith.constant 0 : i32
      %dma_wait3A_64 = tpu.memref_slice %arg6[%arg0, %add3A_46, %dma_wait3A_63] : memref<2x10112x128xf32, #tpu.memory_space<hbm>> -> memref<1x120x128xf32, #tpu.memory_space<hbm>>
      %dma_wait3A_65 = tpu.memref_squeeze %dma_wait3A_64 : memref<1x120x128xf32, #tpu.memory_space<hbm>> -> memref<120x128xf32, #tpu.memory_space<hbm>>
      %dma_wait3A_66 = arith.constant 0 : i32
      %dma_wait3A_67 = arith.constant 0 : i32
      %dma_wait3A_68 = tpu.memref_slice %arg9[%dma_wait3A_66, %dma_wait3A_67] : memref<128x128xf32, #tpu.memory_space<vmem>> -> memref<120x128xf32, #tpu.memory_space<vmem>>
      tpu.wait_dma2 semaphore(%run_scoped3A : memref<!tpu.dma_semaphore, #tpu.memory_space<semaphore_mem>>) src(%dma_wait3A_68 : memref<120x128xf32, #tpu.memory_space<vmem>>) dst(%dma_wait3A_65 : memref<120x128xf32, #tpu.memory_space<hbm>>)
      tpu.yield
    }) : () -> ()
    return
  }
}

#map = affine_map<(d0, d1) -> (0, 0)>
#map1 = affine_map<(d0, d1) -> (0, 0, 0, 0)>
#map2 = affine_map<(d0, d1) -> (0, 0, 0)>
module attributes {stable_mosaic.version = 14 : i64} {
  func.func @body(%arg0: i32, %arg1: i32, %arg2: memref<10000x128xf32, #tpu.memory_space<hbm>>, %arg3: memref<32x41x4x128xi32, #tpu.memory_space<hbm>>, %arg4: memref<32x41x4x128xi32, #tpu.memory_space<hbm>>, %arg5: memref<2x10112x128xf32, #tpu.memory_space<hbm>>, %arg6: memref<2x4x128xi32, #tpu.memory_space<vmem>>, %arg7: memref<2x4x128xi32, #tpu.memory_space<vmem>>, %arg8: memref<128x128xf32, #tpu.memory_space<vmem>>, %arg9: memref<128x128xf32, #tpu.memory_space<vmem>>, %arg10: memref<10112x128xf32, #tpu.memory_space<vmem_shared>>, %arg11: memref<!tpu.dma_semaphore, #tpu.memory_space<semaphore_mem>>, %arg12: memref<!tpu.dma_semaphore, #tpu.memory_space<semaphore_mem>>, %arg13: memref<!tpu.dma_semaphore, #tpu.memory_space<semaphore_mem>>, %arg14: memref<!tpu.dma_semaphore, #tpu.memory_space<semaphore_mem>>) attributes {dimension_semantics = [#tpu.dimension_semantics<core_parallel>, #tpu.dimension_semantics<subcore_parallel>], iteration_bounds = array<i64: 2, 16>, scalar_prefetch = 0 : i64, scratch_operands = 9 : i64, tpu.core_type = #tpu.core_type<sc_vector_subcore>, window_params = [{transform_indices = #map}, {transform_indices = #map1}, {transform_indices = #map1}, {transform_indices = #map2}]} {
    %mul3A = arith.constant 16 : i32
    %mul3A_0 = arith.muli %arg0, %mul3A : i32
    %add3A = arith.addi %mul3A_0, %arg1 : i32
    %scan3A = arith.constant 0 : i32
    %scan3A_1 = arith.constant 0 : i32
    %scan3A_2 = arith.constant 1024 : i32
    %scan3A_3 = arith.addi %scan3A_1, %scan3A_2 : i32
    %scan3A_4 = arith.constant 1 : i32
    %scan3A_5 = scf.for %scan3A_42 = %scan3A_1 to %scan3A_3 step %scan3A_4 iter_args(%scan3A_43 = %scan3A) -> (i32)  : i32 {
      %broadcast_in_dim3A = arith.constant 0.000000e+00 : f32
      %broadcast_in_dim3A_44 = vector.broadcast %broadcast_in_dim3A : f32 to vector<16xf32>
      %jit3A = arith.constant 8 : i32
      %div3A = arith.divsi %scan3A_42, %jit3A : i32
      %sign3A = arith.constant 0 : i32
      %sign3A_45 = arith.cmpi sgt, %scan3A_42, %sign3A : i32
      %sign3A_46 = arith.extui %sign3A_45 : i1 to i32
      %sign3A_47 = arith.constant 0 : i32
      %sign3A_48 = arith.cmpi slt, %scan3A_42, %sign3A_47 : i32
      %sign3A_49 = arith.extui %sign3A_48 : i1 to i32
      %sign3A_50 = arith.subi %sign3A_46, %sign3A_49 : i32
      %sign3A_51 = arith.constant 0 : i32
      %sign3A_52 = arith.cmpi sgt, %jit3A, %sign3A_51 : i32
      %sign3A_53 = arith.extui %sign3A_52 : i1 to i32
      %sign3A_54 = arith.constant 0 : i32
      %sign3A_55 = arith.cmpi slt, %jit3A, %sign3A_54 : i32
      %sign3A_56 = arith.extui %sign3A_55 : i1 to i32
      %sign3A_57 = arith.subi %sign3A_53, %sign3A_56 : i32
      %ne3A = arith.cmpi ne, %sign3A_50, %sign3A_57 : i32
      %rem3A = arith.remsi %scan3A_42, %jit3A : i32
      %ne3A_58 = arith.constant 0 : i32
      %ne3A_59 = arith.cmpi ne, %rem3A, %ne3A_58 : i32
      %and3A = arith.andi %ne3A, %ne3A_59 : i1
      %sub3A = arith.constant 1 : i32
      %sub3A_60 = arith.subi %div3A, %sub3A : i32
      %select_n3A = arith.select %and3A, %sub3A_60, %div3A : i32
      %jit3A_61 = arith.constant 8 : i32
      %eq3A_62 = arith.constant 0 : i32
      %eq3A_63 = arith.cmpi eq, %jit3A_61, %eq3A_62 : i32
      %jit3A_64 = arith.constant 1 : i32
      %select_n3A_65 = arith.select %eq3A_63, %jit3A_64, %jit3A_61 : i32
      %rem3A_66 = arith.remsi %scan3A_42, %select_n3A_65 : i32
      %ne3A_67 = arith.constant 0 : i32
      %ne3A_68 = arith.cmpi ne, %rem3A_66, %ne3A_67 : i32
      %lt3A = arith.constant 0 : i32
      %lt3A_69 = arith.cmpi slt, %rem3A_66, %lt3A : i32
      %lt3A_70 = arith.constant 0 : i32
      %lt3A_71 = arith.cmpi slt, %select_n3A_65, %lt3A_70 : i32
      %ne3A_72 = arith.xori %lt3A_69, %lt3A_71 : i1
      %and3A_73 = arith.andi %ne3A_72, %ne3A_68 : i1
      %add3A_74 = arith.addi %rem3A_66, %select_n3A_65 : i32
      %select_n3A_75 = arith.select %and3A_73, %add3A_74, %rem3A_66 : i32
      %mul3A_76 = arith.constant 16 : i32
      %mul3A_77 = arith.muli %select_n3A_75, %mul3A_76 : i32
      %swap3A = arith.index_cast %select_n3A : i32 to index
      %swap3A_78 = arith.index_cast %mul3A_77 : i32 to index
      %swap3A_79 = tpu.vector_load %arg8[%swap3A, %swap3A_78] {strides = array<i32>} : memref<128x128xf32, #tpu.memory_space<vmem>>, vector<1x16xf32>,
      %swap3A_80 = vector.shape_cast %swap3A_79 : vector<1x16xf32> to vector<16xf32>
      %swap3A_81 = vector.shape_cast %broadcast_in_dim3A_44 : vector<16xf32> to vector<1x16xf32>
      tpu.vector_store %arg8[%swap3A, %swap3A_78], %swap3A_81 {strides = array<i32>} : memref<128x128xf32, #tpu.memory_space<vmem>>, vector<1x16xf32>,
      %scan3A_82 = arith.constant 0 : i32
      scf.yield %scan3A_82 : i32
    }
    %scan3A_6 = arith.constant 1024 : i32
    %mul3A_7 = arith.constant 632 : i32
    %mul3A_8 = arith.muli %arg1, %mul3A_7 : i32
    %add3A_9 = arith.constant 0 : i32
    %add3A_10 = arith.addi %mul3A_8, %add3A_9 : i32
    "tpu.region"() ({
      %run_scoped3A = tpu.sem_alloc : memref<!tpu.dma_semaphore, #tpu.memory_space<semaphore_mem>>
      %dma_start3A = arith.constant 0 : i32
      %dma_start3A_42 = arith.constant 0 : i32
      %dma_start3A_43 = tpu.memref_slice %arg8[%dma_start3A, %dma_start3A_42] : memref<128x128xf32, #tpu.memory_space<vmem>> -> memref<128x128xf32, #tpu.memory_space<vmem>>
      %dma_start3A_44 = arith.constant 0 : i32
      %dma_start3A_45 = tpu.memref_slice %arg10[%add3A_10, %dma_start3A_44] : memref<10112x128xf32, #tpu.memory_space<vmem_shared>> -> memref<128x128xf32, #tpu.memory_space<vmem_shared>>
      %dma_start3A_46 = arith.constant 0 : i32
      %dma_start3A_47 = tpu.memref_slice %arg10[%add3A_10, %dma_start3A_46] : memref<10112x128xf32, #tpu.memory_space<vmem_shared>> -> memref<128x128xf32, #tpu.memory_space<vmem_shared>>
      %dma_start3A_48 = arith.constant 0 : i32
      %dma_start3A_49 = arith.constant 0 : i32
      %dma_start3A_50 = tpu.memref_slice %arg8[%dma_start3A_48, %dma_start3A_49] : memref<128x128xf32, #tpu.memory_space<vmem>> -> memref<128x128xf32, #tpu.memory_space<vmem>>
      tpu.enqueue_dma source(%dma_start3A_50 : memref<128x128xf32, #tpu.memory_space<vmem>>) target(%dma_start3A_47 : memref<128x128xf32, #tpu.memory_space<vmem_shared>>) target_semaphore(%run_scoped3A : memref<!tpu.dma_semaphore, #tpu.memory_space<semaphore_mem>>)
      %dma_wait3A = arith.constant 0 : i32
      %dma_wait3A_51 = arith.constant 0 : i32
      %dma_wait3A_52 = tpu.memref_slice %arg8[%dma_wait3A, %dma_wait3A_51] : memref<128x128xf32, #tpu.memory_space<vmem>> -> memref<128x128xf32, #tpu.memory_space<vmem>>
      %dma_wait3A_53 = arith.constant 0 : i32
      %dma_wait3A_54 = tpu.memref_slice %arg10[%add3A_10, %dma_wait3A_53] : memref<10112x128xf32, #tpu.memory_space<vmem_shared>> -> memref<128x128xf32, #tpu.memory_space<vmem_shared>>
      %dma_wait3A_55 = arith.constant 0 : i32
      %dma_wait3A_56 = tpu.memref_slice %arg10[%add3A_10, %dma_wait3A_55] : memref<10112x128xf32, #tpu.memory_space<vmem_shared>> -> memref<128x128xf32, #tpu.memory_space<vmem_shared>>
      %dma_wait3A_57 = arith.constant 0 : i32
      %dma_wait3A_58 = arith.constant 0 : i32
      %dma_wait3A_59 = tpu.memref_slice %arg8[%dma_wait3A_57, %dma_wait3A_58] : memref<128x128xf32, #tpu.memory_space<vmem>> -> memref<128x128xf32, #tpu.memory_space<vmem>>
      tpu.wait_dma2 semaphore(%run_scoped3A : memref<!tpu.dma_semaphore, #tpu.memory_space<semaphore_mem>>) src(%dma_wait3A_59 : memref<128x128xf32, #tpu.memory_space<vmem>>) dst(%dma_wait3A_56 : memref<128x128xf32, #tpu.memory_space<vmem_shared>>)
      tpu.yield
    }) : () -> ()
    %add3A_11 = arith.constant 128 : i32
    %add3A_12 = arith.addi %mul3A_8, %add3A_11 : i32
    "tpu.region"() ({
      %run_scoped3A = tpu.sem_alloc : memref<!tpu.dma_semaphore, #tpu.memory_space<semaphore_mem>>
      %dma_start3A = arith.constant 0 : i32
      %dma_start3A_42 = arith.constant 0 : i32
      %dma_start3A_43 = tpu.memref_slice %arg8[%dma_start3A, %dma_start3A_42] : memref<128x128xf32, #tpu.memory_space<vmem>> -> memref<128x128xf32, #tpu.memory_space<vmem>>
      %dma_start3A_44 = arith.constant 0 : i32
      %dma_start3A_45 = tpu.memref_slice %arg10[%add3A_12, %dma_start3A_44] : memref<10112x128xf32, #tpu.memory_space<vmem_shared>> -> memref<128x128xf32, #tpu.memory_space<vmem_shared>>
      %dma_start3A_46 = arith.constant 0 : i32
      %dma_start3A_47 = tpu.memref_slice %arg10[%add3A_12, %dma_start3A_46] : memref<10112x128xf32, #tpu.memory_space<vmem_shared>> -> memref<128x128xf32, #tpu.memory_space<vmem_shared>>
      %dma_start3A_48 = arith.constant 0 : i32
      %dma_start3A_49 = arith.constant 0 : i32
      %dma_start3A_50 = tpu.memref_slice %arg8[%dma_start3A_48, %dma_start3A_49] : memref<128x128xf32, #tpu.memory_space<vmem>> -> memref<128x128xf32, #tpu.memory_space<vmem>>
      tpu.enqueue_dma source(%dma_start3A_50 : memref<128x128xf32, #tpu.memory_space<vmem>>) target(%dma_start3A_47 : memref<128x128xf32, #tpu.memory_space<vmem_shared>>) target_semaphore(%run_scoped3A : memref<!tpu.dma_semaphore, #tpu.memory_space<semaphore_mem>>)
      %dma_wait3A = arith.constant 0 : i32
      %dma_wait3A_51 = arith.constant 0 : i32
      %dma_wait3A_52 = tpu.memref_slice %arg8[%dma_wait3A, %dma_wait3A_51] : memref<128x128xf32, #tpu.memory_space<vmem>> -> memref<128x128xf32, #tpu.memory_space<vmem>>
      %dma_wait3A_53 = arith.constant 0 : i32
      %dma_wait3A_54 = tpu.memref_slice %arg10[%add3A_12, %dma_wait3A_53] : memref<10112x128xf32, #tpu.memory_space<vmem_shared>> -> memref<128x128xf32, #tpu.memory_space<vmem_shared>>
      %dma_wait3A_55 = arith.constant 0 : i32
      %dma_wait3A_56 = tpu.memref_slice %arg10[%add3A_12, %dma_wait3A_55] : memref<10112x128xf32, #tpu.memory_space<vmem_shared>> -> memref<128x128xf32, #tpu.memory_space<vmem_shared>>
      %dma_wait3A_57 = arith.constant 0 : i32
      %dma_wait3A_58 = arith.constant 0 : i32
      %dma_wait3A_59 = tpu.memref_slice %arg8[%dma_wait3A_57, %dma_wait3A_58] : memref<128x128xf32, #tpu.memory_space<vmem>> -> memref<128x128xf32, #tpu.memory_space<vmem>>
      tpu.wait_dma2 semaphore(%run_scoped3A : memref<!tpu.dma_semaphore, #tpu.memory_space<semaphore_mem>>) src(%dma_wait3A_59 : memref<128x128xf32, #tpu.memory_space<vmem>>) dst(%dma_wait3A_56 : memref<128x128xf32, #tpu.memory_space<vmem_shared>>)
      tpu.yield
    }) : () -> ()
    %add3A_13 = arith.constant 256 : i32
    %add3A_14 = arith.addi %mul3A_8, %add3A_13 : i32
    "tpu.region"() ({
      %run_scoped3A = tpu.sem_alloc : memref<!tpu.dma_semaphore, #tpu.memory_space<semaphore_mem>>
      %dma_start3A = arith.constant 0 : i32
      %dma_start3A_42 = arith.constant 0 : i32
      %dma_start3A_43 = tpu.memref_slice %arg8[%dma_start3A, %dma_start3A_42] : memref<128x128xf32, #tpu.memory_space<vmem>> -> memref<128x128xf32, #tpu.memory_space<vmem>>
      %dma_start3A_44 = arith.constant 0 : i32
      %dma_start3A_45 = tpu.memref_slice %arg10[%add3A_14, %dma_start3A_44] : memref<10112x128xf32, #tpu.memory_space<vmem_shared>> -> memref<128x128xf32, #tpu.memory_space<vmem_shared>>
      %dma_start3A_46 = arith.constant 0 : i32
      %dma_start3A_47 = tpu.memref_slice %arg10[%add3A_14, %dma_start3A_46] : memref<10112x128xf32, #tpu.memory_space<vmem_shared>> -> memref<128x128xf32, #tpu.memory_space<vmem_shared>>
      %dma_start3A_48 = arith.constant 0 : i32
      %dma_start3A_49 = arith.constant 0 : i32
      %dma_start3A_50 = tpu.memref_slice %arg8[%dma_start3A_48, %dma_start3A_49] : memref<128x128xf32, #tpu.memory_space<vmem>> -> memref<128x128xf32, #tpu.memory_space<vmem>>
      tpu.enqueue_dma source(%dma_start3A_50 : memref<128x128xf32, #tpu.memory_space<vmem>>) target(%dma_start3A_47 : memref<128x128xf32, #tpu.memory_space<vmem_shared>>) target_semaphore(%run_scoped3A : memref<!tpu.dma_semaphore, #tpu.memory_space<semaphore_mem>>)
      %dma_wait3A = arith.constant 0 : i32
      %dma_wait3A_51 = arith.constant 0 : i32
      %dma_wait3A_52 = tpu.memref_slice %arg8[%dma_wait3A, %dma_wait3A_51] : memref<128x128xf32, #tpu.memory_space<vmem>> -> memref<128x128xf32, #tpu.memory_space<vmem>>
      %dma_wait3A_53 = arith.constant 0 : i32
      %dma_wait3A_54 = tpu.memref_slice %arg10[%add3A_14, %dma_wait3A_53] : memref<10112x128xf32, #tpu.memory_space<vmem_shared>> -> memref<128x128xf32, #tpu.memory_space<vmem_shared>>
      %dma_wait3A_55 = arith.constant 0 : i32
      %dma_wait3A_56 = tpu.memref_slice %arg10[%add3A_14, %dma_wait3A_55] : memref<10112x128xf32, #tpu.memory_space<vmem_shared>> -> memref<128x128xf32, #tpu.memory_space<vmem_shared>>
      %dma_wait3A_57 = arith.constant 0 : i32
      %dma_wait3A_58 = arith.constant 0 : i32
      %dma_wait3A_59 = tpu.memref_slice %arg8[%dma_wait3A_57, %dma_wait3A_58] : memref<128x128xf32, #tpu.memory_space<vmem>> -> memref<128x128xf32, #tpu.memory_space<vmem>>
      tpu.wait_dma2 semaphore(%run_scoped3A : memref<!tpu.dma_semaphore, #tpu.memory_space<semaphore_mem>>) src(%dma_wait3A_59 : memref<128x128xf32, #tpu.memory_space<vmem>>) dst(%dma_wait3A_56 : memref<128x128xf32, #tpu.memory_space<vmem_shared>>)
      tpu.yield
    }) : () -> ()
    %add3A_15 = arith.constant 384 : i32
    %add3A_16 = arith.addi %mul3A_8, %add3A_15 : i32
    "tpu.region"() ({
      %run_scoped3A = tpu.sem_alloc : memref<!tpu.dma_semaphore, #tpu.memory_space<semaphore_mem>>
      %dma_start3A = arith.constant 0 : i32
      %dma_start3A_42 = arith.constant 0 : i32
      %dma_start3A_43 = tpu.memref_slice %arg8[%dma_start3A, %dma_start3A_42] : memref<128x128xf32, #tpu.memory_space<vmem>> -> memref<128x128xf32, #tpu.memory_space<vmem>>
      %dma_start3A_44 = arith.constant 0 : i32
      %dma_start3A_45 = tpu.memref_slice %arg10[%add3A_16, %dma_start3A_44] : memref<10112x128xf32, #tpu.memory_space<vmem_shared>> -> memref<128x128xf32, #tpu.memory_space<vmem_shared>>
      %dma_start3A_46 = arith.constant 0 : i32
      %dma_start3A_47 = tpu.memref_slice %arg10[%add3A_16, %dma_start3A_46] : memref<10112x128xf32, #tpu.memory_space<vmem_shared>> -> memref<128x128xf32, #tpu.memory_space<vmem_shared>>
      %dma_start3A_48 = arith.constant 0 : i32
      %dma_start3A_49 = arith.constant 0 : i32
      %dma_start3A_50 = tpu.memref_slice %arg8[%dma_start3A_48, %dma_start3A_49] : memref<128x128xf32, #tpu.memory_space<vmem>> -> memref<128x128xf32, #tpu.memory_space<vmem>>
      tpu.enqueue_dma source(%dma_start3A_50 : memref<128x128xf32, #tpu.memory_space<vmem>>) target(%dma_start3A_47 : memref<128x128xf32, #tpu.memory_space<vmem_shared>>) target_semaphore(%run_scoped3A : memref<!tpu.dma_semaphore, #tpu.memory_space<semaphore_mem>>)
      %dma_wait3A = arith.constant 0 : i32
      %dma_wait3A_51 = arith.constant 0 : i32
      %dma_wait3A_52 = tpu.memref_slice %arg8[%dma_wait3A, %dma_wait3A_51] : memref<128x128xf32, #tpu.memory_space<vmem>> -> memref<128x128xf32, #tpu.memory_space<vmem>>
      %dma_wait3A_53 = arith.constant 0 : i32
      %dma_wait3A_54 = tpu.memref_slice %arg10[%add3A_16, %dma_wait3A_53] : memref<10112x128xf32, #tpu.memory_space<vmem_shared>> -> memref<128x128xf32, #tpu.memory_space<vmem_shared>>
      %dma_wait3A_55 = arith.constant 0 : i32
      %dma_wait3A_56 = tpu.memref_slice %arg10[%add3A_16, %dma_wait3A_55] : memref<10112x128xf32, #tpu.memory_space<vmem_shared>> -> memref<128x128xf32, #tpu.memory_space<vmem_shared>>
      %dma_wait3A_57 = arith.constant 0 : i32
      %dma_wait3A_58 = arith.constant 0 : i32
      %dma_wait3A_59 = tpu.memref_slice %arg8[%dma_wait3A_57, %dma_wait3A_58] : memref<128x128xf32, #tpu.memory_space<vmem>> -> memref<128x128xf32, #tpu.memory_space<vmem>>
      tpu.wait_dma2 semaphore(%run_scoped3A : memref<!tpu.dma_semaphore, #tpu.memory_space<semaphore_mem>>) src(%dma_wait3A_59 : memref<128x128xf32, #tpu.memory_space<vmem>>) dst(%dma_wait3A_56 : memref<128x128xf32, #tpu.memory_space<vmem_shared>>)
      tpu.yield
    }) : () -> ()
    %add3A_17 = arith.constant 512 : i32
    %add3A_18 = arith.addi %mul3A_8, %add3A_17 : i32
    "tpu.region"() ({
      %run_scoped3A = tpu.sem_alloc : memref<!tpu.dma_semaphore, #tpu.memory_space<semaphore_mem>>
      %dma_start3A = arith.constant 0 : i32
      %dma_start3A_42 = arith.constant 0 : i32
      %dma_start3A_43 = tpu.memref_slice %arg8[%dma_start3A, %dma_start3A_42] : memref<128x128xf32, #tpu.memory_space<vmem>> -> memref<120x128xf32, #tpu.memory_space<vmem>>
      %dma_start3A_44 = arith.constant 0 : i32
      %dma_start3A_45 = tpu.memref_slice %arg10[%add3A_18, %dma_start3A_44] : memref<10112x128xf32, #tpu.memory_space<vmem_shared>> -> memref<120x128xf32, #tpu.memory_space<vmem_shared>>
      %dma_start3A_46 = arith.constant 0 : i32
      %dma_start3A_47 = tpu.memref_slice %arg10[%add3A_18, %dma_start3A_46] : memref<10112x128xf32, #tpu.memory_space<vmem_shared>> -> memref<120x128xf32, #tpu.memory_space<vmem_shared>>
      %dma_start3A_48 = arith.constant 0 : i32
      %dma_start3A_49 = arith.constant 0 : i32
      %dma_start3A_50 = tpu.memref_slice %arg8[%dma_start3A_48, %dma_start3A_49] : memref<128x128xf32, #tpu.memory_space<vmem>> -> memref<120x128xf32, #tpu.memory_space<vmem>>
      tpu.enqueue_dma source(%dma_start3A_50 : memref<120x128xf32, #tpu.memory_space<vmem>>) target(%dma_start3A_47 : memref<120x128xf32, #tpu.memory_space<vmem_shared>>) target_semaphore(%run_scoped3A : memref<!tpu.dma_semaphore, #tpu.memory_space<semaphore_mem>>)
      %dma_wait3A = arith.constant 0 : i32
      %dma_wait3A_51 = arith.constant 0 : i32
      %dma_wait3A_52 = tpu.memref_slice %arg8[%dma_wait3A, %dma_wait3A_51] : memref<128x128xf32, #tpu.memory_space<vmem>> -> memref<120x128xf32, #tpu.memory_space<vmem>>
      %dma_wait3A_53 = arith.constant 0 : i32
      %dma_wait3A_54 = tpu.memref_slice %arg10[%add3A_18, %dma_wait3A_53] : memref<10112x128xf32, #tpu.memory_space<vmem_shared>> -> memref<120x128xf32, #tpu.memory_space<vmem_shared>>
      %dma_wait3A_55 = arith.constant 0 : i32
      %dma_wait3A_56 = tpu.memref_slice %arg10[%add3A_18, %dma_wait3A_55] : memref<10112x128xf32, #tpu.memory_space<vmem_shared>> -> memref<120x128xf32, #tpu.memory_space<vmem_shared>>
      %dma_wait3A_57 = arith.constant 0 : i32
      %dma_wait3A_58 = arith.constant 0 : i32
      %dma_wait3A_59 = tpu.memref_slice %arg8[%dma_wait3A_57, %dma_wait3A_58] : memref<128x128xf32, #tpu.memory_space<vmem>> -> memref<120x128xf32, #tpu.memory_space<vmem>>
      tpu.wait_dma2 semaphore(%run_scoped3A : memref<!tpu.dma_semaphore, #tpu.memory_space<semaphore_mem>>) src(%dma_wait3A_59 : memref<120x128xf32, #tpu.memory_space<vmem>>) dst(%dma_wait3A_56 : memref<120x128xf32, #tpu.memory_space<vmem_shared>>)
      tpu.yield
    }) : () -> ()
    %barrier3A = arith.constant 0 : index
    tpu.barrier barrier_id(%barrier3A)
    %eq3A = arith.constant 0 : i32
    %eq3A_19 = arith.cmpi eq, %arg0, %eq3A : i32
    %convert_element_type3A = arith.extui %eq3A_19 : i1 to i32
    %cond3A = arith.constant 0 : i32
    %cond3A_20 = arith.cmpi ne, %convert_element_type3A, %cond3A : i32
    scf.if %cond3A_20 {
      %dma_start3A = arith.constant 0 : i32
      %dma_start3A_42 = arith.constant 0 : i32
      %dma_start3A_43 = arith.constant 0 : i32
      %dma_start3A_44 = arith.constant 0 : i32
      %dma_start3A_45 = tpu.memref_slice %arg6[%dma_start3A_42, %dma_start3A_43, %dma_start3A_44] : memref<2x4x128xi32, #tpu.memory_space<vmem>> -> memref<1x4x128xi32, #tpu.memory_space<vmem>>
      %dma_start3A_46 = tpu.memref_squeeze %dma_start3A_45 : memref<1x4x128xi32, #tpu.memory_space<vmem>> -> memref<4x128xi32, #tpu.memory_space<vmem>>
      %dma_start3A_47 = arith.constant 0 : i32
      %dma_start3A_48 = arith.constant 0 : i32
      %dma_start3A_49 = tpu.memref_slice %arg3[%add3A, %dma_start3A, %dma_start3A_47, %dma_start3A_48] : memref<32x41x4x128xi32, #tpu.memory_space<hbm>> -> memref<1x1x4x128xi32, #tpu.memory_space<hbm>>
      %dma_start3A_50 = tpu.memref_squeeze %dma_start3A_49 : memref<1x1x4x128xi32, #tpu.memory_space<hbm>> -> memref<4x128xi32, #tpu.memory_space<hbm>>
      %dma_start3A_51 = arith.constant 0 : i32
      %dma_start3A_52 = arith.constant 0 : i32
      %dma_start3A_53 = tpu.memref_slice %arg6[%dma_start3A_42, %dma_start3A_51, %dma_start3A_52] : memref<2x4x128xi32, #tpu.memory_space<vmem>> -> memref<1x4x128xi32, #tpu.memory_space<vmem>>
      %dma_start3A_54 = tpu.memref_squeeze %dma_start3A_53 : memref<1x4x128xi32, #tpu.memory_space<vmem>> -> memref<4x128xi32, #tpu.memory_space<vmem>>
      %dma_start3A_55 = arith.constant 0 : i32
      %dma_start3A_56 = arith.constant 0 : i32
      %dma_start3A_57 = tpu.memref_slice %arg3[%add3A, %dma_start3A, %dma_start3A_55, %dma_start3A_56] : memref<32x41x4x128xi32, #tpu.memory_space<hbm>> -> memref<1x1x4x128xi32, #tpu.memory_space<hbm>>
      %dma_start3A_58 = tpu.memref_squeeze %dma_start3A_57 : memref<1x1x4x128xi32, #tpu.memory_space<hbm>> -> memref<4x128xi32, #tpu.memory_space<hbm>>
      tpu.enqueue_dma source(%dma_start3A_58 : memref<4x128xi32, #tpu.memory_space<hbm>>) target(%dma_start3A_54 : memref<4x128xi32, #tpu.memory_space<vmem>>) target_semaphore(%arg13 : memref<!tpu.dma_semaphore, #tpu.memory_space<semaphore_mem>>)
      %dma_start3A_59 = arith.constant 0 : i32
      %dma_start3A_60 = arith.constant 0 : i32
      %dma_start3A_61 = arith.constant 0 : i32
      %dma_start3A_62 = arith.constant 0 : i32
      %dma_start3A_63 = tpu.memref_slice %arg7[%dma_start3A_60, %dma_start3A_61, %dma_start3A_62] : memref<2x4x128xi32, #tpu.memory_space<vmem>> -> memref<1x4x128xi32, #tpu.memory_space<vmem>>
      %dma_start3A_64 = tpu.memref_squeeze %dma_start3A_63 : memref<1x4x128xi32, #tpu.memory_space<vmem>> -> memref<4x128xi32, #tpu.memory_space<vmem>>
      %dma_start3A_65 = arith.constant 0 : i32
      %dma_start3A_66 = arith.constant 0 : i32
      %dma_start3A_67 = tpu.memref_slice %arg4[%add3A, %dma_start3A_59, %dma_start3A_65, %dma_start3A_66] : memref<32x41x4x128xi32, #tpu.memory_space<hbm>> -> memref<1x1x4x128xi32, #tpu.memory_space<hbm>>
      %dma_start3A_68 = tpu.memref_squeeze %dma_start3A_67 : memref<1x1x4x128xi32, #tpu.memory_space<hbm>> -> memref<4x128xi32, #tpu.memory_space<hbm>>
      %dma_start3A_69 = arith.constant 0 : i32
      %dma_start3A_70 = arith.constant 0 : i32
      %dma_start3A_71 = tpu.memref_slice %arg7[%dma_start3A_60, %dma_start3A_69, %dma_start3A_70] : memref<2x4x128xi32, #tpu.memory_space<vmem>> -> memref<1x4x128xi32, #tpu.memory_space<vmem>>
      %dma_start3A_72 = tpu.memref_squeeze %dma_start3A_71 : memref<1x4x128xi32, #tpu.memory_space<vmem>> -> memref<4x128xi32, #tpu.memory_space<vmem>>
      %dma_start3A_73 = arith.constant 0 : i32
      %dma_start3A_74 = arith.constant 0 : i32
      %dma_start3A_75 = tpu.memref_slice %arg4[%add3A, %dma_start3A_59, %dma_start3A_73, %dma_start3A_74] : memref<32x41x4x128xi32, #tpu.memory_space<hbm>> -> memref<1x1x4x128xi32, #tpu.memory_space<hbm>>
      %dma_start3A_76 = tpu.memref_squeeze %dma_start3A_75 : memref<1x1x4x128xi32, #tpu.memory_space<hbm>> -> memref<4x128xi32, #tpu.memory_space<hbm>>
      tpu.enqueue_dma source(%dma_start3A_76 : memref<4x128xi32, #tpu.memory_space<hbm>>) target(%dma_start3A_72 : memref<4x128xi32, #tpu.memory_space<vmem>>) target_semaphore(%arg13 : memref<!tpu.dma_semaphore, #tpu.memory_space<semaphore_mem>>)
      %dma_wait3A = arith.constant 0 : i32
      %dma_wait3A_77 = arith.constant 0 : i32
      %dma_wait3A_78 = arith.constant 0 : i32
      %dma_wait3A_79 = arith.constant 0 : i32
      %dma_wait3A_80 = tpu.memref_slice %arg6[%dma_wait3A_77, %dma_wait3A_78, %dma_wait3A_79] : memref<2x4x128xi32, #tpu.memory_space<vmem>> -> memref<1x4x128xi32, #tpu.memory_space<vmem>>
      %dma_wait3A_81 = tpu.memref_squeeze %dma_wait3A_80 : memref<1x4x128xi32, #tpu.memory_space<vmem>> -> memref<4x128xi32, #tpu.memory_space<vmem>>
      %dma_wait3A_82 = arith.constant 0 : i32
      %dma_wait3A_83 = arith.constant 0 : i32
      %dma_wait3A_84 = tpu.memref_slice %arg3[%add3A, %dma_wait3A, %dma_wait3A_82, %dma_wait3A_83] : memref<32x41x4x128xi32, #tpu.memory_space<hbm>> -> memref<1x1x4x128xi32, #tpu.memory_space<hbm>>
      %dma_wait3A_85 = tpu.memref_squeeze %dma_wait3A_84 : memref<1x1x4x128xi32, #tpu.memory_space<hbm>> -> memref<4x128xi32, #tpu.memory_space<hbm>>
      %dma_wait3A_86 = arith.constant 0 : i32
      %dma_wait3A_87 = arith.constant 0 : i32
      %dma_wait3A_88 = tpu.memref_slice %arg6[%dma_wait3A_77, %dma_wait3A_86, %dma_wait3A_87] : memref<2x4x128xi32, #tpu.memory_space<vmem>> -> memref<1x4x128xi32, #tpu.memory_space<vmem>>
      %dma_wait3A_89 = tpu.memref_squeeze %dma_wait3A_88 : memref<1x4x128xi32, #tpu.memory_space<vmem>> -> memref<4x128xi32, #tpu.memory_space<vmem>>
      %dma_wait3A_90 = arith.constant 0 : i32
      %dma_wait3A_91 = arith.constant 0 : i32
      %dma_wait3A_92 = tpu.memref_slice %arg3[%add3A, %dma_wait3A, %dma_wait3A_90, %dma_wait3A_91] : memref<32x41x4x128xi32, #tpu.memory_space<hbm>> -> memref<1x1x4x128xi32, #tpu.memory_space<hbm>>
      %dma_wait3A_93 = tpu.memref_squeeze %dma_wait3A_92 : memref<1x1x4x128xi32, #tpu.memory_space<hbm>> -> memref<4x128xi32, #tpu.memory_space<hbm>>
      tpu.wait_dma2 semaphore(%arg13 : memref<!tpu.dma_semaphore, #tpu.memory_space<semaphore_mem>>) src(%dma_wait3A_93 : memref<4x128xi32, #tpu.memory_space<hbm>>) dst(%dma_wait3A_89 : memref<4x128xi32, #tpu.memory_space<vmem>>)
      %dma_wait3A_94 = arith.constant 0 : i32
      %dma_wait3A_95 = arith.constant 0 : i32
      %dma_wait3A_96 = arith.constant 0 : i32
      %dma_wait3A_97 = arith.constant 0 : i32
      %dma_wait3A_98 = tpu.memref_slice %arg7[%dma_wait3A_95, %dma_wait3A_96, %dma_wait3A_97] : memref<2x4x128xi32, #tpu.memory_space<vmem>> -> memref<1x4x128xi32, #tpu.memory_space<vmem>>
      %dma_wait3A_99 = tpu.memref_squeeze %dma_wait3A_98 : memref<1x4x128xi32, #tpu.memory_space<vmem>> -> memref<4x128xi32, #tpu.memory_space<vmem>>
      %dma_wait3A_100 = arith.constant 0 : i32
      %dma_wait3A_101 = arith.constant 0 : i32
      %dma_wait3A_102 = tpu.memref_slice %arg4[%add3A, %dma_wait3A_94, %dma_wait3A_100, %dma_wait3A_101] : memref<32x41x4x128xi32, #tpu.memory_space<hbm>> -> memref<1x1x4x128xi32, #tpu.memory_space<hbm>>
      %dma_wait3A_103 = tpu.memref_squeeze %dma_wait3A_102 : memref<1x1x4x128xi32, #tpu.memory_space<hbm>> -> memref<4x128xi32, #tpu.memory_space<hbm>>
      %dma_wait3A_104 = arith.constant 0 : i32
      %dma_wait3A_105 = arith.constant 0 : i32
      %dma_wait3A_106 = tpu.memref_slice %arg7[%dma_wait3A_95, %dma_wait3A_104, %dma_wait3A_105] : memref<2x4x128xi32, #tpu.memory_space<vmem>> -> memref<1x4x128xi32, #tpu.memory_space<vmem>>
      %dma_wait3A_107 = tpu.memref_squeeze %dma_wait3A_106 : memref<1x4x128xi32, #tpu.memory_space<vmem>> -> memref<4x128xi32, #tpu.memory_space<vmem>>
      %dma_wait3A_108 = arith.constant 0 : i32
      %dma_wait3A_109 = arith.constant 0 : i32
      %dma_wait3A_110 = tpu.memref_slice %arg4[%add3A, %dma_wait3A_94, %dma_wait3A_108, %dma_wait3A_109] : memref<32x41x4x128xi32, #tpu.memory_space<hbm>> -> memref<1x1x4x128xi32, #tpu.memory_space<hbm>>
      %dma_wait3A_111 = tpu.memref_squeeze %dma_wait3A_110 : memref<1x1x4x128xi32, #tpu.memory_space<hbm>> -> memref<4x128xi32, #tpu.memory_space<hbm>>
      tpu.wait_dma2 semaphore(%arg13 : memref<!tpu.dma_semaphore, #tpu.memory_space<semaphore_mem>>) src(%dma_wait3A_111 : memref<4x128xi32, #tpu.memory_space<hbm>>) dst(%dma_wait3A_107 : memref<4x128xi32, #tpu.memory_space<vmem>>)
      %dma_start3A_112 = arith.constant 0 : i32
      %dma_start3A_113 = arith.constant 0 : i32
      %dma_start3A_114 = arith.constant 0 : i32
      %dma_start3A_115 = tpu.memref_slice %arg6[%dma_start3A_112, %dma_start3A_113, %dma_start3A_114] : memref<2x4x128xi32, #tpu.memory_space<vmem>> -> memref<1x1x128xi32, #tpu.memory_space<vmem>>
      %dma_start3A_116 = tpu.memref_squeeze %dma_start3A_115 : memref<1x1x128xi32, #tpu.memory_space<vmem>> -> memref<128xi32, #tpu.memory_space<vmem>>
      %dma_start3A_117 = arith.constant 0 : i32
      %dma_start3A_118 = arith.constant 0 : i32
      %dma_start3A_119 = tpu.memref_slice %arg2[%dma_start3A_117, %dma_start3A_118] : memref<10000x128xf32, #tpu.memory_space<hbm>> -> memref<10000x128xf32, #tpu.memory_space<hbm>>
      tpu.enqueue_indirect_dma source(%dma_start3A_119 : memref<10000x128xf32, #tpu.memory_space<hbm>>) target(%arg8 : memref<128x128xf32, #tpu.memory_space<vmem>>) offsets(%dma_start3A_116 : memref<128xi32, #tpu.memory_space<vmem>>) semaphore(%arg11 : memref<!tpu.dma_semaphore, #tpu.memory_space<semaphore_mem>>)
      %scan3A_120 = arith.constant 0 : i32
      %scan3A_121 = arith.constant 0 : i32
      %scan3A_122 = arith.constant 20 : i32
      %scan3A_123 = arith.addi %scan3A_121, %scan3A_122 : i32
      %scan3A_124 = arith.constant 1 : i32
      %scan3A_125 = scf.for %scan3A_135 = %scan3A_121 to %scan3A_123 step %scan3A_124 iter_args(%scan3A_136 = %scan3A_120) -> (i32)  : i32 {
        %mul3A_137 = arith.constant 2 : i32
        %mul3A_138 = arith.muli %mul3A_137, %scan3A_135 : i32
        %add3A_139 = arith.constant 1 : i32
        %add3A_140 = arith.addi %mul3A_138, %add3A_139 : i32
        %dma_start3A_141 = arith.constant 1 : i32
        %dma_start3A_142 = arith.constant 0 : i32
        %dma_start3A_143 = arith.constant 0 : i32
        %dma_start3A_144 = tpu.memref_slice %arg6[%dma_start3A_141, %dma_start3A_142, %dma_start3A_143] : memref<2x4x128xi32, #tpu.memory_space<vmem>> -> memref<1x4x128xi32, #tpu.memory_space<vmem>>
        %dma_start3A_145 = tpu.memref_squeeze %dma_start3A_144 : memref<1x4x128xi32, #tpu.memory_space<vmem>> -> memref<4x128xi32, #tpu.memory_space<vmem>>
        %dma_start3A_146 = arith.constant 0 : i32
        %dma_start3A_147 = arith.constant 0 : i32
        %dma_start3A_148 = tpu.memref_slice %arg3[%add3A, %add3A_140, %dma_start3A_146, %dma_start3A_147] : memref<32x41x4x128xi32, #tpu.memory_space<hbm>> -> memref<1x1x4x128xi32, #tpu.memory_space<hbm>>
        %dma_start3A_149 = tpu.memref_squeeze %dma_start3A_148 : memref<1x1x4x128xi32, #tpu.memory_space<hbm>> -> memref<4x128xi32, #tpu.memory_space<hbm>>
        %dma_start3A_150 = arith.constant 0 : i32
        %dma_start3A_151 = arith.constant 0 : i32
        %dma_start3A_152 = tpu.memref_slice %arg6[%dma_start3A_141, %dma_start3A_150, %dma_start3A_151] : memref<2x4x128xi32, #tpu.memory_space<vmem>> -> memref<1x4x128xi32, #tpu.memory_space<vmem>>
        %dma_start3A_153 = tpu.memref_squeeze %dma_start3A_152 : memref<1x4x128xi32, #tpu.memory_space<vmem>> -> memref<4x128xi32, #tpu.memory_space<vmem>>
        %dma_start3A_154 = arith.constant 0 : i32
        %dma_start3A_155 = arith.constant 0 : i32
        %dma_start3A_156 = tpu.memref_slice %arg3[%add3A, %add3A_140, %dma_start3A_154, %dma_start3A_155] : memref<32x41x4x128xi32, #tpu.memory_space<hbm>> -> memref<1x1x4x128xi32, #tpu.memory_space<hbm>>
        %dma_start3A_157 = tpu.memref_squeeze %dma_start3A_156 : memref<1x1x4x128xi32, #tpu.memory_space<hbm>> -> memref<4x128xi32, #tpu.memory_space<hbm>>
        tpu.enqueue_dma source(%dma_start3A_157 : memref<4x128xi32, #tpu.memory_space<hbm>>) target(%dma_start3A_153 : memref<4x128xi32, #tpu.memory_space<vmem>>) target_semaphore(%arg14 : memref<!tpu.dma_semaphore, #tpu.memory_space<semaphore_mem>>)
        %dma_start3A_158 = arith.constant 1 : i32
        %dma_start3A_159 = arith.constant 0 : i32
        %dma_start3A_160 = arith.constant 0 : i32
        %dma_start3A_161 = tpu.memref_slice %arg7[%dma_start3A_158, %dma_start3A_159, %dma_start3A_160] : memref<2x4x128xi32, #tpu.memory_space<vmem>> -> memref<1x4x128xi32, #tpu.memory_space<vmem>>
        %dma_start3A_162 = tpu.memref_squeeze %dma_start3A_161 : memref<1x4x128xi32, #tpu.memory_space<vmem>> -> memref<4x128xi32, #tpu.memory_space<vmem>>
        %dma_start3A_163 = arith.constant 0 : i32
        %dma_start3A_164 = arith.constant 0 : i32
        %dma_start3A_165 = tpu.memref_slice %arg4[%add3A, %add3A_140, %dma_start3A_163, %dma_start3A_164] : memref<32x41x4x128xi32, #tpu.memory_space<hbm>> -> memref<1x1x4x128xi32, #tpu.memory_space<hbm>>
        %dma_start3A_166 = tpu.memref_squeeze %dma_start3A_165 : memref<1x1x4x128xi32, #tpu.memory_space<hbm>> -> memref<4x128xi32, #tpu.memory_space<hbm>>
        %dma_start3A_167 = arith.constant 0 : i32
        %dma_start3A_168 = arith.constant 0 : i32
        %dma_start3A_169 = tpu.memref_slice %arg7[%dma_start3A_158, %dma_start3A_167, %dma_start3A_168] : memref<2x4x128xi32, #tpu.memory_space<vmem>> -> memref<1x4x128xi32, #tpu.memory_space<vmem>>
        %dma_start3A_170 = tpu.memref_squeeze %dma_start3A_169 : memref<1x4x128xi32, #tpu.memory_space<vmem>> -> memref<4x128xi32, #tpu.memory_space<vmem>>
        %dma_start3A_171 = arith.constant 0 : i32
        %dma_start3A_172 = arith.constant 0 : i32
        %dma_start3A_173 = tpu.memref_slice %arg4[%add3A, %add3A_140, %dma_start3A_171, %dma_start3A_172] : memref<32x41x4x128xi32, #tpu.memory_space<hbm>> -> memref<1x1x4x128xi32, #tpu.memory_space<hbm>>
        %dma_start3A_174 = tpu.memref_squeeze %dma_start3A_173 : memref<1x1x4x128xi32, #tpu.memory_space<hbm>> -> memref<4x128xi32, #tpu.memory_space<hbm>>
        tpu.enqueue_dma source(%dma_start3A_174 : memref<4x128xi32, #tpu.memory_space<hbm>>) target(%dma_start3A_170 : memref<4x128xi32, #tpu.memory_space<vmem>>) target_semaphore(%arg14 : memref<!tpu.dma_semaphore, #tpu.memory_space<semaphore_mem>>)
        %dma_start3A_175 = arith.constant 0 : i32
        %dma_start3A_176 = arith.constant 1 : i32
        %dma_start3A_177 = arith.constant 0 : i32
        %dma_start3A_178 = tpu.memref_slice %arg6[%dma_start3A_175, %dma_start3A_176, %dma_start3A_177] : memref<2x4x128xi32, #tpu.memory_space<vmem>> -> memref<1x1x128xi32, #tpu.memory_space<vmem>>
        %dma_start3A_179 = tpu.memref_squeeze %dma_start3A_178 : memref<1x1x128xi32, #tpu.memory_space<vmem>> -> memref<128xi32, #tpu.memory_space<vmem>>
        %dma_start3A_180 = arith.constant 0 : i32
        %dma_start3A_181 = arith.constant 0 : i32
        %dma_start3A_182 = tpu.memref_slice %arg2[%dma_start3A_180, %dma_start3A_181] : memref<10000x128xf32, #tpu.memory_space<hbm>> -> memref<10000x128xf32, #tpu.memory_space<hbm>>
        tpu.enqueue_indirect_dma source(%dma_start3A_182 : memref<10000x128xf32, #tpu.memory_space<hbm>>) target(%arg9 : memref<128x128xf32, #tpu.memory_space<vmem>>) offsets(%dma_start3A_179 : memref<128xi32, #tpu.memory_space<vmem>>) semaphore(%arg12 : memref<!tpu.dma_semaphore, #tpu.memory_space<semaphore_mem>>)
        %dma_wait3A_183 = arith.constant 0 : i32
        %dma_wait3A_184 = arith.constant 0 : i32
        %dma_wait3A_185 = arith.constant 0 : i32
        %dma_wait3A_186 = tpu.memref_slice %arg6[%dma_wait3A_183, %dma_wait3A_184, %dma_wait3A_185] : memref<2x4x128xi32, #tpu.memory_space<vmem>> -> memref<1x1x128xi32, #tpu.memory_space<vmem>>
        %dma_wait3A_187 = tpu.memref_squeeze %dma_wait3A_186 : memref<1x1x128xi32, #tpu.memory_space<vmem>> -> memref<128xi32, #tpu.memory_space<vmem>>
        %dma_wait3A_188 = arith.constant 0 : i32
        %dma_wait3A_189 = arith.constant 0 : i32
        %dma_wait3A_190 = tpu.memref_slice %arg2[%dma_wait3A_188, %dma_wait3A_189] : memref<10000x128xf32, #tpu.memory_space<hbm>> -> memref<10000x128xf32, #tpu.memory_space<hbm>>
        tpu.wait_indirect_dma semaphore(%arg11 : memref<!tpu.dma_semaphore, #tpu.memory_space<semaphore_mem>>) src(%dma_wait3A_190 : memref<10000x128xf32, #tpu.memory_space<hbm>>) dst(%arg8 : memref<128x128xf32, #tpu.memory_space<vmem>>)
        %run_scoped3A = arith.constant 0 : i32
        %run_scoped3A_191 = arith.constant 0 : i32
        "tpu.region"() ({
          %run_scoped3A_429 = tpu.sem_alloc : memref<!tpu.dma_semaphore, #tpu.memory_space<semaphore_mem>>
          %dma_start3A_430 = arith.constant 0 : i32
          %dma_start3A_431 = tpu.memref_slice %arg7[%run_scoped3A, %run_scoped3A_191, %dma_start3A_430] : memref<2x4x128xi32, #tpu.memory_space<vmem>> -> memref<1x1x128xi32, #tpu.memory_space<vmem>>
          %dma_start3A_432 = tpu.memref_squeeze %dma_start3A_431 : memref<1x1x128xi32, #tpu.memory_space<vmem>> -> memref<128xi32, #tpu.memory_space<vmem>>
          %dma_start3A_433 = arith.constant 0 : i32
          %dma_start3A_434 = arith.constant 0 : i32
          %dma_start3A_435 = tpu.memref_slice %arg10[%dma_start3A_433, %dma_start3A_434] : memref<10112x128xf32, #tpu.memory_space<vmem_shared>> -> memref<10112x128xf32, #tpu.memory_space<vmem_shared>>
          tpu.enqueue_indirect_dma source(%arg8 : memref<128x128xf32, #tpu.memory_space<vmem>>) target(%dma_start3A_435 : memref<10112x128xf32, #tpu.memory_space<vmem_shared>>) offsets(%dma_start3A_432 : memref<128xi32, #tpu.memory_space<vmem>>) semaphore(%run_scoped3A_429 : memref<!tpu.dma_semaphore, #tpu.memory_space<semaphore_mem>>) {add = true}
          %dma_wait3A_436 = arith.constant 0 : i32
          %dma_wait3A_437 = tpu.memref_slice %arg7[%run_scoped3A, %run_scoped3A_191, %dma_wait3A_436] : memref<2x4x128xi32, #tpu.memory_space<vmem>> -> memref<1x1x128xi32, #tpu.memory_space<vmem>>
          %dma_wait3A_438 = tpu.memref_squeeze %dma_wait3A_437 : memref<1x1x128xi32, #tpu.memory_space<vmem>> -> memref<128xi32, #tpu.memory_space<vmem>>
          %dma_wait3A_439 = arith.constant 0 : i32
          %dma_wait3A_440 = arith.constant 0 : i32
          %dma_wait3A_441 = tpu.memref_slice %arg10[%dma_wait3A_439, %dma_wait3A_440] : memref<10112x128xf32, #tpu.memory_space<vmem_shared>> -> memref<10112x128xf32, #tpu.memory_space<vmem_shared>>
          tpu.wait_indirect_dma semaphore(%run_scoped3A_429 : memref<!tpu.dma_semaphore, #tpu.memory_space<semaphore_mem>>) src(%arg8 : memref<128x128xf32, #tpu.memory_space<vmem>>) dst(%dma_wait3A_441 : memref<10112x128xf32, #tpu.memory_space<vmem_shared>>)
          tpu.yield
        }) : () -> ()
        %dma_start3A_192 = arith.constant 0 : i32
        %dma_start3A_193 = arith.constant 2 : i32
        %dma_start3A_194 = arith.constant 0 : i32
        %dma_start3A_195 = tpu.memref_slice %arg6[%dma_start3A_192, %dma_start3A_193, %dma_start3A_194] : memref<2x4x128xi32, #tpu.memory_space<vmem>> -> memref<1x1x128xi32, #tpu.memory_space<vmem>>
        %dma_start3A_196 = tpu.memref_squeeze %dma_start3A_195 : memref<1x1x128xi32, #tpu.memory_space<vmem>> -> memref<128xi32, #tpu.memory_space<vmem>>
        %dma_start3A_197 = arith.constant 0 : i32
        %dma_start3A_198 = arith.constant 0 : i32
        %dma_start3A_199 = tpu.memref_slice %arg2[%dma_start3A_197, %dma_start3A_198] : memref<10000x128xf32, #tpu.memory_space<hbm>> -> memref<10000x128xf32, #tpu.memory_space<hbm>>
        tpu.enqueue_indirect_dma source(%dma_start3A_199 : memref<10000x128xf32, #tpu.memory_space<hbm>>) target(%arg8 : memref<128x128xf32, #tpu.memory_space<vmem>>) offsets(%dma_start3A_196 : memref<128xi32, #tpu.memory_space<vmem>>) semaphore(%arg11 : memref<!tpu.dma_semaphore, #tpu.memory_space<semaphore_mem>>)
        %dma_wait3A_200 = arith.constant 0 : i32
        %dma_wait3A_201 = arith.constant 0 : i32
        %dma_wait3A_202 = arith.constant 0 : i32
        %dma_wait3A_203 = tpu.memref_slice %arg6[%dma_wait3A_200, %dma_wait3A_201, %dma_wait3A_202] : memref<2x4x128xi32, #tpu.memory_space<vmem>> -> memref<1x1x128xi32, #tpu.memory_space<vmem>>
        %dma_wait3A_204 = tpu.memref_squeeze %dma_wait3A_203 : memref<1x1x128xi32, #tpu.memory_space<vmem>> -> memref<128xi32, #tpu.memory_space<vmem>>
        %dma_wait3A_205 = arith.constant 0 : i32
        %dma_wait3A_206 = arith.constant 0 : i32
        %dma_wait3A_207 = tpu.memref_slice %arg2[%dma_wait3A_205, %dma_wait3A_206] : memref<10000x128xf32, #tpu.memory_space<hbm>> -> memref<10000x128xf32, #tpu.memory_space<hbm>>
        tpu.wait_indirect_dma semaphore(%arg12 : memref<!tpu.dma_semaphore, #tpu.memory_space<semaphore_mem>>) src(%dma_wait3A_207 : memref<10000x128xf32, #tpu.memory_space<hbm>>) dst(%arg9 : memref<128x128xf32, #tpu.memory_space<vmem>>)
        %run_scoped3A_208 = arith.constant 0 : i32
        %run_scoped3A_209 = arith.constant 1 : i32
        "tpu.region"() ({
          %run_scoped3A_429 = tpu.sem_alloc : memref<!tpu.dma_semaphore, #tpu.memory_space<semaphore_mem>>
          %dma_start3A_430 = arith.constant 0 : i32
          %dma_start3A_431 = tpu.memref_slice %arg7[%run_scoped3A_208, %run_scoped3A_209, %dma_start3A_430] : memref<2x4x128xi32, #tpu.memory_space<vmem>> -> memref<1x1x128xi32, #tpu.memory_space<vmem>>
          %dma_start3A_432 = tpu.memref_squeeze %dma_start3A_431 : memref<1x1x128xi32, #tpu.memory_space<vmem>> -> memref<128xi32, #tpu.memory_space<vmem>>
          %dma_start3A_433 = arith.constant 0 : i32
          %dma_start3A_434 = arith.constant 0 : i32
          %dma_start3A_435 = tpu.memref_slice %arg10[%dma_start3A_433, %dma_start3A_434] : memref<10112x128xf32, #tpu.memory_space<vmem_shared>> -> memref<10112x128xf32, #tpu.memory_space<vmem_shared>>
          tpu.enqueue_indirect_dma source(%arg9 : memref<128x128xf32, #tpu.memory_space<vmem>>) target(%dma_start3A_435 : memref<10112x128xf32, #tpu.memory_space<vmem_shared>>) offsets(%dma_start3A_432 : memref<128xi32, #tpu.memory_space<vmem>>) semaphore(%run_scoped3A_429 : memref<!tpu.dma_semaphore, #tpu.memory_space<semaphore_mem>>) {add = true}
          %dma_wait3A_436 = arith.constant 0 : i32
          %dma_wait3A_437 = tpu.memref_slice %arg7[%run_scoped3A_208, %run_scoped3A_209, %dma_wait3A_436] : memref<2x4x128xi32, #tpu.memory_space<vmem>> -> memref<1x1x128xi32, #tpu.memory_space<vmem>>
          %dma_wait3A_438 = tpu.memref_squeeze %dma_wait3A_437 : memref<1x1x128xi32, #tpu.memory_space<vmem>> -> memref<128xi32, #tpu.memory_space<vmem>>
          %dma_wait3A_439 = arith.constant 0 : i32
          %dma_wait3A_440 = arith.constant 0 : i32
          %dma_wait3A_441 = tpu.memref_slice %arg10[%dma_wait3A_439, %dma_wait3A_440] : memref<10112x128xf32, #tpu.memory_space<vmem_shared>> -> memref<10112x128xf32, #tpu.memory_space<vmem_shared>>
          tpu.wait_indirect_dma semaphore(%run_scoped3A_429 : memref<!tpu.dma_semaphore, #tpu.memory_space<semaphore_mem>>) src(%arg9 : memref<128x128xf32, #tpu.memory_space<vmem>>) dst(%dma_wait3A_441 : memref<10112x128xf32, #tpu.memory_space<vmem_shared>>)
          tpu.yield
        }) : () -> ()
        %dma_start3A_210 = arith.constant 0 : i32
        %dma_start3A_211 = arith.constant 3 : i32
        %dma_start3A_212 = arith.constant 0 : i32
        %dma_start3A_213 = tpu.memref_slice %arg6[%dma_start3A_210, %dma_start3A_211, %dma_start3A_212] : memref<2x4x128xi32, #tpu.memory_space<vmem>> -> memref<1x1x128xi32, #tpu.memory_space<vmem>>
        %dma_start3A_214 = tpu.memref_squeeze %dma_start3A_213 : memref<1x1x128xi32, #tpu.memory_space<vmem>> -> memref<128xi32, #tpu.memory_space<vmem>>
        %dma_start3A_215 = arith.constant 0 : i32
        %dma_start3A_216 = arith.constant 0 : i32
        %dma_start3A_217 = tpu.memref_slice %arg2[%dma_start3A_215, %dma_start3A_216] : memref<10000x128xf32, #tpu.memory_space<hbm>> -> memref<10000x128xf32, #tpu.memory_space<hbm>>
        tpu.enqueue_indirect_dma source(%dma_start3A_217 : memref<10000x128xf32, #tpu.memory_space<hbm>>) target(%arg9 : memref<128x128xf32, #tpu.memory_space<vmem>>) offsets(%dma_start3A_214 : memref<128xi32, #tpu.memory_space<vmem>>) semaphore(%arg12 : memref<!tpu.dma_semaphore, #tpu.memory_space<semaphore_mem>>)
        %dma_wait3A_218 = arith.constant 0 : i32
        %dma_wait3A_219 = arith.constant 0 : i32
        %dma_wait3A_220 = arith.constant 0 : i32
        %dma_wait3A_221 = tpu.memref_slice %arg6[%dma_wait3A_218, %dma_wait3A_219, %dma_wait3A_220] : memref<2x4x128xi32, #tpu.memory_space<vmem>> -> memref<1x1x128xi32, #tpu.memory_space<vmem>>
        %dma_wait3A_222 = tpu.memref_squeeze %dma_wait3A_221 : memref<1x1x128xi32, #tpu.memory_space<vmem>> -> memref<128xi32, #tpu.memory_space<vmem>>
        %dma_wait3A_223 = arith.constant 0 : i32
        %dma_wait3A_224 = arith.constant 0 : i32
        %dma_wait3A_225 = tpu.memref_slice %arg2[%dma_wait3A_223, %dma_wait3A_224] : memref<10000x128xf32, #tpu.memory_space<hbm>> -> memref<10000x128xf32, #tpu.memory_space<hbm>>
        tpu.wait_indirect_dma semaphore(%arg11 : memref<!tpu.dma_semaphore, #tpu.memory_space<semaphore_mem>>) src(%dma_wait3A_225 : memref<10000x128xf32, #tpu.memory_space<hbm>>) dst(%arg8 : memref<128x128xf32, #tpu.memory_space<vmem>>)
        %run_scoped3A_226 = arith.constant 0 : i32
        %run_scoped3A_227 = arith.constant 2 : i32
        "tpu.region"() ({
          %run_scoped3A_429 = tpu.sem_alloc : memref<!tpu.dma_semaphore, #tpu.memory_space<semaphore_mem>>
          %dma_start3A_430 = arith.constant 0 : i32
          %dma_start3A_431 = tpu.memref_slice %arg7[%run_scoped3A_226, %run_scoped3A_227, %dma_start3A_430] : memref<2x4x128xi32, #tpu.memory_space<vmem>> -> memref<1x1x128xi32, #tpu.memory_space<vmem>>
          %dma_start3A_432 = tpu.memref_squeeze %dma_start3A_431 : memref<1x1x128xi32, #tpu.memory_space<vmem>> -> memref<128xi32, #tpu.memory_space<vmem>>
          %dma_start3A_433 = arith.constant 0 : i32
          %dma_start3A_434 = arith.constant 0 : i32
          %dma_start3A_435 = tpu.memref_slice %arg10[%dma_start3A_433, %dma_start3A_434] : memref<10112x128xf32, #tpu.memory_space<vmem_shared>> -> memref<10112x128xf32, #tpu.memory_space<vmem_shared>>
          tpu.enqueue_indirect_dma source(%arg8 : memref<128x128xf32, #tpu.memory_space<vmem>>) target(%dma_start3A_435 : memref<10112x128xf32, #tpu.memory_space<vmem_shared>>) offsets(%dma_start3A_432 : memref<128xi32, #tpu.memory_space<vmem>>) semaphore(%run_scoped3A_429 : memref<!tpu.dma_semaphore, #tpu.memory_space<semaphore_mem>>) {add = true}
          %dma_wait3A_436 = arith.constant 0 : i32
          %dma_wait3A_437 = tpu.memref_slice %arg7[%run_scoped3A_226, %run_scoped3A_227, %dma_wait3A_436] : memref<2x4x128xi32, #tpu.memory_space<vmem>> -> memref<1x1x128xi32, #tpu.memory_space<vmem>>
          %dma_wait3A_438 = tpu.memref_squeeze %dma_wait3A_437 : memref<1x1x128xi32, #tpu.memory_space<vmem>> -> memref<128xi32, #tpu.memory_space<vmem>>
          %dma_wait3A_439 = arith.constant 0 : i32
          %dma_wait3A_440 = arith.constant 0 : i32
          %dma_wait3A_441 = tpu.memref_slice %arg10[%dma_wait3A_439, %dma_wait3A_440] : memref<10112x128xf32, #tpu.memory_space<vmem_shared>> -> memref<10112x128xf32, #tpu.memory_space<vmem_shared>>
          tpu.wait_indirect_dma semaphore(%run_scoped3A_429 : memref<!tpu.dma_semaphore, #tpu.memory_space<semaphore_mem>>) src(%arg8 : memref<128x128xf32, #tpu.memory_space<vmem>>) dst(%dma_wait3A_441 : memref<10112x128xf32, #tpu.memory_space<vmem_shared>>)
          tpu.yield
        }) : () -> ()
        %dma_wait3A_228 = arith.constant 0 : i32
        %dma_wait3A_229 = arith.constant 1 : i32
        %dma_wait3A_230 = arith.constant 0 : i32
        %dma_wait3A_231 = arith.constant 0 : i32
        %dma_wait3A_232 = tpu.memref_slice %arg6[%dma_wait3A_229, %dma_wait3A_230, %dma_wait3A_231] : memref<2x4x128xi32, #tpu.memory_space<vmem>> -> memref<1x4x128xi32, #tpu.memory_space<vmem>>
        %dma_wait3A_233 = tpu.memref_squeeze %dma_wait3A_232 : memref<1x4x128xi32, #tpu.memory_space<vmem>> -> memref<4x128xi32, #tpu.memory_space<vmem>>
        %dma_wait3A_234 = arith.constant 0 : i32
        %dma_wait3A_235 = arith.constant 0 : i32
        %dma_wait3A_236 = tpu.memref_slice %arg3[%add3A, %dma_wait3A_228, %dma_wait3A_234, %dma_wait3A_235] : memref<32x41x4x128xi32, #tpu.memory_space<hbm>> -> memref<1x1x4x128xi32, #tpu.memory_space<hbm>>
        %dma_wait3A_237 = tpu.memref_squeeze %dma_wait3A_236 : memref<1x1x4x128xi32, #tpu.memory_space<hbm>> -> memref<4x128xi32, #tpu.memory_space<hbm>>
        %dma_wait3A_238 = arith.constant 0 : i32
        %dma_wait3A_239 = arith.constant 0 : i32
        %dma_wait3A_240 = tpu.memref_slice %arg6[%dma_wait3A_229, %dma_wait3A_238, %dma_wait3A_239] : memref<2x4x128xi32, #tpu.memory_space<vmem>> -> memref<1x4x128xi32, #tpu.memory_space<vmem>>
        %dma_wait3A_241 = tpu.memref_squeeze %dma_wait3A_240 : memref<1x4x128xi32, #tpu.memory_space<vmem>> -> memref<4x128xi32, #tpu.memory_space<vmem>>
        %dma_wait3A_242 = arith.constant 0 : i32
        %dma_wait3A_243 = arith.constant 0 : i32
        %dma_wait3A_244 = tpu.memref_slice %arg3[%add3A, %dma_wait3A_228, %dma_wait3A_242, %dma_wait3A_243] : memref<32x41x4x128xi32, #tpu.memory_space<hbm>> -> memref<1x1x4x128xi32, #tpu.memory_space<hbm>>
        %dma_wait3A_245 = tpu.memref_squeeze %dma_wait3A_244 : memref<1x1x4x128xi32, #tpu.memory_space<hbm>> -> memref<4x128xi32, #tpu.memory_space<hbm>>
        tpu.wait_dma2 semaphore(%arg14 : memref<!tpu.dma_semaphore, #tpu.memory_space<semaphore_mem>>) src(%dma_wait3A_245 : memref<4x128xi32, #tpu.memory_space<hbm>>) dst(%dma_wait3A_241 : memref<4x128xi32, #tpu.memory_space<vmem>>)
        %dma_wait3A_246 = arith.constant 0 : i32
        %dma_wait3A_247 = arith.constant 1 : i32
        %dma_wait3A_248 = arith.constant 0 : i32
        %dma_wait3A_249 = arith.constant 0 : i32
        %dma_wait3A_250 = tpu.memref_slice %arg7[%dma_wait3A_247, %dma_wait3A_248, %dma_wait3A_249] : memref<2x4x128xi32, #tpu.memory_space<vmem>> -> memref<1x4x128xi32, #tpu.memory_space<vmem>>
        %dma_wait3A_251 = tpu.memref_squeeze %dma_wait3A_250 : memref<1x4x128xi32, #tpu.memory_space<vmem>> -> memref<4x128xi32, #tpu.memory_space<vmem>>
        %dma_wait3A_252 = arith.constant 0 : i32
        %dma_wait3A_253 = arith.constant 0 : i32
        %dma_wait3A_254 = tpu.memref_slice %arg4[%add3A, %dma_wait3A_246, %dma_wait3A_252, %dma_wait3A_253] : memref<32x41x4x128xi32, #tpu.memory_space<hbm>> -> memref<1x1x4x128xi32, #tpu.memory_space<hbm>>
        %dma_wait3A_255 = tpu.memref_squeeze %dma_wait3A_254 : memref<1x1x4x128xi32, #tpu.memory_space<hbm>> -> memref<4x128xi32, #tpu.memory_space<hbm>>
        %dma_wait3A_256 = arith.constant 0 : i32
        %dma_wait3A_257 = arith.constant 0 : i32
        %dma_wait3A_258 = tpu.memref_slice %arg7[%dma_wait3A_247, %dma_wait3A_256, %dma_wait3A_257] : memref<2x4x128xi32, #tpu.memory_space<vmem>> -> memref<1x4x128xi32, #tpu.memory_space<vmem>>
        %dma_wait3A_259 = tpu.memref_squeeze %dma_wait3A_258 : memref<1x4x128xi32, #tpu.memory_space<vmem>> -> memref<4x128xi32, #tpu.memory_space<vmem>>
        %dma_wait3A_260 = arith.constant 0 : i32
        %dma_wait3A_261 = arith.constant 0 : i32
        %dma_wait3A_262 = tpu.memref_slice %arg4[%add3A, %dma_wait3A_246, %dma_wait3A_260, %dma_wait3A_261] : memref<32x41x4x128xi32, #tpu.memory_space<hbm>> -> memref<1x1x4x128xi32, #tpu.memory_space<hbm>>
        %dma_wait3A_263 = tpu.memref_squeeze %dma_wait3A_262 : memref<1x1x4x128xi32, #tpu.memory_space<hbm>> -> memref<4x128xi32, #tpu.memory_space<hbm>>
        tpu.wait_dma2 semaphore(%arg14 : memref<!tpu.dma_semaphore, #tpu.memory_space<semaphore_mem>>) src(%dma_wait3A_263 : memref<4x128xi32, #tpu.memory_space<hbm>>) dst(%dma_wait3A_259 : memref<4x128xi32, #tpu.memory_space<vmem>>)
        %dma_start3A_264 = arith.constant 1 : i32
        %dma_start3A_265 = arith.constant 0 : i32
        %dma_start3A_266 = arith.constant 0 : i32
        %dma_start3A_267 = tpu.memref_slice %arg6[%dma_start3A_264, %dma_start3A_265, %dma_start3A_266] : memref<2x4x128xi32, #tpu.memory_space<vmem>> -> memref<1x1x128xi32, #tpu.memory_space<vmem>>
        %dma_start3A_268 = tpu.memref_squeeze %dma_start3A_267 : memref<1x1x128xi32, #tpu.memory_space<vmem>> -> memref<128xi32, #tpu.memory_space<vmem>>
        %dma_start3A_269 = arith.constant 0 : i32
        %dma_start3A_270 = arith.constant 0 : i32
        %dma_start3A_271 = tpu.memref_slice %arg2[%dma_start3A_269, %dma_start3A_270] : memref<10000x128xf32, #tpu.memory_space<hbm>> -> memref<10000x128xf32, #tpu.memory_space<hbm>>
        tpu.enqueue_indirect_dma source(%dma_start3A_271 : memref<10000x128xf32, #tpu.memory_space<hbm>>) target(%arg8 : memref<128x128xf32, #tpu.memory_space<vmem>>) offsets(%dma_start3A_268 : memref<128xi32, #tpu.memory_space<vmem>>) semaphore(%arg11 : memref<!tpu.dma_semaphore, #tpu.memory_space<semaphore_mem>>)
        %dma_wait3A_272 = arith.constant 0 : i32
        %dma_wait3A_273 = arith.constant 0 : i32
        %dma_wait3A_274 = arith.constant 0 : i32
        %dma_wait3A_275 = tpu.memref_slice %arg6[%dma_wait3A_272, %dma_wait3A_273, %dma_wait3A_274] : memref<2x4x128xi32, #tpu.memory_space<vmem>> -> memref<1x1x128xi32, #tpu.memory_space<vmem>>
        %dma_wait3A_276 = tpu.memref_squeeze %dma_wait3A_275 : memref<1x1x128xi32, #tpu.memory_space<vmem>> -> memref<128xi32, #tpu.memory_space<vmem>>
        %dma_wait3A_277 = arith.constant 0 : i32
        %dma_wait3A_278 = arith.constant 0 : i32
        %dma_wait3A_279 = tpu.memref_slice %arg2[%dma_wait3A_277, %dma_wait3A_278] : memref<10000x128xf32, #tpu.memory_space<hbm>> -> memref<10000x128xf32, #tpu.memory_space<hbm>>
        tpu.wait_indirect_dma semaphore(%arg12 : memref<!tpu.dma_semaphore, #tpu.memory_space<semaphore_mem>>) src(%dma_wait3A_279 : memref<10000x128xf32, #tpu.memory_space<hbm>>) dst(%arg9 : memref<128x128xf32, #tpu.memory_space<vmem>>)
        %run_scoped3A_280 = arith.constant 0 : i32
        %run_scoped3A_281 = arith.constant 3 : i32
        "tpu.region"() ({
          %run_scoped3A_429 = tpu.sem_alloc : memref<!tpu.dma_semaphore, #tpu.memory_space<semaphore_mem>>
          %dma_start3A_430 = arith.constant 0 : i32
          %dma_start3A_431 = tpu.memref_slice %arg7[%run_scoped3A_280, %run_scoped3A_281, %dma_start3A_430] : memref<2x4x128xi32, #tpu.memory_space<vmem>> -> memref<1x1x128xi32, #tpu.memory_space<vmem>>
          %dma_start3A_432 = tpu.memref_squeeze %dma_start3A_431 : memref<1x1x128xi32, #tpu.memory_space<vmem>> -> memref<128xi32, #tpu.memory_space<vmem>>
          %dma_start3A_433 = arith.constant 0 : i32
          %dma_start3A_434 = arith.constant 0 : i32
          %dma_start3A_435 = tpu.memref_slice %arg10[%dma_start3A_433, %dma_start3A_434] : memref<10112x128xf32, #tpu.memory_space<vmem_shared>> -> memref<10112x128xf32, #tpu.memory_space<vmem_shared>>
          tpu.enqueue_indirect_dma source(%arg9 : memref<128x128xf32, #tpu.memory_space<vmem>>) target(%dma_start3A_435 : memref<10112x128xf32, #tpu.memory_space<vmem_shared>>) offsets(%dma_start3A_432 : memref<128xi32, #tpu.memory_space<vmem>>) semaphore(%run_scoped3A_429 : memref<!tpu.dma_semaphore, #tpu.memory_space<semaphore_mem>>) {add = true}
          %dma_wait3A_436 = arith.constant 0 : i32
          %dma_wait3A_437 = tpu.memref_slice %arg7[%run_scoped3A_280, %run_scoped3A_281, %dma_wait3A_436] : memref<2x4x128xi32, #tpu.memory_space<vmem>> -> memref<1x1x128xi32, #tpu.memory_space<vmem>>
          %dma_wait3A_438 = tpu.memref_squeeze %dma_wait3A_437 : memref<1x1x128xi32, #tpu.memory_space<vmem>> -> memref<128xi32, #tpu.memory_space<vmem>>
          %dma_wait3A_439 = arith.constant 0 : i32
          %dma_wait3A_440 = arith.constant 0 : i32
          %dma_wait3A_441 = tpu.memref_slice %arg10[%dma_wait3A_439, %dma_wait3A_440] : memref<10112x128xf32, #tpu.memory_space<vmem_shared>> -> memref<10112x128xf32, #tpu.memory_space<vmem_shared>>
          tpu.wait_indirect_dma semaphore(%run_scoped3A_429 : memref<!tpu.dma_semaphore, #tpu.memory_space<semaphore_mem>>) src(%arg9 : memref<128x128xf32, #tpu.memory_space<vmem>>) dst(%dma_wait3A_441 : memref<10112x128xf32, #tpu.memory_space<vmem_shared>>)
          tpu.yield
        }) : () -> ()
        %mul3A_282 = arith.constant 2 : i32
        %mul3A_283 = arith.muli %mul3A_282, %scan3A_135 : i32
        %add3A_284 = arith.constant 2 : i32
        %add3A_285 = arith.addi %mul3A_283, %add3A_284 : i32
        %dma_start3A_286 = arith.constant 0 : i32
        %dma_start3A_287 = arith.constant 0 : i32
        %dma_start3A_288 = arith.constant 0 : i32
        %dma_start3A_289 = tpu.memref_slice %arg6[%dma_start3A_286, %dma_start3A_287, %dma_start3A_288] : memref<2x4x128xi32, #tpu.memory_space<vmem>> -> memref<1x4x128xi32, #tpu.memory_space<vmem>>
        %dma_start3A_290 = tpu.memref_squeeze %dma_start3A_289 : memref<1x4x128xi32, #tpu.memory_space<vmem>> -> memref<4x128xi32, #tpu.memory_space<vmem>>
        %dma_start3A_291 = arith.constant 0 : i32
        %dma_start3A_292 = arith.constant 0 : i32
        %dma_start3A_293 = tpu.memref_slice %arg3[%add3A, %add3A_285, %dma_start3A_291, %dma_start3A_292] : memref<32x41x4x128xi32, #tpu.memory_space<hbm>> -> memref<1x1x4x128xi32, #tpu.memory_space<hbm>>
        %dma_start3A_294 = tpu.memref_squeeze %dma_start3A_293 : memref<1x1x4x128xi32, #tpu.memory_space<hbm>> -> memref<4x128xi32, #tpu.memory_space<hbm>>
        %dma_start3A_295 = arith.constant 0 : i32
        %dma_start3A_296 = arith.constant 0 : i32
        %dma_start3A_297 = tpu.memref_slice %arg6[%dma_start3A_286, %dma_start3A_295, %dma_start3A_296] : memref<2x4x128xi32, #tpu.memory_space<vmem>> -> memref<1x4x128xi32, #tpu.memory_space<vmem>>
        %dma_start3A_298 = tpu.memref_squeeze %dma_start3A_297 : memref<1x4x128xi32, #tpu.memory_space<vmem>> -> memref<4x128xi32, #tpu.memory_space<vmem>>
        %dma_start3A_299 = arith.constant 0 : i32
        %dma_start3A_300 = arith.constant 0 : i32
        %dma_start3A_301 = tpu.memref_slice %arg3[%add3A, %add3A_285, %dma_start3A_299, %dma_start3A_300] : memref<32x41x4x128xi32, #tpu.memory_space<hbm>> -> memref<1x1x4x128xi32, #tpu.memory_space<hbm>>
        %dma_start3A_302 = tpu.memref_squeeze %dma_start3A_301 : memref<1x1x4x128xi32, #tpu.memory_space<hbm>> -> memref<4x128xi32, #tpu.memory_space<hbm>>
        tpu.enqueue_dma source(%dma_start3A_302 : memref<4x128xi32, #tpu.memory_space<hbm>>) target(%dma_start3A_298 : memref<4x128xi32, #tpu.memory_space<vmem>>) target_semaphore(%arg13 : memref<!tpu.dma_semaphore, #tpu.memory_space<semaphore_mem>>)
        %dma_start3A_303 = arith.constant 0 : i32
        %dma_start3A_304 = arith.constant 0 : i32
        %dma_start3A_305 = arith.constant 0 : i32
        %dma_start3A_306 = tpu.memref_slice %arg7[%dma_start3A_303, %dma_start3A_304, %dma_start3A_305] : memref<2x4x128xi32, #tpu.memory_space<vmem>> -> memref<1x4x128xi32, #tpu.memory_space<vmem>>
        %dma_start3A_307 = tpu.memref_squeeze %dma_start3A_306 : memref<1x4x128xi32, #tpu.memory_space<vmem>> -> memref<4x128xi32, #tpu.memory_space<vmem>>
        %dma_start3A_308 = arith.constant 0 : i32
        %dma_start3A_309 = arith.constant 0 : i32
        %dma_start3A_310 = tpu.memref_slice %arg4[%add3A, %add3A_285, %dma_start3A_308, %dma_start3A_309] : memref<32x41x4x128xi32, #tpu.memory_space<hbm>> -> memref<1x1x4x128xi32, #tpu.memory_space<hbm>>
        %dma_start3A_311 = tpu.memref_squeeze %dma_start3A_310 : memref<1x1x4x128xi32, #tpu.memory_space<hbm>> -> memref<4x128xi32, #tpu.memory_space<hbm>>
        %dma_start3A_312 = arith.constant 0 : i32
        %dma_start3A_313 = arith.constant 0 : i32
        %dma_start3A_314 = tpu.memref_slice %arg7[%dma_start3A_303, %dma_start3A_312, %dma_start3A_313] : memref<2x4x128xi32, #tpu.memory_space<vmem>> -> memref<1x4x128xi32, #tpu.memory_space<vmem>>
        %dma_start3A_315 = tpu.memref_squeeze %dma_start3A_314 : memref<1x4x128xi32, #tpu.memory_space<vmem>> -> memref<4x128xi32, #tpu.memory_space<vmem>>
        %dma_start3A_316 = arith.constant 0 : i32
        %dma_start3A_317 = arith.constant 0 : i32
        %dma_start3A_318 = tpu.memref_slice %arg4[%add3A, %add3A_285, %dma_start3A_316, %dma_start3A_317] : memref<32x41x4x128xi32, #tpu.memory_space<hbm>> -> memref<1x1x4x128xi32, #tpu.memory_space<hbm>>
        %dma_start3A_319 = tpu.memref_squeeze %dma_start3A_318 : memref<1x1x4x128xi32, #tpu.memory_space<hbm>> -> memref<4x128xi32, #tpu.memory_space<hbm>>
        tpu.enqueue_dma source(%dma_start3A_319 : memref<4x128xi32, #tpu.memory_space<hbm>>) target(%dma_start3A_315 : memref<4x128xi32, #tpu.memory_space<vmem>>) target_semaphore(%arg13 : memref<!tpu.dma_semaphore, #tpu.memory_space<semaphore_mem>>)
        %dma_start3A_320 = arith.constant 1 : i32
        %dma_start3A_321 = arith.constant 1 : i32
        %dma_start3A_322 = arith.constant 0 : i32
        %dma_start3A_323 = tpu.memref_slice %arg6[%dma_start3A_320, %dma_start3A_321, %dma_start3A_322] : memref<2x4x128xi32, #tpu.memory_space<vmem>> -> memref<1x1x128xi32, #tpu.memory_space<vmem>>
        %dma_start3A_324 = tpu.memref_squeeze %dma_start3A_323 : memref<1x1x128xi32, #tpu.memory_space<vmem>> -> memref<128xi32, #tpu.memory_space<vmem>>
        %dma_start3A_325 = arith.constant 0 : i32
        %dma_start3A_326 = arith.constant 0 : i32
        %dma_start3A_327 = tpu.memref_slice %arg2[%dma_start3A_325, %dma_start3A_326] : memref<10000x128xf32, #tpu.memory_space<hbm>> -> memref<10000x128xf32, #tpu.memory_space<hbm>>
        tpu.enqueue_indirect_dma source(%dma_start3A_327 : memref<10000x128xf32, #tpu.memory_space<hbm>>) target(%arg9 : memref<128x128xf32, #tpu.memory_space<vmem>>) offsets(%dma_start3A_324 : memref<128xi32, #tpu.memory_space<vmem>>) semaphore(%arg12 : memref<!tpu.dma_semaphore, #tpu.memory_space<semaphore_mem>>)
        %dma_wait3A_328 = arith.constant 0 : i32
        %dma_wait3A_329 = arith.constant 0 : i32
        %dma_wait3A_330 = arith.constant 0 : i32
        %dma_wait3A_331 = tpu.memref_slice %arg6[%dma_wait3A_328, %dma_wait3A_329, %dma_wait3A_330] : memref<2x4x128xi32, #tpu.memory_space<vmem>> -> memref<1x1x128xi32, #tpu.memory_space<vmem>>
        %dma_wait3A_332 = tpu.memref_squeeze %dma_wait3A_331 : memref<1x1x128xi32, #tpu.memory_space<vmem>> -> memref<128xi32, #tpu.memory_space<vmem>>
        %dma_wait3A_333 = arith.constant 0 : i32
        %dma_wait3A_334 = arith.constant 0 : i32
        %dma_wait3A_335 = tpu.memref_slice %arg2[%dma_wait3A_333, %dma_wait3A_334] : memref<10000x128xf32, #tpu.memory_space<hbm>> -> memref<10000x128xf32, #tpu.memory_space<hbm>>
        tpu.wait_indirect_dma semaphore(%arg11 : memref<!tpu.dma_semaphore, #tpu.memory_space<semaphore_mem>>) src(%dma_wait3A_335 : memref<10000x128xf32, #tpu.memory_space<hbm>>) dst(%arg8 : memref<128x128xf32, #tpu.memory_space<vmem>>)
        %run_scoped3A_336 = arith.constant 1 : i32
        %run_scoped3A_337 = arith.constant 0 : i32
        "tpu.region"() ({
          %run_scoped3A_429 = tpu.sem_alloc : memref<!tpu.dma_semaphore, #tpu.memory_space<semaphore_mem>>
          %dma_start3A_430 = arith.constant 0 : i32
          %dma_start3A_431 = tpu.memref_slice %arg7[%run_scoped3A_336, %run_scoped3A_337, %dma_start3A_430] : memref<2x4x128xi32, #tpu.memory_space<vmem>> -> memref<1x1x128xi32, #tpu.memory_space<vmem>>
          %dma_start3A_432 = tpu.memref_squeeze %dma_start3A_431 : memref<1x1x128xi32, #tpu.memory_space<vmem>> -> memref<128xi32, #tpu.memory_space<vmem>>
          %dma_start3A_433 = arith.constant 0 : i32
          %dma_start3A_434 = arith.constant 0 : i32
          %dma_start3A_435 = tpu.memref_slice %arg10[%dma_start3A_433, %dma_start3A_434] : memref<10112x128xf32, #tpu.memory_space<vmem_shared>> -> memref<10112x128xf32, #tpu.memory_space<vmem_shared>>
          tpu.enqueue_indirect_dma source(%arg8 : memref<128x128xf32, #tpu.memory_space<vmem>>) target(%dma_start3A_435 : memref<10112x128xf32, #tpu.memory_space<vmem_shared>>) offsets(%dma_start3A_432 : memref<128xi32, #tpu.memory_space<vmem>>) semaphore(%run_scoped3A_429 : memref<!tpu.dma_semaphore, #tpu.memory_space<semaphore_mem>>) {add = true}
          %dma_wait3A_436 = arith.constant 0 : i32
          %dma_wait3A_437 = tpu.memref_slice %arg7[%run_scoped3A_336, %run_scoped3A_337, %dma_wait3A_436] : memref<2x4x128xi32, #tpu.memory_space<vmem>> -> memref<1x1x128xi32, #tpu.memory_space<vmem>>
          %dma_wait3A_438 = tpu.memref_squeeze %dma_wait3A_437 : memref<1x1x128xi32, #tpu.memory_space<vmem>> -> memref<128xi32, #tpu.memory_space<vmem>>
          %dma_wait3A_439 = arith.constant 0 : i32
          %dma_wait3A_440 = arith.constant 0 : i32
          %dma_wait3A_441 = tpu.memref_slice %arg10[%dma_wait3A_439, %dma_wait3A_440] : memref<10112x128xf32, #tpu.memory_space<vmem_shared>> -> memref<10112x128xf32, #tpu.memory_space<vmem_shared>>
          tpu.wait_indirect_dma semaphore(%run_scoped3A_429 : memref<!tpu.dma_semaphore, #tpu.memory_space<semaphore_mem>>) src(%arg8 : memref<128x128xf32, #tpu.memory_space<vmem>>) dst(%dma_wait3A_441 : memref<10112x128xf32, #tpu.memory_space<vmem_shared>>)
          tpu.yield
        }) : () -> ()
        %dma_start3A_338 = arith.constant 1 : i32
        %dma_start3A_339 = arith.constant 2 : i32
        %dma_start3A_340 = arith.constant 0 : i32
        %dma_start3A_341 = tpu.memref_slice %arg6[%dma_start3A_338, %dma_start3A_339, %dma_start3A_340] : memref<2x4x128xi32, #tpu.memory_space<vmem>> -> memref<1x1x128xi32, #tpu.memory_space<vmem>>
        %dma_start3A_342 = tpu.memref_squeeze %dma_start3A_341 : memref<1x1x128xi32, #tpu.memory_space<vmem>> -> memref<128xi32, #tpu.memory_space<vmem>>
        %dma_start3A_343 = arith.constant 0 : i32
        %dma_start3A_344 = arith.constant 0 : i32
        %dma_start3A_345 = tpu.memref_slice %arg2[%dma_start3A_343, %dma_start3A_344] : memref<10000x128xf32, #tpu.memory_space<hbm>> -> memref<10000x128xf32, #tpu.memory_space<hbm>>
        tpu.enqueue_indirect_dma source(%dma_start3A_345 : memref<10000x128xf32, #tpu.memory_space<hbm>>) target(%arg8 : memref<128x128xf32, #tpu.memory_space<vmem>>) offsets(%dma_start3A_342 : memref<128xi32, #tpu.memory_space<vmem>>) semaphore(%arg11 : memref<!tpu.dma_semaphore, #tpu.memory_space<semaphore_mem>>)
        %dma_wait3A_346 = arith.constant 0 : i32
        %dma_wait3A_347 = arith.constant 0 : i32
        %dma_wait3A_348 = arith.constant 0 : i32
        %dma_wait3A_349 = tpu.memref_slice %arg6[%dma_wait3A_346, %dma_wait3A_347, %dma_wait3A_348] : memref<2x4x128xi32, #tpu.memory_space<vmem>> -> memref<1x1x128xi32, #tpu.memory_space<vmem>>
        %dma_wait3A_350 = tpu.memref_squeeze %dma_wait3A_349 : memref<1x1x128xi32, #tpu.memory_space<vmem>> -> memref<128xi32, #tpu.memory_space<vmem>>
        %dma_wait3A_351 = arith.constant 0 : i32
        %dma_wait3A_352 = arith.constant 0 : i32
        %dma_wait3A_353 = tpu.memref_slice %arg2[%dma_wait3A_351, %dma_wait3A_352] : memref<10000x128xf32, #tpu.memory_space<hbm>> -> memref<10000x128xf32, #tpu.memory_space<hbm>>
        tpu.wait_indirect_dma semaphore(%arg12 : memref<!tpu.dma_semaphore, #tpu.memory_space<semaphore_mem>>) src(%dma_wait3A_353 : memref<10000x128xf32, #tpu.memory_space<hbm>>) dst(%arg9 : memref<128x128xf32, #tpu.memory_space<vmem>>)
        %run_scoped3A_354 = arith.constant 1 : i32
        %run_scoped3A_355 = arith.constant 1 : i32
        "tpu.region"() ({
          %run_scoped3A_429 = tpu.sem_alloc : memref<!tpu.dma_semaphore, #tpu.memory_space<semaphore_mem>>
          %dma_start3A_430 = arith.constant 0 : i32
          %dma_start3A_431 = tpu.memref_slice %arg7[%run_scoped3A_354, %run_scoped3A_355, %dma_start3A_430] : memref<2x4x128xi32, #tpu.memory_space<vmem>> -> memref<1x1x128xi32, #tpu.memory_space<vmem>>
          %dma_start3A_432 = tpu.memref_squeeze %dma_start3A_431 : memref<1x1x128xi32, #tpu.memory_space<vmem>> -> memref<128xi32, #tpu.memory_space<vmem>>
          %dma_start3A_433 = arith.constant 0 : i32
          %dma_start3A_434 = arith.constant 0 : i32
          %dma_start3A_435 = tpu.memref_slice %arg10[%dma_start3A_433, %dma_start3A_434] : memref<10112x128xf32, #tpu.memory_space<vmem_shared>> -> memref<10112x128xf32, #tpu.memory_space<vmem_shared>>
          tpu.enqueue_indirect_dma source(%arg9 : memref<128x128xf32, #tpu.memory_space<vmem>>) target(%dma_start3A_435 : memref<10112x128xf32, #tpu.memory_space<vmem_shared>>) offsets(%dma_start3A_432 : memref<128xi32, #tpu.memory_space<vmem>>) semaphore(%run_scoped3A_429 : memref<!tpu.dma_semaphore, #tpu.memory_space<semaphore_mem>>) {add = true}
          %dma_wait3A_436 = arith.constant 0 : i32
          %dma_wait3A_437 = tpu.memref_slice %arg7[%run_scoped3A_354, %run_scoped3A_355, %dma_wait3A_436] : memref<2x4x128xi32, #tpu.memory_space<vmem>> -> memref<1x1x128xi32, #tpu.memory_space<vmem>>
          %dma_wait3A_438 = tpu.memref_squeeze %dma_wait3A_437 : memref<1x1x128xi32, #tpu.memory_space<vmem>> -> memref<128xi32, #tpu.memory_space<vmem>>
          %dma_wait3A_439 = arith.constant 0 : i32
          %dma_wait3A_440 = arith.constant 0 : i32
          %dma_wait3A_441 = tpu.memref_slice %arg10[%dma_wait3A_439, %dma_wait3A_440] : memref<10112x128xf32, #tpu.memory_space<vmem_shared>> -> memref<10112x128xf32, #tpu.memory_space<vmem_shared>>
          tpu.wait_indirect_dma semaphore(%run_scoped3A_429 : memref<!tpu.dma_semaphore, #tpu.memory_space<semaphore_mem>>) src(%arg9 : memref<128x128xf32, #tpu.memory_space<vmem>>) dst(%dma_wait3A_441 : memref<10112x128xf32, #tpu.memory_space<vmem_shared>>)
          tpu.yield
        }) : () -> ()
        %dma_start3A_356 = arith.constant 1 : i32
        %dma_start3A_357 = arith.constant 3 : i32
        %dma_start3A_358 = arith.constant 0 : i32
        %dma_start3A_359 = tpu.memref_slice %arg6[%dma_start3A_356, %dma_start3A_357, %dma_start3A_358] : memref<2x4x128xi32, #tpu.memory_space<vmem>> -> memref<1x1x128xi32, #tpu.memory_space<vmem>>
        %dma_start3A_360 = tpu.memref_squeeze %dma_start3A_359 : memref<1x1x128xi32, #tpu.memory_space<vmem>> -> memref<128xi32, #tpu.memory_space<vmem>>
        %dma_start3A_361 = arith.constant 0 : i32
        %dma_start3A_362 = arith.constant 0 : i32
        %dma_start3A_363 = tpu.memref_slice %arg2[%dma_start3A_361, %dma_start3A_362] : memref<10000x128xf32, #tpu.memory_space<hbm>> -> memref<10000x128xf32, #tpu.memory_space<hbm>>
        tpu.enqueue_indirect_dma source(%dma_start3A_363 : memref<10000x128xf32, #tpu.memory_space<hbm>>) target(%arg9 : memref<128x128xf32, #tpu.memory_space<vmem>>) offsets(%dma_start3A_360 : memref<128xi32, #tpu.memory_space<vmem>>) semaphore(%arg12 : memref<!tpu.dma_semaphore, #tpu.memory_space<semaphore_mem>>)
        %dma_wait3A_364 = arith.constant 0 : i32
        %dma_wait3A_365 = arith.constant 0 : i32
        %dma_wait3A_366 = arith.constant 0 : i32
        %dma_wait3A_367 = tpu.memref_slice %arg6[%dma_wait3A_364, %dma_wait3A_365, %dma_wait3A_366] : memref<2x4x128xi32, #tpu.memory_space<vmem>> -> memref<1x1x128xi32, #tpu.memory_space<vmem>>
        %dma_wait3A_368 = tpu.memref_squeeze %dma_wait3A_367 : memref<1x1x128xi32, #tpu.memory_space<vmem>> -> memref<128xi32, #tpu.memory_space<vmem>>
        %dma_wait3A_369 = arith.constant 0 : i32
        %dma_wait3A_370 = arith.constant 0 : i32
        %dma_wait3A_371 = tpu.memref_slice %arg2[%dma_wait3A_369, %dma_wait3A_370] : memref<10000x128xf32, #tpu.memory_space<hbm>> -> memref<10000x128xf32, #tpu.memory_space<hbm>>
        tpu.wait_indirect_dma semaphore(%arg11 : memref<!tpu.dma_semaphore, #tpu.memory_space<semaphore_mem>>) src(%dma_wait3A_371 : memref<10000x128xf32, #tpu.memory_space<hbm>>) dst(%arg8 : memref<128x128xf32, #tpu.memory_space<vmem>>)
        %run_scoped3A_372 = arith.constant 1 : i32
        %run_scoped3A_373 = arith.constant 2 : i32
        "tpu.region"() ({
          %run_scoped3A_429 = tpu.sem_alloc : memref<!tpu.dma_semaphore, #tpu.memory_space<semaphore_mem>>
          %dma_start3A_430 = arith.constant 0 : i32
          %dma_start3A_431 = tpu.memref_slice %arg7[%run_scoped3A_372, %run_scoped3A_373, %dma_start3A_430] : memref<2x4x128xi32, #tpu.memory_space<vmem>> -> memref<1x1x128xi32, #tpu.memory_space<vmem>>
          %dma_start3A_432 = tpu.memref_squeeze %dma_start3A_431 : memref<1x1x128xi32, #tpu.memory_space<vmem>> -> memref<128xi32, #tpu.memory_space<vmem>>
          %dma_start3A_433 = arith.constant 0 : i32
          %dma_start3A_434 = arith.constant 0 : i32
          %dma_start3A_435 = tpu.memref_slice %arg10[%dma_start3A_433, %dma_start3A_434] : memref<10112x128xf32, #tpu.memory_space<vmem_shared>> -> memref<10112x128xf32, #tpu.memory_space<vmem_shared>>
          tpu.enqueue_indirect_dma source(%arg8 : memref<128x128xf32, #tpu.memory_space<vmem>>) target(%dma_start3A_435 : memref<10112x128xf32, #tpu.memory_space<vmem_shared>>) offsets(%dma_start3A_432 : memref<128xi32, #tpu.memory_space<vmem>>) semaphore(%run_scoped3A_429 : memref<!tpu.dma_semaphore, #tpu.memory_space<semaphore_mem>>) {add = true}
          %dma_wait3A_436 = arith.constant 0 : i32
          %dma_wait3A_437 = tpu.memref_slice %arg7[%run_scoped3A_372, %run_scoped3A_373, %dma_wait3A_436] : memref<2x4x128xi32, #tpu.memory_space<vmem>> -> memref<1x1x128xi32, #tpu.memory_space<vmem>>
          %dma_wait3A_438 = tpu.memref_squeeze %dma_wait3A_437 : memref<1x1x128xi32, #tpu.memory_space<vmem>> -> memref<128xi32, #tpu.memory_space<vmem>>
          %dma_wait3A_439 = arith.constant 0 : i32
          %dma_wait3A_440 = arith.constant 0 : i32
          %dma_wait3A_441 = tpu.memref_slice %arg10[%dma_wait3A_439, %dma_wait3A_440] : memref<10112x128xf32, #tpu.memory_space<vmem_shared>> -> memref<10112x128xf32, #tpu.memory_space<vmem_shared>>
          tpu.wait_indirect_dma semaphore(%run_scoped3A_429 : memref<!tpu.dma_semaphore, #tpu.memory_space<semaphore_mem>>) src(%arg8 : memref<128x128xf32, #tpu.memory_space<vmem>>) dst(%dma_wait3A_441 : memref<10112x128xf32, #tpu.memory_space<vmem_shared>>)
          tpu.yield
        }) : () -> ()
        %dma_wait3A_374 = arith.constant 0 : i32
        %dma_wait3A_375 = arith.constant 0 : i32
        %dma_wait3A_376 = arith.constant 0 : i32
        %dma_wait3A_377 = arith.constant 0 : i32
        %dma_wait3A_378 = tpu.memref_slice %arg6[%dma_wait3A_375, %dma_wait3A_376, %dma_wait3A_377] : memref<2x4x128xi32, #tpu.memory_space<vmem>> -> memref<1x4x128xi32, #tpu.memory_space<vmem>>
        %dma_wait3A_379 = tpu.memref_squeeze %dma_wait3A_378 : memref<1x4x128xi32, #tpu.memory_space<vmem>> -> memref<4x128xi32, #tpu.memory_space<vmem>>
        %dma_wait3A_380 = arith.constant 0 : i32
        %dma_wait3A_381 = arith.constant 0 : i32
        %dma_wait3A_382 = tpu.memref_slice %arg3[%add3A, %dma_wait3A_374, %dma_wait3A_380, %dma_wait3A_381] : memref<32x41x4x128xi32, #tpu.memory_space<hbm>> -> memref<1x1x4x128xi32, #tpu.memory_space<hbm>>
        %dma_wait3A_383 = tpu.memref_squeeze %dma_wait3A_382 : memref<1x1x4x128xi32, #tpu.memory_space<hbm>> -> memref<4x128xi32, #tpu.memory_space<hbm>>
        %dma_wait3A_384 = arith.constant 0 : i32
        %dma_wait3A_385 = arith.constant 0 : i32
        %dma_wait3A_386 = tpu.memref_slice %arg6[%dma_wait3A_375, %dma_wait3A_384, %dma_wait3A_385] : memref<2x4x128xi32, #tpu.memory_space<vmem>> -> memref<1x4x128xi32, #tpu.memory_space<vmem>>
        %dma_wait3A_387 = tpu.memref_squeeze %dma_wait3A_386 : memref<1x4x128xi32, #tpu.memory_space<vmem>> -> memref<4x128xi32, #tpu.memory_space<vmem>>
        %dma_wait3A_388 = arith.constant 0 : i32
        %dma_wait3A_389 = arith.constant 0 : i32
        %dma_wait3A_390 = tpu.memref_slice %arg3[%add3A, %dma_wait3A_374, %dma_wait3A_388, %dma_wait3A_389] : memref<32x41x4x128xi32, #tpu.memory_space<hbm>> -> memref<1x1x4x128xi32, #tpu.memory_space<hbm>>
        %dma_wait3A_391 = tpu.memref_squeeze %dma_wait3A_390 : memref<1x1x4x128xi32, #tpu.memory_space<hbm>> -> memref<4x128xi32, #tpu.memory_space<hbm>>
        tpu.wait_dma2 semaphore(%arg13 : memref<!tpu.dma_semaphore, #tpu.memory_space<semaphore_mem>>) src(%dma_wait3A_391 : memref<4x128xi32, #tpu.memory_space<hbm>>) dst(%dma_wait3A_387 : memref<4x128xi32, #tpu.memory_space<vmem>>)
        %dma_wait3A_392 = arith.constant 0 : i32
        %dma_wait3A_393 = arith.constant 0 : i32
        %dma_wait3A_394 = arith.constant 0 : i32
        %dma_wait3A_395 = arith.constant 0 : i32
        %dma_wait3A_396 = tpu.memref_slice %arg7[%dma_wait3A_393, %dma_wait3A_394, %dma_wait3A_395] : memref<2x4x128xi32, #tpu.memory_space<vmem>> -> memref<1x4x128xi32, #tpu.memory_space<vmem>>
        %dma_wait3A_397 = tpu.memref_squeeze %dma_wait3A_396 : memref<1x4x128xi32, #tpu.memory_space<vmem>> -> memref<4x128xi32, #tpu.memory_space<vmem>>
        %dma_wait3A_398 = arith.constant 0 : i32
        %dma_wait3A_399 = arith.constant 0 : i32
        %dma_wait3A_400 = tpu.memref_slice %arg4[%add3A, %dma_wait3A_392, %dma_wait3A_398, %dma_wait3A_399] : memref<32x41x4x128xi32, #tpu.memory_space<hbm>> -> memref<1x1x4x128xi32, #tpu.memory_space<hbm>>
        %dma_wait3A_401 = tpu.memref_squeeze %dma_wait3A_400 : memref<1x1x4x128xi32, #tpu.memory_space<hbm>> -> memref<4x128xi32, #tpu.memory_space<hbm>>
        %dma_wait3A_402 = arith.constant 0 : i32
        %dma_wait3A_403 = arith.constant 0 : i32
        %dma_wait3A_404 = tpu.memref_slice %arg7[%dma_wait3A_393, %dma_wait3A_402, %dma_wait3A_403] : memref<2x4x128xi32, #tpu.memory_space<vmem>> -> memref<1x4x128xi32, #tpu.memory_space<vmem>>
        %dma_wait3A_405 = tpu.memref_squeeze %dma_wait3A_404 : memref<1x4x128xi32, #tpu.memory_space<vmem>> -> memref<4x128xi32, #tpu.memory_space<vmem>>
        %dma_wait3A_406 = arith.constant 0 : i32
        %dma_wait3A_407 = arith.constant 0 : i32
        %dma_wait3A_408 = tpu.memref_slice %arg4[%add3A, %dma_wait3A_392, %dma_wait3A_406, %dma_wait3A_407] : memref<32x41x4x128xi32, #tpu.memory_space<hbm>> -> memref<1x1x4x128xi32, #tpu.memory_space<hbm>>
        %dma_wait3A_409 = tpu.memref_squeeze %dma_wait3A_408 : memref<1x1x4x128xi32, #tpu.memory_space<hbm>> -> memref<4x128xi32, #tpu.memory_space<hbm>>
        tpu.wait_dma2 semaphore(%arg13 : memref<!tpu.dma_semaphore, #tpu.memory_space<semaphore_mem>>) src(%dma_wait3A_409 : memref<4x128xi32, #tpu.memory_space<hbm>>) dst(%dma_wait3A_405 : memref<4x128xi32, #tpu.memory_space<vmem>>)
        %dma_start3A_410 = arith.constant 0 : i32
        %dma_start3A_411 = arith.constant 0 : i32
        %dma_start3A_412 = arith.constant 0 : i32
        %dma_start3A_413 = tpu.memref_slice %arg6[%dma_start3A_410, %dma_start3A_411, %dma_start3A_412] : memref<2x4x128xi32, #tpu.memory_space<vmem>> -> memref<1x1x128xi32, #tpu.memory_space<vmem>>
        %dma_start3A_414 = tpu.memref_squeeze %dma_start3A_413 : memref<1x1x128xi32, #tpu.memory_space<vmem>> -> memref<128xi32, #tpu.memory_space<vmem>>
        %dma_start3A_415 = arith.constant 0 : i32
        %dma_start3A_416 = arith.constant 0 : i32
        %dma_start3A_417 = tpu.memref_slice %arg2[%dma_start3A_415, %dma_start3A_416] : memref<10000x128xf32, #tpu.memory_space<hbm>> -> memref<10000x128xf32, #tpu.memory_space<hbm>>
        tpu.enqueue_indirect_dma source(%dma_start3A_417 : memref<10000x128xf32, #tpu.memory_space<hbm>>) target(%arg8 : memref<128x128xf32, #tpu.memory_space<vmem>>) offsets(%dma_start3A_414 : memref<128xi32, #tpu.memory_space<vmem>>) semaphore(%arg11 : memref<!tpu.dma_semaphore, #tpu.memory_space<semaphore_mem>>)
        %dma_wait3A_418 = arith.constant 0 : i32
        %dma_wait3A_419 = arith.constant 0 : i32
        %dma_wait3A_420 = arith.constant 0 : i32
        %dma_wait3A_421 = tpu.memref_slice %arg6[%dma_wait3A_418, %dma_wait3A_419, %dma_wait3A_420] : memref<2x4x128xi32, #tpu.memory_space<vmem>> -> memref<1x1x128xi32, #tpu.memory_space<vmem>>
        %dma_wait3A_422 = tpu.memref_squeeze %dma_wait3A_421 : memref<1x1x128xi32, #tpu.memory_space<vmem>> -> memref<128xi32, #tpu.memory_space<vmem>>
        %dma_wait3A_423 = arith.constant 0 : i32
        %dma_wait3A_424 = arith.constant 0 : i32
        %dma_wait3A_425 = tpu.memref_slice %arg2[%dma_wait3A_423, %dma_wait3A_424] : memref<10000x128xf32, #tpu.memory_space<hbm>> -> memref<10000x128xf32, #tpu.memory_space<hbm>>
        tpu.wait_indirect_dma semaphore(%arg12 : memref<!tpu.dma_semaphore, #tpu.memory_space<semaphore_mem>>) src(%dma_wait3A_425 : memref<10000x128xf32, #tpu.memory_space<hbm>>) dst(%arg9 : memref<128x128xf32, #tpu.memory_space<vmem>>)
        %run_scoped3A_426 = arith.constant 1 : i32
        %run_scoped3A_427 = arith.constant 3 : i32
        "tpu.region"() ({
          %run_scoped3A_429 = tpu.sem_alloc : memref<!tpu.dma_semaphore, #tpu.memory_space<semaphore_mem>>
          %dma_start3A_430 = arith.constant 0 : i32
          %dma_start3A_431 = tpu.memref_slice %arg7[%run_scoped3A_426, %run_scoped3A_427, %dma_start3A_430] : memref<2x4x128xi32, #tpu.memory_space<vmem>> -> memref<1x1x128xi32, #tpu.memory_space<vmem>>
          %dma_start3A_432 = tpu.memref_squeeze %dma_start3A_431 : memref<1x1x128xi32, #tpu.memory_space<vmem>> -> memref<128xi32, #tpu.memory_space<vmem>>
          %dma_start3A_433 = arith.constant 0 : i32
          %dma_start3A_434 = arith.constant 0 : i32
          %dma_start3A_435 = tpu.memref_slice %arg10[%dma_start3A_433, %dma_start3A_434] : memref<10112x128xf32, #tpu.memory_space<vmem_shared>> -> memref<10112x128xf32, #tpu.memory_space<vmem_shared>>
          tpu.enqueue_indirect_dma source(%arg9 : memref<128x128xf32, #tpu.memory_space<vmem>>) target(%dma_start3A_435 : memref<10112x128xf32, #tpu.memory_space<vmem_shared>>) offsets(%dma_start3A_432 : memref<128xi32, #tpu.memory_space<vmem>>) semaphore(%run_scoped3A_429 : memref<!tpu.dma_semaphore, #tpu.memory_space<semaphore_mem>>) {add = true}
          %dma_wait3A_436 = arith.constant 0 : i32
          %dma_wait3A_437 = tpu.memref_slice %arg7[%run_scoped3A_426, %run_scoped3A_427, %dma_wait3A_436] : memref<2x4x128xi32, #tpu.memory_space<vmem>> -> memref<1x1x128xi32, #tpu.memory_space<vmem>>
          %dma_wait3A_438 = tpu.memref_squeeze %dma_wait3A_437 : memref<1x1x128xi32, #tpu.memory_space<vmem>> -> memref<128xi32, #tpu.memory_space<vmem>>
          %dma_wait3A_439 = arith.constant 0 : i32
          %dma_wait3A_440 = arith.constant 0 : i32
          %dma_wait3A_441 = tpu.memref_slice %arg10[%dma_wait3A_439, %dma_wait3A_440] : memref<10112x128xf32, #tpu.memory_space<vmem_shared>> -> memref<10112x128xf32, #tpu.memory_space<vmem_shared>>
          tpu.wait_indirect_dma semaphore(%run_scoped3A_429 : memref<!tpu.dma_semaphore, #tpu.memory_space<semaphore_mem>>) src(%arg9 : memref<128x128xf32, #tpu.memory_space<vmem>>) dst(%dma_wait3A_441 : memref<10112x128xf32, #tpu.memory_space<vmem_shared>>)
          tpu.yield
        }) : () -> ()
        %scan3A_428 = arith.constant 0 : i32
        scf.yield %scan3A_428 : i32
      }
      %scan3A_126 = arith.constant 20 : i32
      %dma_wait3A_127 = arith.constant 0 : i32
      %dma_wait3A_128 = arith.constant 0 : i32
      %dma_wait3A_129 = arith.constant 0 : i32
      %dma_wait3A_130 = tpu.memref_slice %arg6[%dma_wait3A_127, %dma_wait3A_128, %dma_wait3A_129] : memref<2x4x128xi32, #tpu.memory_space<vmem>> -> memref<1x1x128xi32, #tpu.memory_space<vmem>>
      %dma_wait3A_131 = tpu.memref_squeeze %dma_wait3A_130 : memref<1x1x128xi32, #tpu.memory_space<vmem>> -> memref<128xi32, #tpu.memory_space<vmem>>
      %dma_wait3A_132 = arith.constant 0 : i32
      %dma_wait3A_133 = arith.constant 0 : i32
      %dma_wait3A_134 = tpu.memref_slice %arg2[%dma_wait3A_132, %dma_wait3A_133] : memref<10000x128xf32, #tpu.memory_space<hbm>> -> memref<10000x128xf32, #tpu.memory_space<hbm>>
      tpu.wait_indirect_dma semaphore(%arg11 : memref<!tpu.dma_semaphore, #tpu.memory_space<semaphore_mem>>) src(%dma_wait3A_134 : memref<10000x128xf32, #tpu.memory_space<hbm>>) dst(%arg8 : memref<128x128xf32, #tpu.memory_space<vmem>>)
    } else {
    }
    %barrier3A_21 = arith.constant 0 : index
    tpu.barrier barrier_id(%barrier3A_21)
    %add3A_22 = arith.constant 0 : i32
    %add3A_23 = arith.addi %mul3A_8, %add3A_22 : i32
    "tpu.region"() ({
      %run_scoped3A = tpu.sem_alloc : memref<!tpu.dma_semaphore, #tpu.memory_space<semaphore_mem>>
      %dma_start3A = arith.constant 0 : i32
      %dma_start3A_42 = arith.constant 0 : i32
      %dma_start3A_43 = tpu.memref_slice %arg8[%dma_start3A, %dma_start3A_42] : memref<128x128xf32, #tpu.memory_space<vmem>> -> memref<128x128xf32, #tpu.memory_space<vmem>>
      %dma_start3A_44 = arith.constant 0 : i32
      %dma_start3A_45 = tpu.memref_slice %arg10[%add3A_23, %dma_start3A_44] : memref<10112x128xf32, #tpu.memory_space<vmem_shared>> -> memref<128x128xf32, #tpu.memory_space<vmem_shared>>
      %dma_start3A_46 = arith.constant 0 : i32
      %dma_start3A_47 = arith.constant 0 : i32
      %dma_start3A_48 = tpu.memref_slice %arg8[%dma_start3A_46, %dma_start3A_47] : memref<128x128xf32, #tpu.memory_space<vmem>> -> memref<128x128xf32, #tpu.memory_space<vmem>>
      %dma_start3A_49 = arith.constant 0 : i32
      %dma_start3A_50 = tpu.memref_slice %arg10[%add3A_23, %dma_start3A_49] : memref<10112x128xf32, #tpu.memory_space<vmem_shared>> -> memref<128x128xf32, #tpu.memory_space<vmem_shared>>
      tpu.enqueue_dma source(%dma_start3A_50 : memref<128x128xf32, #tpu.memory_space<vmem_shared>>) target(%dma_start3A_48 : memref<128x128xf32, #tpu.memory_space<vmem>>) target_semaphore(%run_scoped3A : memref<!tpu.dma_semaphore, #tpu.memory_space<semaphore_mem>>)
      %dma_wait3A = arith.constant 0 : i32
      %dma_wait3A_51 = arith.constant 0 : i32
      %dma_wait3A_52 = tpu.memref_slice %arg8[%dma_wait3A, %dma_wait3A_51] : memref<128x128xf32, #tpu.memory_space<vmem>> -> memref<128x128xf32, #tpu.memory_space<vmem>>
      %dma_wait3A_53 = arith.constant 0 : i32
      %dma_wait3A_54 = tpu.memref_slice %arg10[%add3A_23, %dma_wait3A_53] : memref<10112x128xf32, #tpu.memory_space<vmem_shared>> -> memref<128x128xf32, #tpu.memory_space<vmem_shared>>
      %dma_wait3A_55 = arith.constant 0 : i32
      %dma_wait3A_56 = arith.constant 0 : i32
      %dma_wait3A_57 = tpu.memref_slice %arg8[%dma_wait3A_55, %dma_wait3A_56] : memref<128x128xf32, #tpu.memory_space<vmem>> -> memref<128x128xf32, #tpu.memory_space<vmem>>
      %dma_wait3A_58 = arith.constant 0 : i32
      %dma_wait3A_59 = tpu.memref_slice %arg10[%add3A_23, %dma_wait3A_58] : memref<10112x128xf32, #tpu.memory_space<vmem_shared>> -> memref<128x128xf32, #tpu.memory_space<vmem_shared>>
      tpu.wait_dma2 semaphore(%run_scoped3A : memref<!tpu.dma_semaphore, #tpu.memory_space<semaphore_mem>>) src(%dma_wait3A_59 : memref<128x128xf32, #tpu.memory_space<vmem_shared>>) dst(%dma_wait3A_57 : memref<128x128xf32, #tpu.memory_space<vmem>>)
      tpu.yield
    }) : () -> ()
    %add3A_24 = arith.constant 0 : i32
    %add3A_25 = arith.addi %mul3A_8, %add3A_24 : i32
    "tpu.region"() ({
      %run_scoped3A = tpu.sem_alloc : memref<!tpu.dma_semaphore, #tpu.memory_space<semaphore_mem>>
      %dma_start3A = arith.constant 0 : i32
      %dma_start3A_42 = arith.constant 0 : i32
      %dma_start3A_43 = tpu.memref_slice %arg8[%dma_start3A, %dma_start3A_42] : memref<128x128xf32, #tpu.memory_space<vmem>> -> memref<128x128xf32, #tpu.memory_space<vmem>>
      %dma_start3A_44 = arith.constant 0 : i32
      %dma_start3A_45 = tpu.memref_slice %arg5[%arg0, %add3A_25, %dma_start3A_44] : memref<2x10112x128xf32, #tpu.memory_space<hbm>> -> memref<1x128x128xf32, #tpu.memory_space<hbm>>
      %dma_start3A_46 = tpu.memref_squeeze %dma_start3A_45 : memref<1x128x128xf32, #tpu.memory_space<hbm>> -> memref<128x128xf32, #tpu.memory_space<hbm>>
      %dma_start3A_47 = arith.constant 0 : i32
      %dma_start3A_48 = tpu.memref_slice %arg5[%arg0, %add3A_25, %dma_start3A_47] : memref<2x10112x128xf32, #tpu.memory_space<hbm>> -> memref<1x128x128xf32, #tpu.memory_space<hbm>>
      %dma_start3A_49 = tpu.memref_squeeze %dma_start3A_48 : memref<1x128x128xf32, #tpu.memory_space<hbm>> -> memref<128x128xf32, #tpu.memory_space<hbm>>
      %dma_start3A_50 = arith.constant 0 : i32
      %dma_start3A_51 = arith.constant 0 : i32
      %dma_start3A_52 = tpu.memref_slice %arg8[%dma_start3A_50, %dma_start3A_51] : memref<128x128xf32, #tpu.memory_space<vmem>> -> memref<128x128xf32, #tpu.memory_space<vmem>>
      tpu.enqueue_dma source(%dma_start3A_52 : memref<128x128xf32, #tpu.memory_space<vmem>>) target(%dma_start3A_49 : memref<128x128xf32, #tpu.memory_space<hbm>>) target_semaphore(%run_scoped3A : memref<!tpu.dma_semaphore, #tpu.memory_space<semaphore_mem>>)
      %dma_wait3A = arith.constant 0 : i32
      %dma_wait3A_53 = arith.constant 0 : i32
      %dma_wait3A_54 = tpu.memref_slice %arg8[%dma_wait3A, %dma_wait3A_53] : memref<128x128xf32, #tpu.memory_space<vmem>> -> memref<128x128xf32, #tpu.memory_space<vmem>>
      %dma_wait3A_55 = arith.constant 0 : i32
      %dma_wait3A_56 = tpu.memref_slice %arg5[%arg0, %add3A_25, %dma_wait3A_55] : memref<2x10112x128xf32, #tpu.memory_space<hbm>> -> memref<1x128x128xf32, #tpu.memory_space<hbm>>
      %dma_wait3A_57 = tpu.memref_squeeze %dma_wait3A_56 : memref<1x128x128xf32, #tpu.memory_space<hbm>> -> memref<128x128xf32, #tpu.memory_space<hbm>>
      %dma_wait3A_58 = arith.constant 0 : i32
      %dma_wait3A_59 = tpu.memref_slice %arg5[%arg0, %add3A_25, %dma_wait3A_58] : memref<2x10112x128xf32, #tpu.memory_space<hbm>> -> memref<1x128x128xf32, #tpu.memory_space<hbm>>
      %dma_wait3A_60 = tpu.memref_squeeze %dma_wait3A_59 : memref<1x128x128xf32, #tpu.memory_space<hbm>> -> memref<128x128xf32, #tpu.memory_space<hbm>>
      %dma_wait3A_61 = arith.constant 0 : i32
      %dma_wait3A_62 = arith.constant 0 : i32
      %dma_wait3A_63 = tpu.memref_slice %arg8[%dma_wait3A_61, %dma_wait3A_62] : memref<128x128xf32, #tpu.memory_space<vmem>> -> memref<128x128xf32, #tpu.memory_space<vmem>>
      tpu.wait_dma2 semaphore(%run_scoped3A : memref<!tpu.dma_semaphore, #tpu.memory_space<semaphore_mem>>) src(%dma_wait3A_63 : memref<128x128xf32, #tpu.memory_space<vmem>>) dst(%dma_wait3A_60 : memref<128x128xf32, #tpu.memory_space<hbm>>)
      tpu.yield
    }) : () -> ()
    %add3A_26 = arith.constant 128 : i32
    %add3A_27 = arith.addi %mul3A_8, %add3A_26 : i32
    "tpu.region"() ({
      %run_scoped3A = tpu.sem_alloc : memref<!tpu.dma_semaphore, #tpu.memory_space<semaphore_mem>>
      %dma_start3A = arith.constant 0 : i32
      %dma_start3A_42 = arith.constant 0 : i32
      %dma_start3A_43 = tpu.memref_slice %arg8[%dma_start3A, %dma_start3A_42] : memref<128x128xf32, #tpu.memory_space<vmem>> -> memref<128x128xf32, #tpu.memory_space<vmem>>
      %dma_start3A_44 = arith.constant 0 : i32
      %dma_start3A_45 = tpu.memref_slice %arg10[%add3A_27, %dma_start3A_44] : memref<10112x128xf32, #tpu.memory_space<vmem_shared>> -> memref<128x128xf32, #tpu.memory_space<vmem_shared>>
      %dma_start3A_46 = arith.constant 0 : i32
      %dma_start3A_47 = arith.constant 0 : i32
      %dma_start3A_48 = tpu.memref_slice %arg8[%dma_start3A_46, %dma_start3A_47] : memref<128x128xf32, #tpu.memory_space<vmem>> -> memref<128x128xf32, #tpu.memory_space<vmem>>
      %dma_start3A_49 = arith.constant 0 : i32
      %dma_start3A_50 = tpu.memref_slice %arg10[%add3A_27, %dma_start3A_49] : memref<10112x128xf32, #tpu.memory_space<vmem_shared>> -> memref<128x128xf32, #tpu.memory_space<vmem_shared>>
      tpu.enqueue_dma source(%dma_start3A_50 : memref<128x128xf32, #tpu.memory_space<vmem_shared>>) target(%dma_start3A_48 : memref<128x128xf32, #tpu.memory_space<vmem>>) target_semaphore(%run_scoped3A : memref<!tpu.dma_semaphore, #tpu.memory_space<semaphore_mem>>)
      %dma_wait3A = arith.constant 0 : i32
      %dma_wait3A_51 = arith.constant 0 : i32
      %dma_wait3A_52 = tpu.memref_slice %arg8[%dma_wait3A, %dma_wait3A_51] : memref<128x128xf32, #tpu.memory_space<vmem>> -> memref<128x128xf32, #tpu.memory_space<vmem>>
      %dma_wait3A_53 = arith.constant 0 : i32
      %dma_wait3A_54 = tpu.memref_slice %arg10[%add3A_27, %dma_wait3A_53] : memref<10112x128xf32, #tpu.memory_space<vmem_shared>> -> memref<128x128xf32, #tpu.memory_space<vmem_shared>>
      %dma_wait3A_55 = arith.constant 0 : i32
      %dma_wait3A_56 = arith.constant 0 : i32
      %dma_wait3A_57 = tpu.memref_slice %arg8[%dma_wait3A_55, %dma_wait3A_56] : memref<128x128xf32, #tpu.memory_space<vmem>> -> memref<128x128xf32, #tpu.memory_space<vmem>>
      %dma_wait3A_58 = arith.constant 0 : i32
      %dma_wait3A_59 = tpu.memref_slice %arg10[%add3A_27, %dma_wait3A_58] : memref<10112x128xf32, #tpu.memory_space<vmem_shared>> -> memref<128x128xf32, #tpu.memory_space<vmem_shared>>
      tpu.wait_dma2 semaphore(%run_scoped3A : memref<!tpu.dma_semaphore, #tpu.memory_space<semaphore_mem>>) src(%dma_wait3A_59 : memref<128x128xf32, #tpu.memory_space<vmem_shared>>) dst(%dma_wait3A_57 : memref<128x128xf32, #tpu.memory_space<vmem>>)
      tpu.yield
    }) : () -> ()
    %add3A_28 = arith.constant 128 : i32
    %add3A_29 = arith.addi %mul3A_8, %add3A_28 : i32
    "tpu.region"() ({
      %run_scoped3A = tpu.sem_alloc : memref<!tpu.dma_semaphore, #tpu.memory_space<semaphore_mem>>
      %dma_start3A = arith.constant 0 : i32
      %dma_start3A_42 = arith.constant 0 : i32
      %dma_start3A_43 = tpu.memref_slice %arg8[%dma_start3A, %dma_start3A_42] : memref<128x128xf32, #tpu.memory_space<vmem>> -> memref<128x128xf32, #tpu.memory_space<vmem>>
      %dma_start3A_44 = arith.constant 0 : i32
      %dma_start3A_45 = tpu.memref_slice %arg5[%arg0, %add3A_29, %dma_start3A_44] : memref<2x10112x128xf32, #tpu.memory_space<hbm>> -> memref<1x128x128xf32, #tpu.memory_space<hbm>>
      %dma_start3A_46 = tpu.memref_squeeze %dma_start3A_45 : memref<1x128x128xf32, #tpu.memory_space<hbm>> -> memref<128x128xf32, #tpu.memory_space<hbm>>
      %dma_start3A_47 = arith.constant 0 : i32
      %dma_start3A_48 = tpu.memref_slice %arg5[%arg0, %add3A_29, %dma_start3A_47] : memref<2x10112x128xf32, #tpu.memory_space<hbm>> -> memref<1x128x128xf32, #tpu.memory_space<hbm>>
      %dma_start3A_49 = tpu.memref_squeeze %dma_start3A_48 : memref<1x128x128xf32, #tpu.memory_space<hbm>> -> memref<128x128xf32, #tpu.memory_space<hbm>>
      %dma_start3A_50 = arith.constant 0 : i32
      %dma_start3A_51 = arith.constant 0 : i32
      %dma_start3A_52 = tpu.memref_slice %arg8[%dma_start3A_50, %dma_start3A_51] : memref<128x128xf32, #tpu.memory_space<vmem>> -> memref<128x128xf32, #tpu.memory_space<vmem>>
      tpu.enqueue_dma source(%dma_start3A_52 : memref<128x128xf32, #tpu.memory_space<vmem>>) target(%dma_start3A_49 : memref<128x128xf32, #tpu.memory_space<hbm>>) target_semaphore(%run_scoped3A : memref<!tpu.dma_semaphore, #tpu.memory_space<semaphore_mem>>)
      %dma_wait3A = arith.constant 0 : i32
      %dma_wait3A_53 = arith.constant 0 : i32
      %dma_wait3A_54 = tpu.memref_slice %arg8[%dma_wait3A, %dma_wait3A_53] : memref<128x128xf32, #tpu.memory_space<vmem>> -> memref<128x128xf32, #tpu.memory_space<vmem>>
      %dma_wait3A_55 = arith.constant 0 : i32
      %dma_wait3A_56 = tpu.memref_slice %arg5[%arg0, %add3A_29, %dma_wait3A_55] : memref<2x10112x128xf32, #tpu.memory_space<hbm>> -> memref<1x128x128xf32, #tpu.memory_space<hbm>>
      %dma_wait3A_57 = tpu.memref_squeeze %dma_wait3A_56 : memref<1x128x128xf32, #tpu.memory_space<hbm>> -> memref<128x128xf32, #tpu.memory_space<hbm>>
      %dma_wait3A_58 = arith.constant 0 : i32
      %dma_wait3A_59 = tpu.memref_slice %arg5[%arg0, %add3A_29, %dma_wait3A_58] : memref<2x10112x128xf32, #tpu.memory_space<hbm>> -> memref<1x128x128xf32, #tpu.memory_space<hbm>>
      %dma_wait3A_60 = tpu.memref_squeeze %dma_wait3A_59 : memref<1x128x128xf32, #tpu.memory_space<hbm>> -> memref<128x128xf32, #tpu.memory_space<hbm>>
      %dma_wait3A_61 = arith.constant 0 : i32
      %dma_wait3A_62 = arith.constant 0 : i32
      %dma_wait3A_63 = tpu.memref_slice %arg8[%dma_wait3A_61, %dma_wait3A_62] : memref<128x128xf32, #tpu.memory_space<vmem>> -> memref<128x128xf32, #tpu.memory_space<vmem>>
      tpu.wait_dma2 semaphore(%run_scoped3A : memref<!tpu.dma_semaphore, #tpu.memory_space<semaphore_mem>>) src(%dma_wait3A_63 : memref<128x128xf32, #tpu.memory_space<vmem>>) dst(%dma_wait3A_60 : memref<128x128xf32, #tpu.memory_space<hbm>>)
      tpu.yield
    }) : () -> ()
    %add3A_30 = arith.constant 256 : i32
    %add3A_31 = arith.addi %mul3A_8, %add3A_30 : i32
    "tpu.region"() ({
      %run_scoped3A = tpu.sem_alloc : memref<!tpu.dma_semaphore, #tpu.memory_space<semaphore_mem>>
      %dma_start3A = arith.constant 0 : i32
      %dma_start3A_42 = arith.constant 0 : i32
      %dma_start3A_43 = tpu.memref_slice %arg8[%dma_start3A, %dma_start3A_42] : memref<128x128xf32, #tpu.memory_space<vmem>> -> memref<128x128xf32, #tpu.memory_space<vmem>>
      %dma_start3A_44 = arith.constant 0 : i32
      %dma_start3A_45 = tpu.memref_slice %arg10[%add3A_31, %dma_start3A_44] : memref<10112x128xf32, #tpu.memory_space<vmem_shared>> -> memref<128x128xf32, #tpu.memory_space<vmem_shared>>
      %dma_start3A_46 = arith.constant 0 : i32
      %dma_start3A_47 = arith.constant 0 : i32
      %dma_start3A_48 = tpu.memref_slice %arg8[%dma_start3A_46, %dma_start3A_47] : memref<128x128xf32, #tpu.memory_space<vmem>> -> memref<128x128xf32, #tpu.memory_space<vmem>>
      %dma_start3A_49 = arith.constant 0 : i32
      %dma_start3A_50 = tpu.memref_slice %arg10[%add3A_31, %dma_start3A_49] : memref<10112x128xf32, #tpu.memory_space<vmem_shared>> -> memref<128x128xf32, #tpu.memory_space<vmem_shared>>
      tpu.enqueue_dma source(%dma_start3A_50 : memref<128x128xf32, #tpu.memory_space<vmem_shared>>) target(%dma_start3A_48 : memref<128x128xf32, #tpu.memory_space<vmem>>) target_semaphore(%run_scoped3A : memref<!tpu.dma_semaphore, #tpu.memory_space<semaphore_mem>>)
      %dma_wait3A = arith.constant 0 : i32
      %dma_wait3A_51 = arith.constant 0 : i32
      %dma_wait3A_52 = tpu.memref_slice %arg8[%dma_wait3A, %dma_wait3A_51] : memref<128x128xf32, #tpu.memory_space<vmem>> -> memref<128x128xf32, #tpu.memory_space<vmem>>
      %dma_wait3A_53 = arith.constant 0 : i32
      %dma_wait3A_54 = tpu.memref_slice %arg10[%add3A_31, %dma_wait3A_53] : memref<10112x128xf32, #tpu.memory_space<vmem_shared>> -> memref<128x128xf32, #tpu.memory_space<vmem_shared>>
      %dma_wait3A_55 = arith.constant 0 : i32
      %dma_wait3A_56 = arith.constant 0 : i32
      %dma_wait3A_57 = tpu.memref_slice %arg8[%dma_wait3A_55, %dma_wait3A_56] : memref<128x128xf32, #tpu.memory_space<vmem>> -> memref<128x128xf32, #tpu.memory_space<vmem>>
      %dma_wait3A_58 = arith.constant 0 : i32
      %dma_wait3A_59 = tpu.memref_slice %arg10[%add3A_31, %dma_wait3A_58] : memref<10112x128xf32, #tpu.memory_space<vmem_shared>> -> memref<128x128xf32, #tpu.memory_space<vmem_shared>>
      tpu.wait_dma2 semaphore(%run_scoped3A : memref<!tpu.dma_semaphore, #tpu.memory_space<semaphore_mem>>) src(%dma_wait3A_59 : memref<128x128xf32, #tpu.memory_space<vmem_shared>>) dst(%dma_wait3A_57 : memref<128x128xf32, #tpu.memory_space<vmem>>)
      tpu.yield
    }) : () -> ()
    %add3A_32 = arith.constant 256 : i32
    %add3A_33 = arith.addi %mul3A_8, %add3A_32 : i32
    "tpu.region"() ({
      %run_scoped3A = tpu.sem_alloc : memref<!tpu.dma_semaphore, #tpu.memory_space<semaphore_mem>>
      %dma_start3A = arith.constant 0 : i32
      %dma_start3A_42 = arith.constant 0 : i32
      %dma_start3A_43 = tpu.memref_slice %arg8[%dma_start3A, %dma_start3A_42] : memref<128x128xf32, #tpu.memory_space<vmem>> -> memref<128x128xf32, #tpu.memory_space<vmem>>
      %dma_start3A_44 = arith.constant 0 : i32
      %dma_start3A_45 = tpu.memref_slice %arg5[%arg0, %add3A_33, %dma_start3A_44] : memref<2x10112x128xf32, #tpu.memory_space<hbm>> -> memref<1x128x128xf32, #tpu.memory_space<hbm>>
      %dma_start3A_46 = tpu.memref_squeeze %dma_start3A_45 : memref<1x128x128xf32, #tpu.memory_space<hbm>> -> memref<128x128xf32, #tpu.memory_space<hbm>>
      %dma_start3A_47 = arith.constant 0 : i32
      %dma_start3A_48 = tpu.memref_slice %arg5[%arg0, %add3A_33, %dma_start3A_47] : memref<2x10112x128xf32, #tpu.memory_space<hbm>> -> memref<1x128x128xf32, #tpu.memory_space<hbm>>
      %dma_start3A_49 = tpu.memref_squeeze %dma_start3A_48 : memref<1x128x128xf32, #tpu.memory_space<hbm>> -> memref<128x128xf32, #tpu.memory_space<hbm>>
      %dma_start3A_50 = arith.constant 0 : i32
      %dma_start3A_51 = arith.constant 0 : i32
      %dma_start3A_52 = tpu.memref_slice %arg8[%dma_start3A_50, %dma_start3A_51] : memref<128x128xf32, #tpu.memory_space<vmem>> -> memref<128x128xf32, #tpu.memory_space<vmem>>
      tpu.enqueue_dma source(%dma_start3A_52 : memref<128x128xf32, #tpu.memory_space<vmem>>) target(%dma_start3A_49 : memref<128x128xf32, #tpu.memory_space<hbm>>) target_semaphore(%run_scoped3A : memref<!tpu.dma_semaphore, #tpu.memory_space<semaphore_mem>>)
      %dma_wait3A = arith.constant 0 : i32
      %dma_wait3A_53 = arith.constant 0 : i32
      %dma_wait3A_54 = tpu.memref_slice %arg8[%dma_wait3A, %dma_wait3A_53] : memref<128x128xf32, #tpu.memory_space<vmem>> -> memref<128x128xf32, #tpu.memory_space<vmem>>
      %dma_wait3A_55 = arith.constant 0 : i32
      %dma_wait3A_56 = tpu.memref_slice %arg5[%arg0, %add3A_33, %dma_wait3A_55] : memref<2x10112x128xf32, #tpu.memory_space<hbm>> -> memref<1x128x128xf32, #tpu.memory_space<hbm>>
      %dma_wait3A_57 = tpu.memref_squeeze %dma_wait3A_56 : memref<1x128x128xf32, #tpu.memory_space<hbm>> -> memref<128x128xf32, #tpu.memory_space<hbm>>
      %dma_wait3A_58 = arith.constant 0 : i32
      %dma_wait3A_59 = tpu.memref_slice %arg5[%arg0, %add3A_33, %dma_wait3A_58] : memref<2x10112x128xf32, #tpu.memory_space<hbm>> -> memref<1x128x128xf32, #tpu.memory_space<hbm>>
      %dma_wait3A_60 = tpu.memref_squeeze %dma_wait3A_59 : memref<1x128x128xf32, #tpu.memory_space<hbm>> -> memref<128x128xf32, #tpu.memory_space<hbm>>
      %dma_wait3A_61 = arith.constant 0 : i32
      %dma_wait3A_62 = arith.constant 0 : i32
      %dma_wait3A_63 = tpu.memref_slice %arg8[%dma_wait3A_61, %dma_wait3A_62] : memref<128x128xf32, #tpu.memory_space<vmem>> -> memref<128x128xf32, #tpu.memory_space<vmem>>
      tpu.wait_dma2 semaphore(%run_scoped3A : memref<!tpu.dma_semaphore, #tpu.memory_space<semaphore_mem>>) src(%dma_wait3A_63 : memref<128x128xf32, #tpu.memory_space<vmem>>) dst(%dma_wait3A_60 : memref<128x128xf32, #tpu.memory_space<hbm>>)
      tpu.yield
    }) : () -> ()
    %add3A_34 = arith.constant 384 : i32
    %add3A_35 = arith.addi %mul3A_8, %add3A_34 : i32
    "tpu.region"() ({
      %run_scoped3A = tpu.sem_alloc : memref<!tpu.dma_semaphore, #tpu.memory_space<semaphore_mem>>
      %dma_start3A = arith.constant 0 : i32
      %dma_start3A_42 = arith.constant 0 : i32
      %dma_start3A_43 = tpu.memref_slice %arg8[%dma_start3A, %dma_start3A_42] : memref<128x128xf32, #tpu.memory_space<vmem>> -> memref<128x128xf32, #tpu.memory_space<vmem>>
      %dma_start3A_44 = arith.constant 0 : i32
      %dma_start3A_45 = tpu.memref_slice %arg10[%add3A_35, %dma_start3A_44] : memref<10112x128xf32, #tpu.memory_space<vmem_shared>> -> memref<128x128xf32, #tpu.memory_space<vmem_shared>>
      %dma_start3A_46 = arith.constant 0 : i32
      %dma_start3A_47 = arith.constant 0 : i32
      %dma_start3A_48 = tpu.memref_slice %arg8[%dma_start3A_46, %dma_start3A_47] : memref<128x128xf32, #tpu.memory_space<vmem>> -> memref<128x128xf32, #tpu.memory_space<vmem>>
      %dma_start3A_49 = arith.constant 0 : i32
      %dma_start3A_50 = tpu.memref_slice %arg10[%add3A_35, %dma_start3A_49] : memref<10112x128xf32, #tpu.memory_space<vmem_shared>> -> memref<128x128xf32, #tpu.memory_space<vmem_shared>>
      tpu.enqueue_dma source(%dma_start3A_50 : memref<128x128xf32, #tpu.memory_space<vmem_shared>>) target(%dma_start3A_48 : memref<128x128xf32, #tpu.memory_space<vmem>>) target_semaphore(%run_scoped3A : memref<!tpu.dma_semaphore, #tpu.memory_space<semaphore_mem>>)
      %dma_wait3A = arith.constant 0 : i32
      %dma_wait3A_51 = arith.constant 0 : i32
      %dma_wait3A_52 = tpu.memref_slice %arg8[%dma_wait3A, %dma_wait3A_51] : memref<128x128xf32, #tpu.memory_space<vmem>> -> memref<128x128xf32, #tpu.memory_space<vmem>>
      %dma_wait3A_53 = arith.constant 0 : i32
      %dma_wait3A_54 = tpu.memref_slice %arg10[%add3A_35, %dma_wait3A_53] : memref<10112x128xf32, #tpu.memory_space<vmem_shared>> -> memref<128x128xf32, #tpu.memory_space<vmem_shared>>
      %dma_wait3A_55 = arith.constant 0 : i32
      %dma_wait3A_56 = arith.constant 0 : i32
      %dma_wait3A_57 = tpu.memref_slice %arg8[%dma_wait3A_55, %dma_wait3A_56] : memref<128x128xf32, #tpu.memory_space<vmem>> -> memref<128x128xf32, #tpu.memory_space<vmem>>
      %dma_wait3A_58 = arith.constant 0 : i32
      %dma_wait3A_59 = tpu.memref_slice %arg10[%add3A_35, %dma_wait3A_58] : memref<10112x128xf32, #tpu.memory_space<vmem_shared>> -> memref<128x128xf32, #tpu.memory_space<vmem_shared>>
      tpu.wait_dma2 semaphore(%run_scoped3A : memref<!tpu.dma_semaphore, #tpu.memory_space<semaphore_mem>>) src(%dma_wait3A_59 : memref<128x128xf32, #tpu.memory_space<vmem_shared>>) dst(%dma_wait3A_57 : memref<128x128xf32, #tpu.memory_space<vmem>>)
      tpu.yield
    }) : () -> ()
    %add3A_36 = arith.constant 384 : i32
    %add3A_37 = arith.addi %mul3A_8, %add3A_36 : i32
    "tpu.region"() ({
      %run_scoped3A = tpu.sem_alloc : memref<!tpu.dma_semaphore, #tpu.memory_space<semaphore_mem>>
      %dma_start3A = arith.constant 0 : i32
      %dma_start3A_42 = arith.constant 0 : i32
      %dma_start3A_43 = tpu.memref_slice %arg8[%dma_start3A, %dma_start3A_42] : memref<128x128xf32, #tpu.memory_space<vmem>> -> memref<128x128xf32, #tpu.memory_space<vmem>>
      %dma_start3A_44 = arith.constant 0 : i32
      %dma_start3A_45 = tpu.memref_slice %arg5[%arg0, %add3A_37, %dma_start3A_44] : memref<2x10112x128xf32, #tpu.memory_space<hbm>> -> memref<1x128x128xf32, #tpu.memory_space<hbm>>
      %dma_start3A_46 = tpu.memref_squeeze %dma_start3A_45 : memref<1x128x128xf32, #tpu.memory_space<hbm>> -> memref<128x128xf32, #tpu.memory_space<hbm>>
      %dma_start3A_47 = arith.constant 0 : i32
      %dma_start3A_48 = tpu.memref_slice %arg5[%arg0, %add3A_37, %dma_start3A_47] : memref<2x10112x128xf32, #tpu.memory_space<hbm>> -> memref<1x128x128xf32, #tpu.memory_space<hbm>>
      %dma_start3A_49 = tpu.memref_squeeze %dma_start3A_48 : memref<1x128x128xf32, #tpu.memory_space<hbm>> -> memref<128x128xf32, #tpu.memory_space<hbm>>
      %dma_start3A_50 = arith.constant 0 : i32
      %dma_start3A_51 = arith.constant 0 : i32
      %dma_start3A_52 = tpu.memref_slice %arg8[%dma_start3A_50, %dma_start3A_51] : memref<128x128xf32, #tpu.memory_space<vmem>> -> memref<128x128xf32, #tpu.memory_space<vmem>>
      tpu.enqueue_dma source(%dma_start3A_52 : memref<128x128xf32, #tpu.memory_space<vmem>>) target(%dma_start3A_49 : memref<128x128xf32, #tpu.memory_space<hbm>>) target_semaphore(%run_scoped3A : memref<!tpu.dma_semaphore, #tpu.memory_space<semaphore_mem>>)
      %dma_wait3A = arith.constant 0 : i32
      %dma_wait3A_53 = arith.constant 0 : i32
      %dma_wait3A_54 = tpu.memref_slice %arg8[%dma_wait3A, %dma_wait3A_53] : memref<128x128xf32, #tpu.memory_space<vmem>> -> memref<128x128xf32, #tpu.memory_space<vmem>>
      %dma_wait3A_55 = arith.constant 0 : i32
      %dma_wait3A_56 = tpu.memref_slice %arg5[%arg0, %add3A_37, %dma_wait3A_55] : memref<2x10112x128xf32, #tpu.memory_space<hbm>> -> memref<1x128x128xf32, #tpu.memory_space<hbm>>
      %dma_wait3A_57 = tpu.memref_squeeze %dma_wait3A_56 : memref<1x128x128xf32, #tpu.memory_space<hbm>> -> memref<128x128xf32, #tpu.memory_space<hbm>>
      %dma_wait3A_58 = arith.constant 0 : i32
      %dma_wait3A_59 = tpu.memref_slice %arg5[%arg0, %add3A_37, %dma_wait3A_58] : memref<2x10112x128xf32, #tpu.memory_space<hbm>> -> memref<1x128x128xf32, #tpu.memory_space<hbm>>
      %dma_wait3A_60 = tpu.memref_squeeze %dma_wait3A_59 : memref<1x128x128xf32, #tpu.memory_space<hbm>> -> memref<128x128xf32, #tpu.memory_space<hbm>>
      %dma_wait3A_61 = arith.constant 0 : i32
      %dma_wait3A_62 = arith.constant 0 : i32
      %dma_wait3A_63 = tpu.memref_slice %arg8[%dma_wait3A_61, %dma_wait3A_62] : memref<128x128xf32, #tpu.memory_space<vmem>> -> memref<128x128xf32, #tpu.memory_space<vmem>>
      tpu.wait_dma2 semaphore(%run_scoped3A : memref<!tpu.dma_semaphore, #tpu.memory_space<semaphore_mem>>) src(%dma_wait3A_63 : memref<128x128xf32, #tpu.memory_space<vmem>>) dst(%dma_wait3A_60 : memref<128x128xf32, #tpu.memory_space<hbm>>)
      tpu.yield
    }) : () -> ()
    %add3A_38 = arith.constant 512 : i32
    %add3A_39 = arith.addi %mul3A_8, %add3A_38 : i32
    "tpu.region"() ({
      %run_scoped3A = tpu.sem_alloc : memref<!tpu.dma_semaphore, #tpu.memory_space<semaphore_mem>>
      %dma_start3A = arith.constant 0 : i32
      %dma_start3A_42 = arith.constant 0 : i32
      %dma_start3A_43 = tpu.memref_slice %arg8[%dma_start3A, %dma_start3A_42] : memref<128x128xf32, #tpu.memory_space<vmem>> -> memref<120x128xf32, #tpu.memory_space<vmem>>
      %dma_start3A_44 = arith.constant 0 : i32
      %dma_start3A_45 = tpu.memref_slice %arg10[%add3A_39, %dma_start3A_44] : memref<10112x128xf32, #tpu.memory_space<vmem_shared>> -> memref<120x128xf32, #tpu.memory_space<vmem_shared>>
      %dma_start3A_46 = arith.constant 0 : i32
      %dma_start3A_47 = arith.constant 0 : i32
      %dma_start3A_48 = tpu.memref_slice %arg8[%dma_start3A_46, %dma_start3A_47] : memref<128x128xf32, #tpu.memory_space<vmem>> -> memref<120x128xf32, #tpu.memory_space<vmem>>
      %dma_start3A_49 = arith.constant 0 : i32
      %dma_start3A_50 = tpu.memref_slice %arg10[%add3A_39, %dma_start3A_49] : memref<10112x128xf32, #tpu.memory_space<vmem_shared>> -> memref<120x128xf32, #tpu.memory_space<vmem_shared>>
      tpu.enqueue_dma source(%dma_start3A_50 : memref<120x128xf32, #tpu.memory_space<vmem_shared>>) target(%dma_start3A_48 : memref<120x128xf32, #tpu.memory_space<vmem>>) target_semaphore(%run_scoped3A : memref<!tpu.dma_semaphore, #tpu.memory_space<semaphore_mem>>)
      %dma_wait3A = arith.constant 0 : i32
      %dma_wait3A_51 = arith.constant 0 : i32
      %dma_wait3A_52 = tpu.memref_slice %arg8[%dma_wait3A, %dma_wait3A_51] : memref<128x128xf32, #tpu.memory_space<vmem>> -> memref<120x128xf32, #tpu.memory_space<vmem>>
      %dma_wait3A_53 = arith.constant 0 : i32
      %dma_wait3A_54 = tpu.memref_slice %arg10[%add3A_39, %dma_wait3A_53] : memref<10112x128xf32, #tpu.memory_space<vmem_shared>> -> memref<120x128xf32, #tpu.memory_space<vmem_shared>>
      %dma_wait3A_55 = arith.constant 0 : i32
      %dma_wait3A_56 = arith.constant 0 : i32
      %dma_wait3A_57 = tpu.memref_slice %arg8[%dma_wait3A_55, %dma_wait3A_56] : memref<128x128xf32, #tpu.memory_space<vmem>> -> memref<120x128xf32, #tpu.memory_space<vmem>>
      %dma_wait3A_58 = arith.constant 0 : i32
      %dma_wait3A_59 = tpu.memref_slice %arg10[%add3A_39, %dma_wait3A_58] : memref<10112x128xf32, #tpu.memory_space<vmem_shared>> -> memref<120x128xf32, #tpu.memory_space<vmem_shared>>
      tpu.wait_dma2 semaphore(%run_scoped3A : memref<!tpu.dma_semaphore, #tpu.memory_space<semaphore_mem>>) src(%dma_wait3A_59 : memref<120x128xf32, #tpu.memory_space<vmem_shared>>) dst(%dma_wait3A_57 : memref<120x128xf32, #tpu.memory_space<vmem>>)
      tpu.yield
    }) : () -> ()
    %add3A_40 = arith.constant 512 : i32
    %add3A_41 = arith.addi %mul3A_8, %add3A_40 : i32
    "tpu.region"() ({
      %run_scoped3A = tpu.sem_alloc : memref<!tpu.dma_semaphore, #tpu.memory_space<semaphore_mem>>
      %dma_start3A = arith.constant 0 : i32
      %dma_start3A_42 = arith.constant 0 : i32
      %dma_start3A_43 = tpu.memref_slice %arg8[%dma_start3A, %dma_start3A_42] : memref<128x128xf32, #tpu.memory_space<vmem>> -> memref<120x128xf32, #tpu.memory_space<vmem>>
      %dma_start3A_44 = arith.constant 0 : i32
      %dma_start3A_45 = tpu.memref_slice %arg5[%arg0, %add3A_41, %dma_start3A_44] : memref<2x10112x128xf32, #tpu.memory_space<hbm>> -> memref<1x120x128xf32, #tpu.memory_space<hbm>>
      %dma_start3A_46 = tpu.memref_squeeze %dma_start3A_45 : memref<1x120x128xf32, #tpu.memory_space<hbm>> -> memref<120x128xf32, #tpu.memory_space<hbm>>
      %dma_start3A_47 = arith.constant 0 : i32
      %dma_start3A_48 = tpu.memref_slice %arg5[%arg0, %add3A_41, %dma_start3A_47] : memref<2x10112x128xf32, #tpu.memory_space<hbm>> -> memref<1x120x128xf32, #tpu.memory_space<hbm>>
      %dma_start3A_49 = tpu.memref_squeeze %dma_start3A_48 : memref<1x120x128xf32, #tpu.memory_space<hbm>> -> memref<120x128xf32, #tpu.memory_space<hbm>>
      %dma_start3A_50 = arith.constant 0 : i32
      %dma_start3A_51 = arith.constant 0 : i32
      %dma_start3A_52 = tpu.memref_slice %arg8[%dma_start3A_50, %dma_start3A_51] : memref<128x128xf32, #tpu.memory_space<vmem>> -> memref<120x128xf32, #tpu.memory_space<vmem>>
      tpu.enqueue_dma source(%dma_start3A_52 : memref<120x128xf32, #tpu.memory_space<vmem>>) target(%dma_start3A_49 : memref<120x128xf32, #tpu.memory_space<hbm>>) target_semaphore(%run_scoped3A : memref<!tpu.dma_semaphore, #tpu.memory_space<semaphore_mem>>)
      %dma_wait3A = arith.constant 0 : i32
      %dma_wait3A_53 = arith.constant 0 : i32
      %dma_wait3A_54 = tpu.memref_slice %arg8[%dma_wait3A, %dma_wait3A_53] : memref<128x128xf32, #tpu.memory_space<vmem>> -> memref<120x128xf32, #tpu.memory_space<vmem>>
      %dma_wait3A_55 = arith.constant 0 : i32
      %dma_wait3A_56 = tpu.memref_slice %arg5[%arg0, %add3A_41, %dma_wait3A_55] : memref<2x10112x128xf32, #tpu.memory_space<hbm>> -> memref<1x120x128xf32, #tpu.memory_space<hbm>>
      %dma_wait3A_57 = tpu.memref_squeeze %dma_wait3A_56 : memref<1x120x128xf32, #tpu.memory_space<hbm>> -> memref<120x128xf32, #tpu.memory_space<hbm>>
      %dma_wait3A_58 = arith.constant 0 : i32
      %dma_wait3A_59 = tpu.memref_slice %arg5[%arg0, %add3A_41, %dma_wait3A_58] : memref<2x10112x128xf32, #tpu.memory_space<hbm>> -> memref<1x120x128xf32, #tpu.memory_space<hbm>>
      %dma_wait3A_60 = tpu.memref_squeeze %dma_wait3A_59 : memref<1x120x128xf32, #tpu.memory_space<hbm>> -> memref<120x128xf32, #tpu.memory_space<hbm>>
      %dma_wait3A_61 = arith.constant 0 : i32
      %dma_wait3A_62 = arith.constant 0 : i32
      %dma_wait3A_63 = tpu.memref_slice %arg8[%dma_wait3A_61, %dma_wait3A_62] : memref<128x128xf32, #tpu.memory_space<vmem>> -> memref<120x128xf32, #tpu.memory_space<vmem>>
      tpu.wait_dma2 semaphore(%run_scoped3A : memref<!tpu.dma_semaphore, #tpu.memory_space<semaphore_mem>>) src(%dma_wait3A_63 : memref<120x128xf32, #tpu.memory_space<vmem>>) dst(%dma_wait3A_60 : memref<120x128xf32, #tpu.memory_space<hbm>>)
      tpu.yield
    }) : () -> ()
    return
  }
}

module attributes {stable_mosaic.version = 14 : i64} {
  func.func @body(%arg0: i32, %arg1: memref<1000x128xf32, #tpu.memory_space<vmem>>, %arg2: memref<128x128xf32, #tpu.memory_space<vmem>>, %arg3: memref<1x128xf32, #tpu.memory_space<vmem>>, %arg4: memref<1000x128xf32, #tpu.memory_space<vmem>>) attributes {dimension_semantics = [#tpu.dimension_semantics<arbitrary>], iteration_bounds = array<i64: 10>, scalar_prefetch = 0 : i64, scratch_operands = 0 : i64, tpu.core_type = #tpu.core_type<tc>, window_params = [{transform_indices = @transform_0, window_bounds = array<i64: 1000, 128>}, {pipeline_mode = #tpu.pipeline_mode<synchronous>, transform_indices = @transform_1, window_bounds = array<i64: 128, 128>}, {pipeline_mode = #tpu.pipeline_mode<synchronous>, transform_indices = @transform_2, window_bounds = array<i64: 1, 128>}, {transform_indices = @transform_3, window_bounds = array<i64: 1000, 128>}]} {
    %get3A = arith.constant 0 : index
    %get3A_0 = arith.constant 0 : index
    %get3A_1 = vector.load %arg1[%get3A, %get3A_0] : memref<1000x128xf32, #tpu.memory_space<vmem>>, vector<1000x128xf32>
    %get3A_2 = arith.constant 0 : index
    %get3A_3 = arith.constant 0 : index
    %get3A_4 = vector.load %arg2[%get3A_2, %get3A_3] : memref<128x128xf32, #tpu.memory_space<vmem>>, vector<128x128xf32>
    %dot_general3A = arith.constant dense<0.000000e+00> : vector<1000x128xf32>
    %dot_general3A_5 = tpu.matmul %get3A_1, %get3A_4, %dot_general3A {dimension_numbers = #tpu.dot_dimension_numbers<[1], [0], [0], [1], [0, 0, 1, 1], [], []>, transpose_lhs_hint = false} : vector<1000x128xf32>, vector<128x128xf32>, vector<1000x128xf32> -> vector<1000x128xf32>
    %get3A_6 = arith.constant 0 : index
    %get3A_7 = arith.constant 0 : index
    %get3A_8 = vector.load %arg3[%get3A_6, %get3A_7] : memref<1x128xf32, #tpu.memory_space<vmem>>, vector<1x128xf32>
    %add3A = vector.broadcast %get3A_8 : vector<1x128xf32> to vector<1000x128xf32>
    %add3A_9 = arith.addf %dot_general3A_5, %add3A : vector<1000x128xf32>
    %swap3A = arith.constant 0 : index
    %swap3A_10 = arith.constant 0 : index
    %swap3A_11 = vector.load %arg4[%swap3A, %swap3A_10] : memref<1000x128xf32, #tpu.memory_space<vmem>>, vector<1000x128xf32>
    tpu.vector_store %arg4[%swap3A, %swap3A_10], %add3A_9 {strides = array<i32>} : memref<1000x128xf32, #tpu.memory_space<vmem>>, vector<1000x128xf32>,
    return
  }
  func.func @transform_0(%arg0: i32) -> (i32, i32) {
    %c0_i32 = arith.constant 0 : i32
    %c0_i32_0 = arith.constant 0 : i32
    return %arg0, %c0_i32 : i32, i32
  }
  func.func @transform_1(%arg0: i32) -> (i32, i32) {
    %c0_i32 = arith.constant 0 : i32
    %c0_i32_0 = arith.constant 0 : i32
    %c0_i32_1 = arith.constant 0 : i32
    return %c0_i32, %c0_i32_0 : i32, i32
  }
  func.func @transform_2(%arg0: i32) -> (i32, i32) {
    %c0_i32 = arith.constant 0 : i32
    %c0_i32_0 = arith.constant 0 : i32
    %c0_i32_1 = arith.constant 0 : i32
    return %c0_i32, %c0_i32_0 : i32, i32
  }
  func.func @transform_3(%arg0: i32) -> (i32, i32) {
    %c0_i32 = arith.constant 0 : i32
    %c0_i32_0 = arith.constant 0 : i32
    return %arg0, %c0_i32 : i32, i32
  }
}

module attributes {stable_mosaic.version = 14 : i64} {
  func.func @body(%arg0: i32, %arg1: memref<1000x128xf32, #tpu.memory_space<vmem>>, %arg2: memref<1000x128xf32, #tpu.memory_space<vmem>>, %arg3: memref<128x128xf32, #tpu.memory_space<vmem>>, %arg4: memref<1000x128xf32, #tpu.memory_space<vmem>>, %arg5: memref<1000x128xf32, #tpu.memory_space<vmem>>) attributes {dimension_semantics = [#tpu.dimension_semantics<arbitrary>], iteration_bounds = array<i64: 10>, scalar_prefetch = 0 : i64, scratch_operands = 0 : i64, tpu.core_type = #tpu.core_type<tc>, window_params = [{transform_indices = @transform_0, window_bounds = array<i64: 1000, 128>}, {transform_indices = @transform_1, window_bounds = array<i64: 1000, 128>}, {pipeline_mode = #tpu.pipeline_mode<synchronous>, transform_indices = @transform_2, window_bounds = array<i64: 128, 128>}, {transform_indices = @transform_3, window_bounds = array<i64: 1000, 128>}, {transform_indices = @transform_4, window_bounds = array<i64: 1000, 128>}]} {
    %get3A = arith.constant 0 : index
    %get3A_0 = arith.constant 0 : index
    %get3A_1 = vector.load %arg2[%get3A, %get3A_0] : memref<1000x128xf32, #tpu.memory_space<vmem>>, vector<1000x1xf32>
    %max3A = arith.constant 1.000000e+00 : f32
    %max3A_2 = vector.broadcast %max3A : f32 to vector<1000x1xf32>
    %max3A_3 = arith.maximumf %get3A_1, %max3A_2 : vector<1000x1xf32>
    %div3A = arith.constant 1.000000e+00 : f32
    %div3A_4 = vector.broadcast %div3A : f32 to vector<1000x1xf32>
    %div3A_5 = arith.divf %div3A_4, %max3A_3 : vector<1000x1xf32>
    %get3A_6 = arith.constant 0 : index
    %get3A_7 = arith.constant 0 : index
    %get3A_8 = vector.load %arg1[%get3A_6, %get3A_7] : memref<1000x128xf32, #tpu.memory_space<vmem>>, vector<1000x128xf32>
    %mul3A = vector.broadcast %div3A_5 : vector<1000x1xf32> to vector<1000x128xf32>
    %mul3A_9 = arith.mulf %get3A_8, %mul3A : vector<1000x128xf32>
    %get3A_10 = arith.constant 0 : index
    %get3A_11 = arith.constant 0 : index
    %get3A_12 = vector.load %arg3[%get3A_10, %get3A_11] : memref<128x128xf32, #tpu.memory_space<vmem>>, vector<128x128xf32>
    %dot_general3A = arith.constant dense<0.000000e+00> : vector<1000x128xf32>
    %dot_general3A_13 = tpu.matmul %mul3A_9, %get3A_12, %dot_general3A {dimension_numbers = #tpu.dot_dimension_numbers<[1], [0], [0], [1], [0, 0, 1, 1], [], []>, transpose_lhs_hint = false} : vector<1000x128xf32>, vector<128x128xf32>, vector<1000x128xf32> -> vector<1000x128xf32>
    %get3A_14 = arith.constant 0 : index
    %get3A_15 = arith.constant 0 : index
    %get3A_16 = vector.load %arg4[%get3A_14, %get3A_15] : memref<1000x128xf32, #tpu.memory_space<vmem>>, vector<1000x128xf32>
    %add3A = arith.addf %dot_general3A_13, %get3A_16 : vector<1000x128xf32>
    %max3A_17 = arith.constant 0.000000e+00 : f32
    %max3A_18 = vector.broadcast %max3A_17 : f32 to vector<1000x128xf32>
    %max3A_19 = arith.maximumf %add3A, %max3A_18 : vector<1000x128xf32>
    %swap3A = arith.constant 0 : index
    %swap3A_20 = arith.constant 0 : index
    %swap3A_21 = vector.load %arg5[%swap3A, %swap3A_20] : memref<1000x128xf32, #tpu.memory_space<vmem>>, vector<1000x128xf32>
    tpu.vector_store %arg5[%swap3A, %swap3A_20], %max3A_19 {strides = array<i32>} : memref<1000x128xf32, #tpu.memory_space<vmem>>, vector<1000x128xf32>,
    return
  }
  func.func @transform_0(%arg0: i32) -> (i32, i32) {
    %c0_i32 = arith.constant 0 : i32
    %c0_i32_0 = arith.constant 0 : i32
    return %arg0, %c0_i32 : i32, i32
  }
  func.func @transform_1(%arg0: i32) -> (i32, i32) {
    %c0_i32 = arith.constant 0 : i32
    %c0_i32_0 = arith.constant 0 : i32
    return %arg0, %c0_i32 : i32, i32
  }
  func.func @transform_2(%arg0: i32) -> (i32, i32) {
    %c0_i32 = arith.constant 0 : i32
    %c0_i32_0 = arith.constant 0 : i32
    %c0_i32_1 = arith.constant 0 : i32
    return %c0_i32, %c0_i32_0 : i32, i32
  }
  func.func @transform_3(%arg0: i32) -> (i32, i32) {
    %c0_i32 = arith.constant 0 : i32
    %c0_i32_0 = arith.constant 0 : i32
    return %arg0, %c0_i32 : i32, i32
  }
  func.func @transform_4(%arg0: i32) -> (i32, i32) {
    %c0_i32 = arith.constant 0 : i32
    %c0_i32_0 = arith.constant 0 : i32
    return %arg0, %c0_i32 : i32, i32
  }
}

module attributes {stable_mosaic.version = 14 : i64} {
  func.func @body(%arg0: i32, %arg1: memref<1000x128xf32, #tpu.memory_space<vmem>>, %arg2: memref<1000x128xf32, #tpu.memory_space<vmem>>, %arg3: memref<128x128xf32, #tpu.memory_space<vmem>>, %arg4: memref<1000x128xf32, #tpu.memory_space<vmem>>, %arg5: memref<1000x128xf32, #tpu.memory_space<vmem>>) attributes {dimension_semantics = [#tpu.dimension_semantics<arbitrary>], iteration_bounds = array<i64: 10>, scalar_prefetch = 0 : i64, scratch_operands = 0 : i64, tpu.core_type = #tpu.core_type<tc>, window_params = [{transform_indices = @transform_0, window_bounds = array<i64: 1000, 128>}, {transform_indices = @transform_1, window_bounds = array<i64: 1000, 128>}, {pipeline_mode = #tpu.pipeline_mode<synchronous>, transform_indices = @transform_2, window_bounds = array<i64: 128, 128>}, {transform_indices = @transform_3, window_bounds = array<i64: 1000, 128>}, {transform_indices = @transform_4, window_bounds = array<i64: 1000, 128>}]} {
    %get3A = arith.constant 0 : index
    %get3A_0 = arith.constant 0 : index
    %get3A_1 = vector.load %arg2[%get3A, %get3A_0] : memref<1000x128xf32, #tpu.memory_space<vmem>>, vector<1000x1xf32>
    %max3A = arith.constant 1.000000e+00 : f32
    %max3A_2 = vector.broadcast %max3A : f32 to vector<1000x1xf32>
    %max3A_3 = arith.maximumf %get3A_1, %max3A_2 : vector<1000x1xf32>
    %div3A = arith.constant 1.000000e+00 : f32
    %div3A_4 = vector.broadcast %div3A : f32 to vector<1000x1xf32>
    %div3A_5 = arith.divf %div3A_4, %max3A_3 : vector<1000x1xf32>
    %get3A_6 = arith.constant 0 : index
    %get3A_7 = arith.constant 0 : index
    %get3A_8 = vector.load %arg1[%get3A_6, %get3A_7] : memref<1000x128xf32, #tpu.memory_space<vmem>>, vector<1000x128xf32>
    %mul3A = vector.broadcast %div3A_5 : vector<1000x1xf32> to vector<1000x128xf32>
    %mul3A_9 = arith.mulf %get3A_8, %mul3A : vector<1000x128xf32>
    %get3A_10 = arith.constant 0 : index
    %get3A_11 = arith.constant 0 : index
    %get3A_12 = vector.load %arg3[%get3A_10, %get3A_11] : memref<128x128xf32, #tpu.memory_space<vmem>>, vector<128x128xf32>
    %dot_general3A = arith.constant dense<0.000000e+00> : vector<1000x128xf32>
    %dot_general3A_13 = tpu.matmul %mul3A_9, %get3A_12, %dot_general3A {dimension_numbers = #tpu.dot_dimension_numbers<[1], [0], [0], [1], [0, 0, 1, 1], [], []>, transpose_lhs_hint = false} : vector<1000x128xf32>, vector<128x128xf32>, vector<1000x128xf32> -> vector<1000x128xf32>
    %get3A_14 = arith.constant 0 : index
    %get3A_15 = arith.constant 0 : index
    %get3A_16 = vector.load %arg4[%get3A_14, %get3A_15] : memref<1000x128xf32, #tpu.memory_space<vmem>>, vector<1000x128xf32>
    %add3A = arith.addf %dot_general3A_13, %get3A_16 : vector<1000x128xf32>
    %swap3A = arith.constant 0 : index
    %swap3A_17 = arith.constant 0 : index
    %swap3A_18 = vector.load %arg5[%swap3A, %swap3A_17] : memref<1000x128xf32, #tpu.memory_space<vmem>>, vector<1000x128xf32>
    tpu.vector_store %arg5[%swap3A, %swap3A_17], %add3A {strides = array<i32>} : memref<1000x128xf32, #tpu.memory_space<vmem>>, vector<1000x128xf32>,
    return
  }
  func.func @transform_0(%arg0: i32) -> (i32, i32) {
    %c0_i32 = arith.constant 0 : i32
    %c0_i32_0 = arith.constant 0 : i32
    return %arg0, %c0_i32 : i32, i32
  }
  func.func @transform_1(%arg0: i32) -> (i32, i32) {
    %c0_i32 = arith.constant 0 : i32
    %c0_i32_0 = arith.constant 0 : i32
    return %arg0, %c0_i32 : i32, i32
  }
  func.func @transform_2(%arg0: i32) -> (i32, i32) {
    %c0_i32 = arith.constant 0 : i32
    %c0_i32_0 = arith.constant 0 : i32
    %c0_i32_1 = arith.constant 0 : i32
    return %c0_i32, %c0_i32_0 : i32, i32
  }
  func.func @transform_3(%arg0: i32) -> (i32, i32) {
    %c0_i32 = arith.constant 0 : i32
    %c0_i32_0 = arith.constant 0 : i32
    return %arg0, %c0_i32 : i32, i32
  }
  func.func @transform_4(%arg0: i32) -> (i32, i32) {
    %c0_i32 = arith.constant 0 : i32
    %c0_i32_0 = arith.constant 0 : i32
    return %arg0, %c0_i32 : i32, i32
  }
}

</mosaic_0001>

<sc_bundles>
// kernel: kernel.11.cloned.1.call-start
scs
__scs_entry_jumppad:
0x0: {  	(pc) =	sbr.rel $0x88, $3  }
0x1: {  	(tag) =	ssettag $0x0;
	lr =	simm.s32 $0x1  }
0x2: {  	[smem:$0x3F93] =	sst lr;
	_ =	strace $0xD0000000  }
0x3: {  	_ = 	snop  }
0x4: {  	_ = 	snop  }
0x5: {  	_ = 	snop  }
0x6: {  	_ = 	snop  }
0x7: {  	_ = 	snop  }
__scs_overlays_trampoline_lowered:
0x8: {  	[smem:$0x3FA2] =	sst s0  }
0x9: {  	[smem:$0x3FA3] =	sst s1  }
0xa: {  	[smem:$0x3FA4] =	sst s2  }
0xb: {  	[smem:$0x3FA5] =	sst s3  }
0xc: {  	[smem:$0x3FA6] =	sst s4  }
0xd: {  	[smem:$0x3FA7] =	sst s5  }
0xe: {  	[smem:$0x3FA8] =	sst s6  }
0xf: {  	[smem:$0x3FA9] =	sst s7  }
0x10: {  	[smem:$0x3FAA] =	sst s8  }
0x11: {  	[smem:$0x3FAB] =	sst s9;
	s0 =	simm.s32 @!p0 $0x0  }
0x12: {  	s1 =	sld [smem:$0x3F91];
	s0 =	simm.s32 @p0 $0x1  }
0x13: {  	[smem:$0x3FAC] =	sst s0;
	s0 =	simm.s32 @!p1 $0x0  }
0x14: {  	s2 =	sld [smem:$0x3F90];
	s0 =	simm.s32 @p1 $0x1  }
0x15: {  	[smem:$0x3FAD] =	sst s0;
	s0 =	simm.s32 @!p2 $0x0  }
0x16: {  	s3 =	sld [smem:$0x3FDB];
	s0 =	simm.s32 @p2 $0x1  }
0x17: {  	s4 =	simm.s32 $0x1BF5;
	[smem:$0x3FAF] =	sst s0  }
0x18: {  	s0 =	sld [smem:$0x3F92];
	_ =	swait.ge [sflag:s4], $0x0  }
0x19: {  	s7 =	sld [smem:$0x3F93]  }
0x1a: {  	s8 =	sadd.s32 $0xFFFFE003, lr  }
0x1b: {  	s9 =	sadd.s32 $0xFFFFFEF7, lr;
	s5 =	simm.s32 $0xFFFFFFFF;
	p2 =	slt.u32 s8, $0xFFFFF086  }
0x1c: {  	p1 =	slt.u32 s9, $0xF7A;
	s5 =	simm.s32 @!p2 $0x0  }
0x1d: {  	s5 =	simm.s32 @p1 $0x1;
	p0 =	seq.s32 s7, s2  }
0x1e: {  	s7 =	smul.u32 @!p0 $0xF7A, s2;
	p2 =	seq.s32 @!p0 s5, $0x0  }
0x1f: {  	s9 =	smul.u32 $0xF7A, s1;
	s8 =	simm.s32 @!p0 $0x1BF5;
	p2 =	por !p2, p0  }
0x20: {  	[sflag:s8] =	ssyncset.s32 @!p0 $0xFFFFF086;
	s6 =	sadd.s32 @!p0 s3, s7;
	s7 =	simm.s32 @!p0 $0x108  }
0x21: {  	s3 =	sadd.s32 s3, s9;
	s6 =	sadd.s32 @!p0 $0x88, s6;
	s7 =	simm.s32 @p2 $0x1082  }
0x22: {  	[simem:s7], [sflag:s8] =	dma.local @!p0 [hbm:s6], $0xF7A  }
0x23: {  	s9 =	sor.u32 $0xD0000000, s2;
	s6 =	simm.s32 $0x108;
	_ =	swait.ge @!p0 [sflag:s8], $0x0  }
0x24: {  	s3 =	sadd.s32 $0x88, s3;
	s6 =	simm.s32 @!p1 $0x1082;
	[sflag:s4] =	ssyncset.s32 $0xFFFFF086  }
0x25: {  	[simem:s6], [sflag:s4] =	dma.local [hbm:s3], $0xF7A  }
0x26: {  	[smem:$0x3F93] =	sst s1;
	(tag) =	ssettag s2;
	_ =	strace s9  }
0x27: {  	s1 =	sld [smem:$0x3FA3]  }
0x28: {  	s2 =	sld [smem:$0x3FA4]  }
0x29: {  	s4 =	sld [smem:$0x3FA6]  }
0x2a: {  	p0 =	seq.s32 s5, $0x0;
	s5 =	sld [smem:$0x3FA7]  }
0x2b: {  	s6 =	sld [smem:$0x3FA8]  }
0x2c: {  	s7 =	sld [smem:$0x3FA9]  }
0x2d: {  	s3 =	simm.s32 $0x108;
	s8 =	sld [smem:$0x3FAA]  }
0x2e: {  	s3 =	simm.s32 @!p0 $0x1082;
	s9 =	sld [smem:$0x3FAB]  }
0x2f: {  	lr =	sadd.s32 s0, s3;
	s0 =	sld [smem:$0x3FA2]  }
0x30: {  	s3 =	sld [smem:$0x3FA5]  }
0x31: {  	[smem:$0x3FAE] =	sst s10  }
0x32: {  	s10 =	sld [smem:$0x3FAC];
	_ =	sdelay $0x3  }
0x33: {  	p0 =	seq.s32 s10, $0x1;
	s10 =	sld [smem:$0x3FAE];
	_ =	sdelay $0x3  }
0x34: {  	[smem:$0x3FAE] =	sst s10  }
0x35: {  	s10 =	sld [smem:$0x3FAD];
	_ =	sdelay $0x3  }
0x36: {  	p1 =	seq.s32 s10, $0x1;
	s10 =	sld [smem:$0x3FAE];
	_ =	sdelay $0x3  }
0x37: {  	[smem:$0x3FAE] =	sst s10  }
0x38: {  	s10 =	sld [smem:$0x3FAF]  }
0x39: {  	_ = 	snop;
	(pc) =	sbr.ind lr, $3  }
0x3a: {  	_ = 	snop  }
0x3b: {  	_ = 	snop  }
0x3c: {  	p2 =	seq.s32 s10, $0x1;
	s10 =	sld [smem:$0x3FAE]  }
0x3d: {  	_ =	shalt  }
0x3e: {  	_ =	shalt  }
0x3f: {  	_ =	shalt  }
0x40: {  	_ =	shalt  }
0x41: {  	_ =	shalt  }
0x42: {  	_ =	shalt  }
0x43: {  	_ =	shalt  }
0x44: {  	_ =	shalt  }
0x45: {  	_ =	shalt  }
0x46: {  	_ =	shalt  }
0x47: {  	_ =	shalt  }
0x48: {  	_ =	shalt  }
0x49: {  	_ =	shalt  }
0x4a: {  	_ =	shalt  }
0x4b: {  	_ =	shalt  }
0x4c: {  	_ =	shalt  }
0x4d: {  	_ =	shalt  }
0x4e: {  	_ =	shalt  }
0x4f: {  	_ =	shalt  }
0x50: {  	_ =	shalt  }
0x51: {  	_ =	shalt  }
0x52: {  	_ =	shalt  }
0x53: {  	_ =	shalt  }
0x54: {  	_ =	shalt  }
0x55: {  	_ =	shalt  }
0x56: {  	_ =	shalt  }
0x57: {  	_ =	shalt  }
0x58: {  	_ =	shalt  }
0x59: {  	_ =	shalt  }
0x5a: {  	_ =	shalt  }
0x5b: {  	_ =	shalt  }
0x5c: {  	_ =	shalt  }
0x5d: {  	_ =	shalt  }
0x5e: {  	_ =	shalt  }
0x5f: {  	_ =	shalt  }
0x60: {  	_ =	shalt  }
0x61: {  	_ =	shalt  }
0x62: {  	_ =	shalt  }
0x63: {  	_ =	shalt  }
0x64: {  	_ =	shalt  }
0x65: {  	_ =	shalt  }
0x66: {  	_ =	shalt  }
0x67: {  	_ =	shalt  }
0x68: {  	_ =	shalt  }
0x69: {  	_ =	shalt  }
0x6a: {  	_ =	shalt  }
0x6b: {  	_ =	shalt  }
0x6c: {  	_ =	shalt  }
0x6d: {  	_ =	shalt  }
0x6e: {  	_ =	shalt  }
0x6f: {  	_ =	shalt  }
0x70: {  	_ =	shalt  }
0x71: {  	_ =	shalt  }
0x72: {  	_ =	shalt  }
0x73: {  	_ =	shalt  }
0x74: {  	_ =	shalt  }
0x75: {  	_ =	shalt  }
0x76: {  	_ =	shalt  }
0x77: {  	_ =	shalt  }
0x78: {  	_ =	shalt  }
0x79: {  	_ =	shalt  }
0x7a: {  	_ =	shalt  }
0x7b: {  	_ =	shalt  }
0x7c: {  	_ =	shalt  }
0x7d: {  	_ =	shalt  }
0x7e: {  	_ =	shalt  }
0x7f: {  	_ =	shalt  }
0x80: {  	_ =	shalt  }
0x81: {  	_ =	shalt  }
0x82: {  	_ =	shalt  }
0x83: {  	_ =	shalt  }
0x84: {  	_ =	shalt  }
0x85: {  	_ =	shalt  }
0x86: {  	_ =	shalt  }
0x87: {  	_ =	shalt  }
.Lfunc_end0:
.L_simem_size_0:
called_computation_lowered:
.L_overlay_start_0:
0x88: {  	s2 =	sld [smem:$0x3FD9]  }
0x89: {  	s3 =	sld [smem:$0x3FFE];
	_ =	sdelay $0x1  }
0x8a: {  	s1 =	srdreg.scid  }
0x8b: {  	s0 =	sand.u32 $0x1, s1  }
0x8c: {  	s17 =	sshll.u32 s0, $0xA;
	s2 =	sadd.s32 s3, s2  }
0x8d: {  	s2 =	sadd.s32 s2, s17  }
0x8e: {  	[smem:$0x3FBA] =	sst s2  }
0x8f: {  	_ = 	snop  }
0x90: {  	s2 =	sld [smem:$0x3FC9]  }
0x91: {  	s18 =	sld [smem:$0x3FD0];
	(tm) =	ssettm $0x1  }
0x92: {  	s4 =	sld [smem:$0x3FFB];
	_ =	sdelay $0x3  }
0x93: {  	_ =	strace s4  }
0x94: {  	s4 =	sld [smem:$0x3FFC];
	_ =	sdelay $0x3  }
0x95: {  	_ =	strace s4  }
0x96: {  	s4 =	sld [smem:$0x3FFD];
	_ =	sdelay $0x3  }
0x97: {  	_ =	strace s4  }
0x98: {  	_ =	strace $0x8FFFFFFF  }
0x99: {  	s19 =	sld [smem:$0x3FDB];
	_ =	sdelay $0x1  }
0x9a: {  	s5 =	simm.s32 $_scs_section_size  }
0x9b: {  	s6 =	simm.s32 $_size__tile_overlayer_lowered;
	s7 =	simm.s32 $_tile_overlayer_lowered  }
0x9c: {  	s22 =	simm.s32 $0x1BFF;
	s21 =	sshll.u32 s7, $0x1;
	s4 =	sadd.s32 s5, s19  }
0x9d: {  	s8 =	simm.s32 $0x0;
	s20 =	sshll.u32 s6, $0x1;
	s6 =	sadd.s32 s21, s4  }
0x9e: {  	[timem:s8], [sflag:s22] =	dma.local [hbm:s6], s20  }
0x9f: {  	_ =	swait.ge [sflag:s22], s20  }
0xa0: {  	s5 =	ssub.s32 $0x0, s20;
	[sflag:s22] =	ssyncset.done $0x0  }
0xa1: {  	[sflag:s22] =	ssyncadd.s32 s5;
	_ =	sdelay $0x1  }
0xa2: {  	s23 =	simm.s32 $0x1B8B  }
0xa3: {  	_ =	swait.ge [sflag:s23], $0x1  }
0xa4: {  	[sflag:s23] =	ssyncset.done $0x0  }
0xa5: {  	s25 =	simm.s32 $0x1B8E;
	s24 =	sld [smem:$0x3FFE];
	[sflag:s23] =	ssyncadd.s32 $0xFFFFFFFF  }
0xa6: {  	s26 =	simm.s32 $execute0_lowered;
	[smem:$0x3FD2] =	sst s25  }
0xa7: {  	s6 =	sshll.u32 s26, $0x1;
	_ =	strace $0x80000046;
	[dreg:$0x1] =	wrdreg $0xFFFFFFFF  }
0xa8: {  	s28 =	simm.s32 $_size_execute0_lowered;
	s4 =	sadd.s32 s4, s6;
	[dreg:$0x0] =	wrdreg $0x0  }
0xa9: {  	s6 =	sshll.u32 s28, $0x1;
	[dreg:$0x2] =	wrdreg s4  }
0xaa: {  	[dreg:$0x3] =	wrdreg s6  }
0xab: {  	[dreg:$0x4] =	wrdreg $0xC0  }
0xac: {  	_ =	task [dreg:s8], $0x5FFFF  }
0xad: {  	[dreg:$0x1] =	wrdreg $0xFFFFFFFF  }
0xae: {  	[dreg:$0x0] =	wrdreg $0x60  }
0xaf: {  	[dreg:$0x2] =	wrdreg s2  }
0xb0: {  	[dreg:$0x3] =	wrdreg s24  }
0xb1: {  	[dreg:$0x4] =	wrdreg s18  }
0xb2: {  	[dreg:$0x5] =	wrdreg $0x88000  }
0xb3: {  	[dreg:$0x6] =	wrdreg $0x9  }
0xb4: {  	_ =	task.clear_ibuf [dreg:s8], $0x7FFFF;
	_ =	strace $0x90000046  }
0xb5: {  	s29 =	simm.s32 $0x9;
	_ =	strace $0x80000048  }
0xb6: {  	_ =	swait.ge [sflag:s29], $0x1  }
0xb7: {  	[sflag:s29] =	ssyncadd.s32 $0xFFFFFFFF  }
0xb8: {  	_ =	strace $0x90000048  }
0xb9: {  	_ =	sfence  }
0xba: {  	s30 =	sld [smem:$0x0];
	_ =	sdelay $0x2  }
0xbb: {  	s31 =	sshll.u32 s1, $0xD;
	s1 =	sshrl.u32 s1, $0x2  }
0xbc: {  	s3 =	sand.u32 $0x4000, s31;
	s1 =	sadd.s32 s1, s30  }
0xbd: {  	s0 =	sor.u32 s3, s0;
	s1 =	sshll.u32 s1, $0x11  }
0xbe: {  	s0 =	sor.u32 s1, s0  }
0xbf: {  	s0 =	sadd.s32 $0x8F2B, s0  }
0xc0: {  	[sflag:s0] =	ssyncadd.remote.s32 $0x1  }
0xc1: {  	_ =	sfence.sel $0xFFFF  }
0xc2: {  	[dreg:$0x0] =	wrdreg $0xFFFFFFFF;
	(pc) =	sbr.abs _section_cstart, $3  }
0xc3: {  	[dreg:$0x1] =	wrdreg $0xFFFFFFFF  }
0xc4: {  	_ =	task.clear_ibuf [dreg:s8], $0x2FFFF;
	_ =	strace $0x9FFFFFFF  }
0xc5: {  	(tm) =	ssettm $0x7FFFFFFF  }
tec
execute0_lowered:
.L_overlay_start_1:
0x0: {  	(tag) =	ssettag $0x1  }
0x1: {  	s1 =	rddreg [dreg:$0x0]  }
0x2: {  	s0 =	rddreg [dreg:$0x1]  }
0x3: {  	s3 =	rddreg [dreg:$0x2]  }
0x4: {  	s2 =	rddreg [dreg:$0x3]  }
0x5: {  	s4 =	simm.s32 $0x0;
	s5 =	srdreg.scid;
	s20 =	stileid.u32  }
0x6: {  	s28 =	simm.s32 $0x400;
	s29 =	simm.s32 $0x3;
	s30 =	simm.s32 $0x200  }
0x7: {  	s31 =	simm.s32 $0x600;
	[smem:$0x7FF] =	sst s4;
	s9 =	smul.u32 $0x4F000, s20  }
0x8: {  	s7 =	sand.u32 $0x1, s5;
	s5 =	sadd.s32 $0x17600, s0;
	s12 =	smul.u32 $0x13C00, s20  }
0x9: {  	s6 =	sadd.s32 $0x2E00, s0;
	s0 =	sadd.s32 $0x2BE00, s0;
	s18 =	smul.u32 $0x5000, s20  }
0xa: {  	_ =	strace $0x80000047;
	s8 =	ssub.s32 $0x2, s7;
	s19 =	smul.u32 $0x13C000, s7  }
0xb: {  	s23 =	sshll.u32 s7, $0x4;
	p0 =	seq.s32 s7, $0x1;
	s7 =	smul.u32 $0x52000, s7  }
0xc: {  	s10 =	sshrl.u32 s8, $0x1;
	s9 =	sshrl.u32 s9, $0x2;
	s13 =	sadd.s32 $0x4000, s12  }
0xd: {  	s14 =	sadd.s32 $0x8000, s12;
	s15 =	sadd.s32 $0xC000, s12;
	s17 =	sadd.s32 $0x10000, s12  }
0xe: {  	s22 =	sshrl.u32 s18, $0x3;
	s8 =	ssub.s32 s8, s10;
	s10 =	sor.u32 s20, s23  }
0xf: {  	s9 =	sadd.s32 s9, s2;
	s11 =	sadd.s32 s13, s2;
	s24 =	sadd.s32 s14, s2  }
0x10: {  	s25 =	sadd.s32 s17, s2;
	s12 =	sadd.s32 s12, s19;
	[dreg:$0xb] =	wrdreg s11  }
0x11: {  	s23 =	sadd.s32 s3, s22;
	s17 =	sadd.s32 s19, s17;
	[dreg:$0xc] =	wrdreg s24  }
0x12: {  	s22 =	simm.s32 $0x480;
	s16 =	smul.u32 $0x5200, s10;
	[dreg:$0xe] =	wrdreg s25  }
0x13: {  	s10 =	sadd.s32 s15, s2;
	s24 =	sshrl.u32 s12, $0x3;
	[dreg:$0x11] =	wrdreg s23  }
0x14: {  	s25 =	smul.u32 $0x5200, s20;
	s11 =	sadd.s32 $0x500, s23;
	[dreg:$0x8] =	wrdreg s22  }
0x15: {  	s20 =	sshrl.u32 s17, $0x3;
	s23 =	smax.u32 s8, $0x1;
	[dreg:$0xd] =	wrdreg s9  }
0x16: {  	s17 =	simm.s32 $0x380;
	[dreg:$0x12] =	wrdreg s11;
	s3 =	sadd.s32 s0, s24  }
0x17: {  	s11 =	sadd.s32 s19, s14;
	[dreg:$0x18] =	wrdreg s23;
	s24 =	simm.s32 $0x180  }
0x18: {  	s23 =	simm.s32 $0x800;
	s16 =	sshrl.u32 s16, $0x3;
	[dreg:$0x13] =	wrdreg s3  }
0x19: {  	s7 =	sadd.s32 s25, s7;
	s14 =	sshrl.u32 s11, $0x3;
	[dreg:$0x9] =	wrdreg s24  }
0x1a: {  	s24 =	simm.s32 $0x5;
	s26 =	sadd.s32 s5, s16;
	s21 =	sadd.s32 s6, s16  }
0x1b: {  	s12 =	sadd.s32 $0x200, s7;
	s16 =	sadd.s32 s19, s15;
	[dreg:$0xf] =	wrdreg s26  }
0x1c: {  	s25 =	sadd.s32 $0x400, s7;
	s15 =	simm.s32 $0x580;
	[dreg:$0x10] =	wrdreg s21  }
0x1d: {  	s26 =	sadd.s32 s19, s13;
	s12 =	sshrl.u32 s12, $0x3;
	s21 =	simm.s32 $0x100  }
0x1e: {  	[dreg:$0x19] =	wrdreg s25;
	s13 =	simm.s32 $0x4;
	s25 =	simm.s32 $0x280  }
0x1f: {  	s3 =	sshrl.u32 s26, $0x3;
	s18 =	sadd.s32 s12, s6;
	[dreg:$0x7] =	wrdreg s21  }
0x20: {  	s19 =	sadd.s32 s12, s5;
	s26 =	simm.s32 $0x500;
	[dreg:$0x5] =	wrdreg s18  }
0x21: {  	s12 =	simm.s32 $0x2;
	s3 =	sadd.s32 s0, s3;
	[dreg:$0x6] =	wrdreg s19  }
0x22: {  	[dreg:$0xa] =	wrdreg s26;
	s26 =	simm.s32 $0x80;
	s18 =	simm.s32 $0x700  }
.Ltmp0:
0x23: {  	[dreg:$0x14] =	wrdreg s3;
	s3 =	sadd.s32 s0, s14;
	(pc) =	sbr.rel .LBB2_1-.Ltmp0, $4  }
0x24: {  	s19 =	simm.s32 $0x780;
	[dreg:$0x15] =	wrdreg s3;
	s3 =	sshrl.u32 s16, $0x3  }
0x25: {  	s14 =	simm.s32 $0x300;
	s16 =	simm.s32 $0x680;
	s3 =	sadd.s32 s0, s3  }
0x26: {  	s0 =	sadd.s32 s0, s20;
	s20 =	simm.s32 $0x0;
	[dreg:$0x16] =	wrdreg s3  }
0x27: {  	v0 =	vimm.f32 $0.0e+00;
	v1 =	vimm.f32 $1.000000000e+00;
	[dreg:$0x17] =	wrdreg s0;
	s0 =	simm.s32 $0x4800;
	s3 =	simm.s32 $0x1  }
.LBB2_6:
0x28: {  	s7 =	rddreg [dreg:$0x5];
	[sflag:s24] =	ssyncadd.s32 $0xFFFFC000;
	s8 =	sadd.s32 s21, s8  }
0x29: {  	[tilespmem:s30], [sflag:$0x4] =	stream.linear.gather [hbm4b:s8+s4], $0x200, $0x38;
	[tilespmem:$0x1EC00] =	vst v63  }
0x2a: {  	s7 =	sadd.s32 s21, s7  }
0x2b: {  	[tilespmem:s31], [sflag:$0x4] =	stream.linear.gather [hbm4b:s7+s4], $0x200, $0x38;
	[tilespmem:$0x1EC00] =	vst v63  }
0x2c: {  	_ = 	snop  }
0x2d: {  	[tilespmem:s0], [sflag:$0x2] =	stream.indirect.gather [hbm4b:s1+s26], $0x80, s26, s26, $0xb8;
	[tilespmem:$0x1EC00] =	vst v63  }
0x2e: {  	_ =	swait.ge [sflag:s3], $0x4000  }
0x2f: {  	[sflag:s3] =	ssyncset.done $0x0  }
0x30: {  	[sflag:s3] =	ssyncadd.s32 $0xFFFFC000  }
0x31: {  	[spmem:s2] =	stream.indirect.scatter.add.f32 [tilespmem:s23], [sflag:$0x5], $0x80, s28, s26, $0xb8;
	[tilespmem:$0x1EC00] =	vst v63  }
0x32: {  	_ =	swait.ge [sflag:s24], $0x4000  }
0x33: {  	[sflag:s24] =	ssyncset.done $0x0  }
0x34: {  	s21 =	rddreg [dreg:$0x7];
	[sflag:s24] =	ssyncadd.s32 $0xFFFFC000  }
0x35: {  	[tilespmem:s23], [sflag:$0x1] =	stream.indirect.gather [hbm4b:s1+s26], $0x80, s21, s26, $0xb8;
	[tilespmem:$0x1EC00] =	vst v63  }
0x36: {  	_ =	swait.ge [sflag:s12], $0x4000  }
0x37: {  	[sflag:s12] =	ssyncset.done $0x0  }
0x38: {  	s8 =	rddreg [dreg:$0x8];
	[sflag:s12] =	ssyncadd.s32 $0xFFFFC000  }
0x39: {  	[spmem:s2] =	stream.indirect.scatter.add.f32 [tilespmem:s0], [sflag:$0x5], $0x80, s8, s26, $0xb8;
	[tilespmem:$0x1EC00] =	vst v63  }
0x3a: {  	_ =	swait.ge [sflag:s24], $0x4000  }
0x3b: {  	[sflag:s24] =	ssyncset.done $0x0  }
0x3c: {  	s9 =	rddreg [dreg:$0x9];
	[sflag:s24] =	ssyncadd.s32 $0xFFFFC000  }
0x3d: {  	[tilespmem:s0], [sflag:$0x2] =	stream.indirect.gather [hbm4b:s1+s26], $0x80, s9, s26, $0xb8;
	[tilespmem:$0x1EC00] =	vst v63  }
0x3e: {  	_ =	swait.ge [sflag:s3], $0x4000  }
0x3f: {  	[sflag:s3] =	ssyncset.done $0x0  }
0x40: {  	s10 =	rddreg [dreg:$0xa];
	[sflag:s3] =	ssyncadd.s32 $0xFFFFC000  }
0x41: {  	[spmem:s2] =	stream.indirect.scatter.add.f32 [tilespmem:s23], [sflag:$0x5], $0x80, s10, s26, $0xb8;
	[tilespmem:$0x1EC00] =	vst v63  }
0x42: {  	_ =	swait.ge [sflag:s24], $0x4000  }
0x43: {  	[sflag:s24] =	ssyncset.done $0x0  }
0x44: {  	[sflag:s24] =	ssyncadd.s32 $0xFFFFC000  }
0x45: {  	_ =	swait.ge [sflag:s13], $0x200  }
0x46: {  	[sflag:s13] =	ssyncset.done $0x0  }
0x47: {  	[sflag:s13] =	ssyncadd.s32 $0xFFFFFE00  }
0x48: {  	_ =	swait.ge [sflag:s13], $0x200  }
0x49: {  	[sflag:s13] =	ssyncset.done $0x0  }
0x4a: {  	[sflag:s13] =	ssyncadd.s32 $0xFFFFFE00  }
0x4b: {  	[tilespmem:s23], [sflag:$0x1] =	stream.indirect.gather [hbm4b:s1+s26], $0x80, s30, s26, $0xb8;
	[tilespmem:$0x1EC00] =	vst v63  }
0x4c: {  	_ =	swait.ge [sflag:s12], $0x4000  }
0x4d: {  	[sflag:s12] =	ssyncset.done $0x0  }
0x4e: {  	[sflag:s12] =	ssyncadd.s32 $0xFFFFC000  }
0x4f: {  	[spmem:s2] =	stream.indirect.scatter.add.f32 [tilespmem:s0], [sflag:$0x5], $0x80, s15, s26, $0xb8;
	[tilespmem:$0x1EC00] =	vst v63  }
0x50: {  	s21 =	sadd.s32 $0x400, s22;
	_ =	swait.ge [sflag:s24], $0x4000  }
0x51: {  	s7 =	sshrl.u32 s21, $0x3;
	[sflag:s24] =	ssyncset.done $0x0  }
0x52: {  	s22 =	sadd.s32 s5, s7;
	[sflag:s24] =	ssyncadd.s32 $0xFFFFC000  }
0x53: {  	[tilespmem:s4], [sflag:$0x3] =	stream.linear.gather [hbm4b:s22+s4], $0x200, $0x38;
	[tilespmem:$0x1EC00] =	vst v63  }
0x54: {  	s7 =	sadd.s32 s6, s7  }
0x55: {  	[tilespmem:s28], [sflag:$0x3] =	stream.linear.gather [hbm4b:s7+s4], $0x200, $0x38;
	[tilespmem:$0x1EC00] =	vst v63  }
0x56: {  	_ = 	snop  }
0x57: {  	[tilespmem:s0], [sflag:$0x2] =	stream.indirect.gather [hbm4b:s1+s26], $0x80, s25, s26, $0xb8;
	[tilespmem:$0x1EC00] =	vst v63  }
0x58: {  	_ =	swait.ge [sflag:s3], $0x4000  }
0x59: {  	[sflag:s3] =	ssyncset.done $0x0  }
0x5a: {  	[sflag:s3] =	ssyncadd.s32 $0xFFFFC000  }
0x5b: {  	[spmem:s2] =	stream.indirect.scatter.add.f32 [tilespmem:s23], [sflag:$0x5], $0x80, s31, s26, $0xb8;
	[tilespmem:$0x1EC00] =	vst v63  }
0x5c: {  	_ =	swait.ge [sflag:s24], $0x4000  }
0x5d: {  	[sflag:s24] =	ssyncset.done $0x0  }
0x5e: {  	[sflag:s24] =	ssyncadd.s32 $0xFFFFC000  }
0x5f: {  	[tilespmem:s23], [sflag:$0x1] =	stream.indirect.gather [hbm4b:s1+s26], $0x80, s14, s26, $0xb8;
	[tilespmem:$0x1EC00] =	vst v63  }
0x60: {  	_ =	swait.ge [sflag:s12], $0x4000  }
0x61: {  	[sflag:s12] =	ssyncset.done $0x0  }
0x62: {  	[sflag:s12] =	ssyncadd.s32 $0xFFFFC000  }
0x63: {  	[spmem:s2] =	stream.indirect.scatter.add.f32 [tilespmem:s0], [sflag:$0x5], $0x80, s16, s26, $0xb8;
	[tilespmem:$0x1EC00] =	vst v63  }
0x64: {  	_ =	swait.ge [sflag:s24], $0x4000  }
0x65: {  	[sflag:s24] =	ssyncset.done $0x0  }
0x66: {  	[sflag:s24] =	ssyncadd.s32 $0xFFFFC000  }
0x67: {  	[tilespmem:s0], [sflag:$0x2] =	stream.indirect.gather [hbm4b:s1+s26], $0x80, s17, s26, $0xb8;
	[tilespmem:$0x1EC00] =	vst v63  }
0x68: {  	_ =	swait.ge [sflag:s3], $0x4000  }
0x69: {  	[sflag:s3] =	ssyncset.done $0x0  }
0x6a: {  	[sflag:s3] =	ssyncadd.s32 $0xFFFFC000  }
0x6b: {  	[spmem:s2] =	stream.indirect.scatter.add.f32 [tilespmem:s23], [sflag:$0x5], $0x80, s18, s26, $0xb8;
	[tilespmem:$0x1EC00] =	vst v63  }
0x6c: {  	_ =	swait.ge [sflag:s24], $0x4000  }
0x6d: {  	[sflag:s24] =	ssyncset.done $0x0  }
0x6e: {  	[sflag:s24] =	ssyncadd.s32 $0xFFFFC000  }
0x6f: {  	_ =	swait.ge [sflag:s29], $0x200  }
0x70: {  	[sflag:s29] =	ssyncset.done $0x0  }
0x71: {  	[sflag:s29] =	ssyncadd.s32 $0xFFFFFE00  }
0x72: {  	_ =	swait.ge [sflag:s29], $0x200  }
0x73: {  	[sflag:s29] =	ssyncset.done $0x0  }
0x74: {  	[sflag:s29] =	ssyncadd.s32 $0xFFFFFE00  }
0x75: {  	[tilespmem:s23], [sflag:$0x1] =	stream.indirect.gather [hbm4b:s1+s26], $0x80, s4, s26, $0xb8;
	[tilespmem:$0x1EC00] =	vst v63  }
0x76: {  	_ =	swait.ge [sflag:s12], $0x4000  }
0x77: {  	[sflag:s12] =	ssyncset.done $0x0  }
0x78: {  	[sflag:s12] =	ssyncadd.s32 $0xFFFFC000  }
0x79: {  	[spmem:s2] =	stream.indirect.scatter.add.f32 [tilespmem:s0], [sflag:$0x5], $0x80, s19, s26, $0xb8;
	[tilespmem:$0x1EC00] =	vst v63  }
0x7a: {  	_ =	swait.ge [sflag:s24], $0x4000  }
0x7b: {  	[sflag:s24] =	ssyncset.done $0x0  }
0x7c: {  	[sflag:s24] =	ssyncadd.s32 $0xFFFFC000  }
0x7d: {  	_ =	swait.ge [sflag:s3], $0x4000  }
0x7e: {  	[sflag:s3] =	ssyncset.done $0x0  }
0x7f: {  	s10 =	smov.u32 s11;
	s9 =	rddreg [dreg:$0xd];
	[sflag:s3] =	ssyncadd.s32 $0xFFFFC000  }
.LBB2_14:
0x80: {  	[bflag:$0x0] =	sbarrier.arrive $0xFFFF  }
0x81: {  	[tilespmem:s23], [sflag:$0x5] =	stream.linear.gather [spmem:s9], $0x4000, $0x38;
	[tilespmem:$0x1EC00] =	vst v63  }
0x82: {  	_ =	swait.ge [sflag:s24], $0x4000  }
0x83: {  	[sflag:s24] =	ssyncset.done $0x0  }
0x84: {  	s7 =	rddreg [dreg:$0x13];
	[sflag:s24] =	ssyncadd.s32 $0xFFFFC000  }
0x85: {  	[hbm4b:s7+s4] =	stream.linear.scatter [tilespmem:s23], [sflag:$0x5], $0x4000, $0x38;
	[tilespmem:$0x1EC00] =	vst v63  }
0x86: {  	_ =	swait.ge [sflag:s24], $0x4000  }
0x87: {  	[sflag:s24] =	ssyncset.done $0x0  }
0x88: {  	s8 =	rddreg [dreg:$0xb];
	[sflag:s24] =	ssyncadd.s32 $0xFFFFC000  }
0x89: {  	[tilespmem:s23], [sflag:$0x5] =	stream.linear.gather [spmem:s8], $0x4000, $0x38;
	[tilespmem:$0x1EC00] =	vst v63  }
0x8a: {  	_ =	swait.ge [sflag:s24], $0x4000  }
0x8b: {  	[sflag:s24] =	ssyncset.done $0x0  }
0x8c: {  	s11 =	rddreg [dreg:$0x14];
	[sflag:s24] =	ssyncadd.s32 $0xFFFFC000  }
0x8d: {  	[hbm4b:s11+s4] =	stream.linear.scatter [tilespmem:s23], [sflag:$0x5], $0x4000, $0x38;
	[tilespmem:$0x1EC00] =	vst v63  }
0x8e: {  	_ =	swait.ge [sflag:s24], $0x4000  }
0x8f: {  	[sflag:s24] =	ssyncset.done $0x0  }
0x90: {  	s21 =	rddreg [dreg:$0xc];
	[sflag:s24] =	ssyncadd.s32 $0xFFFFC000  }
0x91: {  	[tilespmem:s23], [sflag:$0x5] =	stream.linear.gather [spmem:s21], $0x4000, $0x38;
	[tilespmem:$0x1EC00] =	vst v63  }
0x92: {  	_ =	swait.ge [sflag:s24], $0x4000  }
0x93: {  	[sflag:s24] =	ssyncset.done $0x0  }
0x94: {  	s22 =	rddreg [dreg:$0x15];
	[sflag:s24] =	ssyncadd.s32 $0xFFFFC000  }
0x95: {  	[hbm4b:s22+s4] =	stream.linear.scatter [tilespmem:s23], [sflag:$0x5], $0x4000, $0x38;
	[tilespmem:$0x1EC00] =	vst v63  }
0x96: {  	_ =	swait.ge [sflag:s24], $0x4000  }
0x97: {  	[sflag:s24] =	ssyncset.done $0x0  }
0x98: {  	[sflag:s24] =	ssyncadd.s32 $0xFFFFC000  }
0x99: {  	[tilespmem:s23], [sflag:$0x5] =	stream.linear.gather [spmem:s10], $0x4000, $0x38;
	[tilespmem:$0x1EC00] =	vst v63  }
0x9a: {  	_ =	swait.ge [sflag:s24], $0x4000  }
0x9b: {  	[sflag:s24] =	ssyncset.done $0x0  }
0x9c: {  	s8 =	rddreg [dreg:$0x16];
	[sflag:s24] =	ssyncadd.s32 $0xFFFFC000  }
0x9d: {  	[hbm4b:s8+s4] =	stream.linear.scatter [tilespmem:s23], [sflag:$0x5], $0x4000, $0x38;
	[tilespmem:$0x1EC00] =	vst v63  }
0x9e: {  	_ =	swait.ge [sflag:s24], $0x4000  }
0x9f: {  	[sflag:s24] =	ssyncset.done $0x0  }
0xa0: {  	s11 =	rddreg [dreg:$0xe];
	[sflag:s24] =	ssyncadd.s32 $0xFFFFC000  }
0xa1: {  	[tilespmem:s23], [sflag:$0x5] =	stream.linear.gather [spmem:s11], $0x3C00, $0x38;
	[tilespmem:$0x1EC00] =	vst v63  }
0xa2: {  	_ =	swait.ge [sflag:s24], $0x3C00  }
0xa3: {  	[sflag:s24] =	ssyncset.done $0x0  }
0xa4: {  	s21 =	rddreg [dreg:$0x17];
	[sflag:s24] =	ssyncadd.s32 $0xFFFFC400  }
0xa5: {  	[hbm4b:s21+s4] =	stream.linear.scatter [tilespmem:s23], [sflag:$0x5], $0x3C00, $0x38;
	[tilespmem:$0x1EC00] =	vst v63  }
0xa6: {  	_ =	swait.ge [sflag:s24], $0x3C00  }
0xa7: {  	s20 =	sadd.s32 $0x1, s20;
	s22 =	rddreg [dreg:$0x18]  }
0xa8: {  	p1 =	sne.s32 s20, s22  }
.Ltmp1:
0xa9: {  	_ = 	snop;
	(pc) =	sbr.rel @!p1 .LBB2_15-.Ltmp1, $3  }
0xaa: {  	_ =	sdelay $0x1  }
0xab: {  	[sflag:s24] =	ssyncset.done $0x0  }
0xac: {  	[sflag:s24] =	ssyncadd.s32 $0xFFFFC400  }
.LBB2_1:
0xad: {  	s7 =	sand.u32 $0xFE00, s4  }
0xae: {  	s8 =	sand.u32 $0x70, s4;
	s21 =	sshrl.u32 s7, $0x2  }
0xaf: {  	s7 =	simm.s32 $0x40;
	s21 =	sor.u32 s8, s21;
	s8 =	simm.s32 $0x0  }
.LBB2_2:
0xb0: {  	p1 =	sne.s32 s7, $0xFFC0  }
0xb1: {  	[tilespmem:s21+$0x800] =	vst v0;
	s8 =	sadd.s32 $0x10, s8;
	s21 =	smov.u32 s7;
	s7 =	sadd.s32 $0x40, s7  }
.Ltmp2:
0xb2: {  	(pc) =	sbr.rel @p1 .LBB2_2-.Ltmp2, $4  }
0xb3: {  	_ = 	snop  }
0xb4: {  	s21 =	sand.u32 $0xFE00, s21  }
0xb5: {  	s22 =	sand.u32 $0x70, s8;
	s21 =	sshrl.u32 s21, $0x2  }
0xb6: {  	s21 =	sor.u32 s22, s21  }
0xb7: {  	[tilespmem:s21+$0x800] =	vst v0  }
0xb8: {  	[spmem:s9] =	stream.linear.scatter [tilespmem:s23], [sflag:$0x5], $0x4000, $0x38;
	[tilespmem:$0x1EC00] =	vst v63  }
0xb9: {  	_ =	swait.ge [sflag:s24], $0x4000  }
0xba: {  	[sflag:s24] =	ssyncset.done $0x0  }
0xbb: {  	s7 =	rddreg [dreg:$0xb];
	[sflag:s24] =	ssyncadd.s32 $0xFFFFC000  }
0xbc: {  	[spmem:s7] =	stream.linear.scatter [tilespmem:s23], [sflag:$0x5], $0x4000, $0x38;
	[tilespmem:$0x1EC00] =	vst v63  }
0xbd: {  	_ =	swait.ge [sflag:s24], $0x4000  }
0xbe: {  	[sflag:s24] =	ssyncset.done $0x0  }
0xbf: {  	s21 =	rddreg [dreg:$0xc];
	[sflag:s24] =	ssyncadd.s32 $0xFFFFC000  }
0xc0: {  	[spmem:s21] =	stream.linear.scatter [tilespmem:s23], [sflag:$0x5], $0x4000, $0x38;
	[tilespmem:$0x1EC00] =	vst v63  }
0xc1: {  	_ =	swait.ge [sflag:s24], $0x4000  }
0xc2: {  	[sflag:s24] =	ssyncset.done $0x0  }
0xc3: {  	[sflag:s24] =	ssyncadd.s32 $0xFFFFC000  }
0xc4: {  	[spmem:s10] =	stream.linear.scatter [tilespmem:s23], [sflag:$0x5], $0x4000, $0x38;
	[tilespmem:$0x1EC00] =	vst v63  }
0xc5: {  	_ =	swait.ge [sflag:s24], $0x4000  }
0xc6: {  	[sflag:s24] =	ssyncset.done $0x0  }
0xc7: {  	s22 =	rddreg [dreg:$0xe];
	[sflag:s24] =	ssyncadd.s32 $0xFFFFC000  }
0xc8: {  	[spmem:s22] =	stream.linear.scatter [tilespmem:s23], [sflag:$0x5], $0x3C00, $0x38;
	[tilespmem:$0x1EC00] =	vst v63  }
.Ltmp3:
0xc9: {  	_ =	swait.ge [sflag:s24], $0x3C00;
	(pc) =	sbr.rel @!p0 .LBB2_4-.Ltmp3, $4  }
0xca: {  	[sflag:s24] =	ssyncset.done $0x0  }
0xcb: {  	[sflag:s24] =	ssyncadd.s32 $0xFFFFC400  }
0xcc: {  	[bflag:$0x0] =	sbarrier.arrive $0xFFFF  }
0xcd: {  	s11 =	smov.u32 s10;
	s7 =	simm.s32 $0x0  }
0xce: {  	s8 =	sand.u32 $0xFE00, s7  }
0xcf: {  	s9 =	sand.u32 $0x70, s7;
	s10 =	sshrl.u32 s8, $0x2  }
0xd0: {  	s8 =	simm.s32 $0x40;
	s21 =	sor.u32 s9, s10  }
.LBB2_8:
0xd1: {  	p1 =	sne.s32 s8, $0xFFC0  }
0xd2: {  	[tilespmem:s21+$0x800] =	vst v1;
	s7 =	sadd.s32 $0x10, s7;
	s9 =	smov.u32 s8;
	s8 =	sadd.s32 $0x40, s8  }
.Ltmp4:
0xd3: {  	(pc) =	sbr.rel @p1 .LBB2_8-.Ltmp4, $4  }
0xd4: {  	_ = 	snop  }
0xd5: {  	s9 =	sand.u32 $0xFE00, s9  }
0xd6: {  	s10 =	sand.u32 $0x70, s7;
	s9 =	sshrl.u32 s9, $0x2  }
0xd7: {  	s21 =	sor.u32 s10, s9  }
0xd8: {  	[tilespmem:s21+$0x800] =	vst v1;
	s7 =	simm.s32 $0x0;
	s8 =	rddreg [dreg:$0x11];
	s9 =	simm.s32 $0x1C400  }
0xd9: {  	[tilespmem:s9], [sflag:$0x5] =	stream.linear.gather [hbm4b:s8+s7], $0x2780, $0x38;
	[tilespmem:$0x1EC00] =	vst v63  }
0xda: {  	_ =	swait.ge [sflag:s24], $0x2780  }
0xdb: {  	[sflag:s24] =	ssyncset.done $0x0  }
0xdc: {  	s22 =	simm.s32 $0x1C400;
	[sflag:s24] =	ssyncadd.s32 $0xFFFFD880  }
0xdd: {  	[spmem:s2] =	stream.indirect.scatter.add.f32 [tilespmem:s23], [sflag:$0x5], $0x80, s22, s26, $0xb8;
	[tilespmem:$0x1EC00] =	vst v63  }
0xde: {  	s7 =	simm.s32 $0x200;
	_ =	swait.ge [sflag:s24], $0x4000  }
.LBB2_10:
0xdf: {  	s8 =	sshra.s32 s7, $0x2;
	[sflag:s24] =	ssyncset.done $0x0;
	p1 =	sne.s32 s7, $0x9C00  }
.Ltmp5:
0xe0: {  	s8 =	sadd.s32 $0x1C400, s8;
	[sflag:s24] =	ssyncadd.s32 $0xFFFFC000;
	(pc) =	sbr.rel @p1 .LBB2_10-.Ltmp5, $3  }
0xe1: {  	[spmem:s2] =	stream.indirect.scatter.add.f32 [tilespmem:s23], [sflag:$0x5], $0x80, s8, s26, $0xb8;
	[tilespmem:$0x1EC00] =	vst v63  }
0xe2: {  	s7 =	sadd.s32 $0x200, s7;
	_ =	sdelay $0x1  }
0xe3: {  	_ =	swait.ge [sflag:s24], $0x4000  }
0xe4: {  	[sflag:s24] =	ssyncset.done $0x0;
	s7 =	simm.s32 $0x0  }
0xe5: {  	s8 =	rddreg [dreg:$0x12];
	s9 =	simm.s32 $0x1C400;
	[sflag:s24] =	ssyncadd.s32 $0xFFFFC000  }
0xe6: {  	[tilespmem:s9], [sflag:$0x5] =	stream.linear.gather [hbm4b:s8+s7], $0x2780, $0x38;
	[tilespmem:$0x1EC00] =	vst v63  }
0xe7: {  	_ =	swait.ge [sflag:s24], $0x2780  }
0xe8: {  	[sflag:s24] =	ssyncset.done $0x0  }
0xe9: {  	s22 =	simm.s32 $0x1C400;
	[sflag:s24] =	ssyncadd.s32 $0xFFFFD880  }
0xea: {  	[spmem:s2] =	stream.indirect.scatter.add.f32 [tilespmem:s23], [sflag:$0x5], $0x80, s22, s26, $0xb8;
	[tilespmem:$0x1EC00] =	vst v63  }
0xeb: {  	_ =	swait.ge [sflag:s24], $0x4000  }
0xec: {  	s10 =	smov.u32 s11;
	s7 =	simm.s32 $0x200;
	s9 =	rddreg [dreg:$0xd]  }
.LBB2_12:
0xed: {  	s8 =	sshra.s32 s7, $0x2;
	[sflag:s24] =	ssyncset.done $0x0;
	p1 =	sne.s32 s7, $0x9C00  }
.Ltmp6:
0xee: {  	s8 =	sadd.s32 $0x1C400, s8;
	[sflag:s24] =	ssyncadd.s32 $0xFFFFC000;
	(pc) =	sbr.rel @p1 .LBB2_12-.Ltmp6, $3  }
0xef: {  	[spmem:s2] =	stream.indirect.scatter.add.f32 [tilespmem:s23], [sflag:$0x5], $0x80, s8, s26, $0xb8;
	[tilespmem:$0x1EC00] =	vst v63  }
0xf0: {  	s7 =	sadd.s32 $0x200, s7;
	_ =	sdelay $0x1  }
0xf1: {  	_ =	swait.ge [sflag:s24], $0x4000  }
.Ltmp7:
0xf2: {  	(pc) =	sbr.rel .LBB2_14-.Ltmp7, $3  }
0xf3: {  	_ =	sdelay $0x1  }
0xf4: {  	[sflag:s24] =	ssyncset.done $0x0  }
0xf5: {  	[sflag:s24] =	ssyncadd.s32 $0xFFFFC000  }
.LBB2_4:
0xf6: {  	s7 =	simm.s32 $0x0;
	s8 =	rddreg [dreg:$0xf]  }
0xf7: {  	[tilespmem:s7], [sflag:$0x3] =	stream.linear.gather [hbm4b:s8+s7], $0x200, $0x38;
	[tilespmem:$0x1EC00] =	vst v63  }
0xf8: {  	s22 =	rddreg [dreg:$0x10]  }
0xf9: {  	[tilespmem:s28], [sflag:$0x3] =	stream.linear.gather [hbm4b:s22+s7], $0x200, $0x38;
	[tilespmem:$0x1EC00] =	vst v63  }
0xfa: {  	_ =	swait.ge [sflag:s29], $0x200  }
0xfb: {  	[sflag:s29] =	ssyncset.done $0x0  }
0xfc: {  	[sflag:s29] =	ssyncadd.s32 $0xFFFFFE00  }
0xfd: {  	_ =	swait.ge [sflag:s29], $0x200  }
0xfe: {  	[sflag:s29] =	ssyncset.done $0x0  }
0xff: {  	s9 =	rddreg [dreg:$0x6];
	[sflag:s29] =	ssyncadd.s32 $0xFFFFFE00  }
0x100: {  	[tilespmem:s23], [sflag:$0x1] =	stream.indirect.gather [hbm4b:s1+s26], $0x80, s7, s26, $0xb8;
	[tilespmem:$0x1EC00] =	vst v63  }
0x101: {  	s10 =	rddreg [dreg:$0x5];
	s8 =	sadd.s32 $0x0, s9  }
0x102: {  	[tilespmem:s30], [sflag:$0x4] =	stream.linear.gather [hbm4b:s8+s4], $0x200, $0x38;
	[tilespmem:$0x1EC00] =	vst v63  }
0x103: {  	s7 =	sadd.s32 $0x0, s10  }
0x104: {  	[tilespmem:s31], [sflag:$0x4] =	stream.linear.gather [hbm4b:s7+s4], $0x200, $0x38;
	[tilespmem:$0x1EC00] =	vst v63  }
0x105: {  	_ = 	snop  }
0x106: {  	[tilespmem:s0], [sflag:$0x2] =	stream.indirect.gather [hbm4b:s1+s26], $0x80, s26, s26, $0xb8;
	[tilespmem:$0x1EC00] =	vst v63  }
0x107: {  	_ =	swait.ge [sflag:s3], $0x4000  }
0x108: {  	[sflag:s3] =	ssyncset.done $0x0  }
0x109: {  	[sflag:s3] =	ssyncadd.s32 $0xFFFFC000  }
0x10a: {  	[spmem:s2] =	stream.indirect.scatter.add.f32 [tilespmem:s23], [sflag:$0x5], $0x80, s28, s26, $0xb8;
	[tilespmem:$0x1EC00] =	vst v63  }
0x10b: {  	_ =	swait.ge [sflag:s24], $0x4000  }
0x10c: {  	[sflag:s24] =	ssyncset.done $0x0  }
0x10d: {  	s21 =	rddreg [dreg:$0x7];
	[sflag:s24] =	ssyncadd.s32 $0xFFFFC000  }
0x10e: {  	[tilespmem:s23], [sflag:$0x1] =	stream.indirect.gather [hbm4b:s1+s26], $0x80, s21, s26, $0xb8;
	[tilespmem:$0x1EC00] =	vst v63  }
0x10f: {  	_ =	swait.ge [sflag:s12], $0x4000  }
0x110: {  	[sflag:s12] =	ssyncset.done $0x0  }
0x111: {  	s22 =	rddreg [dreg:$0x8];
	[sflag:s12] =	ssyncadd.s32 $0xFFFFC000  }
0x112: {  	[spmem:s2] =	stream.indirect.scatter.add.f32 [tilespmem:s0], [sflag:$0x5], $0x80, s22, s26, $0xb8;
	[tilespmem:$0x1EC00] =	vst v63  }
0x113: {  	_ =	swait.ge [sflag:s24], $0x4000  }
0x114: {  	[sflag:s24] =	ssyncset.done $0x0  }
0x115: {  	s8 =	rddreg [dreg:$0x9];
	[sflag:s24] =	ssyncadd.s32 $0xFFFFC000  }
0x116: {  	[tilespmem:s0], [sflag:$0x2] =	stream.indirect.gather [hbm4b:s1+s26], $0x80, s8, s26, $0xb8;
	[tilespmem:$0x1EC00] =	vst v63  }
0x117: {  	_ =	swait.ge [sflag:s3], $0x4000  }
0x118: {  	[sflag:s3] =	ssyncset.done $0x0  }
0x119: {  	s9 =	rddreg [dreg:$0xa];
	[sflag:s3] =	ssyncadd.s32 $0xFFFFC000  }
0x11a: {  	[spmem:s2] =	stream.indirect.scatter.add.f32 [tilespmem:s23], [sflag:$0x5], $0x80, s9, s26, $0xb8;
	[tilespmem:$0x1EC00] =	vst v63  }
0x11b: {  	_ =	swait.ge [sflag:s24], $0x4000  }
0x11c: {  	[sflag:s24] =	ssyncset.done $0x0  }
0x11d: {  	[sflag:s24] =	ssyncadd.s32 $0xFFFFC000  }
0x11e: {  	_ =	swait.ge [sflag:s13], $0x200  }
0x11f: {  	[sflag:s13] =	ssyncset.done $0x0  }
0x120: {  	[sflag:s13] =	ssyncadd.s32 $0xFFFFFE00  }
0x121: {  	_ =	swait.ge [sflag:s13], $0x200  }
0x122: {  	[sflag:s13] =	ssyncset.done $0x0  }
0x123: {  	[sflag:s13] =	ssyncadd.s32 $0xFFFFFE00  }
0x124: {  	[tilespmem:s23], [sflag:$0x1] =	stream.indirect.gather [hbm4b:s1+s26], $0x80, s30, s26, $0xb8;
	[tilespmem:$0x1EC00] =	vst v63  }
0x125: {  	_ =	swait.ge [sflag:s12], $0x4000  }
0x126: {  	[sflag:s12] =	ssyncset.done $0x0  }
0x127: {  	[sflag:s12] =	ssyncadd.s32 $0xFFFFC000  }
0x128: {  	[spmem:s2] =	stream.indirect.scatter.add.f32 [tilespmem:s0], [sflag:$0x5], $0x80, s15, s26, $0xb8;
	[tilespmem:$0x1EC00] =	vst v63  }
0x129: {  	_ =	swait.ge [sflag:s24], $0x4000  }
0x12a: {  	s22 =	rddreg [dreg:$0x19]  }
0x12b: {  	[sflag:s24] =	ssyncset.done $0x0;
	s10 =	sshrl.u32 s22, $0x3  }
0x12c: {  	[sflag:s24] =	ssyncadd.s32 $0xFFFFC000;
	s21 =	sadd.s32 s5, s10  }
0x12d: {  	[tilespmem:s4], [sflag:$0x3] =	stream.linear.gather [hbm4b:s21+s4], $0x200, $0x38;
	[tilespmem:$0x1EC00] =	vst v63  }
0x12e: {  	s7 =	sadd.s32 s6, s10  }
0x12f: {  	[tilespmem:s28], [sflag:$0x3] =	stream.linear.gather [hbm4b:s7+s4], $0x200, $0x38;
	[tilespmem:$0x1EC00] =	vst v63  }
0x130: {  	_ = 	snop  }
0x131: {  	[tilespmem:s0], [sflag:$0x2] =	stream.indirect.gather [hbm4b:s1+s26], $0x80, s25, s26, $0xb8;
	[tilespmem:$0x1EC00] =	vst v63  }
0x132: {  	_ =	swait.ge [sflag:s3], $0x4000  }
0x133: {  	[sflag:s3] =	ssyncset.done $0x0  }
0x134: {  	[sflag:s3] =	ssyncadd.s32 $0xFFFFC000  }
0x135: {  	[spmem:s2] =	stream.indirect.scatter.add.f32 [tilespmem:s23], [sflag:$0x5], $0x80, s31, s26, $0xb8;
	[tilespmem:$0x1EC00] =	vst v63  }
0x136: {  	_ =	swait.ge [sflag:s24], $0x4000  }
0x137: {  	[sflag:s24] =	ssyncset.done $0x0  }
0x138: {  	[sflag:s24] =	ssyncadd.s32 $0xFFFFC000  }
0x139: {  	[tilespmem:s23], [sflag:$0x1] =	stream.indirect.gather [hbm4b:s1+s26], $0x80, s14, s26, $0xb8;
	[tilespmem:$0x1EC00] =	vst v63  }
0x13a: {  	_ =	swait.ge [sflag:s12], $0x4000  }
0x13b: {  	[sflag:s12] =	ssyncset.done $0x0  }
0x13c: {  	[sflag:s12] =	ssyncadd.s32 $0xFFFFC000  }
0x13d: {  	[spmem:s2] =	stream.indirect.scatter.add.f32 [tilespmem:s0], [sflag:$0x5], $0x80, s16, s26, $0xb8;
	[tilespmem:$0x1EC00] =	vst v63  }
0x13e: {  	_ =	swait.ge [sflag:s24], $0x4000  }
0x13f: {  	[sflag:s24] =	ssyncset.done $0x0  }
0x140: {  	[sflag:s24] =	ssyncadd.s32 $0xFFFFC000  }
0x141: {  	[tilespmem:s0], [sflag:$0x2] =	stream.indirect.gather [hbm4b:s1+s26], $0x80, s17, s26, $0xb8;
	[tilespmem:$0x1EC00] =	vst v63  }
0x142: {  	_ =	swait.ge [sflag:s3], $0x4000  }
0x143: {  	[sflag:s3] =	ssyncset.done $0x0  }
0x144: {  	[sflag:s3] =	ssyncadd.s32 $0xFFFFC000  }
0x145: {  	[spmem:s2] =	stream.indirect.scatter.add.f32 [tilespmem:s23], [sflag:$0x5], $0x80, s18, s26, $0xb8;
	[tilespmem:$0x1EC00] =	vst v63  }
0x146: {  	_ =	swait.ge [sflag:s24], $0x4000  }
0x147: {  	[sflag:s24] =	ssyncset.done $0x0  }
0x148: {  	[sflag:s24] =	ssyncadd.s32 $0xFFFFC000  }
0x149: {  	_ =	swait.ge [sflag:s29], $0x200  }
0x14a: {  	[sflag:s29] =	ssyncset.done $0x0  }
0x14b: {  	[sflag:s29] =	ssyncadd.s32 $0xFFFFFE00  }
0x14c: {  	_ =	swait.ge [sflag:s29], $0x200  }
0x14d: {  	[sflag:s29] =	ssyncset.done $0x0  }
0x14e: {  	[sflag:s29] =	ssyncadd.s32 $0xFFFFFE00  }
0x14f: {  	[tilespmem:s23], [sflag:$0x1] =	stream.indirect.gather [hbm4b:s1+s26], $0x80, s4, s26, $0xb8;
	[tilespmem:$0x1EC00] =	vst v63  }
0x150: {  	_ =	swait.ge [sflag:s12], $0x4000  }
0x151: {  	[sflag:s12] =	ssyncset.done $0x0  }
0x152: {  	[sflag:s12] =	ssyncadd.s32 $0xFFFFC000  }
0x153: {  	[spmem:s2] =	stream.indirect.scatter.add.f32 [tilespmem:s0], [sflag:$0x5], $0x80, s19, s26, $0xb8;
	[tilespmem:$0x1EC00] =	vst v63  }
0x154: {  	s21 =	simm.s32 $0x80;
	_ =	swait.ge [sflag:s24], $0x4000  }
0x155: {  	s7 =	simm.s32 $0x100;
	s8 =	rddreg [dreg:$0x6];
	[sflag:s24] =	ssyncset.done $0x0  }
.LBB2_5:
0x156: {  	[sflag:s24] =	ssyncadd.s32 $0xFFFFC000;
	s9 =	rddreg [dreg:$0x5];
	s8 =	sadd.s32 s21, s8  }
0x157: {  	[tilespmem:s30], [sflag:$0x4] =	stream.linear.gather [hbm4b:s8+s4], $0x200, $0x38;
	[tilespmem:$0x1EC00] =	vst v63  }
0x158: {  	s9 =	sadd.s32 s21, s9  }
0x159: {  	[tilespmem:s31], [sflag:$0x4] =	stream.linear.gather [hbm4b:s9+s4], $0x200, $0x38;
	[tilespmem:$0x1EC00] =	vst v63  }
0x15a: {  	_ = 	snop  }
0x15b: {  	[tilespmem:s0], [sflag:$0x2] =	stream.indirect.gather [hbm4b:s1+s26], $0x80, s26, s26, $0xb8;
	[tilespmem:$0x1EC00] =	vst v63  }
0x15c: {  	_ =	swait.ge [sflag:s3], $0x4000  }
0x15d: {  	[sflag:s3] =	ssyncset.done $0x0  }
0x15e: {  	[sflag:s3] =	ssyncadd.s32 $0xFFFFC000  }
0x15f: {  	[spmem:s2] =	stream.indirect.scatter.add.f32 [tilespmem:s23], [sflag:$0x5], $0x80, s28, s26, $0xb8;
	[tilespmem:$0x1EC00] =	vst v63  }
0x160: {  	_ =	swait.ge [sflag:s24], $0x4000  }
0x161: {  	s10 =	smov.u32 s7;
	[sflag:s24] =	ssyncset.done $0x0  }
0x162: {  	s21 =	smov.u32 s10;
	s10 =	rddreg [dreg:$0x7];
	[sflag:s24] =	ssyncadd.s32 $0xFFFFC000  }
0x163: {  	[tilespmem:s23], [sflag:$0x1] =	stream.indirect.gather [hbm4b:s1+s26], $0x80, s10, s26, $0xb8;
	[tilespmem:$0x1EC00] =	vst v63  }
0x164: {  	_ =	swait.ge [sflag:s12], $0x4000  }
0x165: {  	[sflag:s12] =	ssyncset.done $0x0  }
0x166: {  	s9 =	rddreg [dreg:$0x8];
	[sflag:s12] =	ssyncadd.s32 $0xFFFFC000  }
0x167: {  	[spmem:s2] =	stream.indirect.scatter.add.f32 [tilespmem:s0], [sflag:$0x5], $0x80, s9, s26, $0xb8;
	[tilespmem:$0x1EC00] =	vst v63  }
0x168: {  	_ =	swait.ge [sflag:s24], $0x4000  }
0x169: {  	[sflag:s24] =	ssyncset.done $0x0  }
0x16a: {  	s10 =	rddreg [dreg:$0x9];
	[sflag:s24] =	ssyncadd.s32 $0xFFFFC000  }
0x16b: {  	[tilespmem:s0], [sflag:$0x2] =	stream.indirect.gather [hbm4b:s1+s26], $0x80, s10, s26, $0xb8;
	[tilespmem:$0x1EC00] =	vst v63  }
0x16c: {  	_ =	swait.ge [sflag:s3], $0x4000  }
0x16d: {  	[sflag:s3] =	ssyncset.done $0x0  }
0x16e: {  	s9 =	rddreg [dreg:$0xa];
	[sflag:s3] =	ssyncadd.s32 $0xFFFFC000  }
0x16f: {  	[spmem:s2] =	stream.indirect.scatter.add.f32 [tilespmem:s23], [sflag:$0x5], $0x80, s9, s26, $0xb8;
	[tilespmem:$0x1EC00] =	vst v63  }
0x170: {  	_ =	swait.ge [sflag:s24], $0x4000  }
0x171: {  	[sflag:s24] =	ssyncset.done $0x0  }
0x172: {  	[sflag:s24] =	ssyncadd.s32 $0xFFFFC000  }
0x173: {  	_ =	swait.ge [sflag:s13], $0x200  }
0x174: {  	[sflag:s13] =	ssyncset.done $0x0  }
0x175: {  	[sflag:s13] =	ssyncadd.s32 $0xFFFFFE00  }
0x176: {  	_ =	swait.ge [sflag:s13], $0x200  }
0x177: {  	[sflag:s13] =	ssyncset.done $0x0  }
0x178: {  	[sflag:s13] =	ssyncadd.s32 $0xFFFFFE00  }
0x179: {  	[tilespmem:s23], [sflag:$0x1] =	stream.indirect.gather [hbm4b:s1+s26], $0x80, s30, s26, $0xb8;
	[tilespmem:$0x1EC00] =	vst v63  }
0x17a: {  	_ =	swait.ge [sflag:s12], $0x4000  }
0x17b: {  	[sflag:s12] =	ssyncset.done $0x0  }
0x17c: {  	[sflag:s12] =	ssyncadd.s32 $0xFFFFC000  }
0x17d: {  	[spmem:s2] =	stream.indirect.scatter.add.f32 [tilespmem:s0], [sflag:$0x5], $0x80, s15, s26, $0xb8;
	[tilespmem:$0x1EC00] =	vst v63  }
0x17e: {  	s22 =	sadd.s32 $0x400, s22;
	_ =	swait.ge [sflag:s24], $0x4000  }
0x17f: {  	s8 =	sshrl.u32 s22, $0x3;
	[sflag:s24] =	ssyncset.done $0x0  }
0x180: {  	s10 =	sadd.s32 s5, s8;
	[sflag:s24] =	ssyncadd.s32 $0xFFFFC000  }
0x181: {  	[tilespmem:s4], [sflag:$0x3] =	stream.linear.gather [hbm4b:s10+s4], $0x200, $0x38;
	[tilespmem:$0x1EC00] =	vst v63  }
0x182: {  	s8 =	sadd.s32 s6, s8  }
0x183: {  	[tilespmem:s28], [sflag:$0x3] =	stream.linear.gather [hbm4b:s8+s4], $0x200, $0x38;
	[tilespmem:$0x1EC00] =	vst v63  }
0x184: {  	_ = 	snop  }
0x185: {  	[tilespmem:s0], [sflag:$0x2] =	stream.indirect.gather [hbm4b:s1+s26], $0x80, s25, s26, $0xb8;
	[tilespmem:$0x1EC00] =	vst v63  }
0x186: {  	_ =	swait.ge [sflag:s3], $0x4000  }
0x187: {  	[sflag:s3] =	ssyncset.done $0x0  }
0x188: {  	[sflag:s3] =	ssyncadd.s32 $0xFFFFC000  }
0x189: {  	[spmem:s2] =	stream.indirect.scatter.add.f32 [tilespmem:s23], [sflag:$0x5], $0x80, s31, s26, $0xb8;
	[tilespmem:$0x1EC00] =	vst v63  }
0x18a: {  	_ =	swait.ge [sflag:s24], $0x4000  }
0x18b: {  	[sflag:s24] =	ssyncset.done $0x0  }
0x18c: {  	[sflag:s24] =	ssyncadd.s32 $0xFFFFC000  }
0x18d: {  	[tilespmem:s23], [sflag:$0x1] =	stream.indirect.gather [hbm4b:s1+s26], $0x80, s14, s26, $0xb8;
	[tilespmem:$0x1EC00] =	vst v63  }
0x18e: {  	_ =	swait.ge [sflag:s12], $0x4000  }
0x18f: {  	[sflag:s12] =	ssyncset.done $0x0  }
0x190: {  	[sflag:s12] =	ssyncadd.s32 $0xFFFFC000  }
0x191: {  	[spmem:s2] =	stream.indirect.scatter.add.f32 [tilespmem:s0], [sflag:$0x5], $0x80, s16, s26, $0xb8;
	[tilespmem:$0x1EC00] =	vst v63  }
0x192: {  	_ =	swait.ge [sflag:s24], $0x4000  }
0x193: {  	[sflag:s24] =	ssyncset.done $0x0  }
0x194: {  	[sflag:s24] =	ssyncadd.s32 $0xFFFFC000  }
0x195: {  	[tilespmem:s0], [sflag:$0x2] =	stream.indirect.gather [hbm4b:s1+s26], $0x80, s17, s26, $0xb8;
	[tilespmem:$0x1EC00] =	vst v63  }
0x196: {  	_ =	swait.ge [sflag:s3], $0x4000  }
0x197: {  	[sflag:s3] =	ssyncset.done $0x0  }
0x198: {  	[sflag:s3] =	ssyncadd.s32 $0xFFFFC000  }
0x199: {  	[spmem:s2] =	stream.indirect.scatter.add.f32 [tilespmem:s23], [sflag:$0x5], $0x80, s18, s26, $0xb8;
	[tilespmem:$0x1EC00] =	vst v63  }
0x19a: {  	_ =	swait.ge [sflag:s24], $0x4000  }
0x19b: {  	[sflag:s24] =	ssyncset.done $0x0  }
0x19c: {  	[sflag:s24] =	ssyncadd.s32 $0xFFFFC000  }
0x19d: {  	_ =	swait.ge [sflag:s29], $0x200  }
0x19e: {  	[sflag:s29] =	ssyncset.done $0x0  }
0x19f: {  	[sflag:s29] =	ssyncadd.s32 $0xFFFFFE00  }
0x1a0: {  	_ =	swait.ge [sflag:s29], $0x200  }
0x1a1: {  	[sflag:s29] =	ssyncset.done $0x0  }
0x1a2: {  	[sflag:s29] =	ssyncadd.s32 $0xFFFFFE00  }
0x1a3: {  	[tilespmem:s23], [sflag:$0x1] =	stream.indirect.gather [hbm4b:s1+s26], $0x80, s4, s26, $0xb8;
	[tilespmem:$0x1EC00] =	vst v63  }
0x1a4: {  	p1 =	sne.s32 s7, $0x980;
	_ =	swait.ge [sflag:s12], $0x4000  }
.Ltmp8:
0x1a5: {  	[sflag:s12] =	ssyncset.done $0x0;
	(pc) =	sbr.rel @p1 .LBB2_5-.Ltmp8, $4  }
0x1a6: {  	[sflag:s12] =	ssyncadd.s32 $0xFFFFC000  }
0x1a7: {  	[spmem:s2] =	stream.indirect.scatter.add.f32 [tilespmem:s0], [sflag:$0x5], $0x80, s19, s26, $0xb8;
	[tilespmem:$0x1EC00] =	vst v63  }
0x1a8: {  	_ =	swait.ge [sflag:s24], $0x4000  }
0x1a9: {  	s7 =	sadd.s32 $0x80, s7;
	s8 =	rddreg [dreg:$0x6];
	[sflag:s24] =	ssyncset.done $0x0  }
.Ltmp9:
0x1aa: {  	_ = 	snop;
	(pc) =	sbr.rel .LBB2_6-.Ltmp9, $1  }
0x1ab: {  	_ =	sdelay $0x3  }
.LBB2_15:
0x1ac: {  	_ =	sfence.sel $0x180000  }
0x1ad: {  	[bflag:$0x0] =	sbarrier.arrive $0xFFFF  }
0x1ae: {  	_ =	strace $0x90000047  }
0x1af: {  	s0 =	stileid.u32;
	[bflag:$0x2] =	sbarrier.arrive $0xFFFF  }
0x1b0: {  	p0 =	sne.s32 s0, $0x0;
	s0 =	rddreg [dreg:$0x4]  }
0x1b1: {  	s0 =	sadd.s32 @!p0 $0x100000, s0  }
0x1b2: {  	[sflag:s0] =	ssyncadd.tile.s32 @!p0 $0x1;
	_ =	shalt  }
.Lfunc_end2:
_tile_overlayer_lowered:
.L_overlay_start_2:
0x1b3: {  	(tag) =	ssettag $0x2  }
0x1b4: {  	s0 =	rddreg [dreg:$0x0];
	s2 =	stileid.u32  }
0x1b5: {  	s1 =	rddreg [dreg:$0x1];
	p0 =	sne.s32 s2, $0x0  }
0x1b6: {  	s3 =	rddreg [dreg:$0x2];
	[bflag:$0x3] =	sbarrier.arrive $0xFFFF;
	s2 =	simm.s32 @!p0 $0x1C05  }
0x1b7: {  	[timem:s3], [sflag:s2] =	dma.local @!p0 [hbm:s0], s1  }
0x1b8: {  	s0 =	simm.s32 @!p0 $0x5  }
0x1b9: {  	_ =	swait.ge @!p0 [sflag:s0], s1  }
0x1ba: {  	s1 =	ssub.s32 @!p0 $0x0, s1;
	[sflag:s0] =	ssyncset.done @!p0 $0x0  }
0x1bb: {  	[sflag:s0] =	ssyncadd.s32 @!p0 s1  }
0x1bc: {  	[bflag:$0x3] =	sbarrier.arrive $0xFFFF  }
0x1bd: {  	_ =	shalt  }

// kernel: kernel.14.cloned.1.call-start
scs
__scs_entry_jumppad:
0x0: {  	(pc) =	sbr.rel $0x88, $3  }
0x1: {  	(tag) =	ssettag $0x0;
	lr =	simm.s32 $0x1  }
0x2: {  	[smem:$0x3F93] =	sst lr;
	_ =	strace $0xD0000000  }
0x3: {  	_ = 	snop  }
0x4: {  	_ = 	snop  }
0x5: {  	_ = 	snop  }
0x6: {  	_ = 	snop  }
0x7: {  	_ = 	snop  }
__scs_overlays_trampoline_lowered:
0x8: {  	[smem:$0x3FA2] =	sst s0  }
0x9: {  	[smem:$0x3FA3] =	sst s1  }
0xa: {  	[smem:$0x3FA4] =	sst s2  }
0xb: {  	[smem:$0x3FA5] =	sst s3  }
0xc: {  	[smem:$0x3FA6] =	sst s4  }
0xd: {  	[smem:$0x3FA7] =	sst s5  }
0xe: {  	[smem:$0x3FA8] =	sst s6  }
0xf: {  	[smem:$0x3FA9] =	sst s7  }
0x10: {  	[smem:$0x3FAA] =	sst s8  }
0x11: {  	[smem:$0x3FAB] =	sst s9;
	s0 =	simm.s32 @!p0 $0x0  }
0x12: {  	s1 =	sld [smem:$0x3F91];
	s0 =	simm.s32 @p0 $0x1  }
0x13: {  	[smem:$0x3FAC] =	sst s0;
	s0 =	simm.s32 @!p1 $0x0  }
0x14: {  	s2 =	sld [smem:$0x3F90];
	s0 =	simm.s32 @p1 $0x1  }
0x15: {  	[smem:$0x3FAD] =	sst s0;
	s0 =	simm.s32 @!p2 $0x0  }
0x16: {  	s3 =	sld [smem:$0x3FDB];
	s0 =	simm.s32 @p2 $0x1  }
0x17: {  	s4 =	simm.s32 $0x1BF5;
	[smem:$0x3FAF] =	sst s0  }
0x18: {  	s0 =	sld [smem:$0x3F92];
	_ =	swait.ge [sflag:s4], $0x0  }
0x19: {  	s7 =	sld [smem:$0x3F93]  }
0x1a: {  	s8 =	sadd.s32 $0xFFFFE003, lr  }
0x1b: {  	s9 =	sadd.s32 $0xFFFFFEF7, lr;
	s5 =	simm.s32 $0xFFFFFFFF;
	p2 =	slt.u32 s8, $0xFFFFF086  }
0x1c: {  	p1 =	slt.u32 s9, $0xF7A;
	s5 =	simm.s32 @!p2 $0x0  }
0x1d: {  	s5 =	simm.s32 @p1 $0x1;
	p0 =	seq.s32 s7, s2  }
0x1e: {  	s7 =	smul.u32 @!p0 $0xF7A, s2;
	p2 =	seq.s32 @!p0 s5, $0x0  }
0x1f: {  	s9 =	smul.u32 $0xF7A, s1;
	s8 =	simm.s32 @!p0 $0x1BF5;
	p2 =	por !p2, p0  }
0x20: {  	[sflag:s8] =	ssyncset.s32 @!p0 $0xFFFFF086;
	s6 =	sadd.s32 @!p0 s3, s7;
	s7 =	simm.s32 @!p0 $0x108  }
0x21: {  	s3 =	sadd.s32 s3, s9;
	s6 =	sadd.s32 @!p0 $0x88, s6;
	s7 =	simm.s32 @p2 $0x1082  }
0x22: {  	[simem:s7], [sflag:s8] =	dma.local @!p0 [hbm:s6], $0xF7A  }
0x23: {  	s9 =	sor.u32 $0xD0000000, s2;
	s6 =	simm.s32 $0x108;
	_ =	swait.ge @!p0 [sflag:s8], $0x0  }
0x24: {  	s3 =	sadd.s32 $0x88, s3;
	s6 =	simm.s32 @!p1 $0x1082;
	[sflag:s4] =	ssyncset.s32 $0xFFFFF086  }
0x25: {  	[simem:s6], [sflag:s4] =	dma.local [hbm:s3], $0xF7A  }
0x26: {  	[smem:$0x3F93] =	sst s1;
	(tag) =	ssettag s2;
	_ =	strace s9  }
0x27: {  	s1 =	sld [smem:$0x3FA3]  }
0x28: {  	s2 =	sld [smem:$0x3FA4]  }
0x29: {  	s4 =	sld [smem:$0x3FA6]  }
0x2a: {  	p0 =	seq.s32 s5, $0x0;
	s5 =	sld [smem:$0x3FA7]  }
0x2b: {  	s6 =	sld [smem:$0x3FA8]  }
0x2c: {  	s7 =	sld [smem:$0x3FA9]  }
0x2d: {  	s3 =	simm.s32 $0x108;
	s8 =	sld [smem:$0x3FAA]  }
0x2e: {  	s3 =	simm.s32 @!p0 $0x1082;
	s9 =	sld [smem:$0x3FAB]  }
0x2f: {  	lr =	sadd.s32 s0, s3;
	s0 =	sld [smem:$0x3FA2]  }
0x30: {  	s3 =	sld [smem:$0x3FA5]  }
0x31: {  	[smem:$0x3FAE] =	sst s10  }
0x32: {  	s10 =	sld [smem:$0x3FAC];
	_ =	sdelay $0x3  }
0x33: {  	p0 =	seq.s32 s10, $0x1;
	s10 =	sld [smem:$0x3FAE];
	_ =	sdelay $0x3  }
0x34: {  	[smem:$0x3FAE] =	sst s10  }
0x35: {  	s10 =	sld [smem:$0x3FAD];
	_ =	sdelay $0x3  }
0x36: {  	p1 =	seq.s32 s10, $0x1;
	s10 =	sld [smem:$0x3FAE];
	_ =	sdelay $0x3  }
0x37: {  	[smem:$0x3FAE] =	sst s10  }
0x38: {  	s10 =	sld [smem:$0x3FAF]  }
0x39: {  	_ = 	snop;
	(pc) =	sbr.ind lr, $3  }
0x3a: {  	_ = 	snop  }
0x3b: {  	_ = 	snop  }
0x3c: {  	p2 =	seq.s32 s10, $0x1;
	s10 =	sld [smem:$0x3FAE]  }
0x3d: {  	_ =	shalt  }
0x3e: {  	_ =	shalt  }
0x3f: {  	_ =	shalt  }
0x40: {  	_ =	shalt  }
0x41: {  	_ =	shalt  }
0x42: {  	_ =	shalt  }
0x43: {  	_ =	shalt  }
0x44: {  	_ =	shalt  }
0x45: {  	_ =	shalt  }
0x46: {  	_ =	shalt  }
0x47: {  	_ =	shalt  }
0x48: {  	_ =	shalt  }
0x49: {  	_ =	shalt  }
0x4a: {  	_ =	shalt  }
0x4b: {  	_ =	shalt  }
0x4c: {  	_ =	shalt  }
0x4d: {  	_ =	shalt  }
0x4e: {  	_ =	shalt  }
0x4f: {  	_ =	shalt  }
0x50: {  	_ =	shalt  }
0x51: {  	_ =	shalt  }
0x52: {  	_ =	shalt  }
0x53: {  	_ =	shalt  }
0x54: {  	_ =	shalt  }
0x55: {  	_ =	shalt  }
0x56: {  	_ =	shalt  }
0x57: {  	_ =	shalt  }
0x58: {  	_ =	shalt  }
0x59: {  	_ =	shalt  }
0x5a: {  	_ =	shalt  }
0x5b: {  	_ =	shalt  }
0x5c: {  	_ =	shalt  }
0x5d: {  	_ =	shalt  }
0x5e: {  	_ =	shalt  }
0x5f: {  	_ =	shalt  }
0x60: {  	_ =	shalt  }
0x61: {  	_ =	shalt  }
0x62: {  	_ =	shalt  }
0x63: {  	_ =	shalt  }
0x64: {  	_ =	shalt  }
0x65: {  	_ =	shalt  }
0x66: {  	_ =	shalt  }
0x67: {  	_ =	shalt  }
0x68: {  	_ =	shalt  }
0x69: {  	_ =	shalt  }
0x6a: {  	_ =	shalt  }
0x6b: {  	_ =	shalt  }
0x6c: {  	_ =	shalt  }
0x6d: {  	_ =	shalt  }
0x6e: {  	_ =	shalt  }
0x6f: {  	_ =	shalt  }
0x70: {  	_ =	shalt  }
0x71: {  	_ =	shalt  }
0x72: {  	_ =	shalt  }
0x73: {  	_ =	shalt  }
0x74: {  	_ =	shalt  }
0x75: {  	_ =	shalt  }
0x76: {  	_ =	shalt  }
0x77: {  	_ =	shalt  }
0x78: {  	_ =	shalt  }
0x79: {  	_ =	shalt  }
0x7a: {  	_ =	shalt  }
0x7b: {  	_ =	shalt  }
0x7c: {  	_ =	shalt  }
0x7d: {  	_ =	shalt  }
0x7e: {  	_ =	shalt  }
0x7f: {  	_ =	shalt  }
0x80: {  	_ =	shalt  }
0x81: {  	_ =	shalt  }
0x82: {  	_ =	shalt  }
0x83: {  	_ =	shalt  }
0x84: {  	_ =	shalt  }
0x85: {  	_ =	shalt  }
0x86: {  	_ =	shalt  }
0x87: {  	_ =	shalt  }
.Lfunc_end0:
.L_simem_size_0:
called_computation.1_lowered:
.L_overlay_start_0:
0x88: {  	s2 =	sld [smem:$0x3FD9]  }
0x89: {  	s3 =	sld [smem:$0x3FFE];
	_ =	sdelay $0x1  }
0x8a: {  	s1 =	srdreg.scid  }
0x8b: {  	s0 =	sand.u32 $0x1, s1  }
0x8c: {  	s17 =	sshll.u32 s0, $0xA;
	s2 =	sadd.s32 s3, s2  }
0x8d: {  	s2 =	sadd.s32 s2, s17  }
0x8e: {  	[smem:$0x3FBA] =	sst s2  }
0x8f: {  	_ = 	snop  }
0x90: {  	s2 =	sld [smem:$0x3FD0];
	(tm) =	ssettm $0x1  }
0x91: {  	s18 =	sld [smem:$0x3FFB];
	_ =	sdelay $0x3  }
0x92: {  	_ =	strace s18  }
0x93: {  	s3 =	sld [smem:$0x3FFC];
	_ =	sdelay $0x3  }
0x94: {  	_ =	strace s3  }
0x95: {  	s3 =	sld [smem:$0x3FFD];
	_ =	sdelay $0x3  }
0x96: {  	_ =	strace s3  }
0x97: {  	_ =	strace $0x8FFFFFFF  }
0x98: {  	s19 =	sld [smem:$0x3FDB];
	_ =	sdelay $0x1  }
0x99: {  	s4 =	simm.s32 $_scs_section_size  }
0x9a: {  	s5 =	simm.s32 $_size__tile_overlayer_lowered;
	s6 =	simm.s32 $_tile_overlayer_lowered  }
0x9b: {  	s22 =	simm.s32 $0x1BFF;
	s21 =	sshll.u32 s6, $0x1;
	s3 =	sadd.s32 s4, s19  }
0x9c: {  	s7 =	simm.s32 $0x0;
	s20 =	sshll.u32 s5, $0x1;
	s5 =	sadd.s32 s21, s3  }
0x9d: {  	[timem:s7], [sflag:s22] =	dma.local [hbm:s5], s20  }
0x9e: {  	_ =	swait.ge [sflag:s22], s20  }
0x9f: {  	s4 =	ssub.s32 $0x0, s20;
	[sflag:s22] =	ssyncset.done $0x0  }
0xa0: {  	[sflag:s22] =	ssyncadd.s32 s4;
	_ =	sdelay $0x1  }
0xa1: {  	s23 =	simm.s32 $0x1B8B  }
0xa2: {  	_ =	swait.ge [sflag:s23], $0x1  }
0xa3: {  	[sflag:s23] =	ssyncset.done $0x0  }
0xa4: {  	s25 =	simm.s32 $0x1B8E;
	s24 =	sld [smem:$0x3FFE];
	[sflag:s23] =	ssyncadd.s32 $0xFFFFFFFF  }
0xa5: {  	s26 =	simm.s32 $execute0_lowered;
	[smem:$0x3FD2] =	sst s25  }
0xa6: {  	s5 =	sshll.u32 s26, $0x1;
	_ =	strace $0x80000049;
	[dreg:$0x1] =	wrdreg $0xFFFFFFFF  }
0xa7: {  	s28 =	simm.s32 $_size_execute0_lowered;
	s3 =	sadd.s32 s3, s5;
	[dreg:$0x0] =	wrdreg $0x0  }
0xa8: {  	s5 =	sshll.u32 s28, $0x1;
	[dreg:$0x2] =	wrdreg s3  }
0xa9: {  	[dreg:$0x3] =	wrdreg s5  }
0xaa: {  	[dreg:$0x4] =	wrdreg $0xC0  }
0xab: {  	_ =	task [dreg:s7], $0x5FFFF  }
0xac: {  	[dreg:$0x1] =	wrdreg $0xFFFFFFFF  }
0xad: {  	[dreg:$0x0] =	wrdreg $0x60  }
0xae: {  	[dreg:$0x2] =	wrdreg s2  }
0xaf: {  	[dreg:$0x3] =	wrdreg s24  }
0xb0: {  	[dreg:$0x4] =	wrdreg $0x88000  }
0xb1: {  	[dreg:$0x5] =	wrdreg $0x9  }
0xb2: {  	_ =	task.clear_ibuf [dreg:s7], $0x6FFFF;
	_ =	strace $0x90000049  }
0xb3: {  	s29 =	simm.s32 $0x9;
	_ =	strace $0x8000004B  }
0xb4: {  	_ =	swait.ge [sflag:s29], $0x1  }
0xb5: {  	[sflag:s29] =	ssyncadd.s32 $0xFFFFFFFF  }
0xb6: {  	_ =	strace $0x9000004B  }
0xb7: {  	_ =	sfence  }
0xb8: {  	s30 =	sld [smem:$0x0];
	_ =	sdelay $0x2  }
0xb9: {  	s31 =	sshll.u32 s1, $0xD;
	s1 =	sshrl.u32 s1, $0x2  }
0xba: {  	s3 =	sand.u32 $0x4000, s31;
	s1 =	sadd.s32 s1, s30  }
0xbb: {  	s0 =	sor.u32 s3, s0;
	s1 =	sshll.u32 s1, $0x11  }
0xbc: {  	s0 =	sor.u32 s1, s0  }
0xbd: {  	s0 =	sadd.s32 $0x8F2B, s0  }
0xbe: {  	[sflag:s0] =	ssyncadd.remote.s32 $0x1  }
0xbf: {  	_ =	sfence.sel $0xFFFF  }
0xc0: {  	[dreg:$0x0] =	wrdreg $0xFFFFFFFF;
	(pc) =	sbr.abs _section_cstart, $3  }
0xc1: {  	[dreg:$0x1] =	wrdreg $0xFFFFFFFF  }
0xc2: {  	_ =	task.clear_ibuf [dreg:s7], $0x2FFFF;
	_ =	strace $0x9FFFFFFF  }
0xc3: {  	(tm) =	ssettm $0x7FFFFFFF  }
tec
execute0_lowered:
.L_overlay_start_1:
0x0: {  	(tag) =	ssettag $0x1  }
0x1: {  	s1 =	rddreg [dreg:$0x0]  }
0x2: {  	s0 =	rddreg [dreg:$0x1]  }
0x3: {  	s2 =	rddreg [dreg:$0x2];
	s3 =	simm.s32 $0x0;
	s4 =	srdreg.scid  }
0x4: {  	s10 =	stileid.u32;
	s28 =	simm.s32 $0x600;
	s29 =	simm.s32 $0x4800  }
0x5: {  	s30 =	simm.s32 $0x1;
	s31 =	simm.s32 $0x2;
	s8 =	smul.u32 $0x4F000, s10  }
0x6: {  	[smem:$0x7FF] =	sst s3;
	s5 =	sadd.s32 $0x17600, s0;
	s12 =	smul.u32 $0x13C00, s10  }
0x7: {  	s4 =	sand.u32 $0x1, s4;
	s6 =	sadd.s32 $0x2E00, s0;
	s23 =	smul.u32 $0x5200, s10  }
0x8: {  	s0 =	sadd.s32 $0x2BE00, s0;
	_ =	strace $0x8000004A;
	s15 =	smul.u32 $0x13C000, s4  }
0x9: {  	s7 =	ssub.s32 $0x2, s4;
	s25 =	sshll.u32 s4, $0x4;
	s22 =	smul.u32 $0x52000, s4  }
0xa: {  	p0 =	sne.s32 s4, $0x0;
	s4 =	simm.s32 $0x580;
	s9 =	sshrl.u32 s7, $0x1  }
0xb: {  	s8 =	sshrl.u32 s8, $0x2;
	s26 =	sadd.s32 $0x4000, s12;
	s13 =	sadd.s32 $0x8000, s12  }
0xc: {  	s20 =	sadd.s32 $0xC000, s12;
	s21 =	sadd.s32 $0x10000, s12;
	s7 =	ssub.s32 s7, s9  }
0xd: {  	s9 =	sor.u32 s10, s25;
	s14 =	sadd.s32 s8, s2;
	s19 =	sadd.s32 s26, s2  }
0xe: {  	s18 =	sadd.s32 s13, s2;
	s16 =	sadd.s32 s20, s2;
	s12 =	sadd.s32 s12, s15  }
0xf: {  	s8 =	sadd.s32 s15, s26;
	s13 =	sadd.s32 s15, s13;
	[dreg:$0xc] =	wrdreg s18  }
0x10: {  	s26 =	sadd.s32 s23, s22;
	s23 =	simm.s32 $0x100;
	[dreg:$0xd] =	wrdreg s16  }
0x11: {  	s11 =	smul.u32 $0x5200, s9;
	s7 =	smax.u32 s7, $0x1;
	[dreg:$0x6] =	wrdreg s23  }
0x12: {  	s10 =	smov.u32 s19;
	s22 =	sadd.s32 $0x400, s26;
	[dreg:$0x15] =	wrdreg s7  }
0x13: {  	s19 =	sadd.s32 $0x200, s26;
	s26 =	simm.s32 $0x500;
	[dreg:$0x16] =	wrdreg s22  }
0x14: {  	s9 =	smov.u32 s14;
	s12 =	sshrl.u32 s12, $0x3;
	[dreg:$0x9] =	wrdreg s26  }
0x15: {  	s8 =	sshrl.u32 s8, $0x3;
	s24 =	sshrl.u32 s13, $0x3;
	[dreg:$0xa] =	wrdreg s9  }
0x16: {  	s23 =	simm.s32 $0x400;
	s12 =	sadd.s32 s0, s12;
	[dreg:$0xb] =	wrdreg s10  }
0x17: {  	s16 =	simm.s32 $0x700;
	s8 =	sadd.s32 s0, s8;
	[dreg:$0x10] =	wrdreg s12  }
0x18: {  	s25 =	sadd.s32 s0, s24;
	s14 =	sshrl.u32 s19, $0x3;
	[dreg:$0x11] =	wrdreg s8  }
0x19: {  	s24 =	simm.s32 $0x480;
	s22 =	simm.s32 $0x5;
	[dreg:$0x12] =	wrdreg s25  }
0x1a: {  	s17 =	sshrl.u32 s11, $0x3;
	[dreg:$0x7] =	wrdreg s24;
	s25 =	simm.s32 $0x180  }
0x1b: {  	s26 =	simm.s32 $0x200;
	s18 =	sadd.s32 s5, s17;
	[dreg:$0x8] =	wrdreg s25  }
0x1c: {  	s11 =	sadd.s32 s21, s2;
	s17 =	sadd.s32 s6, s17;
	[dreg:$0xe] =	wrdreg s18  }
0x1d: {  	s24 =	simm.s32 $0x3;
	s25 =	simm.s32 $0x80;
	[dreg:$0xf] =	wrdreg s17  }
0x1e: {  	s17 =	sadd.s32 s15, s20;
	s18 =	sadd.s32 s15, s21;
	s20 =	sadd.s32 s14, s6  }
0x1f: {  	s21 =	sadd.s32 s14, s5;
	s14 =	simm.s32 $0x680;
	s15 =	simm.s32 $0x380  }
.Ltmp0:
0x20: {  	s12 =	sshrl.u32 s17, $0x3;
	[dreg:$0x4] =	wrdreg s20;
	(pc) =	sbr.rel .LBB2_1-.Ltmp0, $4  }
0x21: {  	s13 =	sshrl.u32 s18, $0x3;
	[dreg:$0x5] =	wrdreg s21;
	s21 =	simm.s32 $0x800  }
0x22: {  	s17 =	simm.s32 $0x780;
	s18 =	simm.s32 $0x0;
	s12 =	sadd.s32 s0, s12  }
0x23: {  	s0 =	sadd.s32 s0, s13;
	s13 =	simm.s32 $0x300;
	[dreg:$0x13] =	wrdreg s12  }
0x24: {  	v0 =	vimm.f32 $0.0e+00;
	[dreg:$0x14] =	wrdreg s0;
	s0 =	simm.s32 $0x4;
	s12 =	simm.s32 $0x280  }
.LBB2_6:
0x25: {  	s7 =	rddreg [dreg:$0x4];
	[sflag:s22] =	ssyncadd.s32 $0xFFFFC000;
	s8 =	sadd.s32 s19, s8  }
0x26: {  	[tilespmem:s26], [sflag:$0x4] =	stream.linear.gather [hbm4b:s8+s3], $0x200, $0x38;
	[tilespmem:$0x1C400] =	vst v63  }
0x27: {  	s7 =	sadd.s32 s19, s7  }
0x28: {  	[tilespmem:s28], [sflag:$0x4] =	stream.linear.gather [hbm4b:s7+s3], $0x200, $0x38;
	[tilespmem:$0x1C400] =	vst v63  }
0x29: {  	_ = 	snop  }
0x2a: {  	[tilespmem:s29], [sflag:$0x2] =	stream.indirect.gather [hbm4b:s1+s25], $0x80, s25, s25, $0xb8;
	[tilespmem:$0x1C400] =	vst v63  }
0x2b: {  	_ =	swait.ge [sflag:s30], $0x4000  }
0x2c: {  	[sflag:s30] =	ssyncset.done $0x0  }
0x2d: {  	[sflag:s30] =	ssyncadd.s32 $0xFFFFC000  }
0x2e: {  	[spmem:s2] =	stream.indirect.scatter.add.f32 [tilespmem:s21], [sflag:$0x5], $0x80, s23, s25, $0xb8;
	[tilespmem:$0x1C400] =	vst v63  }
0x2f: {  	_ =	swait.ge [sflag:s22], $0x4000  }
0x30: {  	[sflag:s22] =	ssyncset.done $0x0  }
0x31: {  	s19 =	rddreg [dreg:$0x6];
	[sflag:s22] =	ssyncadd.s32 $0xFFFFC000  }
0x32: {  	[tilespmem:s21], [sflag:$0x1] =	stream.indirect.gather [hbm4b:s1+s25], $0x80, s19, s25, $0xb8;
	[tilespmem:$0x1C400] =	vst v63  }
0x33: {  	_ =	swait.ge [sflag:s31], $0x4000  }
0x34: {  	[sflag:s31] =	ssyncset.done $0x0  }
0x35: {  	s8 =	rddreg [dreg:$0x7];
	[sflag:s31] =	ssyncadd.s32 $0xFFFFC000  }
0x36: {  	[spmem:s2] =	stream.indirect.scatter.add.f32 [tilespmem:s29], [sflag:$0x5], $0x80, s8, s25, $0xb8;
	[tilespmem:$0x1C400] =	vst v63  }
0x37: {  	_ =	swait.ge [sflag:s22], $0x4000  }
0x38: {  	[sflag:s22] =	ssyncset.done $0x0  }
0x39: {  	s9 =	rddreg [dreg:$0x8];
	[sflag:s22] =	ssyncadd.s32 $0xFFFFC000  }
0x3a: {  	[tilespmem:s29], [sflag:$0x2] =	stream.indirect.gather [hbm4b:s1+s25], $0x80, s9, s25, $0xb8;
	[tilespmem:$0x1C400] =	vst v63  }
0x3b: {  	_ =	swait.ge [sflag:s30], $0x4000  }
0x3c: {  	[sflag:s30] =	ssyncset.done $0x0  }
0x3d: {  	s10 =	rddreg [dreg:$0x9];
	[sflag:s30] =	ssyncadd.s32 $0xFFFFC000  }
0x3e: {  	[spmem:s2] =	stream.indirect.scatter.add.f32 [tilespmem:s21], [sflag:$0x5], $0x80, s10, s25, $0xb8;
	[tilespmem:$0x1C400] =	vst v63  }
0x3f: {  	_ =	swait.ge [sflag:s22], $0x4000  }
0x40: {  	[sflag:s22] =	ssyncset.done $0x0  }
0x41: {  	[sflag:s22] =	ssyncadd.s32 $0xFFFFC000  }
0x42: {  	_ =	swait.ge [sflag:s0], $0x200  }
0x43: {  	[sflag:s0] =	ssyncset.done $0x0  }
0x44: {  	[sflag:s0] =	ssyncadd.s32 $0xFFFFFE00  }
0x45: {  	_ =	swait.ge [sflag:s0], $0x200  }
0x46: {  	[sflag:s0] =	ssyncset.done $0x0  }
0x47: {  	[sflag:s0] =	ssyncadd.s32 $0xFFFFFE00  }
0x48: {  	[tilespmem:s21], [sflag:$0x1] =	stream.indirect.gather [hbm4b:s1+s25], $0x80, s26, s25, $0xb8;
	[tilespmem:$0x1C400] =	vst v63  }
0x49: {  	_ =	swait.ge [sflag:s31], $0x4000  }
0x4a: {  	[sflag:s31] =	ssyncset.done $0x0  }
0x4b: {  	[sflag:s31] =	ssyncadd.s32 $0xFFFFC000  }
0x4c: {  	[spmem:s2] =	stream.indirect.scatter.add.f32 [tilespmem:s29], [sflag:$0x5], $0x80, s4, s25, $0xb8;
	[tilespmem:$0x1C400] =	vst v63  }
0x4d: {  	s19 =	sadd.s32 $0x400, s20;
	_ =	swait.ge [sflag:s22], $0x4000  }
0x4e: {  	s7 =	sshrl.u32 s19, $0x3;
	[sflag:s22] =	ssyncset.done $0x0  }
0x4f: {  	s20 =	sadd.s32 s5, s7;
	[sflag:s22] =	ssyncadd.s32 $0xFFFFC000  }
0x50: {  	[tilespmem:s3], [sflag:$0x3] =	stream.linear.gather [hbm4b:s20+s3], $0x200, $0x38;
	[tilespmem:$0x1C400] =	vst v63  }
0x51: {  	s7 =	sadd.s32 s6, s7  }
0x52: {  	[tilespmem:s23], [sflag:$0x3] =	stream.linear.gather [hbm4b:s7+s3], $0x200, $0x38;
	[tilespmem:$0x1C400] =	vst v63  }
0x53: {  	_ = 	snop  }
0x54: {  	[tilespmem:s29], [sflag:$0x2] =	stream.indirect.gather [hbm4b:s1+s25], $0x80, s12, s25, $0xb8;
	[tilespmem:$0x1C400] =	vst v63  }
0x55: {  	_ =	swait.ge [sflag:s30], $0x4000  }
0x56: {  	[sflag:s30] =	ssyncset.done $0x0  }
0x57: {  	[sflag:s30] =	ssyncadd.s32 $0xFFFFC000  }
0x58: {  	[spmem:s2] =	stream.indirect.scatter.add.f32 [tilespmem:s21], [sflag:$0x5], $0x80, s28, s25, $0xb8;
	[tilespmem:$0x1C400] =	vst v63  }
0x59: {  	_ =	swait.ge [sflag:s22], $0x4000  }
0x5a: {  	[sflag:s22] =	ssyncset.done $0x0  }
0x5b: {  	[sflag:s22] =	ssyncadd.s32 $0xFFFFC000  }
0x5c: {  	[tilespmem:s21], [sflag:$0x1] =	stream.indirect.gather [hbm4b:s1+s25], $0x80, s13, s25, $0xb8;
	[tilespmem:$0x1C400] =	vst v63  }
0x5d: {  	_ =	swait.ge [sflag:s31], $0x4000  }
0x5e: {  	[sflag:s31] =	ssyncset.done $0x0  }
0x5f: {  	[sflag:s31] =	ssyncadd.s32 $0xFFFFC000  }
0x60: {  	[spmem:s2] =	stream.indirect.scatter.add.f32 [tilespmem:s29], [sflag:$0x5], $0x80, s14, s25, $0xb8;
	[tilespmem:$0x1C400] =	vst v63  }
0x61: {  	_ =	swait.ge [sflag:s22], $0x4000  }
0x62: {  	[sflag:s22] =	ssyncset.done $0x0  }
0x63: {  	[sflag:s22] =	ssyncadd.s32 $0xFFFFC000  }
0x64: {  	[tilespmem:s29], [sflag:$0x2] =	stream.indirect.gather [hbm4b:s1+s25], $0x80, s15, s25, $0xb8;
	[tilespmem:$0x1C400] =	vst v63  }
0x65: {  	_ =	swait.ge [sflag:s30], $0x4000  }
0x66: {  	[sflag:s30] =	ssyncset.done $0x0  }
0x67: {  	[sflag:s30] =	ssyncadd.s32 $0xFFFFC000  }
0x68: {  	[spmem:s2] =	stream.indirect.scatter.add.f32 [tilespmem:s21], [sflag:$0x5], $0x80, s16, s25, $0xb8;
	[tilespmem:$0x1C400] =	vst v63  }
0x69: {  	_ =	swait.ge [sflag:s22], $0x4000  }
0x6a: {  	[sflag:s22] =	ssyncset.done $0x0  }
0x6b: {  	[sflag:s22] =	ssyncadd.s32 $0xFFFFC000  }
0x6c: {  	_ =	swait.ge [sflag:s24], $0x200  }
0x6d: {  	[sflag:s24] =	ssyncset.done $0x0  }
0x6e: {  	[sflag:s24] =	ssyncadd.s32 $0xFFFFFE00  }
0x6f: {  	_ =	swait.ge [sflag:s24], $0x200  }
0x70: {  	[sflag:s24] =	ssyncset.done $0x0  }
0x71: {  	[sflag:s24] =	ssyncadd.s32 $0xFFFFFE00  }
0x72: {  	[tilespmem:s21], [sflag:$0x1] =	stream.indirect.gather [hbm4b:s1+s25], $0x80, s3, s25, $0xb8;
	[tilespmem:$0x1C400] =	vst v63  }
0x73: {  	_ =	swait.ge [sflag:s31], $0x4000  }
0x74: {  	[sflag:s31] =	ssyncset.done $0x0  }
0x75: {  	[sflag:s31] =	ssyncadd.s32 $0xFFFFC000  }
0x76: {  	[spmem:s2] =	stream.indirect.scatter.add.f32 [tilespmem:s29], [sflag:$0x5], $0x80, s17, s25, $0xb8;
	[tilespmem:$0x1C400] =	vst v63  }
0x77: {  	_ =	swait.ge [sflag:s22], $0x4000  }
0x78: {  	[sflag:s22] =	ssyncset.done $0x0  }
0x79: {  	[sflag:s22] =	ssyncadd.s32 $0xFFFFC000  }
0x7a: {  	_ =	swait.ge [sflag:s30], $0x4000  }
0x7b: {  	[sflag:s30] =	ssyncset.done $0x0;
	s9 =	rddreg [dreg:$0xa]  }
0x7c: {  	s10 =	rddreg [dreg:$0xb];
	[sflag:s30] =	ssyncadd.s32 $0xFFFFC000  }
.LBB2_7:
0x7d: {  	[bflag:$0x0] =	sbarrier.arrive $0xFFFF  }
0x7e: {  	[tilespmem:s21], [sflag:$0x5] =	stream.linear.gather [spmem:s9], $0x4000, $0x38;
	[tilespmem:$0x1C400] =	vst v63  }
0x7f: {  	_ =	swait.ge [sflag:s22], $0x4000  }
0x80: {  	[sflag:s22] =	ssyncset.done $0x0  }
0x81: {  	s7 =	rddreg [dreg:$0x10];
	[sflag:s22] =	ssyncadd.s32 $0xFFFFC000  }
0x82: {  	[hbm4b:s7+s3] =	stream.linear.scatter [tilespmem:s21], [sflag:$0x5], $0x4000, $0x38;
	[tilespmem:$0x1C400] =	vst v63  }
0x83: {  	_ =	swait.ge [sflag:s22], $0x4000  }
0x84: {  	[sflag:s22] =	ssyncset.done $0x0  }
0x85: {  	[sflag:s22] =	ssyncadd.s32 $0xFFFFC000  }
0x86: {  	[tilespmem:s21], [sflag:$0x5] =	stream.linear.gather [spmem:s10], $0x4000, $0x38;
	[tilespmem:$0x1C400] =	vst v63  }
0x87: {  	_ =	swait.ge [sflag:s22], $0x4000  }
0x88: {  	[sflag:s22] =	ssyncset.done $0x0  }
0x89: {  	s20 =	rddreg [dreg:$0x11];
	[sflag:s22] =	ssyncadd.s32 $0xFFFFC000  }
0x8a: {  	[hbm4b:s20+s3] =	stream.linear.scatter [tilespmem:s21], [sflag:$0x5], $0x4000, $0x38;
	[tilespmem:$0x1C400] =	vst v63  }
0x8b: {  	_ =	swait.ge [sflag:s22], $0x4000  }
0x8c: {  	[sflag:s22] =	ssyncset.done $0x0  }
0x8d: {  	s8 =	rddreg [dreg:$0xc];
	[sflag:s22] =	ssyncadd.s32 $0xFFFFC000  }
0x8e: {  	[tilespmem:s21], [sflag:$0x5] =	stream.linear.gather [spmem:s8], $0x4000, $0x38;
	[tilespmem:$0x1C400] =	vst v63  }
0x8f: {  	_ =	swait.ge [sflag:s22], $0x4000  }
0x90: {  	[sflag:s22] =	ssyncset.done $0x0  }
0x91: {  	s19 =	rddreg [dreg:$0x12];
	[sflag:s22] =	ssyncadd.s32 $0xFFFFC000  }
0x92: {  	[hbm4b:s19+s3] =	stream.linear.scatter [tilespmem:s21], [sflag:$0x5], $0x4000, $0x38;
	[tilespmem:$0x1C400] =	vst v63  }
0x93: {  	_ =	swait.ge [sflag:s22], $0x4000  }
0x94: {  	[sflag:s22] =	ssyncset.done $0x0  }
0x95: {  	s20 =	rddreg [dreg:$0xd];
	[sflag:s22] =	ssyncadd.s32 $0xFFFFC000  }
0x96: {  	[tilespmem:s21], [sflag:$0x5] =	stream.linear.gather [spmem:s20], $0x4000, $0x38;
	[tilespmem:$0x1C400] =	vst v63  }
0x97: {  	_ =	swait.ge [sflag:s22], $0x4000  }
0x98: {  	[sflag:s22] =	ssyncset.done $0x0  }
0x99: {  	s8 =	rddreg [dreg:$0x13];
	[sflag:s22] =	ssyncadd.s32 $0xFFFFC000  }
0x9a: {  	[hbm4b:s8+s3] =	stream.linear.scatter [tilespmem:s21], [sflag:$0x5], $0x4000, $0x38;
	[tilespmem:$0x1C400] =	vst v63  }
0x9b: {  	_ =	swait.ge [sflag:s22], $0x4000  }
0x9c: {  	[sflag:s22] =	ssyncset.done $0x0  }
0x9d: {  	[sflag:s22] =	ssyncadd.s32 $0xFFFFC000  }
0x9e: {  	[tilespmem:s21], [sflag:$0x5] =	stream.linear.gather [spmem:s11], $0x3C00, $0x38;
	[tilespmem:$0x1C400] =	vst v63  }
0x9f: {  	_ =	swait.ge [sflag:s22], $0x3C00  }
0xa0: {  	[sflag:s22] =	ssyncset.done $0x0  }
0xa1: {  	s19 =	rddreg [dreg:$0x14];
	[sflag:s22] =	ssyncadd.s32 $0xFFFFC400  }
0xa2: {  	[hbm4b:s19+s3] =	stream.linear.scatter [tilespmem:s21], [sflag:$0x5], $0x3C00, $0x38;
	[tilespmem:$0x1C400] =	vst v63  }
0xa3: {  	_ =	swait.ge [sflag:s22], $0x3C00  }
0xa4: {  	s18 =	sadd.s32 $0x1, s18;
	s20 =	rddreg [dreg:$0x15]  }
0xa5: {  	p1 =	sne.s32 s18, s20  }
.Ltmp1:
0xa6: {  	_ = 	snop;
	(pc) =	sbr.rel @!p1 .LBB2_8-.Ltmp1, $3  }
0xa7: {  	_ =	sdelay $0x1  }
0xa8: {  	[sflag:s22] =	ssyncset.done $0x0  }
0xa9: {  	[sflag:s22] =	ssyncadd.s32 $0xFFFFC400  }
.LBB2_1:
0xaa: {  	s7 =	sand.u32 $0xFE00, s3  }
0xab: {  	s8 =	sand.u32 $0x70, s3;
	s19 =	sshrl.u32 s7, $0x2  }
0xac: {  	s7 =	simm.s32 $0x40;
	s19 =	sor.u32 s8, s19;
	s8 =	simm.s32 $0x0  }
.LBB2_2:
0xad: {  	p1 =	sne.s32 s7, $0xFFC0  }
0xae: {  	[tilespmem:s19+$0x800] =	vst v0;
	s8 =	sadd.s32 $0x10, s8;
	s19 =	smov.u32 s7;
	s7 =	sadd.s32 $0x40, s7  }
.Ltmp2:
0xaf: {  	(pc) =	sbr.rel @p1 .LBB2_2-.Ltmp2, $4  }
0xb0: {  	_ = 	snop  }
0xb1: {  	s19 =	sand.u32 $0xFE00, s19  }
0xb2: {  	s20 =	sand.u32 $0x70, s8;
	s19 =	sshrl.u32 s19, $0x2  }
0xb3: {  	s19 =	sor.u32 s20, s19  }
0xb4: {  	[tilespmem:s19+$0x800] =	vst v0  }
0xb5: {  	[spmem:s9] =	stream.linear.scatter [tilespmem:s21], [sflag:$0x5], $0x4000, $0x38;
	[tilespmem:$0x1C400] =	vst v63  }
0xb6: {  	_ =	swait.ge [sflag:s22], $0x4000  }
0xb7: {  	[sflag:s22] =	ssyncset.done $0x0  }
0xb8: {  	[sflag:s22] =	ssyncadd.s32 $0xFFFFC000  }
0xb9: {  	[spmem:s10] =	stream.linear.scatter [tilespmem:s21], [sflag:$0x5], $0x4000, $0x38;
	[tilespmem:$0x1C400] =	vst v63  }
0xba: {  	_ =	swait.ge [sflag:s22], $0x4000  }
0xbb: {  	[sflag:s22] =	ssyncset.done $0x0  }
0xbc: {  	s7 =	rddreg [dreg:$0xc];
	[sflag:s22] =	ssyncadd.s32 $0xFFFFC000  }
0xbd: {  	[spmem:s7] =	stream.linear.scatter [tilespmem:s21], [sflag:$0x5], $0x4000, $0x38;
	[tilespmem:$0x1C400] =	vst v63  }
0xbe: {  	_ =	swait.ge [sflag:s22], $0x4000  }
0xbf: {  	[sflag:s22] =	ssyncset.done $0x0  }
0xc0: {  	s20 =	rddreg [dreg:$0xd];
	[sflag:s22] =	ssyncadd.s32 $0xFFFFC000  }
0xc1: {  	[spmem:s20] =	stream.linear.scatter [tilespmem:s21], [sflag:$0x5], $0x4000, $0x38;
	[tilespmem:$0x1C400] =	vst v63  }
0xc2: {  	_ =	swait.ge [sflag:s22], $0x4000  }
0xc3: {  	[sflag:s22] =	ssyncset.done $0x0  }
0xc4: {  	[sflag:s22] =	ssyncadd.s32 $0xFFFFC000  }
0xc5: {  	[spmem:s11] =	stream.linear.scatter [tilespmem:s21], [sflag:$0x5], $0x3C00, $0x38;
	[tilespmem:$0x1C400] =	vst v63  }
.Ltmp3:
0xc6: {  	_ =	swait.ge [sflag:s22], $0x3C00;
	(pc) =	sbr.rel @p0 .LBB2_7-.Ltmp3, $3  }
0xc7: {  	[sflag:s22] =	ssyncset.done $0x0  }
0xc8: {  	[sflag:s22] =	ssyncadd.s32 $0xFFFFC400  }
0xc9: {  	[bflag:$0x0] =	sbarrier.arrive $0xFFFF;
	_ =	sdelay $0x1  }
0xca: {  	s7 =	simm.s32 $0x0;
	s8 =	rddreg [dreg:$0xe]  }
0xcb: {  	[tilespmem:s7], [sflag:$0x3] =	stream.linear.gather [hbm4b:s8+s7], $0x200, $0x38;
	[tilespmem:$0x1C400] =	vst v63  }
0xcc: {  	s20 =	rddreg [dreg:$0xf]  }
0xcd: {  	[tilespmem:s23], [sflag:$0x3] =	stream.linear.gather [hbm4b:s20+s7], $0x200, $0x38;
	[tilespmem:$0x1C400] =	vst v63  }
0xce: {  	_ =	swait.ge [sflag:s24], $0x200  }
0xcf: {  	[sflag:s24] =	ssyncset.done $0x0  }
0xd0: {  	[sflag:s24] =	ssyncadd.s32 $0xFFFFFE00  }
0xd1: {  	_ =	swait.ge [sflag:s24], $0x200  }
0xd2: {  	[sflag:s24] =	ssyncset.done $0x0  }
0xd3: {  	s9 =	rddreg [dreg:$0x5];
	[sflag:s24] =	ssyncadd.s32 $0xFFFFFE00  }
0xd4: {  	[tilespmem:s21], [sflag:$0x1] =	stream.indirect.gather [hbm4b:s1+s25], $0x80, s7, s25, $0xb8;
	[tilespmem:$0x1C400] =	vst v63  }
0xd5: {  	s10 =	rddreg [dreg:$0x4];
	s8 =	sadd.s32 $0x0, s9  }
0xd6: {  	[tilespmem:s26], [sflag:$0x4] =	stream.linear.gather [hbm4b:s8+s3], $0x200, $0x38;
	[tilespmem:$0x1C400] =	vst v63  }
0xd7: {  	s7 =	sadd.s32 $0x0, s10  }
0xd8: {  	[tilespmem:s28], [sflag:$0x4] =	stream.linear.gather [hbm4b:s7+s3], $0x200, $0x38;
	[tilespmem:$0x1C400] =	vst v63  }
0xd9: {  	_ = 	snop  }
0xda: {  	[tilespmem:s29], [sflag:$0x2] =	stream.indirect.gather [hbm4b:s1+s25], $0x80, s25, s25, $0xb8;
	[tilespmem:$0x1C400] =	vst v63  }
0xdb: {  	_ =	swait.ge [sflag:s30], $0x4000  }
0xdc: {  	[sflag:s30] =	ssyncset.done $0x0  }
0xdd: {  	[sflag:s30] =	ssyncadd.s32 $0xFFFFC000  }
0xde: {  	[spmem:s2] =	stream.indirect.scatter.add.f32 [tilespmem:s21], [sflag:$0x5], $0x80, s23, s25, $0xb8;
	[tilespmem:$0x1C400] =	vst v63  }
0xdf: {  	_ =	swait.ge [sflag:s22], $0x4000  }
0xe0: {  	[sflag:s22] =	ssyncset.done $0x0  }
0xe1: {  	s19 =	rddreg [dreg:$0x6];
	[sflag:s22] =	ssyncadd.s32 $0xFFFFC000  }
0xe2: {  	[tilespmem:s21], [sflag:$0x1] =	stream.indirect.gather [hbm4b:s1+s25], $0x80, s19, s25, $0xb8;
	[tilespmem:$0x1C400] =	vst v63  }
0xe3: {  	_ =	swait.ge [sflag:s31], $0x4000  }
0xe4: {  	[sflag:s31] =	ssyncset.done $0x0  }
0xe5: {  	s20 =	rddreg [dreg:$0x7];
	[sflag:s31] =	ssyncadd.s32 $0xFFFFC000  }
0xe6: {  	[spmem:s2] =	stream.indirect.scatter.add.f32 [tilespmem:s29], [sflag:$0x5], $0x80, s20, s25, $0xb8;
	[tilespmem:$0x1C400] =	vst v63  }
0xe7: {  	_ =	swait.ge [sflag:s22], $0x4000  }
0xe8: {  	[sflag:s22] =	ssyncset.done $0x0  }
0xe9: {  	s8 =	rddreg [dreg:$0x8];
	[sflag:s22] =	ssyncadd.s32 $0xFFFFC000  }
0xea: {  	[tilespmem:s29], [sflag:$0x2] =	stream.indirect.gather [hbm4b:s1+s25], $0x80, s8, s25, $0xb8;
	[tilespmem:$0x1C400] =	vst v63  }
0xeb: {  	_ =	swait.ge [sflag:s30], $0x4000  }
0xec: {  	[sflag:s30] =	ssyncset.done $0x0  }
0xed: {  	s9 =	rddreg [dreg:$0x9];
	[sflag:s30] =	ssyncadd.s32 $0xFFFFC000  }
0xee: {  	[spmem:s2] =	stream.indirect.scatter.add.f32 [tilespmem:s21], [sflag:$0x5], $0x80, s9, s25, $0xb8;
	[tilespmem:$0x1C400] =	vst v63  }
0xef: {  	_ =	swait.ge [sflag:s22], $0x4000  }
0xf0: {  	[sflag:s22] =	ssyncset.done $0x0  }
0xf1: {  	[sflag:s22] =	ssyncadd.s32 $0xFFFFC000  }
0xf2: {  	_ =	swait.ge [sflag:s0], $0x200  }
0xf3: {  	[sflag:s0] =	ssyncset.done $0x0  }
0xf4: {  	[sflag:s0] =	ssyncadd.s32 $0xFFFFFE00  }
0xf5: {  	_ =	swait.ge [sflag:s0], $0x200  }
0xf6: {  	[sflag:s0] =	ssyncset.done $0x0  }
0xf7: {  	[sflag:s0] =	ssyncadd.s32 $0xFFFFFE00  }
0xf8: {  	[tilespmem:s21], [sflag:$0x1] =	stream.indirect.gather [hbm4b:s1+s25], $0x80, s26, s25, $0xb8;
	[tilespmem:$0x1C400] =	vst v63  }
0xf9: {  	_ =	swait.ge [sflag:s31], $0x4000  }
0xfa: {  	[sflag:s31] =	ssyncset.done $0x0  }
0xfb: {  	[sflag:s31] =	ssyncadd.s32 $0xFFFFC000  }
0xfc: {  	[spmem:s2] =	stream.indirect.scatter.add.f32 [tilespmem:s29], [sflag:$0x5], $0x80, s4, s25, $0xb8;
	[tilespmem:$0x1C400] =	vst v63  }
0xfd: {  	_ =	swait.ge [sflag:s22], $0x4000  }
0xfe: {  	s20 =	rddreg [dreg:$0x16]  }
0xff: {  	[sflag:s22] =	ssyncset.done $0x0;
	s10 =	sshrl.u32 s20, $0x3  }
0x100: {  	[sflag:s22] =	ssyncadd.s32 $0xFFFFC000;
	s19 =	sadd.s32 s5, s10  }
0x101: {  	[tilespmem:s3], [sflag:$0x3] =	stream.linear.gather [hbm4b:s19+s3], $0x200, $0x38;
	[tilespmem:$0x1C400] =	vst v63  }
0x102: {  	s7 =	sadd.s32 s6, s10  }
0x103: {  	[tilespmem:s23], [sflag:$0x3] =	stream.linear.gather [hbm4b:s7+s3], $0x200, $0x38;
	[tilespmem:$0x1C400] =	vst v63  }
0x104: {  	_ = 	snop  }
0x105: {  	[tilespmem:s29], [sflag:$0x2] =	stream.indirect.gather [hbm4b:s1+s25], $0x80, s12, s25, $0xb8;
	[tilespmem:$0x1C400] =	vst v63  }
0x106: {  	_ =	swait.ge [sflag:s30], $0x4000  }
0x107: {  	[sflag:s30] =	ssyncset.done $0x0  }
0x108: {  	[sflag:s30] =	ssyncadd.s32 $0xFFFFC000  }
0x109: {  	[spmem:s2] =	stream.indirect.scatter.add.f32 [tilespmem:s21], [sflag:$0x5], $0x80, s28, s25, $0xb8;
	[tilespmem:$0x1C400] =	vst v63  }
0x10a: {  	_ =	swait.ge [sflag:s22], $0x4000  }
0x10b: {  	[sflag:s22] =	ssyncset.done $0x0  }
0x10c: {  	[sflag:s22] =	ssyncadd.s32 $0xFFFFC000  }
0x10d: {  	[tilespmem:s21], [sflag:$0x1] =	stream.indirect.gather [hbm4b:s1+s25], $0x80, s13, s25, $0xb8;
	[tilespmem:$0x1C400] =	vst v63  }
0x10e: {  	_ =	swait.ge [sflag:s31], $0x4000  }
0x10f: {  	[sflag:s31] =	ssyncset.done $0x0  }
0x110: {  	[sflag:s31] =	ssyncadd.s32 $0xFFFFC000  }
0x111: {  	[spmem:s2] =	stream.indirect.scatter.add.f32 [tilespmem:s29], [sflag:$0x5], $0x80, s14, s25, $0xb8;
	[tilespmem:$0x1C400] =	vst v63  }
0x112: {  	_ =	swait.ge [sflag:s22], $0x4000  }
0x113: {  	[sflag:s22] =	ssyncset.done $0x0  }
0x114: {  	[sflag:s22] =	ssyncadd.s32 $0xFFFFC000  }
0x115: {  	[tilespmem:s29], [sflag:$0x2] =	stream.indirect.gather [hbm4b:s1+s25], $0x80, s15, s25, $0xb8;
	[tilespmem:$0x1C400] =	vst v63  }
0x116: {  	_ =	swait.ge [sflag:s30], $0x4000  }
0x117: {  	[sflag:s30] =	ssyncset.done $0x0  }
0x118: {  	[sflag:s30] =	ssyncadd.s32 $0xFFFFC000  }
0x119: {  	[spmem:s2] =	stream.indirect.scatter.add.f32 [tilespmem:s21], [sflag:$0x5], $0x80, s16, s25, $0xb8;
	[tilespmem:$0x1C400] =	vst v63  }
0x11a: {  	_ =	swait.ge [sflag:s22], $0x4000  }
0x11b: {  	[sflag:s22] =	ssyncset.done $0x0  }
0x11c: {  	[sflag:s22] =	ssyncadd.s32 $0xFFFFC000  }
0x11d: {  	_ =	swait.ge [sflag:s24], $0x200  }
0x11e: {  	[sflag:s24] =	ssyncset.done $0x0  }
0x11f: {  	[sflag:s24] =	ssyncadd.s32 $0xFFFFFE00  }
0x120: {  	_ =	swait.ge [sflag:s24], $0x200  }
0x121: {  	[sflag:s24] =	ssyncset.done $0x0  }
0x122: {  	[sflag:s24] =	ssyncadd.s32 $0xFFFFFE00  }
0x123: {  	[tilespmem:s21], [sflag:$0x1] =	stream.indirect.gather [hbm4b:s1+s25], $0x80, s3, s25, $0xb8;
	[tilespmem:$0x1C400] =	vst v63  }
0x124: {  	_ =	swait.ge [sflag:s31], $0x4000  }
0x125: {  	[sflag:s31] =	ssyncset.done $0x0  }
0x126: {  	[sflag:s31] =	ssyncadd.s32 $0xFFFFC000  }
0x127: {  	[spmem:s2] =	stream.indirect.scatter.add.f32 [tilespmem:s29], [sflag:$0x5], $0x80, s17, s25, $0xb8;
	[tilespmem:$0x1C400] =	vst v63  }
0x128: {  	s19 =	simm.s32 $0x80;
	_ =	swait.ge [sflag:s22], $0x4000  }
0x129: {  	s7 =	simm.s32 $0x100;
	s8 =	rddreg [dreg:$0x5];
	[sflag:s22] =	ssyncset.done $0x0  }
.LBB2_5:
0x12a: {  	[sflag:s22] =	ssyncadd.s32 $0xFFFFC000;
	s9 =	rddreg [dreg:$0x4];
	s8 =	sadd.s32 s19, s8  }
0x12b: {  	[tilespmem:s26], [sflag:$0x4] =	stream.linear.gather [hbm4b:s8+s3], $0x200, $0x38;
	[tilespmem:$0x1C400] =	vst v63  }
0x12c: {  	s9 =	sadd.s32 s19, s9  }
0x12d: {  	[tilespmem:s28], [sflag:$0x4] =	stream.linear.gather [hbm4b:s9+s3], $0x200, $0x38;
	[tilespmem:$0x1C400] =	vst v63  }
0x12e: {  	_ = 	snop  }
0x12f: {  	[tilespmem:s29], [sflag:$0x2] =	stream.indirect.gather [hbm4b:s1+s25], $0x80, s25, s25, $0xb8;
	[tilespmem:$0x1C400] =	vst v63  }
0x130: {  	_ =	swait.ge [sflag:s30], $0x4000  }
0x131: {  	[sflag:s30] =	ssyncset.done $0x0  }
0x132: {  	[sflag:s30] =	ssyncadd.s32 $0xFFFFC000  }
0x133: {  	[spmem:s2] =	stream.indirect.scatter.add.f32 [tilespmem:s21], [sflag:$0x5], $0x80, s23, s25, $0xb8;
	[tilespmem:$0x1C400] =	vst v63  }
0x134: {  	_ =	swait.ge [sflag:s22], $0x4000  }
0x135: {  	s10 =	smov.u32 s7;
	[sflag:s22] =	ssyncset.done $0x0  }
0x136: {  	s19 =	smov.u32 s10;
	s10 =	rddreg [dreg:$0x6];
	[sflag:s22] =	ssyncadd.s32 $0xFFFFC000  }
0x137: {  	[tilespmem:s21], [sflag:$0x1] =	stream.indirect.gather [hbm4b:s1+s25], $0x80, s10, s25, $0xb8;
	[tilespmem:$0x1C400] =	vst v63  }
0x138: {  	_ =	swait.ge [sflag:s31], $0x4000  }
0x139: {  	[sflag:s31] =	ssyncset.done $0x0  }
0x13a: {  	s9 =	rddreg [dreg:$0x7];
	[sflag:s31] =	ssyncadd.s32 $0xFFFFC000  }
0x13b: {  	[spmem:s2] =	stream.indirect.scatter.add.f32 [tilespmem:s29], [sflag:$0x5], $0x80, s9, s25, $0xb8;
	[tilespmem:$0x1C400] =	vst v63  }
0x13c: {  	_ =	swait.ge [sflag:s22], $0x4000  }
0x13d: {  	[sflag:s22] =	ssyncset.done $0x0  }
0x13e: {  	s10 =	rddreg [dreg:$0x8];
	[sflag:s22] =	ssyncadd.s32 $0xFFFFC000  }
0x13f: {  	[tilespmem:s29], [sflag:$0x2] =	stream.indirect.gather [hbm4b:s1+s25], $0x80, s10, s25, $0xb8;
	[tilespmem:$0x1C400] =	vst v63  }
0x140: {  	_ =	swait.ge [sflag:s30], $0x4000  }
0x141: {  	[sflag:s30] =	ssyncset.done $0x0  }
0x142: {  	s9 =	rddreg [dreg:$0x9];
	[sflag:s30] =	ssyncadd.s32 $0xFFFFC000  }
0x143: {  	[spmem:s2] =	stream.indirect.scatter.add.f32 [tilespmem:s21], [sflag:$0x5], $0x80, s9, s25, $0xb8;
	[tilespmem:$0x1C400] =	vst v63  }
0x144: {  	_ =	swait.ge [sflag:s22], $0x4000  }
0x145: {  	[sflag:s22] =	ssyncset.done $0x0  }
0x146: {  	[sflag:s22] =	ssyncadd.s32 $0xFFFFC000  }
0x147: {  	_ =	swait.ge [sflag:s0], $0x200  }
0x148: {  	[sflag:s0] =	ssyncset.done $0x0  }
0x149: {  	[sflag:s0] =	ssyncadd.s32 $0xFFFFFE00  }
0x14a: {  	_ =	swait.ge [sflag:s0], $0x200  }
0x14b: {  	[sflag:s0] =	ssyncset.done $0x0  }
0x14c: {  	[sflag:s0] =	ssyncadd.s32 $0xFFFFFE00  }
0x14d: {  	[tilespmem:s21], [sflag:$0x1] =	stream.indirect.gather [hbm4b:s1+s25], $0x80, s26, s25, $0xb8;
	[tilespmem:$0x1C400] =	vst v63  }
0x14e: {  	_ =	swait.ge [sflag:s31], $0x4000  }
0x14f: {  	[sflag:s31] =	ssyncset.done $0x0  }
0x150: {  	[sflag:s31] =	ssyncadd.s32 $0xFFFFC000  }
0x151: {  	[spmem:s2] =	stream.indirect.scatter.add.f32 [tilespmem:s29], [sflag:$0x5], $0x80, s4, s25, $0xb8;
	[tilespmem:$0x1C400] =	vst v63  }
0x152: {  	s20 =	sadd.s32 $0x400, s20;
	_ =	swait.ge [sflag:s22], $0x4000  }
0x153: {  	s8 =	sshrl.u32 s20, $0x3;
	[sflag:s22] =	ssyncset.done $0x0  }
0x154: {  	s10 =	sadd.s32 s5, s8;
	[sflag:s22] =	ssyncadd.s32 $0xFFFFC000  }
0x155: {  	[tilespmem:s3], [sflag:$0x3] =	stream.linear.gather [hbm4b:s10+s3], $0x200, $0x38;
	[tilespmem:$0x1C400] =	vst v63  }
0x156: {  	s8 =	sadd.s32 s6, s8  }
0x157: {  	[tilespmem:s23], [sflag:$0x3] =	stream.linear.gather [hbm4b:s8+s3], $0x200, $0x38;
	[tilespmem:$0x1C400] =	vst v63  }
0x158: {  	_ = 	snop  }
0x159: {  	[tilespmem:s29], [sflag:$0x2] =	stream.indirect.gather [hbm4b:s1+s25], $0x80, s12, s25, $0xb8;
	[tilespmem:$0x1C400] =	vst v63  }
0x15a: {  	_ =	swait.ge [sflag:s30], $0x4000  }
0x15b: {  	[sflag:s30] =	ssyncset.done $0x0  }
0x15c: {  	[sflag:s30] =	ssyncadd.s32 $0xFFFFC000  }
0x15d: {  	[spmem:s2] =	stream.indirect.scatter.add.f32 [tilespmem:s21], [sflag:$0x5], $0x80, s28, s25, $0xb8;
	[tilespmem:$0x1C400] =	vst v63  }
0x15e: {  	_ =	swait.ge [sflag:s22], $0x4000  }
0x15f: {  	[sflag:s22] =	ssyncset.done $0x0  }
0x160: {  	[sflag:s22] =	ssyncadd.s32 $0xFFFFC000  }
0x161: {  	[tilespmem:s21], [sflag:$0x1] =	stream.indirect.gather [hbm4b:s1+s25], $0x80, s13, s25, $0xb8;
	[tilespmem:$0x1C400] =	vst v63  }
0x162: {  	_ =	swait.ge [sflag:s31], $0x4000  }
0x163: {  	[sflag:s31] =	ssyncset.done $0x0  }
0x164: {  	[sflag:s31] =	ssyncadd.s32 $0xFFFFC000  }
0x165: {  	[spmem:s2] =	stream.indirect.scatter.add.f32 [tilespmem:s29], [sflag:$0x5], $0x80, s14, s25, $0xb8;
	[tilespmem:$0x1C400] =	vst v63  }
0x166: {  	_ =	swait.ge [sflag:s22], $0x4000  }
0x167: {  	[sflag:s22] =	ssyncset.done $0x0  }
0x168: {  	[sflag:s22] =	ssyncadd.s32 $0xFFFFC000  }
0x169: {  	[tilespmem:s29], [sflag:$0x2] =	stream.indirect.gather [hbm4b:s1+s25], $0x80, s15, s25, $0xb8;
	[tilespmem:$0x1C400] =	vst v63  }
0x16a: {  	_ =	swait.ge [sflag:s30], $0x4000  }
0x16b: {  	[sflag:s30] =	ssyncset.done $0x0  }
0x16c: {  	[sflag:s30] =	ssyncadd.s32 $0xFFFFC000  }
0x16d: {  	[spmem:s2] =	stream.indirect.scatter.add.f32 [tilespmem:s21], [sflag:$0x5], $0x80, s16, s25, $0xb8;
	[tilespmem:$0x1C400] =	vst v63  }
0x16e: {  	_ =	swait.ge [sflag:s22], $0x4000  }
0x16f: {  	[sflag:s22] =	ssyncset.done $0x0  }
0x170: {  	[sflag:s22] =	ssyncadd.s32 $0xFFFFC000  }
0x171: {  	_ =	swait.ge [sflag:s24], $0x200  }
0x172: {  	[sflag:s24] =	ssyncset.done $0x0  }
0x173: {  	[sflag:s24] =	ssyncadd.s32 $0xFFFFFE00  }
0x174: {  	_ =	swait.ge [sflag:s24], $0x200  }
0x175: {  	[sflag:s24] =	ssyncset.done $0x0  }
0x176: {  	[sflag:s24] =	ssyncadd.s32 $0xFFFFFE00  }
0x177: {  	[tilespmem:s21], [sflag:$0x1] =	stream.indirect.gather [hbm4b:s1+s25], $0x80, s3, s25, $0xb8;
	[tilespmem:$0x1C400] =	vst v63  }
0x178: {  	p1 =	sne.s32 s7, $0x980;
	_ =	swait.ge [sflag:s31], $0x4000  }
.Ltmp4:
0x179: {  	[sflag:s31] =	ssyncset.done $0x0;
	(pc) =	sbr.rel @p1 .LBB2_5-.Ltmp4, $4  }
0x17a: {  	[sflag:s31] =	ssyncadd.s32 $0xFFFFC000  }
0x17b: {  	[spmem:s2] =	stream.indirect.scatter.add.f32 [tilespmem:s29], [sflag:$0x5], $0x80, s17, s25, $0xb8;
	[tilespmem:$0x1C400] =	vst v63  }
0x17c: {  	_ =	swait.ge [sflag:s22], $0x4000  }
0x17d: {  	s7 =	sadd.s32 $0x80, s7;
	s8 =	rddreg [dreg:$0x5];
	[sflag:s22] =	ssyncset.done $0x0  }
.Ltmp5:
0x17e: {  	_ = 	snop;
	(pc) =	sbr.rel .LBB2_6-.Ltmp5, $1  }
0x17f: {  	_ =	sdelay $0x3  }
.LBB2_8:
0x180: {  	_ =	sfence.sel $0x180000  }
0x181: {  	[bflag:$0x0] =	sbarrier.arrive $0xFFFF  }
0x182: {  	_ =	strace $0x9000004A  }
0x183: {  	s0 =	stileid.u32;
	[bflag:$0x2] =	sbarrier.arrive $0xFFFF  }
0x184: {  	p0 =	sne.s32 s0, $0x0;
	s0 =	rddreg [dreg:$0x3]  }
0x185: {  	s0 =	sadd.s32 @!p0 $0x100000, s0  }
0x186: {  	[sflag:s0] =	ssyncadd.tile.s32 @!p0 $0x1;
	_ =	shalt  }
.Lfunc_end2:
_tile_overlayer_lowered:
.L_overlay_start_2:
0x187: {  	(tag) =	ssettag $0x2  }
0x188: {  	s0 =	rddreg [dreg:$0x0];
	s2 =	stileid.u32  }
0x189: {  	s1 =	rddreg [dreg:$0x1];
	p0 =	sne.s32 s2, $0x0  }
0x18a: {  	s3 =	rddreg [dreg:$0x2];
	[bflag:$0x3] =	sbarrier.arrive $0xFFFF;
	s2 =	simm.s32 @!p0 $0x1C05  }
0x18b: {  	[timem:s3], [sflag:s2] =	dma.local @!p0 [hbm:s0], s1  }
0x18c: {  	s0 =	simm.s32 @!p0 $0x5  }
0x18d: {  	_ =	swait.ge @!p0 [sflag:s0], s1  }
0x18e: {  	s1 =	ssub.s32 @!p0 $0x0, s1;
	[sflag:s0] =	ssyncset.done @!p0 $0x0  }
0x18f: {  	[sflag:s0] =	ssyncadd.s32 @!p0 s1  }
0x190: {  	[bflag:$0x3] =	sbarrier.arrive $0xFFFF  }
0x191: {  	_ =	shalt  }

// kernel: kernel.17.cloned.1.call-start
scs
__scs_entry_jumppad:
0x0: {  	(pc) =	sbr.rel $0x88, $3  }
0x1: {  	(tag) =	ssettag $0x0;
	lr =	simm.s32 $0x1  }
0x2: {  	[smem:$0x3F93] =	sst lr;
	_ =	strace $0xD0000000  }
0x3: {  	_ = 	snop  }
0x4: {  	_ = 	snop  }
0x5: {  	_ = 	snop  }
0x6: {  	_ = 	snop  }
0x7: {  	_ = 	snop  }
__scs_overlays_trampoline_lowered:
0x8: {  	[smem:$0x3FA2] =	sst s0  }
0x9: {  	[smem:$0x3FA3] =	sst s1  }
0xa: {  	[smem:$0x3FA4] =	sst s2  }
0xb: {  	[smem:$0x3FA5] =	sst s3  }
0xc: {  	[smem:$0x3FA6] =	sst s4  }
0xd: {  	[smem:$0x3FA7] =	sst s5  }
0xe: {  	[smem:$0x3FA8] =	sst s6  }
0xf: {  	[smem:$0x3FA9] =	sst s7  }
0x10: {  	[smem:$0x3FAA] =	sst s8  }
0x11: {  	[smem:$0x3FAB] =	sst s9;
	s0 =	simm.s32 @!p0 $0x0  }
0x12: {  	s1 =	sld [smem:$0x3F91];
	s0 =	simm.s32 @p0 $0x1  }
0x13: {  	[smem:$0x3FAC] =	sst s0;
	s0 =	simm.s32 @!p1 $0x0  }
0x14: {  	s2 =	sld [smem:$0x3F90];
	s0 =	simm.s32 @p1 $0x1  }
0x15: {  	[smem:$0x3FAD] =	sst s0;
	s0 =	simm.s32 @!p2 $0x0  }
0x16: {  	s3 =	sld [smem:$0x3FDB];
	s0 =	simm.s32 @p2 $0x1  }
0x17: {  	s4 =	simm.s32 $0x1BF5;
	[smem:$0x3FAF] =	sst s0  }
0x18: {  	s0 =	sld [smem:$0x3F92];
	_ =	swait.ge [sflag:s4], $0x0  }
0x19: {  	s7 =	sld [smem:$0x3F93]  }
0x1a: {  	s8 =	sadd.s32 $0xFFFFE003, lr  }
0x1b: {  	s9 =	sadd.s32 $0xFFFFFEF7, lr;
	s5 =	simm.s32 $0xFFFFFFFF;
	p2 =	slt.u32 s8, $0xFFFFF086  }
0x1c: {  	p1 =	slt.u32 s9, $0xF7A;
	s5 =	simm.s32 @!p2 $0x0  }
0x1d: {  	s5 =	simm.s32 @p1 $0x1;
	p0 =	seq.s32 s7, s2  }
0x1e: {  	s7 =	smul.u32 @!p0 $0xF7A, s2;
	p2 =	seq.s32 @!p0 s5, $0x0  }
0x1f: {  	s9 =	smul.u32 $0xF7A, s1;
	s8 =	simm.s32 @!p0 $0x1BF5;
	p2 =	por !p2, p0  }
0x20: {  	[sflag:s8] =	ssyncset.s32 @!p0 $0xFFFFF086;
	s6 =	sadd.s32 @!p0 s3, s7;
	s7 =	simm.s32 @!p0 $0x108  }
0x21: {  	s3 =	sadd.s32 s3, s9;
	s6 =	sadd.s32 @!p0 $0x88, s6;
	s7 =	simm.s32 @p2 $0x1082  }
0x22: {  	[simem:s7], [sflag:s8] =	dma.local @!p0 [hbm:s6], $0xF7A  }
0x23: {  	s9 =	sor.u32 $0xD0000000, s2;
	s6 =	simm.s32 $0x108;
	_ =	swait.ge @!p0 [sflag:s8], $0x0  }
0x24: {  	s3 =	sadd.s32 $0x88, s3;
	s6 =	simm.s32 @!p1 $0x1082;
	[sflag:s4] =	ssyncset.s32 $0xFFFFF086  }
0x25: {  	[simem:s6], [sflag:s4] =	dma.local [hbm:s3], $0xF7A  }
0x26: {  	[smem:$0x3F93] =	sst s1;
	(tag) =	ssettag s2;
	_ =	strace s9  }
0x27: {  	s1 =	sld [smem:$0x3FA3]  }
0x28: {  	s2 =	sld [smem:$0x3FA4]  }
0x29: {  	s4 =	sld [smem:$0x3FA6]  }
0x2a: {  	p0 =	seq.s32 s5, $0x0;
	s5 =	sld [smem:$0x3FA7]  }
0x2b: {  	s6 =	sld [smem:$0x3FA8]  }
0x2c: {  	s7 =	sld [smem:$0x3FA9]  }
0x2d: {  	s3 =	simm.s32 $0x108;
	s8 =	sld [smem:$0x3FAA]  }
0x2e: {  	s3 =	simm.s32 @!p0 $0x1082;
	s9 =	sld [smem:$0x3FAB]  }
0x2f: {  	lr =	sadd.s32 s0, s3;
	s0 =	sld [smem:$0x3FA2]  }
0x30: {  	s3 =	sld [smem:$0x3FA5]  }
0x31: {  	[smem:$0x3FAE] =	sst s10  }
0x32: {  	s10 =	sld [smem:$0x3FAC];
	_ =	sdelay $0x3  }
0x33: {  	p0 =	seq.s32 s10, $0x1;
	s10 =	sld [smem:$0x3FAE];
	_ =	sdelay $0x3  }
0x34: {  	[smem:$0x3FAE] =	sst s10  }
0x35: {  	s10 =	sld [smem:$0x3FAD];
	_ =	sdelay $0x3  }
0x36: {  	p1 =	seq.s32 s10, $0x1;
	s10 =	sld [smem:$0x3FAE];
	_ =	sdelay $0x3  }
0x37: {  	[smem:$0x3FAE] =	sst s10  }
0x38: {  	s10 =	sld [smem:$0x3FAF]  }
0x39: {  	_ = 	snop;
	(pc) =	sbr.ind lr, $3  }
0x3a: {  	_ = 	snop  }
0x3b: {  	_ = 	snop  }
0x3c: {  	p2 =	seq.s32 s10, $0x1;
	s10 =	sld [smem:$0x3FAE]  }
0x3d: {  	_ =	shalt  }
0x3e: {  	_ =	shalt  }
0x3f: {  	_ =	shalt  }
0x40: {  	_ =	shalt  }
0x41: {  	_ =	shalt  }
0x42: {  	_ =	shalt  }
0x43: {  	_ =	shalt  }
0x44: {  	_ =	shalt  }
0x45: {  	_ =	shalt  }
0x46: {  	_ =	shalt  }
0x47: {  	_ =	shalt  }
0x48: {  	_ =	shalt  }
0x49: {  	_ =	shalt  }
0x4a: {  	_ =	shalt  }
0x4b: {  	_ =	shalt  }
0x4c: {  	_ =	shalt  }
0x4d: {  	_ =	shalt  }
0x4e: {  	_ =	shalt  }
0x4f: {  	_ =	shalt  }
0x50: {  	_ =	shalt  }
0x51: {  	_ =	shalt  }
0x52: {  	_ =	shalt  }
0x53: {  	_ =	shalt  }
0x54: {  	_ =	shalt  }
0x55: {  	_ =	shalt  }
0x56: {  	_ =	shalt  }
0x57: {  	_ =	shalt  }
0x58: {  	_ =	shalt  }
0x59: {  	_ =	shalt  }
0x5a: {  	_ =	shalt  }
0x5b: {  	_ =	shalt  }
0x5c: {  	_ =	shalt  }
0x5d: {  	_ =	shalt  }
0x5e: {  	_ =	shalt  }
0x5f: {  	_ =	shalt  }
0x60: {  	_ =	shalt  }
0x61: {  	_ =	shalt  }
0x62: {  	_ =	shalt  }
0x63: {  	_ =	shalt  }
0x64: {  	_ =	shalt  }
0x65: {  	_ =	shalt  }
0x66: {  	_ =	shalt  }
0x67: {  	_ =	shalt  }
0x68: {  	_ =	shalt  }
0x69: {  	_ =	shalt  }
0x6a: {  	_ =	shalt  }
0x6b: {  	_ =	shalt  }
0x6c: {  	_ =	shalt  }
0x6d: {  	_ =	shalt  }
0x6e: {  	_ =	shalt  }
0x6f: {  	_ =	shalt  }
0x70: {  	_ =	shalt  }
0x71: {  	_ =	shalt  }
0x72: {  	_ =	shalt  }
0x73: {  	_ =	shalt  }
0x74: {  	_ =	shalt  }
0x75: {  	_ =	shalt  }
0x76: {  	_ =	shalt  }
0x77: {  	_ =	shalt  }
0x78: {  	_ =	shalt  }
0x79: {  	_ =	shalt  }
0x7a: {  	_ =	shalt  }
0x7b: {  	_ =	shalt  }
0x7c: {  	_ =	shalt  }
0x7d: {  	_ =	shalt  }
0x7e: {  	_ =	shalt  }
0x7f: {  	_ =	shalt  }
0x80: {  	_ =	shalt  }
0x81: {  	_ =	shalt  }
0x82: {  	_ =	shalt  }
0x83: {  	_ =	shalt  }
0x84: {  	_ =	shalt  }
0x85: {  	_ =	shalt  }
0x86: {  	_ =	shalt  }
0x87: {  	_ =	shalt  }
.Lfunc_end0:
.L_simem_size_0:
called_computation.2_lowered:
.L_overlay_start_0:
0x88: {  	s2 =	sld [smem:$0x3FD9]  }
0x89: {  	s3 =	sld [smem:$0x3FFE];
	_ =	sdelay $0x1  }
0x8a: {  	s1 =	srdreg.scid  }
0x8b: {  	s0 =	sand.u32 $0x1, s1  }
0x8c: {  	s17 =	sshll.u32 s0, $0xA;
	s2 =	sadd.s32 s3, s2  }
0x8d: {  	s2 =	sadd.s32 s2, s17  }
0x8e: {  	[smem:$0x3FBA] =	sst s2  }
0x8f: {  	_ = 	snop  }
0x90: {  	s2 =	sld [smem:$0x3FD0];
	(tm) =	ssettm $0x1  }
0x91: {  	s18 =	sld [smem:$0x3FFB];
	_ =	sdelay $0x3  }
0x92: {  	_ =	strace s18  }
0x93: {  	s3 =	sld [smem:$0x3FFC];
	_ =	sdelay $0x3  }
0x94: {  	_ =	strace s3  }
0x95: {  	s3 =	sld [smem:$0x3FFD];
	_ =	sdelay $0x3  }
0x96: {  	_ =	strace s3  }
0x97: {  	_ =	strace $0x8FFFFFFF  }
0x98: {  	s19 =	sld [smem:$0x3FDB];
	_ =	sdelay $0x1  }
0x99: {  	s4 =	simm.s32 $_scs_section_size  }
0x9a: {  	s5 =	simm.s32 $_size__tile_overlayer_lowered;
	s6 =	simm.s32 $_tile_overlayer_lowered  }
0x9b: {  	s22 =	simm.s32 $0x1BFF;
	s21 =	sshll.u32 s6, $0x1;
	s3 =	sadd.s32 s4, s19  }
0x9c: {  	s7 =	simm.s32 $0x0;
	s20 =	sshll.u32 s5, $0x1;
	s5 =	sadd.s32 s21, s3  }
0x9d: {  	[timem:s7], [sflag:s22] =	dma.local [hbm:s5], s20  }
0x9e: {  	_ =	swait.ge [sflag:s22], s20  }
0x9f: {  	s4 =	ssub.s32 $0x0, s20;
	[sflag:s22] =	ssyncset.done $0x0  }
0xa0: {  	[sflag:s22] =	ssyncadd.s32 s4;
	_ =	sdelay $0x1  }
0xa1: {  	s23 =	simm.s32 $0x1B8B  }
0xa2: {  	_ =	swait.ge [sflag:s23], $0x1  }
0xa3: {  	[sflag:s23] =	ssyncset.done $0x0  }
0xa4: {  	s25 =	simm.s32 $0x1B8E;
	s24 =	sld [smem:$0x3FFE];
	[sflag:s23] =	ssyncadd.s32 $0xFFFFFFFF  }
0xa5: {  	s26 =	simm.s32 $execute0_lowered;
	[smem:$0x3FD2] =	sst s25  }
0xa6: {  	s5 =	sshll.u32 s26, $0x1;
	_ =	strace $0x8000004C;
	[dreg:$0x1] =	wrdreg $0xFFFFFFFF  }
0xa7: {  	s28 =	simm.s32 $_size_execute0_lowered;
	s3 =	sadd.s32 s3, s5;
	[dreg:$0x0] =	wrdreg $0x0  }
0xa8: {  	s5 =	sshll.u32 s28, $0x1;
	[dreg:$0x2] =	wrdreg s3  }
0xa9: {  	[dreg:$0x3] =	wrdreg s5  }
0xaa: {  	[dreg:$0x4] =	wrdreg $0xC0  }
0xab: {  	_ =	task [dreg:s7], $0x5FFFF  }
0xac: {  	[dreg:$0x1] =	wrdreg $0xFFFFFFFF  }
0xad: {  	[dreg:$0x0] =	wrdreg $0x60  }
0xae: {  	[dreg:$0x2] =	wrdreg s2  }
0xaf: {  	[dreg:$0x3] =	wrdreg s24  }
0xb0: {  	[dreg:$0x4] =	wrdreg $0x88000  }
0xb1: {  	[dreg:$0x5] =	wrdreg $0x9  }
0xb2: {  	_ =	task.clear_ibuf [dreg:s7], $0x6FFFF;
	_ =	strace $0x9000004C  }
0xb3: {  	s29 =	simm.s32 $0x9;
	_ =	strace $0x8000004E  }
0xb4: {  	_ =	swait.ge [sflag:s29], $0x1  }
0xb5: {  	[sflag:s29] =	ssyncadd.s32 $0xFFFFFFFF  }
0xb6: {  	_ =	strace $0x9000004E  }
0xb7: {  	_ =	sfence  }
0xb8: {  	s30 =	sld [smem:$0x0];
	_ =	sdelay $0x2  }
0xb9: {  	s31 =	sshll.u32 s1, $0xD;
	s1 =	sshrl.u32 s1, $0x2  }
0xba: {  	s3 =	sand.u32 $0x4000, s31;
	s1 =	sadd.s32 s1, s30  }
0xbb: {  	s0 =	sor.u32 s3, s0;
	s1 =	sshll.u32 s1, $0x11  }
0xbc: {  	s0 =	sor.u32 s1, s0  }
0xbd: {  	s0 =	sadd.s32 $0x8F2B, s0  }
0xbe: {  	[sflag:s0] =	ssyncadd.remote.s32 $0x1  }
0xbf: {  	_ =	sfence.sel $0xFFFF  }
0xc0: {  	[dreg:$0x0] =	wrdreg $0xFFFFFFFF;
	(pc) =	sbr.abs _section_cstart, $3  }
0xc1: {  	[dreg:$0x1] =	wrdreg $0xFFFFFFFF  }
0xc2: {  	_ =	task.clear_ibuf [dreg:s7], $0x2FFFF;
	_ =	strace $0x9FFFFFFF  }
0xc3: {  	(tm) =	ssettm $0x7FFFFFFF  }
tec
execute0_lowered:
.L_overlay_start_1:
0x0: {  	(tag) =	ssettag $0x1  }
0x1: {  	s1 =	rddreg [dreg:$0x0]  }
0x2: {  	s0 =	rddreg [dreg:$0x1]  }
0x3: {  	s2 =	rddreg [dreg:$0x2];
	s3 =	simm.s32 $0x0;
	s4 =	srdreg.scid  }
0x4: {  	s10 =	stileid.u32;
	s28 =	simm.s32 $0x600;
	s29 =	simm.s32 $0x4800  }
0x5: {  	s30 =	simm.s32 $0x1;
	s31 =	simm.s32 $0x2;
	s8 =	smul.u32 $0x4F000, s10  }
0x6: {  	[smem:$0x7FF] =	sst s3;
	s5 =	sadd.s32 $0x17600, s0;
	s12 =	smul.u32 $0x13C00, s10  }
0x7: {  	s4 =	sand.u32 $0x1, s4;
	s6 =	sadd.s32 $0x2E00, s0;
	s23 =	smul.u32 $0x5200, s10  }
0x8: {  	s0 =	sadd.s32 $0x2BE00, s0;
	_ =	strace $0x8000004D;
	s15 =	smul.u32 $0x13C000, s4  }
0x9: {  	s7 =	ssub.s32 $0x2, s4;
	s25 =	sshll.u32 s4, $0x4;
	s22 =	smul.u32 $0x52000, s4  }
0xa: {  	p0 =	sne.s32 s4, $0x0;
	s4 =	simm.s32 $0x580;
	s9 =	sshrl.u32 s7, $0x1  }
0xb: {  	s8 =	sshrl.u32 s8, $0x2;
	s26 =	sadd.s32 $0x4000, s12;
	s13 =	sadd.s32 $0x8000, s12  }
0xc: {  	s20 =	sadd.s32 $0xC000, s12;
	s21 =	sadd.s32 $0x10000, s12;
	s7 =	ssub.s32 s7, s9  }
0xd: {  	s9 =	sor.u32 s10, s25;
	s14 =	sadd.s32 s8, s2;
	s19 =	sadd.s32 s26, s2  }
0xe: {  	s18 =	sadd.s32 s13, s2;
	s16 =	sadd.s32 s20, s2;
	s12 =	sadd.s32 s12, s15  }
0xf: {  	s8 =	sadd.s32 s15, s26;
	s13 =	sadd.s32 s15, s13;
	[dreg:$0xc] =	wrdreg s18  }
0x10: {  	s26 =	sadd.s32 s23, s22;
	s23 =	simm.s32 $0x100;
	[dreg:$0xd] =	wrdreg s16  }
0x11: {  	s11 =	smul.u32 $0x5200, s9;
	s7 =	smax.u32 s7, $0x1;
	[dreg:$0x6] =	wrdreg s23  }
0x12: {  	s10 =	smov.u32 s19;
	s22 =	sadd.s32 $0x400, s26;
	[dreg:$0x15] =	wrdreg s7  }
0x13: {  	s19 =	sadd.s32 $0x200, s26;
	s26 =	simm.s32 $0x500;
	[dreg:$0x16] =	wrdreg s22  }
0x14: {  	s9 =	smov.u32 s14;
	s12 =	sshrl.u32 s12, $0x3;
	[dreg:$0x9] =	wrdreg s26  }
0x15: {  	s8 =	sshrl.u32 s8, $0x3;
	s24 =	sshrl.u32 s13, $0x3;
	[dreg:$0xa] =	wrdreg s9  }
0x16: {  	s23 =	simm.s32 $0x400;
	s12 =	sadd.s32 s0, s12;
	[dreg:$0xb] =	wrdreg s10  }
0x17: {  	s16 =	simm.s32 $0x700;
	s8 =	sadd.s32 s0, s8;
	[dreg:$0x10] =	wrdreg s12  }
0x18: {  	s25 =	sadd.s32 s0, s24;
	s14 =	sshrl.u32 s19, $0x3;
	[dreg:$0x11] =	wrdreg s8  }
0x19: {  	s24 =	simm.s32 $0x480;
	s22 =	simm.s32 $0x5;
	[dreg:$0x12] =	wrdreg s25  }
0x1a: {  	s17 =	sshrl.u32 s11, $0x3;
	[dreg:$0x7] =	wrdreg s24;
	s25 =	simm.s32 $0x180  }
0x1b: {  	s26 =	simm.s32 $0x200;
	s18 =	sadd.s32 s5, s17;
	[dreg:$0x8] =	wrdreg s25  }
0x1c: {  	s11 =	sadd.s32 s21, s2;
	s17 =	sadd.s32 s6, s17;
	[dreg:$0xe] =	wrdreg s18  }
0x1d: {  	s24 =	simm.s32 $0x3;
	s25 =	simm.s32 $0x80;
	[dreg:$0xf] =	wrdreg s17  }
0x1e: {  	s17 =	sadd.s32 s15, s20;
	s18 =	sadd.s32 s15, s21;
	s20 =	sadd.s32 s14, s6  }
0x1f: {  	s21 =	sadd.s32 s14, s5;
	s14 =	simm.s32 $0x680;
	s15 =	simm.s32 $0x380  }
.Ltmp0:
0x20: {  	s12 =	sshrl.u32 s17, $0x3;
	[dreg:$0x4] =	wrdreg s20;
	(pc) =	sbr.rel .LBB2_1-.Ltmp0, $4  }
0x21: {  	s13 =	sshrl.u32 s18, $0x3;
	[dreg:$0x5] =	wrdreg s21;
	s21 =	simm.s32 $0x800  }
0x22: {  	s17 =	simm.s32 $0x780;
	s18 =	simm.s32 $0x0;
	s12 =	sadd.s32 s0, s12  }
0x23: {  	s0 =	sadd.s32 s0, s13;
	s13 =	simm.s32 $0x300;
	[dreg:$0x13] =	wrdreg s12  }
0x24: {  	v0 =	vimm.f32 $0.0e+00;
	[dreg:$0x14] =	wrdreg s0;
	s0 =	simm.s32 $0x4;
	s12 =	simm.s32 $0x280  }
.LBB2_6:
0x25: {  	s7 =	rddreg [dreg:$0x4];
	[sflag:s22] =	ssyncadd.s32 $0xFFFFC000;
	s8 =	sadd.s32 s19, s8  }
0x26: {  	[tilespmem:s26], [sflag:$0x4] =	stream.linear.gather [hbm4b:s8+s3], $0x200, $0x38;
	[tilespmem:$0x1C400] =	vst v63  }
0x27: {  	s7 =	sadd.s32 s19, s7  }
0x28: {  	[tilespmem:s28], [sflag:$0x4] =	stream.linear.gather [hbm4b:s7+s3], $0x200, $0x38;
	[tilespmem:$0x1C400] =	vst v63  }
0x29: {  	_ = 	snop  }
0x2a: {  	[tilespmem:s29], [sflag:$0x2] =	stream.indirect.gather [hbm4b:s1+s25], $0x80, s25, s25, $0xb8;
	[tilespmem:$0x1C400] =	vst v63  }
0x2b: {  	_ =	swait.ge [sflag:s30], $0x4000  }
0x2c: {  	[sflag:s30] =	ssyncset.done $0x0  }
0x2d: {  	[sflag:s30] =	ssyncadd.s32 $0xFFFFC000  }
0x2e: {  	[spmem:s2] =	stream.indirect.scatter.add.f32 [tilespmem:s21], [sflag:$0x5], $0x80, s23, s25, $0xb8;
	[tilespmem:$0x1C400] =	vst v63  }
0x2f: {  	_ =	swait.ge [sflag:s22], $0x4000  }
0x30: {  	[sflag:s22] =	ssyncset.done $0x0  }
0x31: {  	s19 =	rddreg [dreg:$0x6];
	[sflag:s22] =	ssyncadd.s32 $0xFFFFC000  }
0x32: {  	[tilespmem:s21], [sflag:$0x1] =	stream.indirect.gather [hbm4b:s1+s25], $0x80, s19, s25, $0xb8;
	[tilespmem:$0x1C400] =	vst v63  }
0x33: {  	_ =	swait.ge [sflag:s31], $0x4000  }
0x34: {  	[sflag:s31] =	ssyncset.done $0x0  }
0x35: {  	s8 =	rddreg [dreg:$0x7];
	[sflag:s31] =	ssyncadd.s32 $0xFFFFC000  }
0x36: {  	[spmem:s2] =	stream.indirect.scatter.add.f32 [tilespmem:s29], [sflag:$0x5], $0x80, s8, s25, $0xb8;
	[tilespmem:$0x1C400] =	vst v63  }
0x37: {  	_ =	swait.ge [sflag:s22], $0x4000  }
0x38: {  	[sflag:s22] =	ssyncset.done $0x0  }
0x39: {  	s9 =	rddreg [dreg:$0x8];
	[sflag:s22] =	ssyncadd.s32 $0xFFFFC000  }
0x3a: {  	[tilespmem:s29], [sflag:$0x2] =	stream.indirect.gather [hbm4b:s1+s25], $0x80, s9, s25, $0xb8;
	[tilespmem:$0x1C400] =	vst v63  }
0x3b: {  	_ =	swait.ge [sflag:s30], $0x4000  }
0x3c: {  	[sflag:s30] =	ssyncset.done $0x0  }
0x3d: {  	s10 =	rddreg [dreg:$0x9];
	[sflag:s30] =	ssyncadd.s32 $0xFFFFC000  }
0x3e: {  	[spmem:s2] =	stream.indirect.scatter.add.f32 [tilespmem:s21], [sflag:$0x5], $0x80, s10, s25, $0xb8;
	[tilespmem:$0x1C400] =	vst v63  }
0x3f: {  	_ =	swait.ge [sflag:s22], $0x4000  }
0x40: {  	[sflag:s22] =	ssyncset.done $0x0  }
0x41: {  	[sflag:s22] =	ssyncadd.s32 $0xFFFFC000  }
0x42: {  	_ =	swait.ge [sflag:s0], $0x200  }
0x43: {  	[sflag:s0] =	ssyncset.done $0x0  }
0x44: {  	[sflag:s0] =	ssyncadd.s32 $0xFFFFFE00  }
0x45: {  	_ =	swait.ge [sflag:s0], $0x200  }
0x46: {  	[sflag:s0] =	ssyncset.done $0x0  }
0x47: {  	[sflag:s0] =	ssyncadd.s32 $0xFFFFFE00  }
0x48: {  	[tilespmem:s21], [sflag:$0x1] =	stream.indirect.gather [hbm4b:s1+s25], $0x80, s26, s25, $0xb8;
	[tilespmem:$0x1C400] =	vst v63  }
0x49: {  	_ =	swait.ge [sflag:s31], $0x4000  }
0x4a: {  	[sflag:s31] =	ssyncset.done $0x0  }
0x4b: {  	[sflag:s31] =	ssyncadd.s32 $0xFFFFC000  }
0x4c: {  	[spmem:s2] =	stream.indirect.scatter.add.f32 [tilespmem:s29], [sflag:$0x5], $0x80, s4, s25, $0xb8;
	[tilespmem:$0x1C400] =	vst v63  }
0x4d: {  	s19 =	sadd.s32 $0x400, s20;
	_ =	swait.ge [sflag:s22], $0x4000  }
0x4e: {  	s7 =	sshrl.u32 s19, $0x3;
	[sflag:s22] =	ssyncset.done $0x0  }
0x4f: {  	s20 =	sadd.s32 s5, s7;
	[sflag:s22] =	ssyncadd.s32 $0xFFFFC000  }
0x50: {  	[tilespmem:s3], [sflag:$0x3] =	stream.linear.gather [hbm4b:s20+s3], $0x200, $0x38;
	[tilespmem:$0x1C400] =	vst v63  }
0x51: {  	s7 =	sadd.s32 s6, s7  }
0x52: {  	[tilespmem:s23], [sflag:$0x3] =	stream.linear.gather [hbm4b:s7+s3], $0x200, $0x38;
	[tilespmem:$0x1C400] =	vst v63  }
0x53: {  	_ = 	snop  }
0x54: {  	[tilespmem:s29], [sflag:$0x2] =	stream.indirect.gather [hbm4b:s1+s25], $0x80, s12, s25, $0xb8;
	[tilespmem:$0x1C400] =	vst v63  }
0x55: {  	_ =	swait.ge [sflag:s30], $0x4000  }
0x56: {  	[sflag:s30] =	ssyncset.done $0x0  }
0x57: {  	[sflag:s30] =	ssyncadd.s32 $0xFFFFC000  }
0x58: {  	[spmem:s2] =	stream.indirect.scatter.add.f32 [tilespmem:s21], [sflag:$0x5], $0x80, s28, s25, $0xb8;
	[tilespmem:$0x1C400] =	vst v63  }
0x59: {  	_ =	swait.ge [sflag:s22], $0x4000  }
0x5a: {  	[sflag:s22] =	ssyncset.done $0x0  }
0x5b: {  	[sflag:s22] =	ssyncadd.s32 $0xFFFFC000  }
0x5c: {  	[tilespmem:s21], [sflag:$0x1] =	stream.indirect.gather [hbm4b:s1+s25], $0x80, s13, s25, $0xb8;
	[tilespmem:$0x1C400] =	vst v63  }
0x5d: {  	_ =	swait.ge [sflag:s31], $0x4000  }
0x5e: {  	[sflag:s31] =	ssyncset.done $0x0  }
0x5f: {  	[sflag:s31] =	ssyncadd.s32 $0xFFFFC000  }
0x60: {  	[spmem:s2] =	stream.indirect.scatter.add.f32 [tilespmem:s29], [sflag:$0x5], $0x80, s14, s25, $0xb8;
	[tilespmem:$0x1C400] =	vst v63  }
0x61: {  	_ =	swait.ge [sflag:s22], $0x4000  }
0x62: {  	[sflag:s22] =	ssyncset.done $0x0  }
0x63: {  	[sflag:s22] =	ssyncadd.s32 $0xFFFFC000  }
0x64: {  	[tilespmem:s29], [sflag:$0x2] =	stream.indirect.gather [hbm4b:s1+s25], $0x80, s15, s25, $0xb8;
	[tilespmem:$0x1C400] =	vst v63  }
0x65: {  	_ =	swait.ge [sflag:s30], $0x4000  }
0x66: {  	[sflag:s30] =	ssyncset.done $0x0  }
0x67: {  	[sflag:s30] =	ssyncadd.s32 $0xFFFFC000  }
0x68: {  	[spmem:s2] =	stream.indirect.scatter.add.f32 [tilespmem:s21], [sflag:$0x5], $0x80, s16, s25, $0xb8;
	[tilespmem:$0x1C400] =	vst v63  }
0x69: {  	_ =	swait.ge [sflag:s22], $0x4000  }
0x6a: {  	[sflag:s22] =	ssyncset.done $0x0  }
0x6b: {  	[sflag:s22] =	ssyncadd.s32 $0xFFFFC000  }
0x6c: {  	_ =	swait.ge [sflag:s24], $0x200  }
0x6d: {  	[sflag:s24] =	ssyncset.done $0x0  }
0x6e: {  	[sflag:s24] =	ssyncadd.s32 $0xFFFFFE00  }
0x6f: {  	_ =	swait.ge [sflag:s24], $0x200  }
0x70: {  	[sflag:s24] =	ssyncset.done $0x0  }
0x71: {  	[sflag:s24] =	ssyncadd.s32 $0xFFFFFE00  }
0x72: {  	[tilespmem:s21], [sflag:$0x1] =	stream.indirect.gather [hbm4b:s1+s25], $0x80, s3, s25, $0xb8;
	[tilespmem:$0x1C400] =	vst v63  }
0x73: {  	_ =	swait.ge [sflag:s31], $0x4000  }
0x74: {  	[sflag:s31] =	ssyncset.done $0x0  }
0x75: {  	[sflag:s31] =	ssyncadd.s32 $0xFFFFC000  }
0x76: {  	[spmem:s2] =	stream.indirect.scatter.add.f32 [tilespmem:s29], [sflag:$0x5], $0x80, s17, s25, $0xb8;
	[tilespmem:$0x1C400] =	vst v63  }
0x77: {  	_ =	swait.ge [sflag:s22], $0x4000  }
0x78: {  	[sflag:s22] =	ssyncset.done $0x0  }
0x79: {  	[sflag:s22] =	ssyncadd.s32 $0xFFFFC000  }
0x7a: {  	_ =	swait.ge [sflag:s30], $0x4000  }
0x7b: {  	[sflag:s30] =	ssyncset.done $0x0;
	s9 =	rddreg [dreg:$0xa]  }
0x7c: {  	s10 =	rddreg [dreg:$0xb];
	[sflag:s30] =	ssyncadd.s32 $0xFFFFC000  }
.LBB2_7:
0x7d: {  	[bflag:$0x0] =	sbarrier.arrive $0xFFFF  }
0x7e: {  	[tilespmem:s21], [sflag:$0x5] =	stream.linear.gather [spmem:s9], $0x4000, $0x38;
	[tilespmem:$0x1C400] =	vst v63  }
0x7f: {  	_ =	swait.ge [sflag:s22], $0x4000  }
0x80: {  	[sflag:s22] =	ssyncset.done $0x0  }
0x81: {  	s7 =	rddreg [dreg:$0x10];
	[sflag:s22] =	ssyncadd.s32 $0xFFFFC000  }
0x82: {  	[hbm4b:s7+s3] =	stream.linear.scatter [tilespmem:s21], [sflag:$0x5], $0x4000, $0x38;
	[tilespmem:$0x1C400] =	vst v63  }
0x83: {  	_ =	swait.ge [sflag:s22], $0x4000  }
0x84: {  	[sflag:s22] =	ssyncset.done $0x0  }
0x85: {  	[sflag:s22] =	ssyncadd.s32 $0xFFFFC000  }
0x86: {  	[tilespmem:s21], [sflag:$0x5] =	stream.linear.gather [spmem:s10], $0x4000, $0x38;
	[tilespmem:$0x1C400] =	vst v63  }
0x87: {  	_ =	swait.ge [sflag:s22], $0x4000  }
0x88: {  	[sflag:s22] =	ssyncset.done $0x0  }
0x89: {  	s20 =	rddreg [dreg:$0x11];
	[sflag:s22] =	ssyncadd.s32 $0xFFFFC000  }
0x8a: {  	[hbm4b:s20+s3] =	stream.linear.scatter [tilespmem:s21], [sflag:$0x5], $0x4000, $0x38;
	[tilespmem:$0x1C400] =	vst v63  }
0x8b: {  	_ =	swait.ge [sflag:s22], $0x4000  }
0x8c: {  	[sflag:s22] =	ssyncset.done $0x0  }
0x8d: {  	s8 =	rddreg [dreg:$0xc];
	[sflag:s22] =	ssyncadd.s32 $0xFFFFC000  }
0x8e: {  	[tilespmem:s21], [sflag:$0x5] =	stream.linear.gather [spmem:s8], $0x4000, $0x38;
	[tilespmem:$0x1C400] =	vst v63  }
0x8f: {  	_ =	swait.ge [sflag:s22], $0x4000  }
0x90: {  	[sflag:s22] =	ssyncset.done $0x0  }
0x91: {  	s19 =	rddreg [dreg:$0x12];
	[sflag:s22] =	ssyncadd.s32 $0xFFFFC000  }
0x92: {  	[hbm4b:s19+s3] =	stream.linear.scatter [tilespmem:s21], [sflag:$0x5], $0x4000, $0x38;
	[tilespmem:$0x1C400] =	vst v63  }
0x93: {  	_ =	swait.ge [sflag:s22], $0x4000  }
0x94: {  	[sflag:s22] =	ssyncset.done $0x0  }
0x95: {  	s20 =	rddreg [dreg:$0xd];
	[sflag:s22] =	ssyncadd.s32 $0xFFFFC000  }
0x96: {  	[tilespmem:s21], [sflag:$0x5] =	stream.linear.gather [spmem:s20], $0x4000, $0x38;
	[tilespmem:$0x1C400] =	vst v63  }
0x97: {  	_ =	swait.ge [sflag:s22], $0x4000  }
0x98: {  	[sflag:s22] =	ssyncset.done $0x0  }
0x99: {  	s8 =	rddreg [dreg:$0x13];
	[sflag:s22] =	ssyncadd.s32 $0xFFFFC000  }
0x9a: {  	[hbm4b:s8+s3] =	stream.linear.scatter [tilespmem:s21], [sflag:$0x5], $0x4000, $0x38;
	[tilespmem:$0x1C400] =	vst v63  }
0x9b: {  	_ =	swait.ge [sflag:s22], $0x4000  }
0x9c: {  	[sflag:s22] =	ssyncset.done $0x0  }
0x9d: {  	[sflag:s22] =	ssyncadd.s32 $0xFFFFC000  }
0x9e: {  	[tilespmem:s21], [sflag:$0x5] =	stream.linear.gather [spmem:s11], $0x3C00, $0x38;
	[tilespmem:$0x1C400] =	vst v63  }
0x9f: {  	_ =	swait.ge [sflag:s22], $0x3C00  }
0xa0: {  	[sflag:s22] =	ssyncset.done $0x0  }
0xa1: {  	s19 =	rddreg [dreg:$0x14];
	[sflag:s22] =	ssyncadd.s32 $0xFFFFC400  }
0xa2: {  	[hbm4b:s19+s3] =	stream.linear.scatter [tilespmem:s21], [sflag:$0x5], $0x3C00, $0x38;
	[tilespmem:$0x1C400] =	vst v63  }
0xa3: {  	_ =	swait.ge [sflag:s22], $0x3C00  }
0xa4: {  	s18 =	sadd.s32 $0x1, s18;
	s20 =	rddreg [dreg:$0x15]  }
0xa5: {  	p1 =	sne.s32 s18, s20  }
.Ltmp1:
0xa6: {  	_ = 	snop;
	(pc) =	sbr.rel @!p1 .LBB2_8-.Ltmp1, $3  }
0xa7: {  	_ =	sdelay $0x1  }
0xa8: {  	[sflag:s22] =	ssyncset.done $0x0  }
0xa9: {  	[sflag:s22] =	ssyncadd.s32 $0xFFFFC400  }
.LBB2_1:
0xaa: {  	s7 =	sand.u32 $0xFE00, s3  }
0xab: {  	s8 =	sand.u32 $0x70, s3;
	s19 =	sshrl.u32 s7, $0x2  }
0xac: {  	s7 =	simm.s32 $0x40;
	s19 =	sor.u32 s8, s19;
	s8 =	simm.s32 $0x0  }
.LBB2_2:
0xad: {  	p1 =	sne.s32 s7, $0xFFC0  }
0xae: {  	[tilespmem:s19+$0x800] =	vst v0;
	s8 =	sadd.s32 $0x10, s8;
	s19 =	smov.u32 s7;
	s7 =	sadd.s32 $0x40, s7  }
.Ltmp2:
0xaf: {  	(pc) =	sbr.rel @p1 .LBB2_2-.Ltmp2, $4  }
0xb0: {  	_ = 	snop  }
0xb1: {  	s19 =	sand.u32 $0xFE00, s19  }
0xb2: {  	s20 =	sand.u32 $0x70, s8;
	s19 =	sshrl.u32 s19, $0x2  }
0xb3: {  	s19 =	sor.u32 s20, s19  }
0xb4: {  	[tilespmem:s19+$0x800] =	vst v0  }
0xb5: {  	[spmem:s9] =	stream.linear.scatter [tilespmem:s21], [sflag:$0x5], $0x4000, $0x38;
	[tilespmem:$0x1C400] =	vst v63  }
0xb6: {  	_ =	swait.ge [sflag:s22], $0x4000  }
0xb7: {  	[sflag:s22] =	ssyncset.done $0x0  }
0xb8: {  	[sflag:s22] =	ssyncadd.s32 $0xFFFFC000  }
0xb9: {  	[spmem:s10] =	stream.linear.scatter [tilespmem:s21], [sflag:$0x5], $0x4000, $0x38;
	[tilespmem:$0x1C400] =	vst v63  }
0xba: {  	_ =	swait.ge [sflag:s22], $0x4000  }
0xbb: {  	[sflag:s22] =	ssyncset.done $0x0  }
0xbc: {  	s7 =	rddreg [dreg:$0xc];
	[sflag:s22] =	ssyncadd.s32 $0xFFFFC000  }
0xbd: {  	[spmem:s7] =	stream.linear.scatter [tilespmem:s21], [sflag:$0x5], $0x4000, $0x38;
	[tilespmem:$0x1C400] =	vst v63  }
0xbe: {  	_ =	swait.ge [sflag:s22], $0x4000  }
0xbf: {  	[sflag:s22] =	ssyncset.done $0x0  }
0xc0: {  	s20 =	rddreg [dreg:$0xd];
	[sflag:s22] =	ssyncadd.s32 $0xFFFFC000  }
0xc1: {  	[spmem:s20] =	stream.linear.scatter [tilespmem:s21], [sflag:$0x5], $0x4000, $0x38;
	[tilespmem:$0x1C400] =	vst v63  }
0xc2: {  	_ =	swait.ge [sflag:s22], $0x4000  }
0xc3: {  	[sflag:s22] =	ssyncset.done $0x0  }
0xc4: {  	[sflag:s22] =	ssyncadd.s32 $0xFFFFC000  }
0xc5: {  	[spmem:s11] =	stream.linear.scatter [tilespmem:s21], [sflag:$0x5], $0x3C00, $0x38;
	[tilespmem:$0x1C400] =	vst v63  }
.Ltmp3:
0xc6: {  	_ =	swait.ge [sflag:s22], $0x3C00;
	(pc) =	sbr.rel @p0 .LBB2_7-.Ltmp3, $3  }
0xc7: {  	[sflag:s22] =	ssyncset.done $0x0  }
0xc8: {  	[sflag:s22] =	ssyncadd.s32 $0xFFFFC400  }
0xc9: {  	[bflag:$0x0] =	sbarrier.arrive $0xFFFF;
	_ =	sdelay $0x1  }
0xca: {  	s7 =	simm.s32 $0x0;
	s8 =	rddreg [dreg:$0xe]  }
0xcb: {  	[tilespmem:s7], [sflag:$0x3] =	stream.linear.gather [hbm4b:s8+s7], $0x200, $0x38;
	[tilespmem:$0x1C400] =	vst v63  }
0xcc: {  	s20 =	rddreg [dreg:$0xf]  }
0xcd: {  	[tilespmem:s23], [sflag:$0x3] =	stream.linear.gather [hbm4b:s20+s7], $0x200, $0x38;
	[tilespmem:$0x1C400] =	vst v63  }
0xce: {  	_ =	swait.ge [sflag:s24], $0x200  }
0xcf: {  	[sflag:s24] =	ssyncset.done $0x0  }
0xd0: {  	[sflag:s24] =	ssyncadd.s32 $0xFFFFFE00  }
0xd1: {  	_ =	swait.ge [sflag:s24], $0x200  }
0xd2: {  	[sflag:s24] =	ssyncset.done $0x0  }
0xd3: {  	s9 =	rddreg [dreg:$0x5];
	[sflag:s24] =	ssyncadd.s32 $0xFFFFFE00  }
0xd4: {  	[tilespmem:s21], [sflag:$0x1] =	stream.indirect.gather [hbm4b:s1+s25], $0x80, s7, s25, $0xb8;
	[tilespmem:$0x1C400] =	vst v63  }
0xd5: {  	s10 =	rddreg [dreg:$0x4];
	s8 =	sadd.s32 $0x0, s9  }
0xd6: {  	[tilespmem:s26], [sflag:$0x4] =	stream.linear.gather [hbm4b:s8+s3], $0x200, $0x38;
	[tilespmem:$0x1C400] =	vst v63  }
0xd7: {  	s7 =	sadd.s32 $0x0, s10  }
0xd8: {  	[tilespmem:s28], [sflag:$0x4] =	stream.linear.gather [hbm4b:s7+s3], $0x200, $0x38;
	[tilespmem:$0x1C400] =	vst v63  }
0xd9: {  	_ = 	snop  }
0xda: {  	[tilespmem:s29], [sflag:$0x2] =	stream.indirect.gather [hbm4b:s1+s25], $0x80, s25, s25, $0xb8;
	[tilespmem:$0x1C400] =	vst v63  }
0xdb: {  	_ =	swait.ge [sflag:s30], $0x4000  }
0xdc: {  	[sflag:s30] =	ssyncset.done $0x0  }
0xdd: {  	[sflag:s30] =	ssyncadd.s32 $0xFFFFC000  }
0xde: {  	[spmem:s2] =	stream.indirect.scatter.add.f32 [tilespmem:s21], [sflag:$0x5], $0x80, s23, s25, $0xb8;
	[tilespmem:$0x1C400] =	vst v63  }
0xdf: {  	_ =	swait.ge [sflag:s22], $0x4000  }
0xe0: {  	[sflag:s22] =	ssyncset.done $0x0  }
0xe1: {  	s19 =	rddreg [dreg:$0x6];
	[sflag:s22] =	ssyncadd.s32 $0xFFFFC000  }
0xe2: {  	[tilespmem:s21], [sflag:$0x1] =	stream.indirect.gather [hbm4b:s1+s25], $0x80, s19, s25, $0xb8;
	[tilespmem:$0x1C400] =	vst v63  }
0xe3: {  	_ =	swait.ge [sflag:s31], $0x4000  }
0xe4: {  	[sflag:s31] =	ssyncset.done $0x0  }
0xe5: {  	s20 =	rddreg [dreg:$0x7];
	[sflag:s31] =	ssyncadd.s32 $0xFFFFC000  }
0xe6: {  	[spmem:s2] =	stream.indirect.scatter.add.f32 [tilespmem:s29], [sflag:$0x5], $0x80, s20, s25, $0xb8;
	[tilespmem:$0x1C400] =	vst v63  }
0xe7: {  	_ =	swait.ge [sflag:s22], $0x4000  }
0xe8: {  	[sflag:s22] =	ssyncset.done $0x0  }
0xe9: {  	s8 =	rddreg [dreg:$0x8];
	[sflag:s22] =	ssyncadd.s32 $0xFFFFC000  }
0xea: {  	[tilespmem:s29], [sflag:$0x2] =	stream.indirect.gather [hbm4b:s1+s25], $0x80, s8, s25, $0xb8;
	[tilespmem:$0x1C400] =	vst v63  }
0xeb: {  	_ =	swait.ge [sflag:s30], $0x4000  }
0xec: {  	[sflag:s30] =	ssyncset.done $0x0  }
0xed: {  	s9 =	rddreg [dreg:$0x9];
	[sflag:s30] =	ssyncadd.s32 $0xFFFFC000  }
0xee: {  	[spmem:s2] =	stream.indirect.scatter.add.f32 [tilespmem:s21], [sflag:$0x5], $0x80, s9, s25, $0xb8;
	[tilespmem:$0x1C400] =	vst v63  }
0xef: {  	_ =	swait.ge [sflag:s22], $0x4000  }
0xf0: {  	[sflag:s22] =	ssyncset.done $0x0  }
0xf1: {  	[sflag:s22] =	ssyncadd.s32 $0xFFFFC000  }
0xf2: {  	_ =	swait.ge [sflag:s0], $0x200  }
0xf3: {  	[sflag:s0] =	ssyncset.done $0x0  }
0xf4: {  	[sflag:s0] =	ssyncadd.s32 $0xFFFFFE00  }
0xf5: {  	_ =	swait.ge [sflag:s0], $0x200  }
0xf6: {  	[sflag:s0] =	ssyncset.done $0x0  }
0xf7: {  	[sflag:s0] =	ssyncadd.s32 $0xFFFFFE00  }
0xf8: {  	[tilespmem:s21], [sflag:$0x1] =	stream.indirect.gather [hbm4b:s1+s25], $0x80, s26, s25, $0xb8;
	[tilespmem:$0x1C400] =	vst v63  }
0xf9: {  	_ =	swait.ge [sflag:s31], $0x4000  }
0xfa: {  	[sflag:s31] =	ssyncset.done $0x0  }
0xfb: {  	[sflag:s31] =	ssyncadd.s32 $0xFFFFC000  }
0xfc: {  	[spmem:s2] =	stream.indirect.scatter.add.f32 [tilespmem:s29], [sflag:$0x5], $0x80, s4, s25, $0xb8;
	[tilespmem:$0x1C400] =	vst v63  }
0xfd: {  	_ =	swait.ge [sflag:s22], $0x4000  }
0xfe: {  	s20 =	rddreg [dreg:$0x16]  }
0xff: {  	[sflag:s22] =	ssyncset.done $0x0;
	s10 =	sshrl.u32 s20, $0x3  }
0x100: {  	[sflag:s22] =	ssyncadd.s32 $0xFFFFC000;
	s19 =	sadd.s32 s5, s10  }
0x101: {  	[tilespmem:s3], [sflag:$0x3] =	stream.linear.gather [hbm4b:s19+s3], $0x200, $0x38;
	[tilespmem:$0x1C400] =	vst v63  }
0x102: {  	s7 =	sadd.s32 s6, s10  }
0x103: {  	[tilespmem:s23], [sflag:$0x3] =	stream.linear.gather [hbm4b:s7+s3], $0x200, $0x38;
	[tilespmem:$0x1C400] =	vst v63  }
0x104: {  	_ = 	snop  }
0x105: {  	[tilespmem:s29], [sflag:$0x2] =	stream.indirect.gather [hbm4b:s1+s25], $0x80, s12, s25, $0xb8;
	[tilespmem:$0x1C400] =	vst v63  }
0x106: {  	_ =	swait.ge [sflag:s30], $0x4000  }
0x107: {  	[sflag:s30] =	ssyncset.done $0x0  }
0x108: {  	[sflag:s30] =	ssyncadd.s32 $0xFFFFC000  }
0x109: {  	[spmem:s2] =	stream.indirect.scatter.add.f32 [tilespmem:s21], [sflag:$0x5], $0x80, s28, s25, $0xb8;
	[tilespmem:$0x1C400] =	vst v63  }
0x10a: {  	_ =	swait.ge [sflag:s22], $0x4000  }
0x10b: {  	[sflag:s22] =	ssyncset.done $0x0  }
0x10c: {  	[sflag:s22] =	ssyncadd.s32 $0xFFFFC000  }
0x10d: {  	[tilespmem:s21], [sflag:$0x1] =	stream.indirect.gather [hbm4b:s1+s25], $0x80, s13, s25, $0xb8;
	[tilespmem:$0x1C400] =	vst v63  }
0x10e: {  	_ =	swait.ge [sflag:s31], $0x4000  }
0x10f: {  	[sflag:s31] =	ssyncset.done $0x0  }
0x110: {  	[sflag:s31] =	ssyncadd.s32 $0xFFFFC000  }
0x111: {  	[spmem:s2] =	stream.indirect.scatter.add.f32 [tilespmem:s29], [sflag:$0x5], $0x80, s14, s25, $0xb8;
	[tilespmem:$0x1C400] =	vst v63  }
0x112: {  	_ =	swait.ge [sflag:s22], $0x4000  }
0x113: {  	[sflag:s22] =	ssyncset.done $0x0  }
0x114: {  	[sflag:s22] =	ssyncadd.s32 $0xFFFFC000  }
0x115: {  	[tilespmem:s29], [sflag:$0x2] =	stream.indirect.gather [hbm4b:s1+s25], $0x80, s15, s25, $0xb8;
	[tilespmem:$0x1C400] =	vst v63  }
0x116: {  	_ =	swait.ge [sflag:s30], $0x4000  }
0x117: {  	[sflag:s30] =	ssyncset.done $0x0  }
0x118: {  	[sflag:s30] =	ssyncadd.s32 $0xFFFFC000  }
0x119: {  	[spmem:s2] =	stream.indirect.scatter.add.f32 [tilespmem:s21], [sflag:$0x5], $0x80, s16, s25, $0xb8;
	[tilespmem:$0x1C400] =	vst v63  }
0x11a: {  	_ =	swait.ge [sflag:s22], $0x4000  }
0x11b: {  	[sflag:s22] =	ssyncset.done $0x0  }
0x11c: {  	[sflag:s22] =	ssyncadd.s32 $0xFFFFC000  }
0x11d: {  	_ =	swait.ge [sflag:s24], $0x200  }
0x11e: {  	[sflag:s24] =	ssyncset.done $0x0  }
0x11f: {  	[sflag:s24] =	ssyncadd.s32 $0xFFFFFE00  }
0x120: {  	_ =	swait.ge [sflag:s24], $0x200  }
0x121: {  	[sflag:s24] =	ssyncset.done $0x0  }
0x122: {  	[sflag:s24] =	ssyncadd.s32 $0xFFFFFE00  }
0x123: {  	[tilespmem:s21], [sflag:$0x1] =	stream.indirect.gather [hbm4b:s1+s25], $0x80, s3, s25, $0xb8;
	[tilespmem:$0x1C400] =	vst v63  }
0x124: {  	_ =	swait.ge [sflag:s31], $0x4000  }
0x125: {  	[sflag:s31] =	ssyncset.done $0x0  }
0x126: {  	[sflag:s31] =	ssyncadd.s32 $0xFFFFC000  }
0x127: {  	[spmem:s2] =	stream.indirect.scatter.add.f32 [tilespmem:s29], [sflag:$0x5], $0x80, s17, s25, $0xb8;
	[tilespmem:$0x1C400] =	vst v63  }
0x128: {  	s19 =	simm.s32 $0x80;
	_ =	swait.ge [sflag:s22], $0x4000  }
0x129: {  	s7 =	simm.s32 $0x100;
	s8 =	rddreg [dreg:$0x5];
	[sflag:s22] =	ssyncset.done $0x0  }
.LBB2_5:
0x12a: {  	[sflag:s22] =	ssyncadd.s32 $0xFFFFC000;
	s9 =	rddreg [dreg:$0x4];
	s8 =	sadd.s32 s19, s8  }
0x12b: {  	[tilespmem:s26], [sflag:$0x4] =	stream.linear.gather [hbm4b:s8+s3], $0x200, $0x38;
	[tilespmem:$0x1C400] =	vst v63  }
0x12c: {  	s9 =	sadd.s32 s19, s9  }
0x12d: {  	[tilespmem:s28], [sflag:$0x4] =	stream.linear.gather [hbm4b:s9+s3], $0x200, $0x38;
	[tilespmem:$0x1C400] =	vst v63  }
0x12e: {  	_ = 	snop  }
0x12f: {  	[tilespmem:s29], [sflag:$0x2] =	stream.indirect.gather [hbm4b:s1+s25], $0x80, s25, s25, $0xb8;
	[tilespmem:$0x1C400] =	vst v63  }
0x130: {  	_ =	swait.ge [sflag:s30], $0x4000  }
0x131: {  	[sflag:s30] =	ssyncset.done $0x0  }
0x132: {  	[sflag:s30] =	ssyncadd.s32 $0xFFFFC000  }
0x133: {  	[spmem:s2] =	stream.indirect.scatter.add.f32 [tilespmem:s21], [sflag:$0x5], $0x80, s23, s25, $0xb8;
	[tilespmem:$0x1C400] =	vst v63  }
0x134: {  	_ =	swait.ge [sflag:s22], $0x4000  }
0x135: {  	s10 =	smov.u32 s7;
	[sflag:s22] =	ssyncset.done $0x0  }
0x136: {  	s19 =	smov.u32 s10;
	s10 =	rddreg [dreg:$0x6];
	[sflag:s22] =	ssyncadd.s32 $0xFFFFC000  }
0x137: {  	[tilespmem:s21], [sflag:$0x1] =	stream.indirect.gather [hbm4b:s1+s25], $0x80, s10, s25, $0xb8;
	[tilespmem:$0x1C400] =	vst v63  }
0x138: {  	_ =	swait.ge [sflag:s31], $0x4000  }
0x139: {  	[sflag:s31] =	ssyncset.done $0x0  }
0x13a: {  	s9 =	rddreg [dreg:$0x7];
	[sflag:s31] =	ssyncadd.s32 $0xFFFFC000  }
0x13b: {  	[spmem:s2] =	stream.indirect.scatter.add.f32 [tilespmem:s29], [sflag:$0x5], $0x80, s9, s25, $0xb8;
	[tilespmem:$0x1C400] =	vst v63  }
0x13c: {  	_ =	swait.ge [sflag:s22], $0x4000  }
0x13d: {  	[sflag:s22] =	ssyncset.done $0x0  }
0x13e: {  	s10 =	rddreg [dreg:$0x8];
	[sflag:s22] =	ssyncadd.s32 $0xFFFFC000  }
0x13f: {  	[tilespmem:s29], [sflag:$0x2] =	stream.indirect.gather [hbm4b:s1+s25], $0x80, s10, s25, $0xb8;
	[tilespmem:$0x1C400] =	vst v63  }
0x140: {  	_ =	swait.ge [sflag:s30], $0x4000  }
0x141: {  	[sflag:s30] =	ssyncset.done $0x0  }
0x142: {  	s9 =	rddreg [dreg:$0x9];
	[sflag:s30] =	ssyncadd.s32 $0xFFFFC000  }
0x143: {  	[spmem:s2] =	stream.indirect.scatter.add.f32 [tilespmem:s21], [sflag:$0x5], $0x80, s9, s25, $0xb8;
	[tilespmem:$0x1C400] =	vst v63  }
0x144: {  	_ =	swait.ge [sflag:s22], $0x4000  }
0x145: {  	[sflag:s22] =	ssyncset.done $0x0  }
0x146: {  	[sflag:s22] =	ssyncadd.s32 $0xFFFFC000  }
0x147: {  	_ =	swait.ge [sflag:s0], $0x200  }
0x148: {  	[sflag:s0] =	ssyncset.done $0x0  }
0x149: {  	[sflag:s0] =	ssyncadd.s32 $0xFFFFFE00  }
0x14a: {  	_ =	swait.ge [sflag:s0], $0x200  }
0x14b: {  	[sflag:s0] =	ssyncset.done $0x0  }
0x14c: {  	[sflag:s0] =	ssyncadd.s32 $0xFFFFFE00  }
0x14d: {  	[tilespmem:s21], [sflag:$0x1] =	stream.indirect.gather [hbm4b:s1+s25], $0x80, s26, s25, $0xb8;
	[tilespmem:$0x1C400] =	vst v63  }
0x14e: {  	_ =	swait.ge [sflag:s31], $0x4000  }
0x14f: {  	[sflag:s31] =	ssyncset.done $0x0  }
0x150: {  	[sflag:s31] =	ssyncadd.s32 $0xFFFFC000  }
0x151: {  	[spmem:s2] =	stream.indirect.scatter.add.f32 [tilespmem:s29], [sflag:$0x5], $0x80, s4, s25, $0xb8;
	[tilespmem:$0x1C400] =	vst v63  }
0x152: {  	s20 =	sadd.s32 $0x400, s20;
	_ =	swait.ge [sflag:s22], $0x4000  }
0x153: {  	s8 =	sshrl.u32 s20, $0x3;
	[sflag:s22] =	ssyncset.done $0x0  }
0x154: {  	s10 =	sadd.s32 s5, s8;
	[sflag:s22] =	ssyncadd.s32 $0xFFFFC000  }
0x155: {  	[tilespmem:s3], [sflag:$0x3] =	stream.linear.gather [hbm4b:s10+s3], $0x200, $0x38;
	[tilespmem:$0x1C400] =	vst v63  }
0x156: {  	s8 =	sadd.s32 s6, s8  }
0x157: {  	[tilespmem:s23], [sflag:$0x3] =	stream.linear.gather [hbm4b:s8+s3], $0x200, $0x38;
	[tilespmem:$0x1C400] =	vst v63  }
0x158: {  	_ = 	snop  }
0x159: {  	[tilespmem:s29], [sflag:$0x2] =	stream.indirect.gather [hbm4b:s1+s25], $0x80, s12, s25, $0xb8;
	[tilespmem:$0x1C400] =	vst v63  }
0x15a: {  	_ =	swait.ge [sflag:s30], $0x4000  }
0x15b: {  	[sflag:s30] =	ssyncset.done $0x0  }
0x15c: {  	[sflag:s30] =	ssyncadd.s32 $0xFFFFC000  }
0x15d: {  	[spmem:s2] =	stream.indirect.scatter.add.f32 [tilespmem:s21], [sflag:$0x5], $0x80, s28, s25, $0xb8;
	[tilespmem:$0x1C400] =	vst v63  }
0x15e: {  	_ =	swait.ge [sflag:s22], $0x4000  }
0x15f: {  	[sflag:s22] =	ssyncset.done $0x0  }
0x160: {  	[sflag:s22] =	ssyncadd.s32 $0xFFFFC000  }
0x161: {  	[tilespmem:s21], [sflag:$0x1] =	stream.indirect.gather [hbm4b:s1+s25], $0x80, s13, s25, $0xb8;
	[tilespmem:$0x1C400] =	vst v63  }
0x162: {  	_ =	swait.ge [sflag:s31], $0x4000  }
0x163: {  	[sflag:s31] =	ssyncset.done $0x0  }
0x164: {  	[sflag:s31] =	ssyncadd.s32 $0xFFFFC000  }
0x165: {  	[spmem:s2] =	stream.indirect.scatter.add.f32 [tilespmem:s29], [sflag:$0x5], $0x80, s14, s25, $0xb8;
	[tilespmem:$0x1C400] =	vst v63  }
0x166: {  	_ =	swait.ge [sflag:s22], $0x4000  }
0x167: {  	[sflag:s22] =	ssyncset.done $0x0  }
0x168: {  	[sflag:s22] =	ssyncadd.s32 $0xFFFFC000  }
0x169: {  	[tilespmem:s29], [sflag:$0x2] =	stream.indirect.gather [hbm4b:s1+s25], $0x80, s15, s25, $0xb8;
	[tilespmem:$0x1C400] =	vst v63  }
0x16a: {  	_ =	swait.ge [sflag:s30], $0x4000  }
0x16b: {  	[sflag:s30] =	ssyncset.done $0x0  }
0x16c: {  	[sflag:s30] =	ssyncadd.s32 $0xFFFFC000  }
0x16d: {  	[spmem:s2] =	stream.indirect.scatter.add.f32 [tilespmem:s21], [sflag:$0x5], $0x80, s16, s25, $0xb8;
	[tilespmem:$0x1C400] =	vst v63  }
0x16e: {  	_ =	swait.ge [sflag:s22], $0x4000  }
0x16f: {  	[sflag:s22] =	ssyncset.done $0x0  }
0x170: {  	[sflag:s22] =	ssyncadd.s32 $0xFFFFC000  }
0x171: {  	_ =	swait.ge [sflag:s24], $0x200  }
0x172: {  	[sflag:s24] =	ssyncset.done $0x0  }
0x173: {  	[sflag:s24] =	ssyncadd.s32 $0xFFFFFE00  }
0x174: {  	_ =	swait.ge [sflag:s24], $0x200  }
0x175: {  	[sflag:s24] =	ssyncset.done $0x0  }
0x176: {  	[sflag:s24] =	ssyncadd.s32 $0xFFFFFE00  }
0x177: {  	[tilespmem:s21], [sflag:$0x1] =	stream.indirect.gather [hbm4b:s1+s25], $0x80, s3, s25, $0xb8;
	[tilespmem:$0x1C400] =	vst v63  }
0x178: {  	p1 =	sne.s32 s7, $0x980;
	_ =	swait.ge [sflag:s31], $0x4000  }
.Ltmp4:
0x179: {  	[sflag:s31] =	ssyncset.done $0x0;
	(pc) =	sbr.rel @p1 .LBB2_5-.Ltmp4, $4  }
0x17a: {  	[sflag:s31] =	ssyncadd.s32 $0xFFFFC000  }
0x17b: {  	[spmem:s2] =	stream.indirect.scatter.add.f32 [tilespmem:s29], [sflag:$0x5], $0x80, s17, s25, $0xb8;
	[tilespmem:$0x1C400] =	vst v63  }
0x17c: {  	_ =	swait.ge [sflag:s22], $0x4000  }
0x17d: {  	s7 =	sadd.s32 $0x80, s7;
	s8 =	rddreg [dreg:$0x5];
	[sflag:s22] =	ssyncset.done $0x0  }
.Ltmp5:
0x17e: {  	_ = 	snop;
	(pc) =	sbr.rel .LBB2_6-.Ltmp5, $1  }
0x17f: {  	_ =	sdelay $0x3  }
.LBB2_8:
0x180: {  	_ =	sfence.sel $0x180000  }
0x181: {  	[bflag:$0x0] =	sbarrier.arrive $0xFFFF  }
0x182: {  	_ =	strace $0x9000004D  }
0x183: {  	s0 =	stileid.u32;
	[bflag:$0x2] =	sbarrier.arrive $0xFFFF  }
0x184: {  	p0 =	sne.s32 s0, $0x0;
	s0 =	rddreg [dreg:$0x3]  }
0x185: {  	s0 =	sadd.s32 @!p0 $0x100000, s0  }
0x186: {  	[sflag:s0] =	ssyncadd.tile.s32 @!p0 $0x1;
	_ =	shalt  }
.Lfunc_end2:
_tile_overlayer_lowered:
.L_overlay_start_2:
0x187: {  	(tag) =	ssettag $0x2  }
0x188: {  	s0 =	rddreg [dreg:$0x0];
	s2 =	stileid.u32  }
0x189: {  	s1 =	rddreg [dreg:$0x1];
	p0 =	sne.s32 s2, $0x0  }
0x18a: {  	s3 =	rddreg [dreg:$0x2];
	[bflag:$0x3] =	sbarrier.arrive $0xFFFF;
	s2 =	simm.s32 @!p0 $0x1C05  }
0x18b: {  	[timem:s3], [sflag:s2] =	dma.local @!p0 [hbm:s0], s1  }
0x18c: {  	s0 =	simm.s32 @!p0 $0x5  }
0x18d: {  	_ =	swait.ge @!p0 [sflag:s0], s1  }
0x18e: {  	s1 =	ssub.s32 @!p0 $0x0, s1;
	[sflag:s0] =	ssyncset.done @!p0 $0x0  }
0x18f: {  	[sflag:s0] =	ssyncadd.s32 @!p0 s1  }
0x190: {  	[bflag:$0x3] =	sbarrier.arrive $0xFFFF  }
0x191: {  	_ =	shalt  }

</sc_bundles>
